<compile_context>
chip_gen: v7x
topology: tpu7x:2x2x1
jax: 0.10.2.dev20260603
libtpu: 0.0.44.dev20260713+nightly
codegen_flags: <defaults>
</compile_context>

<pallas_src>
import functools

import jax
import jax.numpy as jnp
from jax import lax
from jax.experimental import pallas as pl
from jax.experimental.pallas import tpu as pltpu
from jax.experimental.pallas import tpu_sc as plsc

F32 = jnp.float32

_SC_PARAMS = pltpu.CompilerParams(internal_scratch_in_bytes=64 * 1024)


def _sc_histograms(rcflat, zeros2n, npad, epad):
    per_tile = (epad // 128) // 16
    pk_per_tile = per_tile // 2

    mesh = plsc.VectorSubcoreMesh(core_axis_name="c", subcore_axis_name="s")

    @functools.partial(
        pl.kernel,
        out_type=[
            jax.ShapeDtypeStruct((2, npad), F32),
            jax.ShapeDtypeStruct((2, epad // 256, 128), jnp.int32),
        ],
        mesh=mesh,
        compiler_params=_SC_PARAMS,
        scratch_types=[
            pltpu.VMEM((per_tile * 128,), jnp.int32),
            pltpu.VMEM((per_tile, 128), jnp.int32),
            pltpu.VMEM((pk_per_tile, 128), jnp.int32),
            pltpu.VMEM((128,), F32),
            pltpu.VMEM_SHARED((npad,), F32),
            pltpu.SemaphoreType.DMA,
        ],
    )
    def hist_kernel(rc_hbm, z_hbm, out_hbm, pk_hbm,
                    flat_v, idx_v, pk_v, ones_v, hist_sh, hsem):
        c = lax.axis_index("c")
        s = lax.axis_index("s")

        for i in range(8):
            ones_v[pl.ds(i * 16, 16)] = jnp.full((16,), 1.0, F32)

        @pl.when(s == 0)
        def _():
            pltpu.sync_copy(z_hbm.at[c], hist_sh)

        pltpu.sync_copy(
            rc_hbm.at[pl.ds(c * epad + s * per_tile * 128, per_tile * 128)],
            flat_v)
        plsc.subcore_barrier()

        @pl.loop(0, per_tile)
        def _(j):
            for i in range(8):
                idx_v[j, pl.ds(i * 16, 16)] = flat_v[pl.ds(j * 128 + i * 16,
                                                           16)]
            for i in range(4):
                lo = flat_v[pl.ds(j * 128 + i * 16, 16)]
                hi = flat_v[pl.ds(j * 128 + 64 + i * 16, 16)]
                pk_v[j // 2, pl.ds((j % 2) * 64 + i * 16, 16)] = (
                    lo | (hi << 16))

        @pl.loop(0, per_tile // 8)
        def _(j):
            descs = [
                pltpu.async_copy(ones_v, hist_sh.at[idx_v.at[8 * j + k]],
                                 hsem, add=True)
                for k in range(8)
            ]
            for d in descs:
                d.wait()

        pltpu.sync_copy(pk_v,
                        pk_hbm.at[c, pl.ds(s * pk_per_tile, pk_per_tile), :])
        plsc.subcore_barrier()

        @pl.when(s == 0)
        def _():
            pltpu.sync_copy(hist_sh, out_hbm.at[c])

    return hist_kernel(rcflat, zeros2n)


def _sc_scatter(hp, eip, npad):
    pkrows = eip.shape[1]
    half = pkrows // 2
    per_tile = half // 16
    stripe = npad // 16
    zfull = stripe // 128
    zrem = stripe - zfull * 128

    mesh = plsc.VectorSubcoreMesh(core_axis_name="c", subcore_axis_name="s")

    @functools.partial(
        pl.kernel,
        out_type=jax.ShapeDtypeStruct((2, npad, 128), F32),
        mesh=mesh,
        compiler_params=_SC_PARAMS,
        scratch_types=[
            pltpu.VMEM((per_tile, 128), jnp.int32),
            pltpu.VMEM((per_tile, 128), jnp.int32),
            pltpu.VMEM((128,), jnp.int32),
            pltpu.VMEM((128,), jnp.int32),
            pltpu.VMEM((128,), jnp.int32),
            pltpu.VMEM((128, 128), F32),
            pltpu.VMEM((128, 128), F32),
            pltpu.VMEM_SHARED((npad, 128), F32),
            pltpu.SemaphoreType.DMA,
            pltpu.SemaphoreType.DMA,
        ],
    )
    def scat_kernel(hp_hbm, ei_hbm, out_hbm,
                    pkr, pkc, rowA, rowB, colv, bufA, bufB, acc, semA, semB):
        c = lax.axis_index("c")
        s = lax.axis_index("s")

        @pl.loop(0, 128)
        def _(r):
            for i in range(8):
                bufA[r, pl.ds(i * 16, 16)] = jnp.zeros((16,), F32)

        base = c * half + s * per_tile
        pltpu.async_copy(ei_hbm.at[0, pl.ds(base, per_tile), :], pkr, semA)
        pltpu.async_copy(ei_hbm.at[1, pl.ds(base, per_tile), :], pkc, semB)
        for k in range(zfull):
            pltpu.sync_copy(bufA,
                            acc.at[pl.ds(s * stripe + k * 128, 128), :])
        if zrem:
            pltpu.sync_copy(
                bufA.at[pl.ds(0, zrem), :],
                acc.at[pl.ds(s * stripe + zfull * 128, zrem), :])
        pltpu.make_async_copy(ei_hbm.at[0, pl.ds(base, per_tile), :],
                              pkr, semA).wait()
        pltpu.make_async_copy(ei_hbm.at[1, pl.ds(base, per_tile), :],
                              pkc, semB).wait()
        plsc.subcore_barrier()

        def unpack(pk, p, hb, dst):
            for i in range(4):
                w = pk[p, pl.ds(hb * 64 + i * 16, 16)]
                dst[pl.ds(i * 16, 16)] = w & 0xFFFF
                dst[pl.ds(64 + i * 16, 16)] = w >> 16

        def gather_start(idx_v, buf, sem):
            pltpu.async_copy(hp_hbm.at[idx_v], buf, sem)

        def gather_wait(idx_v, buf, sem):
            pltpu.make_async_copy(hp_hbm.at[idx_v], buf, sem).wait()

        def scatter(buf, p, hb):
            unpack(pkc, p, hb, colv)
            pltpu.sync_copy(buf, acc.at[colv], add=True)

        unpack(pkr, 0, 0, rowA)
        gather_start(rowA, bufA, semA)

        @pl.loop(0, per_tile)
        def _(p):
            unpack(pkr, p, 1, rowB)
            gather_start(rowB, bufB, semB)
            gather_wait(rowA, bufA, semA)
            scatter(bufA, p, 0)

            @pl.when(p < per_tile - 1)
            def _():
                unpack(pkr, p + 1, 0, rowA)
                gather_start(rowA, bufA, semA)

            gather_wait(rowB, bufB, semB)
            scatter(bufB, p, 1)

        plsc.subcore_barrier()

        pltpu.sync_copy(acc.at[pl.ds(s * stripe, stripe), :],
                        out_hbm.at[c, pl.ds(s * stripe, stripe), :])

    return scat_kernel(hp, eip)


def _dot_t(x, w):
    return lax.dot_general(x, w, (((1,), (1,)), ((), ())),
                           preferred_element_type=F32)


def _tc_first(x, w, b2, hist_t, bn, npad):
    n, d = x.shape
    h = w.shape[0]
    grid = (n // bn,)

    def kern(x_ref, w_ref, b_ref, ht_ref, hp_ref, a_ref, bv_ref):
        deg = ht_ref[:, 0:1] + 1.0
        cnt = ht_ref[:, 1:2] + 1.0
        a = lax.rsqrt(deg)
        bv = a / cnt
        hh = _dot_t(x_ref[...], w_ref[...]) + b_ref[...]
        hp_ref[...] = hh * a
        a_ref[...] = a
        bv_ref[...] = bv

    return pl.pallas_call(
        kern,
        grid=grid,
        in_specs=[
            pl.BlockSpec((bn, d), lambda i: (i, 0)),
            pl.BlockSpec((h, d), lambda i: (0, 0)),
            pl.BlockSpec((1, h), lambda i: (0, 0)),
            pl.BlockSpec((bn, 2), lambda i: (i, 0)),
        ],
        out_specs=[
            pl.BlockSpec((bn, h), lambda i: (i, 0)),
            pl.BlockSpec((bn, 1), lambda i: (i, 0)),
            pl.BlockSpec((bn, 1), lambda i: (i, 0)),
        ],
        out_shape=[
            jax.ShapeDtypeStruct((npad, h), F32),
            jax.ShapeDtypeStruct((n, 1), F32),
            jax.ShapeDtypeStruct((n, 1), F32),
        ],
    )(x, w, b2, hist_t)


def _tc_mid(parts, hp_prev, a, bv, w, b2, bn, npad):
    n = a.shape[0]
    h = w.shape[0]

    def kern(p_ref, hp_ref, a_ref, bv_ref, w_ref, b_ref, out_ref):
        xl = jnp.maximum(
            bv_ref[...] * (p_ref[0] + p_ref[1] + hp_ref[...]), 0.0)
        hh = _dot_t(xl, w_ref[...]) + b_ref[...]
        out_ref[...] = hh * a_ref[...]

    return pl.pallas_call(
        kern,
        grid=(n // bn,),
        in_specs=[
            pl.BlockSpec((2, bn, h), lambda i: (0, i, 0)),
            pl.BlockSpec((bn, h), lambda i: (i, 0)),
            pl.BlockSpec((bn, 1), lambda i: (i, 0)),
            pl.BlockSpec((bn, 1), lambda i: (i, 0)),
            pl.BlockSpec((h, h), lambda i: (0, 0)),
            pl.BlockSpec((1, h), lambda i: (0, 0)),
        ],
        out_specs=pl.BlockSpec((bn, h), lambda i: (i, 0)),
        out_shape=jax.ShapeDtypeStruct((npad, h), F32),
    )(parts, hp_prev, a, bv, w, b2)


def _tc_final(parts, hp3, bv, batch2, wm1, bm1_2, wm2, bm2_2, g, n):
    h = wm1.shape[1]
    out_dim = wm2.shape[0]

    def kern(p_ref, hp_ref, bv_ref, bt_ref, w1_ref, b1_ref, w2_ref, b2_ref,
             out_ref):
        y = jnp.maximum(bv_ref[...] * (p_ref[0] + p_ref[1] + hp_ref[...]),
                        0.0)
        gids = lax.broadcasted_iota(jnp.int32, (g, n), 0)
        oh = (bt_ref[...] == gids).astype(F32)
        psum = jnp.dot(oh, y, preferred_element_type=F32)
        cntg = jnp.sum(oh, axis=1, keepdims=True)
        pooled = psum / jnp.maximum(cntg, 1.0)
        t = jnp.maximum(_dot_t(pooled, w1_ref[...]) + b1_ref[...], 0.0)
        out_ref[...] = _dot_t(t, w2_ref[...]) + b2_ref[...]

    return pl.pallas_call(
        kern,
        grid=(1,),
        in_specs=[
            pl.BlockSpec((2, n, h), lambda i: (0, 0, 0)),
            pl.BlockSpec((n, h), lambda i: (0, 0)),
            pl.BlockSpec((n, 1), lambda i: (0, 0)),
            pl.BlockSpec((1, n), lambda i: (0, 0)),
            pl.BlockSpec(wm1.shape, lambda i: (0, 0)),
            pl.BlockSpec((1, h), lambda i: (0, 0)),
            pl.BlockSpec(wm2.shape, lambda i: (0, 0)),
            pl.BlockSpec((1, out_dim), lambda i: (0, 0)),
        ],
        out_specs=pl.BlockSpec((g, out_dim), lambda i: (0, 0)),
        out_shape=jax.ShapeDtypeStruct((g, out_dim), F32),
    )(parts, hp3, bv, batch2, wm1, bm1_2, wm2, bm2_2)


def kernel(x, edge_index, batch, W1, b1, W2, b2, W3, b3, Wm1, bm1, Wm2, bm2):
    n, d = x.shape
    e = edge_index.shape[1]
    g = 64
    bn = 2000

    npad = -(-n // 128) * 128
    epad = -(-e // 65536) * 65536
    pad_e = epad - e
    n_extra = npad - n

    if pad_e:
        k = jnp.arange(pad_e, dtype=jnp.int32)
        dummy = n + (k % max(n_extra, 1))
        rcflat = jnp.concatenate(
            [edge_index[0], dummy, edge_index[1], dummy])
    else:
        rcflat = edge_index.reshape(2 * e)

    zeros2n = jnp.zeros((2, npad), F32)

    hist, eip = _sc_histograms(rcflat, zeros2n, npad, epad)
    hist_t = hist.T[:n]

    b1_2 = b1.reshape(1, -1)
    b2_2 = b2.reshape(1, -1)
    b3_2 = b3.reshape(1, -1)
    bm1_2 = bm1.reshape(1, -1)
    bm2_2 = bm2.reshape(1, -1)
    batch2 = batch.reshape(1, -1)

    hp1, a, bv = _tc_first(x, W1, b1_2, hist_t, bn, npad)
    p1 = _sc_scatter(hp1, eip, npad)
    hp2 = _tc_mid(p1, hp1, a, bv, W2, b2_2, bn, npad)
    p2 = _sc_scatter(hp2, eip, npad)
    hp3 = _tc_mid(p2, hp2, a, bv, W3, b3_2, bn, npad)
    p3 = _sc_scatter(hp3, eip, npad)
    out = _tc_final(p3, hp3, bv, batch2, Wm1, bm1_2, Wm2, bm2_2, g, n)
    return out

# --- scband reference (transcript-rebuilt; emitter-appended) ---
"""Pipeline reference for scband-mpnn-51135880627015 (READ-ONLY COPY).

The authoritative reference and input builder live on the scoring server;
editing this copy changes nothing except your own understanding.
"""

import jax, jax.numpy as jnp
import numpy as np

N = 10000
E = 320000
D = 128
H = 128
OUT = 4
G = 64


def setup_inputs(seed: int = 0) -> dict:
    key = jax.random.key(seed)
    ks = jax.random.split(key, 16)
    scale = 0.05
    x = jax.random.normal(ks[0], (N, D), dtype=jnp.float32)
    edge_index = jax.random.randint(ks[1], (2, E), 0, N, dtype=jnp.int32)
    batch = jnp.sort(jax.random.randint(ks[2], (N,), 0, G, dtype=jnp.int32))
    W1 = jax.random.normal(ks[3], (H, D), dtype=jnp.float32) * scale
    b1 = jnp.zeros((H,), dtype=jnp.float32)
    W2 = jax.random.normal(ks[4], (H, H), dtype=jnp.float32) * scale
    b2 = jnp.zeros((H,), dtype=jnp.float32)
    W3 = jax.random.normal(ks[5], (H, H), dtype=jnp.float32) * scale
    b3 = jnp.zeros((H,), dtype=jnp.float32)
    Wm1 = jax.random.normal(ks[6], (H, H), dtype=jnp.float32) * scale
    bm1 = jnp.zeros((H,), dtype=jnp.float32)
    Wm2 = jax.random.normal(ks[7], (OUT, H), dtype=jnp.float32) * scale
    bm2 = jnp.zeros((OUT,), dtype=jnp.float32)
    return {"x": x, "edge_index": edge_index, "batch": batch,
            "W1": W1, "b1": b1, "W2": W2, "b2": b2, "W3": W3, "b3": b3,
            "Wm1": Wm1, "bm1": bm1, "Wm2": Wm2, "bm2": bm2}


def _mpnn_layer(x, edge_index, W, b):
    n = x.shape[0]
    # add_self_loops
    sl = jnp.arange(n, dtype=edge_index.dtype)
    ei = jnp.concatenate([edge_index, jnp.stack([sl, sl])], axis=1)
    h = x @ W.T + b
    row, col = ei[0], ei[1]
    ones = jnp.ones(ei.shape[1], dtype=h.dtype)
    # degree(row, num_nodes) as in message(); self-loops guarantee deg >= 1
    deg = jax.ops.segment_sum(ones, row, num_segments=n)
    dinv = deg ** -0.5
    norm = dinv[row] * dinv[col]
    msg = norm[:, None] * h[row]  # x_j = x[source]
    # aggr='mean' over target index
    s = jax.ops.segment_sum(msg, col, num_segments=n)
    cnt = jax.ops.segment_sum(ones, col, num_segments=n)
    return s / jnp.maximum(cnt, 1.0)[:, None]


def reference(x, edge_index, batch, W1, b1, W2, b2, W3, b3, Wm1, bm1, Wm2, bm2):
    h = x
    for W, b in ((W1, b1), (W2, b2), (W3, b3)):
        h = _mpnn_layer(h, edge_index, W, b)
        h = jax.nn.relu(h)
        # dropout p=0.0 / eval mode: no-op
    # global_mean_pool
    ps = jax.ops.segment_sum(h, batch, num_segments=G)
    cnt = jax.ops.segment_sum(jnp.ones(h.shape[0], dtype=h.dtype), batch, num_segments=G)
    pooled = ps / jnp.maximum(cnt, 1.0)[:, None]
    # MLP head
    out = jax.nn.relu(pooled @ Wm1.T + bm1) @ Wm2.T + bm2
    return out

if __name__ == "__main__":
    import jax
    _d = setup_inputs()
    print(jax.jit(kernel)(*tuple(_d.values())))

</pallas_src>

<mosaic_0001>
#map = affine_map<(d0, d1) -> (0, 0)>
#map1 = affine_map<(d0, d1) -> (0, 0, 0)>
module attributes {stable_mosaic.version = 14 : i64} {
  func.func @scat_kernel(%arg0: i32, %arg1: i32, %arg2: memref<10112x128xf32, #tpu.memory_space<hbm>>, %arg3: memref<2x1280x128xi32, #tpu.memory_space<hbm>>, %arg4: memref<2x10112x128xf32, #tpu.memory_space<hbm>>, %arg5: memref<40x128xi32, #tpu.memory_space<vmem>>, %arg6: memref<40x128xi32, #tpu.memory_space<vmem>>, %arg7: memref<128xi32, #tpu.memory_space<vmem>>, %arg8: memref<128xi32, #tpu.memory_space<vmem>>, %arg9: memref<128xi32, #tpu.memory_space<vmem>>, %arg10: memref<128x128xf32, #tpu.memory_space<vmem>>, %arg11: memref<128x128xf32, #tpu.memory_space<vmem>>, %arg12: memref<10112x128xf32, #tpu.memory_space<vmem_shared>>, %arg13: memref<!tpu.dma_semaphore, #tpu.memory_space<semaphore_mem>>, %arg14: memref<!tpu.dma_semaphore, #tpu.memory_space<semaphore_mem>>) attributes {dimension_semantics = [#tpu.dimension_semantics<core_parallel>, #tpu.dimension_semantics<subcore_parallel>], iteration_bounds = array<i64: 2, 16>, scalar_prefetch = 0 : i64, scratch_operands = 10 : i64, tpu.core_type = #tpu.core_type<sc_vector_subcore>, window_params = [{transform_indices = #map}, {transform_indices = #map1}, {transform_indices = #map1}]} {
    %scan3A = arith.constant 0 : i32
    %scan3A_0 = arith.constant 128 : i32
    %scan3A_1 = arith.addi %scan3A, %scan3A_0 : i32
    %scan3A_2 = arith.constant 1 : i32
    scf.for %scan3A_138 = %scan3A to %scan3A_1 step %scan3A_2  : i32 {
      %mul3A_139 = arith.constant 1 : i32
      %mul3A_140 = arith.muli %scan3A_138, %mul3A_139 : i32
      %add3A_141 = arith.constant 0 : i32
      %add3A_142 = arith.addi %add3A_141, %mul3A_140 : i32
      %broadcast_in_dim3A = arith.constant 0.000000e+00 : f32
      %broadcast_in_dim3A_143 = vector.broadcast %broadcast_in_dim3A : f32 to vector<16xf32>
      %swap3A_144 = arith.index_cast %add3A_142 : i32 to index
      %swap3A_145 = arith.constant 0 : index
      %swap3A_146 = tpu.vector_load %arg10[%swap3A_144, %swap3A_145] {strides = array<i32>} : memref<128x128xf32, #tpu.memory_space<vmem>>, vector<1x16xf32>,
      %swap3A_147 = vector.shape_cast %swap3A_146 : vector<1x16xf32> to vector<16xf32>
      %swap3A_148 = vector.shape_cast %broadcast_in_dim3A_143 : vector<16xf32> to vector<1x16xf32>
      tpu.vector_store %arg10[%swap3A_144, %swap3A_145], %swap3A_148 {strides = array<i32>} : memref<128x128xf32, #tpu.memory_space<vmem>>, vector<1x16xf32>,
      %broadcast_in_dim3A_149 = arith.constant 0.000000e+00 : f32
      %broadcast_in_dim3A_150 = vector.broadcast %broadcast_in_dim3A_149 : f32 to vector<16xf32>
      %swap3A_151 = arith.index_cast %add3A_142 : i32 to index
      %swap3A_152 = arith.constant 16 : index
      %swap3A_153 = tpu.vector_load %arg10[%swap3A_151, %swap3A_152] {strides = array<i32>} : memref<128x128xf32, #tpu.memory_space<vmem>>, vector<1x16xf32>,
      %swap3A_154 = vector.shape_cast %swap3A_153 : vector<1x16xf32> to vector<16xf32>
      %swap3A_155 = vector.shape_cast %broadcast_in_dim3A_150 : vector<16xf32> to vector<1x16xf32>
      tpu.vector_store %arg10[%swap3A_151, %swap3A_152], %swap3A_155 {strides = array<i32>} : memref<128x128xf32, #tpu.memory_space<vmem>>, vector<1x16xf32>,
      %broadcast_in_dim3A_156 = arith.constant 0.000000e+00 : f32
      %broadcast_in_dim3A_157 = vector.broadcast %broadcast_in_dim3A_156 : f32 to vector<16xf32>
      %swap3A_158 = arith.index_cast %add3A_142 : i32 to index
      %swap3A_159 = arith.constant 32 : index
      %swap3A_160 = tpu.vector_load %arg10[%swap3A_158, %swap3A_159] {strides = array<i32>} : memref<128x128xf32, #tpu.memory_space<vmem>>, vector<1x16xf32>,
      %swap3A_161 = vector.shape_cast %swap3A_160 : vector<1x16xf32> to vector<16xf32>
      %swap3A_162 = vector.shape_cast %broadcast_in_dim3A_157 : vector<16xf32> to vector<1x16xf32>
      tpu.vector_store %arg10[%swap3A_158, %swap3A_159], %swap3A_162 {strides = array<i32>} : memref<128x128xf32, #tpu.memory_space<vmem>>, vector<1x16xf32>,
      %broadcast_in_dim3A_163 = arith.constant 0.000000e+00 : f32
      %broadcast_in_dim3A_164 = vector.broadcast %broadcast_in_dim3A_163 : f32 to vector<16xf32>
      %swap3A_165 = arith.index_cast %add3A_142 : i32 to index
      %swap3A_166 = arith.constant 48 : index
      %swap3A_167 = tpu.vector_load %arg10[%swap3A_165, %swap3A_166] {strides = array<i32>} : memref<128x128xf32, #tpu.memory_space<vmem>>, vector<1x16xf32>,
      %swap3A_168 = vector.shape_cast %swap3A_167 : vector<1x16xf32> to vector<16xf32>
      %swap3A_169 = vector.shape_cast %broadcast_in_dim3A_164 : vector<16xf32> to vector<1x16xf32>
      tpu.vector_store %arg10[%swap3A_165, %swap3A_166], %swap3A_169 {strides = array<i32>} : memref<128x128xf32, #tpu.memory_space<vmem>>, vector<1x16xf32>,
      %broadcast_in_dim3A_170 = arith.constant 0.000000e+00 : f32
      %broadcast_in_dim3A_171 = vector.broadcast %broadcast_in_dim3A_170 : f32 to vector<16xf32>
      %swap3A_172 = arith.index_cast %add3A_142 : i32 to index
      %swap3A_173 = arith.constant 64 : index
      %swap3A_174 = tpu.vector_load %arg10[%swap3A_172, %swap3A_173] {strides = array<i32>} : memref<128x128xf32, #tpu.memory_space<vmem>>, vector<1x16xf32>,
      %swap3A_175 = vector.shape_cast %swap3A_174 : vector<1x16xf32> to vector<16xf32>
      %swap3A_176 = vector.shape_cast %broadcast_in_dim3A_171 : vector<16xf32> to vector<1x16xf32>
      tpu.vector_store %arg10[%swap3A_172, %swap3A_173], %swap3A_176 {strides = array<i32>} : memref<128x128xf32, #tpu.memory_space<vmem>>, vector<1x16xf32>,
      %broadcast_in_dim3A_177 = arith.constant 0.000000e+00 : f32
      %broadcast_in_dim3A_178 = vector.broadcast %broadcast_in_dim3A_177 : f32 to vector<16xf32>
      %swap3A_179 = arith.index_cast %add3A_142 : i32 to index
      %swap3A_180 = arith.constant 80 : index
      %swap3A_181 = tpu.vector_load %arg10[%swap3A_179, %swap3A_180] {strides = array<i32>} : memref<128x128xf32, #tpu.memory_space<vmem>>, vector<1x16xf32>,
      %swap3A_182 = vector.shape_cast %swap3A_181 : vector<1x16xf32> to vector<16xf32>
      %swap3A_183 = vector.shape_cast %broadcast_in_dim3A_178 : vector<16xf32> to vector<1x16xf32>
      tpu.vector_store %arg10[%swap3A_179, %swap3A_180], %swap3A_183 {strides = array<i32>} : memref<128x128xf32, #tpu.memory_space<vmem>>, vector<1x16xf32>,
      %broadcast_in_dim3A_184 = arith.constant 0.000000e+00 : f32
      %broadcast_in_dim3A_185 = vector.broadcast %broadcast_in_dim3A_184 : f32 to vector<16xf32>
      %swap3A_186 = arith.index_cast %add3A_142 : i32 to index
      %swap3A_187 = arith.constant 96 : index
      %swap3A_188 = tpu.vector_load %arg10[%swap3A_186, %swap3A_187] {strides = array<i32>} : memref<128x128xf32, #tpu.memory_space<vmem>>, vector<1x16xf32>,
      %swap3A_189 = vector.shape_cast %swap3A_188 : vector<1x16xf32> to vector<16xf32>
      %swap3A_190 = vector.shape_cast %broadcast_in_dim3A_185 : vector<16xf32> to vector<1x16xf32>
      tpu.vector_store %arg10[%swap3A_186, %swap3A_187], %swap3A_190 {strides = array<i32>} : memref<128x128xf32, #tpu.memory_space<vmem>>, vector<1x16xf32>,
      %broadcast_in_dim3A_191 = arith.constant 0.000000e+00 : f32
      %broadcast_in_dim3A_192 = vector.broadcast %broadcast_in_dim3A_191 : f32 to vector<16xf32>
      %swap3A_193 = arith.index_cast %add3A_142 : i32 to index
      %swap3A_194 = arith.constant 112 : index
      %swap3A_195 = tpu.vector_load %arg10[%swap3A_193, %swap3A_194] {strides = array<i32>} : memref<128x128xf32, #tpu.memory_space<vmem>>, vector<1x16xf32>,
      %swap3A_196 = vector.shape_cast %swap3A_195 : vector<1x16xf32> to vector<16xf32>
      %swap3A_197 = vector.shape_cast %broadcast_in_dim3A_192 : vector<16xf32> to vector<1x16xf32>
      tpu.vector_store %arg10[%swap3A_193, %swap3A_194], %swap3A_197 {strides = array<i32>} : memref<128x128xf32, #tpu.memory_space<vmem>>, vector<1x16xf32>,
    }
    %scan3A_3 = arith.constant 128 : i32
    %mul3A = arith.constant 640 : i32
    %mul3A_4 = arith.muli %arg0, %mul3A : i32
    %mul3A_5 = arith.constant 40 : i32
    %mul3A_6 = arith.muli %arg1, %mul3A_5 : i32
    %add3A = arith.addi %mul3A_4, %mul3A_6 : i32
    %dma_start3A = arith.constant 0 : i32
    %dma_start3A_7 = arith.constant 0 : i32
    %dma_start3A_8 = tpu.memref_slice %arg3[%dma_start3A, %add3A, %dma_start3A_7] : memref<2x1280x128xi32, #tpu.memory_space<hbm>> -> memref<1x40x128xi32, #tpu.memory_space<hbm>>
    %dma_start3A_9 = tpu.memref_squeeze %dma_start3A_8 : memref<1x40x128xi32, #tpu.memory_space<hbm>> -> memref<40x128xi32, #tpu.memory_space<hbm>>
    %dma_start3A_10 = arith.constant 0 : i32
    %dma_start3A_11 = tpu.memref_slice %arg3[%dma_start3A, %add3A, %dma_start3A_10] : memref<2x1280x128xi32, #tpu.memory_space<hbm>> -> memref<1x40x128xi32, #tpu.memory_space<hbm>>
    %dma_start3A_12 = tpu.memref_squeeze %dma_start3A_11 : memref<1x40x128xi32, #tpu.memory_space<hbm>> -> memref<40x128xi32, #tpu.memory_space<hbm>>
    tpu.enqueue_dma source(%dma_start3A_12 : memref<40x128xi32, #tpu.memory_space<hbm>>) target(%arg5 : memref<40x128xi32, #tpu.memory_space<vmem>>) target_semaphore(%arg13 : memref<!tpu.dma_semaphore, #tpu.memory_space<semaphore_mem>>)
    %dma_start3A_13 = arith.constant 1 : i32
    %dma_start3A_14 = arith.constant 0 : i32
    %dma_start3A_15 = tpu.memref_slice %arg3[%dma_start3A_13, %add3A, %dma_start3A_14] : memref<2x1280x128xi32, #tpu.memory_space<hbm>> -> memref<1x40x128xi32, #tpu.memory_space<hbm>>
    %dma_start3A_16 = tpu.memref_squeeze %dma_start3A_15 : memref<1x40x128xi32, #tpu.memory_space<hbm>> -> memref<40x128xi32, #tpu.memory_space<hbm>>
    %dma_start3A_17 = arith.constant 0 : i32
    %dma_start3A_18 = tpu.memref_slice %arg3[%dma_start3A_13, %add3A, %dma_start3A_17] : memref<2x1280x128xi32, #tpu.memory_space<hbm>> -> memref<1x40x128xi32, #tpu.memory_space<hbm>>
    %dma_start3A_19 = tpu.memref_squeeze %dma_start3A_18 : memref<1x40x128xi32, #tpu.memory_space<hbm>> -> memref<40x128xi32, #tpu.memory_space<hbm>>
    tpu.enqueue_dma source(%dma_start3A_19 : memref<40x128xi32, #tpu.memory_space<hbm>>) target(%arg6 : memref<40x128xi32, #tpu.memory_space<vmem>>) target_semaphore(%arg14 : memref<!tpu.dma_semaphore, #tpu.memory_space<semaphore_mem>>)
    %mul3A_20 = arith.constant 632 : i32
    %mul3A_21 = arith.muli %arg1, %mul3A_20 : i32
    %add3A_22 = arith.constant 0 : i32
    %add3A_23 = arith.addi %mul3A_21, %add3A_22 : i32
    "tpu.region"() ({
      %run_scoped3A = tpu.sem_alloc : memref<!tpu.dma_semaphore, #tpu.memory_space<semaphore_mem>>
      %dma_start3A_138 = arith.constant 0 : i32
      %dma_start3A_139 = tpu.memref_slice %arg12[%add3A_23, %dma_start3A_138] : memref<10112x128xf32, #tpu.memory_space<vmem_shared>> -> memref<128x128xf32, #tpu.memory_space<vmem_shared>>
      %dma_start3A_140 = arith.constant 0 : i32
      %dma_start3A_141 = tpu.memref_slice %arg12[%add3A_23, %dma_start3A_140] : memref<10112x128xf32, #tpu.memory_space<vmem_shared>> -> memref<128x128xf32, #tpu.memory_space<vmem_shared>>
      tpu.enqueue_dma source(%arg10 : memref<128x128xf32, #tpu.memory_space<vmem>>) target(%dma_start3A_141 : memref<128x128xf32, #tpu.memory_space<vmem_shared>>) target_semaphore(%run_scoped3A : memref<!tpu.dma_semaphore, #tpu.memory_space<semaphore_mem>>)
      %dma_wait3A_142 = arith.constant 0 : i32
      %dma_wait3A_143 = tpu.memref_slice %arg12[%add3A_23, %dma_wait3A_142] : memref<10112x128xf32, #tpu.memory_space<vmem_shared>> -> memref<128x128xf32, #tpu.memory_space<vmem_shared>>
      %dma_wait3A_144 = arith.constant 0 : i32
      %dma_wait3A_145 = tpu.memref_slice %arg12[%add3A_23, %dma_wait3A_144] : memref<10112x128xf32, #tpu.memory_space<vmem_shared>> -> memref<128x128xf32, #tpu.memory_space<vmem_shared>>
      tpu.wait_dma2 semaphore(%run_scoped3A : memref<!tpu.dma_semaphore, #tpu.memory_space<semaphore_mem>>) src(%arg10 : memref<128x128xf32, #tpu.memory_space<vmem>>) dst(%dma_wait3A_145 : memref<128x128xf32, #tpu.memory_space<vmem_shared>>)
      tpu.yield
    }) : () -> ()
    %mul3A_24 = arith.constant 632 : i32
    %mul3A_25 = arith.muli %arg1, %mul3A_24 : i32
    %add3A_26 = arith.constant 128 : i32
    %add3A_27 = arith.addi %mul3A_25, %add3A_26 : i32
    "tpu.region"() ({
      %run_scoped3A = tpu.sem_alloc : memref<!tpu.dma_semaphore, #tpu.memory_space<semaphore_mem>>
      %dma_start3A_138 = arith.constant 0 : i32
      %dma_start3A_139 = tpu.memref_slice %arg12[%add3A_27, %dma_start3A_138] : memref<10112x128xf32, #tpu.memory_space<vmem_shared>> -> memref<128x128xf32, #tpu.memory_space<vmem_shared>>
      %dma_start3A_140 = arith.constant 0 : i32
      %dma_start3A_141 = tpu.memref_slice %arg12[%add3A_27, %dma_start3A_140] : memref<10112x128xf32, #tpu.memory_space<vmem_shared>> -> memref<128x128xf32, #tpu.memory_space<vmem_shared>>
      tpu.enqueue_dma source(%arg10 : memref<128x128xf32, #tpu.memory_space<vmem>>) target(%dma_start3A_141 : memref<128x128xf32, #tpu.memory_space<vmem_shared>>) target_semaphore(%run_scoped3A : memref<!tpu.dma_semaphore, #tpu.memory_space<semaphore_mem>>)
      %dma_wait3A_142 = arith.constant 0 : i32
      %dma_wait3A_143 = tpu.memref_slice %arg12[%add3A_27, %dma_wait3A_142] : memref<10112x128xf32, #tpu.memory_space<vmem_shared>> -> memref<128x128xf32, #tpu.memory_space<vmem_shared>>
      %dma_wait3A_144 = arith.constant 0 : i32
      %dma_wait3A_145 = tpu.memref_slice %arg12[%add3A_27, %dma_wait3A_144] : memref<10112x128xf32, #tpu.memory_space<vmem_shared>> -> memref<128x128xf32, #tpu.memory_space<vmem_shared>>
      tpu.wait_dma2 semaphore(%run_scoped3A : memref<!tpu.dma_semaphore, #tpu.memory_space<semaphore_mem>>) src(%arg10 : memref<128x128xf32, #tpu.memory_space<vmem>>) dst(%dma_wait3A_145 : memref<128x128xf32, #tpu.memory_space<vmem_shared>>)
      tpu.yield
    }) : () -> ()
    %mul3A_28 = arith.constant 632 : i32
    %mul3A_29 = arith.muli %arg1, %mul3A_28 : i32
    %add3A_30 = arith.constant 256 : i32
    %add3A_31 = arith.addi %mul3A_29, %add3A_30 : i32
    "tpu.region"() ({
      %run_scoped3A = tpu.sem_alloc : memref<!tpu.dma_semaphore, #tpu.memory_space<semaphore_mem>>
      %dma_start3A_138 = arith.constant 0 : i32
      %dma_start3A_139 = tpu.memref_slice %arg12[%add3A_31, %dma_start3A_138] : memref<10112x128xf32, #tpu.memory_space<vmem_shared>> -> memref<128x128xf32, #tpu.memory_space<vmem_shared>>
      %dma_start3A_140 = arith.constant 0 : i32
      %dma_start3A_141 = tpu.memref_slice %arg12[%add3A_31, %dma_start3A_140] : memref<10112x128xf32, #tpu.memory_space<vmem_shared>> -> memref<128x128xf32, #tpu.memory_space<vmem_shared>>
      tpu.enqueue_dma source(%arg10 : memref<128x128xf32, #tpu.memory_space<vmem>>) target(%dma_start3A_141 : memref<128x128xf32, #tpu.memory_space<vmem_shared>>) target_semaphore(%run_scoped3A : memref<!tpu.dma_semaphore, #tpu.memory_space<semaphore_mem>>)
      %dma_wait3A_142 = arith.constant 0 : i32
      %dma_wait3A_143 = tpu.memref_slice %arg12[%add3A_31, %dma_wait3A_142] : memref<10112x128xf32, #tpu.memory_space<vmem_shared>> -> memref<128x128xf32, #tpu.memory_space<vmem_shared>>
      %dma_wait3A_144 = arith.constant 0 : i32
      %dma_wait3A_145 = tpu.memref_slice %arg12[%add3A_31, %dma_wait3A_144] : memref<10112x128xf32, #tpu.memory_space<vmem_shared>> -> memref<128x128xf32, #tpu.memory_space<vmem_shared>>
      tpu.wait_dma2 semaphore(%run_scoped3A : memref<!tpu.dma_semaphore, #tpu.memory_space<semaphore_mem>>) src(%arg10 : memref<128x128xf32, #tpu.memory_space<vmem>>) dst(%dma_wait3A_145 : memref<128x128xf32, #tpu.memory_space<vmem_shared>>)
      tpu.yield
    }) : () -> ()
    %mul3A_32 = arith.constant 632 : i32
    %mul3A_33 = arith.muli %arg1, %mul3A_32 : i32
    %add3A_34 = arith.constant 384 : i32
    %add3A_35 = arith.addi %mul3A_33, %add3A_34 : i32
    "tpu.region"() ({
      %run_scoped3A = tpu.sem_alloc : memref<!tpu.dma_semaphore, #tpu.memory_space<semaphore_mem>>
      %dma_start3A_138 = arith.constant 0 : i32
      %dma_start3A_139 = tpu.memref_slice %arg12[%add3A_35, %dma_start3A_138] : memref<10112x128xf32, #tpu.memory_space<vmem_shared>> -> memref<128x128xf32, #tpu.memory_space<vmem_shared>>
      %dma_start3A_140 = arith.constant 0 : i32
      %dma_start3A_141 = tpu.memref_slice %arg12[%add3A_35, %dma_start3A_140] : memref<10112x128xf32, #tpu.memory_space<vmem_shared>> -> memref<128x128xf32, #tpu.memory_space<vmem_shared>>
      tpu.enqueue_dma source(%arg10 : memref<128x128xf32, #tpu.memory_space<vmem>>) target(%dma_start3A_141 : memref<128x128xf32, #tpu.memory_space<vmem_shared>>) target_semaphore(%run_scoped3A : memref<!tpu.dma_semaphore, #tpu.memory_space<semaphore_mem>>)
      %dma_wait3A_142 = arith.constant 0 : i32
      %dma_wait3A_143 = tpu.memref_slice %arg12[%add3A_35, %dma_wait3A_142] : memref<10112x128xf32, #tpu.memory_space<vmem_shared>> -> memref<128x128xf32, #tpu.memory_space<vmem_shared>>
      %dma_wait3A_144 = arith.constant 0 : i32
      %dma_wait3A_145 = tpu.memref_slice %arg12[%add3A_35, %dma_wait3A_144] : memref<10112x128xf32, #tpu.memory_space<vmem_shared>> -> memref<128x128xf32, #tpu.memory_space<vmem_shared>>
      tpu.wait_dma2 semaphore(%run_scoped3A : memref<!tpu.dma_semaphore, #tpu.memory_space<semaphore_mem>>) src(%arg10 : memref<128x128xf32, #tpu.memory_space<vmem>>) dst(%dma_wait3A_145 : memref<128x128xf32, #tpu.memory_space<vmem_shared>>)
      tpu.yield
    }) : () -> ()
    %mul3A_36 = arith.constant 632 : i32
    %mul3A_37 = arith.muli %arg1, %mul3A_36 : i32
    %add3A_38 = arith.constant 512 : i32
    %add3A_39 = arith.addi %mul3A_37, %add3A_38 : i32
    "tpu.region"() ({
      %run_scoped3A = tpu.sem_alloc : memref<!tpu.dma_semaphore, #tpu.memory_space<semaphore_mem>>
      %dma_start3A_138 = arith.constant 0 : i32
      %dma_start3A_139 = arith.constant 0 : i32
      %dma_start3A_140 = tpu.memref_slice %arg10[%dma_start3A_138, %dma_start3A_139] : memref<128x128xf32, #tpu.memory_space<vmem>> -> memref<120x128xf32, #tpu.memory_space<vmem>>
      %dma_start3A_141 = arith.constant 0 : i32
      %dma_start3A_142 = tpu.memref_slice %arg12[%add3A_39, %dma_start3A_141] : memref<10112x128xf32, #tpu.memory_space<vmem_shared>> -> memref<120x128xf32, #tpu.memory_space<vmem_shared>>
      %dma_start3A_143 = arith.constant 0 : i32
      %dma_start3A_144 = tpu.memref_slice %arg12[%add3A_39, %dma_start3A_143] : memref<10112x128xf32, #tpu.memory_space<vmem_shared>> -> memref<120x128xf32, #tpu.memory_space<vmem_shared>>
      %dma_start3A_145 = arith.constant 0 : i32
      %dma_start3A_146 = arith.constant 0 : i32
      %dma_start3A_147 = tpu.memref_slice %arg10[%dma_start3A_145, %dma_start3A_146] : memref<128x128xf32, #tpu.memory_space<vmem>> -> memref<120x128xf32, #tpu.memory_space<vmem>>
      tpu.enqueue_dma source(%dma_start3A_147 : memref<120x128xf32, #tpu.memory_space<vmem>>) target(%dma_start3A_144 : memref<120x128xf32, #tpu.memory_space<vmem_shared>>) target_semaphore(%run_scoped3A : memref<!tpu.dma_semaphore, #tpu.memory_space<semaphore_mem>>)
      %dma_wait3A_148 = arith.constant 0 : i32
      %dma_wait3A_149 = arith.constant 0 : i32
      %dma_wait3A_150 = tpu.memref_slice %arg10[%dma_wait3A_148, %dma_wait3A_149] : memref<128x128xf32, #tpu.memory_space<vmem>> -> memref<120x128xf32, #tpu.memory_space<vmem>>
      %dma_wait3A_151 = arith.constant 0 : i32
      %dma_wait3A_152 = tpu.memref_slice %arg12[%add3A_39, %dma_wait3A_151] : memref<10112x128xf32, #tpu.memory_space<vmem_shared>> -> memref<120x128xf32, #tpu.memory_space<vmem_shared>>
      %dma_wait3A_153 = arith.constant 0 : i32
      %dma_wait3A_154 = tpu.memref_slice %arg12[%add3A_39, %dma_wait3A_153] : memref<10112x128xf32, #tpu.memory_space<vmem_shared>> -> memref<120x128xf32, #tpu.memory_space<vmem_shared>>
      %dma_wait3A_155 = arith.constant 0 : i32
      %dma_wait3A_156 = arith.constant 0 : i32
      %dma_wait3A_157 = tpu.memref_slice %arg10[%dma_wait3A_155, %dma_wait3A_156] : memref<128x128xf32, #tpu.memory_space<vmem>> -> memref<120x128xf32, #tpu.memory_space<vmem>>
      tpu.wait_dma2 semaphore(%run_scoped3A : memref<!tpu.dma_semaphore, #tpu.memory_space<semaphore_mem>>) src(%dma_wait3A_157 : memref<120x128xf32, #tpu.memory_space<vmem>>) dst(%dma_wait3A_154 : memref<120x128xf32, #tpu.memory_space<vmem_shared>>)
      tpu.yield
    }) : () -> ()
    %dma_wait3A = arith.constant 0 : i32
    %dma_wait3A_40 = arith.constant 0 : i32
    %dma_wait3A_41 = tpu.memref_slice %arg3[%dma_wait3A, %add3A, %dma_wait3A_40] : memref<2x1280x128xi32, #tpu.memory_space<hbm>> -> memref<1x40x128xi32, #tpu.memory_space<hbm>>
    %dma_wait3A_42 = tpu.memref_squeeze %dma_wait3A_41 : memref<1x40x128xi32, #tpu.memory_space<hbm>> -> memref<40x128xi32, #tpu.memory_space<hbm>>
    %dma_wait3A_43 = arith.constant 0 : i32
    %dma_wait3A_44 = tpu.memref_slice %arg3[%dma_wait3A, %add3A, %dma_wait3A_43] : memref<2x1280x128xi32, #tpu.memory_space<hbm>> -> memref<1x40x128xi32, #tpu.memory_space<hbm>>
    %dma_wait3A_45 = tpu.memref_squeeze %dma_wait3A_44 : memref<1x40x128xi32, #tpu.memory_space<hbm>> -> memref<40x128xi32, #tpu.memory_space<hbm>>
    tpu.wait_dma2 semaphore(%arg13 : memref<!tpu.dma_semaphore, #tpu.memory_space<semaphore_mem>>) src(%dma_wait3A_45 : memref<40x128xi32, #tpu.memory_space<hbm>>) dst(%arg5 : memref<40x128xi32, #tpu.memory_space<vmem>>)
    %dma_wait3A_46 = arith.constant 1 : i32
    %dma_wait3A_47 = arith.constant 0 : i32
    %dma_wait3A_48 = tpu.memref_slice %arg3[%dma_wait3A_46, %add3A, %dma_wait3A_47] : memref<2x1280x128xi32, #tpu.memory_space<hbm>> -> memref<1x40x128xi32, #tpu.memory_space<hbm>>
    %dma_wait3A_49 = tpu.memref_squeeze %dma_wait3A_48 : memref<1x40x128xi32, #tpu.memory_space<hbm>> -> memref<40x128xi32, #tpu.memory_space<hbm>>
    %dma_wait3A_50 = arith.constant 0 : i32
    %dma_wait3A_51 = tpu.memref_slice %arg3[%dma_wait3A_46, %add3A, %dma_wait3A_50] : memref<2x1280x128xi32, #tpu.memory_space<hbm>> -> memref<1x40x128xi32, #tpu.memory_space<hbm>>
    %dma_wait3A_52 = tpu.memref_squeeze %dma_wait3A_51 : memref<1x40x128xi32, #tpu.memory_space<hbm>> -> memref<40x128xi32, #tpu.memory_space<hbm>>
    tpu.wait_dma2 semaphore(%arg14 : memref<!tpu.dma_semaphore, #tpu.memory_space<semaphore_mem>>) src(%dma_wait3A_52 : memref<40x128xi32, #tpu.memory_space<hbm>>) dst(%arg6 : memref<40x128xi32, #tpu.memory_space<vmem>>)
    %barrier3A = arith.constant 0 : index
    tpu.barrier barrier_id(%barrier3A)
    %get3A = arith.constant 0 : i32
    %get3A_53 = arith.index_cast %get3A : i32 to index
    %get3A_54 = arith.constant 0 : index
    %get3A_55 = tpu.vector_load %arg5[%get3A_53, %get3A_54] {strides = array<i32>} : memref<40x128xi32, #tpu.memory_space<vmem>>, vector<1x16xi32>,
    %get3A_56 = vector.shape_cast %get3A_55 : vector<1x16xi32> to vector<16xi32>
    %and3A = arith.constant 65535 : i32
    %and3A_57 = vector.broadcast %and3A : i32 to vector<16xi32>
    %and3A_58 = arith.andi %get3A_56, %and3A_57 : vector<16xi32>
    %swap3A = arith.constant 0 : index
    %swap3A_59 = tpu.vector_load %arg7[%swap3A] {strides = array<i32>} : memref<128xi32, #tpu.memory_space<vmem>>, vector<16xi32>,
    %swap3A_60 = vector.shape_cast %swap3A_59 : vector<16xi32> to vector<16xi32>
    %swap3A_61 = vector.shape_cast %and3A_58 : vector<16xi32> to vector<16xi32>
    tpu.vector_store %arg7[%swap3A], %swap3A_61 {strides = array<i32>} : memref<128xi32, #tpu.memory_space<vmem>>, vector<16xi32>,
    %shift_right_arithmetic3A = arith.constant 16 : i32
    %shift_right_arithmetic3A_62 = vector.broadcast %shift_right_arithmetic3A : i32 to vector<16xi32>
    %shift_right_arithmetic3A_63 = arith.shrsi %get3A_56, %shift_right_arithmetic3A_62 : vector<16xi32>
    %swap3A_64 = arith.constant 64 : index
    %swap3A_65 = tpu.vector_load %arg7[%swap3A_64] {strides = array<i32>} : memref<128xi32, #tpu.memory_space<vmem>>, vector<16xi32>,
    %swap3A_66 = vector.shape_cast %swap3A_65 : vector<16xi32> to vector<16xi32>
    %swap3A_67 = vector.shape_cast %shift_right_arithmetic3A_63 : vector<16xi32> to vector<16xi32>
    tpu.vector_store %arg7[%swap3A_64], %swap3A_67 {strides = array<i32>} : memref<128xi32, #tpu.memory_space<vmem>>, vector<16xi32>,
    %get3A_68 = arith.constant 0 : i32
    %get3A_69 = arith.index_cast %get3A_68 : i32 to index
    %get3A_70 = arith.constant 16 : index
    %get3A_71 = tpu.vector_load %arg5[%get3A_69, %get3A_70] {strides = array<i32>} : memref<40x128xi32, #tpu.memory_space<vmem>>, vector<1x16xi32>,
    %get3A_72 = vector.shape_cast %get3A_71 : vector<1x16xi32> to vector<16xi32>
    %and3A_73 = arith.constant 65535 : i32
    %and3A_74 = vector.broadcast %and3A_73 : i32 to vector<16xi32>
    %and3A_75 = arith.andi %get3A_72, %and3A_74 : vector<16xi32>
    %swap3A_76 = arith.constant 16 : index
    %swap3A_77 = tpu.vector_load %arg7[%swap3A_76] {strides = array<i32>} : memref<128xi32, #tpu.memory_space<vmem>>, vector<16xi32>,
    %swap3A_78 = vector.shape_cast %swap3A_77 : vector<16xi32> to vector<16xi32>
    %swap3A_79 = vector.shape_cast %and3A_75 : vector<16xi32> to vector<16xi32>
    tpu.vector_store %arg7[%swap3A_76], %swap3A_79 {strides = array<i32>} : memref<128xi32, #tpu.memory_space<vmem>>, vector<16xi32>,
    %shift_right_arithmetic3A_80 = arith.constant 16 : i32
    %shift_right_arithmetic3A_81 = vector.broadcast %shift_right_arithmetic3A_80 : i32 to vector<16xi32>
    %shift_right_arithmetic3A_82 = arith.shrsi %get3A_72, %shift_right_arithmetic3A_81 : vector<16xi32>
    %swap3A_83 = arith.constant 80 : index
    %swap3A_84 = tpu.vector_load %arg7[%swap3A_83] {strides = array<i32>} : memref<128xi32, #tpu.memory_space<vmem>>, vector<16xi32>,
    %swap3A_85 = vector.shape_cast %swap3A_84 : vector<16xi32> to vector<16xi32>
    %swap3A_86 = vector.shape_cast %shift_right_arithmetic3A_82 : vector<16xi32> to vector<16xi32>
    tpu.vector_store %arg7[%swap3A_83], %swap3A_86 {strides = array<i32>} : memref<128xi32, #tpu.memory_space<vmem>>, vector<16xi32>,
    %get3A_87 = arith.constant 0 : i32
    %get3A_88 = arith.index_cast %get3A_87 : i32 to index
    %get3A_89 = arith.constant 32 : index
    %get3A_90 = tpu.vector_load %arg5[%get3A_88, %get3A_89] {strides = array<i32>} : memref<40x128xi32, #tpu.memory_space<vmem>>, vector<1x16xi32>,
    %get3A_91 = vector.shape_cast %get3A_90 : vector<1x16xi32> to vector<16xi32>
    %and3A_92 = arith.constant 65535 : i32
    %and3A_93 = vector.broadcast %and3A_92 : i32 to vector<16xi32>
    %and3A_94 = arith.andi %get3A_91, %and3A_93 : vector<16xi32>
    %swap3A_95 = arith.constant 32 : index
    %swap3A_96 = tpu.vector_load %arg7[%swap3A_95] {strides = array<i32>} : memref<128xi32, #tpu.memory_space<vmem>>, vector<16xi32>,
    %swap3A_97 = vector.shape_cast %swap3A_96 : vector<16xi32> to vector<16xi32>
    %swap3A_98 = vector.shape_cast %and3A_94 : vector<16xi32> to vector<16xi32>
    tpu.vector_store %arg7[%swap3A_95], %swap3A_98 {strides = array<i32>} : memref<128xi32, #tpu.memory_space<vmem>>, vector<16xi32>,
    %shift_right_arithmetic3A_99 = arith.constant 16 : i32
    %shift_right_arithmetic3A_100 = vector.broadcast %shift_right_arithmetic3A_99 : i32 to vector<16xi32>
    %shift_right_arithmetic3A_101 = arith.shrsi %get3A_91, %shift_right_arithmetic3A_100 : vector<16xi32>
    %swap3A_102 = arith.constant 96 : index
    %swap3A_103 = tpu.vector_load %arg7[%swap3A_102] {strides = array<i32>} : memref<128xi32, #tpu.memory_space<vmem>>, vector<16xi32>,
    %swap3A_104 = vector.shape_cast %swap3A_103 : vector<16xi32> to vector<16xi32>
    %swap3A_105 = vector.shape_cast %shift_right_arithmetic3A_101 : vector<16xi32> to vector<16xi32>
    tpu.vector_store %arg7[%swap3A_102], %swap3A_105 {strides = array<i32>} : memref<128xi32, #tpu.memory_space<vmem>>, vector<16xi32>,
    %get3A_106 = arith.constant 0 : i32
    %get3A_107 = arith.index_cast %get3A_106 : i32 to index
    %get3A_108 = arith.constant 48 : index
    %get3A_109 = tpu.vector_load %arg5[%get3A_107, %get3A_108] {strides = array<i32>} : memref<40x128xi32, #tpu.memory_space<vmem>>, vector<1x16xi32>,
    %get3A_110 = vector.shape_cast %get3A_109 : vector<1x16xi32> to vector<16xi32>
    %and3A_111 = arith.constant 65535 : i32
    %and3A_112 = vector.broadcast %and3A_111 : i32 to vector<16xi32>
    %and3A_113 = arith.andi %get3A_110, %and3A_112 : vector<16xi32>
    %swap3A_114 = arith.constant 48 : index
    %swap3A_115 = tpu.vector_load %arg7[%swap3A_114] {strides = array<i32>} : memref<128xi32, #tpu.memory_space<vmem>>, vector<16xi32>,
    %swap3A_116 = vector.shape_cast %swap3A_115 : vector<16xi32> to vector<16xi32>
    %swap3A_117 = vector.shape_cast %and3A_113 : vector<16xi32> to vector<16xi32>
    tpu.vector_store %arg7[%swap3A_114], %swap3A_117 {strides = array<i32>} : memref<128xi32, #tpu.memory_space<vmem>>, vector<16xi32>,
    %shift_right_arithmetic3A_118 = arith.constant 16 : i32
    %shift_right_arithmetic3A_119 = vector.broadcast %shift_right_arithmetic3A_118 : i32 to vector<16xi32>
    %shift_right_arithmetic3A_120 = arith.shrsi %get3A_110, %shift_right_arithmetic3A_119 : vector<16xi32>
    %swap3A_121 = arith.constant 112 : index
    %swap3A_122 = tpu.vector_load %arg7[%swap3A_121] {strides = array<i32>} : memref<128xi32, #tpu.memory_space<vmem>>, vector<16xi32>,
    %swap3A_123 = vector.shape_cast %swap3A_122 : vector<16xi32> to vector<16xi32>
    %swap3A_124 = vector.shape_cast %shift_right_arithmetic3A_120 : vector<16xi32> to vector<16xi32>
    tpu.vector_store %arg7[%swap3A_121], %swap3A_124 {strides = array<i32>} : memref<128xi32, #tpu.memory_space<vmem>>, vector<16xi32>,
    %dma_start3A_125 = arith.constant 0 : i32
    %dma_start3A_126 = arith.constant 0 : i32
    %dma_start3A_127 = tpu.memref_slice %arg2[%dma_start3A_125, %dma_start3A_126] : memref<10112x128xf32, #tpu.memory_space<hbm>> -> memref<10112x128xf32, #tpu.memory_space<hbm>>
    tpu.enqueue_indirect_dma source(%dma_start3A_127 : memref<10112x128xf32, #tpu.memory_space<hbm>>) target(%arg10 : memref<128x128xf32, #tpu.memory_space<vmem>>) offsets(%arg7 : memref<128xi32, #tpu.memory_space<vmem>>) semaphore(%arg13 : memref<!tpu.dma_semaphore, #tpu.memory_space<semaphore_mem>>)
    %scan3A_128 = arith.constant 0 : i32
    %scan3A_129 = arith.constant 40 : i32
    %scan3A_130 = arith.addi %scan3A_128, %scan3A_129 : i32
    %scan3A_131 = arith.constant 1 : i32
    scf.for %scan3A_138 = %scan3A_128 to %scan3A_130 step %scan3A_131  : i32 {
      %mul3A_139 = arith.constant 1 : i32
      %mul3A_140 = arith.muli %scan3A_138, %mul3A_139 : i32
      %add3A_141 = arith.constant 0 : i32
      %add3A_142 = arith.addi %add3A_141, %mul3A_140 : i32
      %get3A_143 = arith.index_cast %add3A_142 : i32 to index
      %get3A_144 = arith.constant 64 : index
      %get3A_145 = tpu.vector_load %arg5[%get3A_143, %get3A_144] {strides = array<i32>} : memref<40x128xi32, #tpu.memory_space<vmem>>, vector<1x16xi32>,
      %get3A_146 = vector.shape_cast %get3A_145 : vector<1x16xi32> to vector<16xi32>
      %and3A_147 = arith.constant 65535 : i32
      %and3A_148 = vector.broadcast %and3A_147 : i32 to vector<16xi32>
      %and3A_149 = arith.andi %get3A_146, %and3A_148 : vector<16xi32>
      %swap3A_150 = arith.constant 0 : index
      %swap3A_151 = tpu.vector_load %arg8[%swap3A_150] {strides = array<i32>} : memref<128xi32, #tpu.memory_space<vmem>>, vector<16xi32>,
      %swap3A_152 = vector.shape_cast %swap3A_151 : vector<16xi32> to vector<16xi32>
      %swap3A_153 = vector.shape_cast %and3A_149 : vector<16xi32> to vector<16xi32>
      tpu.vector_store %arg8[%swap3A_150], %swap3A_153 {strides = array<i32>} : memref<128xi32, #tpu.memory_space<vmem>>, vector<16xi32>,
      %shift_right_arithmetic3A_154 = arith.constant 16 : i32
      %shift_right_arithmetic3A_155 = vector.broadcast %shift_right_arithmetic3A_154 : i32 to vector<16xi32>
      %shift_right_arithmetic3A_156 = arith.shrsi %get3A_146, %shift_right_arithmetic3A_155 : vector<16xi32>
      %swap3A_157 = arith.constant 64 : index
      %swap3A_158 = tpu.vector_load %arg8[%swap3A_157] {strides = array<i32>} : memref<128xi32, #tpu.memory_space<vmem>>, vector<16xi32>,
      %swap3A_159 = vector.shape_cast %swap3A_158 : vector<16xi32> to vector<16xi32>
      %swap3A_160 = vector.shape_cast %shift_right_arithmetic3A_156 : vector<16xi32> to vector<16xi32>
      tpu.vector_store %arg8[%swap3A_157], %swap3A_160 {strides = array<i32>} : memref<128xi32, #tpu.memory_space<vmem>>, vector<16xi32>,
      %get3A_161 = arith.index_cast %add3A_142 : i32 to index
      %get3A_162 = arith.constant 80 : index
      %get3A_163 = tpu.vector_load %arg5[%get3A_161, %get3A_162] {strides = array<i32>} : memref<40x128xi32, #tpu.memory_space<vmem>>, vector<1x16xi32>,
      %get3A_164 = vector.shape_cast %get3A_163 : vector<1x16xi32> to vector<16xi32>
      %and3A_165 = arith.constant 65535 : i32
      %and3A_166 = vector.broadcast %and3A_165 : i32 to vector<16xi32>
      %and3A_167 = arith.andi %get3A_164, %and3A_166 : vector<16xi32>
      %swap3A_168 = arith.constant 16 : index
      %swap3A_169 = tpu.vector_load %arg8[%swap3A_168] {strides = array<i32>} : memref<128xi32, #tpu.memory_space<vmem>>, vector<16xi32>,
      %swap3A_170 = vector.shape_cast %swap3A_169 : vector<16xi32> to vector<16xi32>
      %swap3A_171 = vector.shape_cast %and3A_167 : vector<16xi32> to vector<16xi32>
      tpu.vector_store %arg8[%swap3A_168], %swap3A_171 {strides = array<i32>} : memref<128xi32, #tpu.memory_space<vmem>>, vector<16xi32>,
      %shift_right_arithmetic3A_172 = arith.constant 16 : i32
      %shift_right_arithmetic3A_173 = vector.broadcast %shift_right_arithmetic3A_172 : i32 to vector<16xi32>
      %shift_right_arithmetic3A_174 = arith.shrsi %get3A_164, %shift_right_arithmetic3A_173 : vector<16xi32>
      %swap3A_175 = arith.constant 80 : index
      %swap3A_176 = tpu.vector_load %arg8[%swap3A_175] {strides = array<i32>} : memref<128xi32, #tpu.memory_space<vmem>>, vector<16xi32>,
      %swap3A_177 = vector.shape_cast %swap3A_176 : vector<16xi32> to vector<16xi32>
      %swap3A_178 = vector.shape_cast %shift_right_arithmetic3A_174 : vector<16xi32> to vector<16xi32>
      tpu.vector_store %arg8[%swap3A_175], %swap3A_178 {strides = array<i32>} : memref<128xi32, #tpu.memory_space<vmem>>, vector<16xi32>,
      %get3A_179 = arith.index_cast %add3A_142 : i32 to index
      %get3A_180 = arith.constant 96 : index
      %get3A_181 = tpu.vector_load %arg5[%get3A_179, %get3A_180] {strides = array<i32>} : memref<40x128xi32, #tpu.memory_space<vmem>>, vector<1x16xi32>,
      %get3A_182 = vector.shape_cast %get3A_181 : vector<1x16xi32> to vector<16xi32>
      %and3A_183 = arith.constant 65535 : i32
      %and3A_184 = vector.broadcast %and3A_183 : i32 to vector<16xi32>
      %and3A_185 = arith.andi %get3A_182, %and3A_184 : vector<16xi32>
      %swap3A_186 = arith.constant 32 : index
      %swap3A_187 = tpu.vector_load %arg8[%swap3A_186] {strides = array<i32>} : memref<128xi32, #tpu.memory_space<vmem>>, vector<16xi32>,
      %swap3A_188 = vector.shape_cast %swap3A_187 : vector<16xi32> to vector<16xi32>
      %swap3A_189 = vector.shape_cast %and3A_185 : vector<16xi32> to vector<16xi32>
      tpu.vector_store %arg8[%swap3A_186], %swap3A_189 {strides = array<i32>} : memref<128xi32, #tpu.memory_space<vmem>>, vector<16xi32>,
      %shift_right_arithmetic3A_190 = arith.constant 16 : i32
      %shift_right_arithmetic3A_191 = vector.broadcast %shift_right_arithmetic3A_190 : i32 to vector<16xi32>
      %shift_right_arithmetic3A_192 = arith.shrsi %get3A_182, %shift_right_arithmetic3A_191 : vector<16xi32>
      %swap3A_193 = arith.constant 96 : index
      %swap3A_194 = tpu.vector_load %arg8[%swap3A_193] {strides = array<i32>} : memref<128xi32, #tpu.memory_space<vmem>>, vector<16xi32>,
      %swap3A_195 = vector.shape_cast %swap3A_194 : vector<16xi32> to vector<16xi32>
      %swap3A_196 = vector.shape_cast %shift_right_arithmetic3A_192 : vector<16xi32> to vector<16xi32>
      tpu.vector_store %arg8[%swap3A_193], %swap3A_196 {strides = array<i32>} : memref<128xi32, #tpu.memory_space<vmem>>, vector<16xi32>,
      %get3A_197 = arith.index_cast %add3A_142 : i32 to index
      %get3A_198 = arith.constant 112 : index
      %get3A_199 = tpu.vector_load %arg5[%get3A_197, %get3A_198] {strides = array<i32>} : memref<40x128xi32, #tpu.memory_space<vmem>>, vector<1x16xi32>,
      %get3A_200 = vector.shape_cast %get3A_199 : vector<1x16xi32> to vector<16xi32>
      %and3A_201 = arith.constant 65535 : i32
      %and3A_202 = vector.broadcast %and3A_201 : i32 to vector<16xi32>
      %and3A_203 = arith.andi %get3A_200, %and3A_202 : vector<16xi32>
      %swap3A_204 = arith.constant 48 : index
      %swap3A_205 = tpu.vector_load %arg8[%swap3A_204] {strides = array<i32>} : memref<128xi32, #tpu.memory_space<vmem>>, vector<16xi32>,
      %swap3A_206 = vector.shape_cast %swap3A_205 : vector<16xi32> to vector<16xi32>
      %swap3A_207 = vector.shape_cast %and3A_203 : vector<16xi32> to vector<16xi32>
      tpu.vector_store %arg8[%swap3A_204], %swap3A_207 {strides = array<i32>} : memref<128xi32, #tpu.memory_space<vmem>>, vector<16xi32>,
      %shift_right_arithmetic3A_208 = arith.constant 16 : i32
      %shift_right_arithmetic3A_209 = vector.broadcast %shift_right_arithmetic3A_208 : i32 to vector<16xi32>
      %shift_right_arithmetic3A_210 = arith.shrsi %get3A_200, %shift_right_arithmetic3A_209 : vector<16xi32>
      %swap3A_211 = arith.constant 112 : index
      %swap3A_212 = tpu.vector_load %arg8[%swap3A_211] {strides = array<i32>} : memref<128xi32, #tpu.memory_space<vmem>>, vector<16xi32>,
      %swap3A_213 = vector.shape_cast %swap3A_212 : vector<16xi32> to vector<16xi32>
      %swap3A_214 = vector.shape_cast %shift_right_arithmetic3A_210 : vector<16xi32> to vector<16xi32>
      tpu.vector_store %arg8[%swap3A_211], %swap3A_214 {strides = array<i32>} : memref<128xi32, #tpu.memory_space<vmem>>, vector<16xi32>,
      %dma_start3A_215 = arith.constant 0 : i32
      %dma_start3A_216 = arith.constant 0 : i32
      %dma_start3A_217 = tpu.memref_slice %arg2[%dma_start3A_215, %dma_start3A_216] : memref<10112x128xf32, #tpu.memory_space<hbm>> -> memref<10112x128xf32, #tpu.memory_space<hbm>>
      tpu.enqueue_indirect_dma source(%dma_start3A_217 : memref<10112x128xf32, #tpu.memory_space<hbm>>) target(%arg11 : memref<128x128xf32, #tpu.memory_space<vmem>>) offsets(%arg8 : memref<128xi32, #tpu.memory_space<vmem>>) semaphore(%arg14 : memref<!tpu.dma_semaphore, #tpu.memory_space<semaphore_mem>>)
      %dma_wait3A_218 = arith.constant 0 : i32
      %dma_wait3A_219 = arith.constant 0 : i32
      %dma_wait3A_220 = tpu.memref_slice %arg2[%dma_wait3A_218, %dma_wait3A_219] : memref<10112x128xf32, #tpu.memory_space<hbm>> -> memref<10112x128xf32, #tpu.memory_space<hbm>>
      tpu.wait_indirect_dma semaphore(%arg13 : memref<!tpu.dma_semaphore, #tpu.memory_space<semaphore_mem>>) src(%dma_wait3A_220 : memref<10112x128xf32, #tpu.memory_space<hbm>>) dst(%arg10 : memref<128x128xf32, #tpu.memory_space<vmem>>)
      %get3A_221 = arith.index_cast %add3A_142 : i32 to index
      %get3A_222 = arith.constant 0 : index
      %get3A_223 = tpu.vector_load %arg6[%get3A_221, %get3A_222] {strides = array<i32>} : memref<40x128xi32, #tpu.memory_space<vmem>>, vector<1x16xi32>,
      %get3A_224 = vector.shape_cast %get3A_223 : vector<1x16xi32> to vector<16xi32>
      %and3A_225 = arith.constant 65535 : i32
      %and3A_226 = vector.broadcast %and3A_225 : i32 to vector<16xi32>
      %and3A_227 = arith.andi %get3A_224, %and3A_226 : vector<16xi32>
      %swap3A_228 = arith.constant 0 : index
      %swap3A_229 = tpu.vector_load %arg9[%swap3A_228] {strides = array<i32>} : memref<128xi32, #tpu.memory_space<vmem>>, vector<16xi32>,
      %swap3A_230 = vector.shape_cast %swap3A_229 : vector<16xi32> to vector<16xi32>
      %swap3A_231 = vector.shape_cast %and3A_227 : vector<16xi32> to vector<16xi32>
      tpu.vector_store %arg9[%swap3A_228], %swap3A_231 {strides = array<i32>} : memref<128xi32, #tpu.memory_space<vmem>>, vector<16xi32>,
      %shift_right_arithmetic3A_232 = arith.constant 16 : i32
      %shift_right_arithmetic3A_233 = vector.broadcast %shift_right_arithmetic3A_232 : i32 to vector<16xi32>
      %shift_right_arithmetic3A_234 = arith.shrsi %get3A_224, %shift_right_arithmetic3A_233 : vector<16xi32>
      %swap3A_235 = arith.constant 64 : index
      %swap3A_236 = tpu.vector_load %arg9[%swap3A_235] {strides = array<i32>} : memref<128xi32, #tpu.memory_space<vmem>>, vector<16xi32>,
      %swap3A_237 = vector.shape_cast %swap3A_236 : vector<16xi32> to vector<16xi32>
      %swap3A_238 = vector.shape_cast %shift_right_arithmetic3A_234 : vector<16xi32> to vector<16xi32>
      tpu.vector_store %arg9[%swap3A_235], %swap3A_238 {strides = array<i32>} : memref<128xi32, #tpu.memory_space<vmem>>, vector<16xi32>,
      %get3A_239 = arith.index_cast %add3A_142 : i32 to index
      %get3A_240 = arith.constant 16 : index
      %get3A_241 = tpu.vector_load %arg6[%get3A_239, %get3A_240] {strides = array<i32>} : memref<40x128xi32, #tpu.memory_space<vmem>>, vector<1x16xi32>,
      %get3A_242 = vector.shape_cast %get3A_241 : vector<1x16xi32> to vector<16xi32>
      %and3A_243 = arith.constant 65535 : i32
      %and3A_244 = vector.broadcast %and3A_243 : i32 to vector<16xi32>
      %and3A_245 = arith.andi %get3A_242, %and3A_244 : vector<16xi32>
      %swap3A_246 = arith.constant 16 : index
      %swap3A_247 = tpu.vector_load %arg9[%swap3A_246] {strides = array<i32>} : memref<128xi32, #tpu.memory_space<vmem>>, vector<16xi32>,
      %swap3A_248 = vector.shape_cast %swap3A_247 : vector<16xi32> to vector<16xi32>
      %swap3A_249 = vector.shape_cast %and3A_245 : vector<16xi32> to vector<16xi32>
      tpu.vector_store %arg9[%swap3A_246], %swap3A_249 {strides = array<i32>} : memref<128xi32, #tpu.memory_space<vmem>>, vector<16xi32>,
      %shift_right_arithmetic3A_250 = arith.constant 16 : i32
      %shift_right_arithmetic3A_251 = vector.broadcast %shift_right_arithmetic3A_250 : i32 to vector<16xi32>
      %shift_right_arithmetic3A_252 = arith.shrsi %get3A_242, %shift_right_arithmetic3A_251 : vector<16xi32>
      %swap3A_253 = arith.constant 80 : index
      %swap3A_254 = tpu.vector_load %arg9[%swap3A_253] {strides = array<i32>} : memref<128xi32, #tpu.memory_space<vmem>>, vector<16xi32>,
      %swap3A_255 = vector.shape_cast %swap3A_254 : vector<16xi32> to vector<16xi32>
      %swap3A_256 = vector.shape_cast %shift_right_arithmetic3A_252 : vector<16xi32> to vector<16xi32>
      tpu.vector_store %arg9[%swap3A_253], %swap3A_256 {strides = array<i32>} : memref<128xi32, #tpu.memory_space<vmem>>, vector<16xi32>,
      %get3A_257 = arith.index_cast %add3A_142 : i32 to index
      %get3A_258 = arith.constant 32 : index
      %get3A_259 = tpu.vector_load %arg6[%get3A_257, %get3A_258] {strides = array<i32>} : memref<40x128xi32, #tpu.memory_space<vmem>>, vector<1x16xi32>,
      %get3A_260 = vector.shape_cast %get3A_259 : vector<1x16xi32> to vector<16xi32>
      %and3A_261 = arith.constant 65535 : i32
      %and3A_262 = vector.broadcast %and3A_261 : i32 to vector<16xi32>
      %and3A_263 = arith.andi %get3A_260, %and3A_262 : vector<16xi32>
      %swap3A_264 = arith.constant 32 : index
      %swap3A_265 = tpu.vector_load %arg9[%swap3A_264] {strides = array<i32>} : memref<128xi32, #tpu.memory_space<vmem>>, vector<16xi32>,
      %swap3A_266 = vector.shape_cast %swap3A_265 : vector<16xi32> to vector<16xi32>
      %swap3A_267 = vector.shape_cast %and3A_263 : vector<16xi32> to vector<16xi32>
      tpu.vector_store %arg9[%swap3A_264], %swap3A_267 {strides = array<i32>} : memref<128xi32, #tpu.memory_space<vmem>>, vector<16xi32>,
      %shift_right_arithmetic3A_268 = arith.constant 16 : i32
      %shift_right_arithmetic3A_269 = vector.broadcast %shift_right_arithmetic3A_268 : i32 to vector<16xi32>
      %shift_right_arithmetic3A_270 = arith.shrsi %get3A_260, %shift_right_arithmetic3A_269 : vector<16xi32>
      %swap3A_271 = arith.constant 96 : index
      %swap3A_272 = tpu.vector_load %arg9[%swap3A_271] {strides = array<i32>} : memref<128xi32, #tpu.memory_space<vmem>>, vector<16xi32>,
      %swap3A_273 = vector.shape_cast %swap3A_272 : vector<16xi32> to vector<16xi32>
      %swap3A_274 = vector.shape_cast %shift_right_arithmetic3A_270 : vector<16xi32> to vector<16xi32>
      tpu.vector_store %arg9[%swap3A_271], %swap3A_274 {strides = array<i32>} : memref<128xi32, #tpu.memory_space<vmem>>, vector<16xi32>,
      %get3A_275 = arith.index_cast %add3A_142 : i32 to index
      %get3A_276 = arith.constant 48 : index
      %get3A_277 = tpu.vector_load %arg6[%get3A_275, %get3A_276] {strides = array<i32>} : memref<40x128xi32, #tpu.memory_space<vmem>>, vector<1x16xi32>,
      %get3A_278 = vector.shape_cast %get3A_277 : vector<1x16xi32> to vector<16xi32>
      %and3A_279 = arith.constant 65535 : i32
      %and3A_280 = vector.broadcast %and3A_279 : i32 to vector<16xi32>
      %and3A_281 = arith.andi %get3A_278, %and3A_280 : vector<16xi32>
      %swap3A_282 = arith.constant 48 : index
      %swap3A_283 = tpu.vector_load %arg9[%swap3A_282] {strides = array<i32>} : memref<128xi32, #tpu.memory_space<vmem>>, vector<16xi32>,
      %swap3A_284 = vector.shape_cast %swap3A_283 : vector<16xi32> to vector<16xi32>
      %swap3A_285 = vector.shape_cast %and3A_281 : vector<16xi32> to vector<16xi32>
      tpu.vector_store %arg9[%swap3A_282], %swap3A_285 {strides = array<i32>} : memref<128xi32, #tpu.memory_space<vmem>>, vector<16xi32>,
      %shift_right_arithmetic3A_286 = arith.constant 16 : i32
      %shift_right_arithmetic3A_287 = vector.broadcast %shift_right_arithmetic3A_286 : i32 to vector<16xi32>
      %shift_right_arithmetic3A_288 = arith.shrsi %get3A_278, %shift_right_arithmetic3A_287 : vector<16xi32>
      %swap3A_289 = arith.constant 112 : index
      %swap3A_290 = tpu.vector_load %arg9[%swap3A_289] {strides = array<i32>} : memref<128xi32, #tpu.memory_space<vmem>>, vector<16xi32>,
      %swap3A_291 = vector.shape_cast %swap3A_290 : vector<16xi32> to vector<16xi32>
      %swap3A_292 = vector.shape_cast %shift_right_arithmetic3A_288 : vector<16xi32> to vector<16xi32>
      tpu.vector_store %arg9[%swap3A_289], %swap3A_292 {strides = array<i32>} : memref<128xi32, #tpu.memory_space<vmem>>, vector<16xi32>,
      "tpu.region"() ({
        %run_scoped3A = tpu.sem_alloc : memref<!tpu.dma_semaphore, #tpu.memory_space<semaphore_mem>>
        %dma_start3A_370 = arith.constant 0 : i32
        %dma_start3A_371 = arith.constant 0 : i32
        %dma_start3A_372 = tpu.memref_slice %arg12[%dma_start3A_370, %dma_start3A_371] : memref<10112x128xf32, #tpu.memory_space<vmem_shared>> -> memref<10112x128xf32, #tpu.memory_space<vmem_shared>>
        tpu.enqueue_indirect_dma source(%arg10 : memref<128x128xf32, #tpu.memory_space<vmem>>) target(%dma_start3A_372 : memref<10112x128xf32, #tpu.memory_space<vmem_shared>>) offsets(%arg9 : memref<128xi32, #tpu.memory_space<vmem>>) semaphore(%run_scoped3A : memref<!tpu.dma_semaphore, #tpu.memory_space<semaphore_mem>>) {add = true}
        %dma_wait3A_373 = arith.constant 0 : i32
        %dma_wait3A_374 = arith.constant 0 : i32
        %dma_wait3A_375 = tpu.memref_slice %arg12[%dma_wait3A_373, %dma_wait3A_374] : memref<10112x128xf32, #tpu.memory_space<vmem_shared>> -> memref<10112x128xf32, #tpu.memory_space<vmem_shared>>
        tpu.wait_indirect_dma semaphore(%run_scoped3A : memref<!tpu.dma_semaphore, #tpu.memory_space<semaphore_mem>>) src(%arg10 : memref<128x128xf32, #tpu.memory_space<vmem>>) dst(%dma_wait3A_375 : memref<10112x128xf32, #tpu.memory_space<vmem_shared>>)
        tpu.yield
      }) : () -> ()
      %lt3A = arith.constant 39 : i32
      %lt3A_293 = arith.cmpi slt, %add3A_142, %lt3A : i32
      %convert_element_type3A = arith.extui %lt3A_293 : i1 to i32
      %cond3A = arith.constant 0 : i32
      %cond3A_294 = arith.cmpi ne, %convert_element_type3A, %cond3A : i32
      scf.if %cond3A_294 {
        %add3A_370 = arith.constant 1 : i32
        %add3A_371 = arith.addi %add3A_142, %add3A_370 : i32
        %get3A_372 = arith.index_cast %add3A_371 : i32 to index
        %get3A_373 = arith.constant 0 : index
        %get3A_374 = tpu.vector_load %arg5[%get3A_372, %get3A_373] {strides = array<i32>} : memref<40x128xi32, #tpu.memory_space<vmem>>, vector<1x16xi32>,
        %get3A_375 = vector.shape_cast %get3A_374 : vector<1x16xi32> to vector<16xi32>
        %and3A_376 = arith.constant 65535 : i32
        %and3A_377 = vector.broadcast %and3A_376 : i32 to vector<16xi32>
        %and3A_378 = arith.andi %get3A_375, %and3A_377 : vector<16xi32>
        %swap3A_379 = arith.constant 0 : index
        %swap3A_380 = tpu.vector_load %arg7[%swap3A_379] {strides = array<i32>} : memref<128xi32, #tpu.memory_space<vmem>>, vector<16xi32>,
        %swap3A_381 = vector.shape_cast %swap3A_380 : vector<16xi32> to vector<16xi32>
        %swap3A_382 = vector.shape_cast %and3A_378 : vector<16xi32> to vector<16xi32>
        tpu.vector_store %arg7[%swap3A_379], %swap3A_382 {strides = array<i32>} : memref<128xi32, #tpu.memory_space<vmem>>, vector<16xi32>,
        %shift_right_arithmetic3A_383 = arith.constant 16 : i32
        %shift_right_arithmetic3A_384 = vector.broadcast %shift_right_arithmetic3A_383 : i32 to vector<16xi32>
        %shift_right_arithmetic3A_385 = arith.shrsi %get3A_375, %shift_right_arithmetic3A_384 : vector<16xi32>
        %swap3A_386 = arith.constant 64 : index
        %swap3A_387 = tpu.vector_load %arg7[%swap3A_386] {strides = array<i32>} : memref<128xi32, #tpu.memory_space<vmem>>, vector<16xi32>,
        %swap3A_388 = vector.shape_cast %swap3A_387 : vector<16xi32> to vector<16xi32>
        %swap3A_389 = vector.shape_cast %shift_right_arithmetic3A_385 : vector<16xi32> to vector<16xi32>
        tpu.vector_store %arg7[%swap3A_386], %swap3A_389 {strides = array<i32>} : memref<128xi32, #tpu.memory_space<vmem>>, vector<16xi32>,
        %get3A_390 = arith.index_cast %add3A_371 : i32 to index
        %get3A_391 = arith.constant 16 : index
        %get3A_392 = tpu.vector_load %arg5[%get3A_390, %get3A_391] {strides = array<i32>} : memref<40x128xi32, #tpu.memory_space<vmem>>, vector<1x16xi32>,
        %get3A_393 = vector.shape_cast %get3A_392 : vector<1x16xi32> to vector<16xi32>
        %and3A_394 = arith.constant 65535 : i32
        %and3A_395 = vector.broadcast %and3A_394 : i32 to vector<16xi32>
        %and3A_396 = arith.andi %get3A_393, %and3A_395 : vector<16xi32>
        %swap3A_397 = arith.constant 16 : index
        %swap3A_398 = tpu.vector_load %arg7[%swap3A_397] {strides = array<i32>} : memref<128xi32, #tpu.memory_space<vmem>>, vector<16xi32>,
        %swap3A_399 = vector.shape_cast %swap3A_398 : vector<16xi32> to vector<16xi32>
        %swap3A_400 = vector.shape_cast %and3A_396 : vector<16xi32> to vector<16xi32>
        tpu.vector_store %arg7[%swap3A_397], %swap3A_400 {strides = array<i32>} : memref<128xi32, #tpu.memory_space<vmem>>, vector<16xi32>,
        %shift_right_arithmetic3A_401 = arith.constant 16 : i32
        %shift_right_arithmetic3A_402 = vector.broadcast %shift_right_arithmetic3A_401 : i32 to vector<16xi32>
        %shift_right_arithmetic3A_403 = arith.shrsi %get3A_393, %shift_right_arithmetic3A_402 : vector<16xi32>
        %swap3A_404 = arith.constant 80 : index
        %swap3A_405 = tpu.vector_load %arg7[%swap3A_404] {strides = array<i32>} : memref<128xi32, #tpu.memory_space<vmem>>, vector<16xi32>,
        %swap3A_406 = vector.shape_cast %swap3A_405 : vector<16xi32> to vector<16xi32>
        %swap3A_407 = vector.shape_cast %shift_right_arithmetic3A_403 : vector<16xi32> to vector<16xi32>
        tpu.vector_store %arg7[%swap3A_404], %swap3A_407 {strides = array<i32>} : memref<128xi32, #tpu.memory_space<vmem>>, vector<16xi32>,
        %get3A_408 = arith.index_cast %add3A_371 : i32 to index
        %get3A_409 = arith.constant 32 : index
        %get3A_410 = tpu.vector_load %arg5[%get3A_408, %get3A_409] {strides = array<i32>} : memref<40x128xi32, #tpu.memory_space<vmem>>, vector<1x16xi32>,
        %get3A_411 = vector.shape_cast %get3A_410 : vector<1x16xi32> to vector<16xi32>
        %and3A_412 = arith.constant 65535 : i32
        %and3A_413 = vector.broadcast %and3A_412 : i32 to vector<16xi32>
        %and3A_414 = arith.andi %get3A_411, %and3A_413 : vector<16xi32>
        %swap3A_415 = arith.constant 32 : index
        %swap3A_416 = tpu.vector_load %arg7[%swap3A_415] {strides = array<i32>} : memref<128xi32, #tpu.memory_space<vmem>>, vector<16xi32>,
        %swap3A_417 = vector.shape_cast %swap3A_416 : vector<16xi32> to vector<16xi32>
        %swap3A_418 = vector.shape_cast %and3A_414 : vector<16xi32> to vector<16xi32>
        tpu.vector_store %arg7[%swap3A_415], %swap3A_418 {strides = array<i32>} : memref<128xi32, #tpu.memory_space<vmem>>, vector<16xi32>,
        %shift_right_arithmetic3A_419 = arith.constant 16 : i32
        %shift_right_arithmetic3A_420 = vector.broadcast %shift_right_arithmetic3A_419 : i32 to vector<16xi32>
        %shift_right_arithmetic3A_421 = arith.shrsi %get3A_411, %shift_right_arithmetic3A_420 : vector<16xi32>
        %swap3A_422 = arith.constant 96 : index
        %swap3A_423 = tpu.vector_load %arg7[%swap3A_422] {strides = array<i32>} : memref<128xi32, #tpu.memory_space<vmem>>, vector<16xi32>,
        %swap3A_424 = vector.shape_cast %swap3A_423 : vector<16xi32> to vector<16xi32>
        %swap3A_425 = vector.shape_cast %shift_right_arithmetic3A_421 : vector<16xi32> to vector<16xi32>
        tpu.vector_store %arg7[%swap3A_422], %swap3A_425 {strides = array<i32>} : memref<128xi32, #tpu.memory_space<vmem>>, vector<16xi32>,
        %get3A_426 = arith.index_cast %add3A_371 : i32 to index
        %get3A_427 = arith.constant 48 : index
        %get3A_428 = tpu.vector_load %arg5[%get3A_426, %get3A_427] {strides = array<i32>} : memref<40x128xi32, #tpu.memory_space<vmem>>, vector<1x16xi32>,
        %get3A_429 = vector.shape_cast %get3A_428 : vector<1x16xi32> to vector<16xi32>
        %and3A_430 = arith.constant 65535 : i32
        %and3A_431 = vector.broadcast %and3A_430 : i32 to vector<16xi32>
        %and3A_432 = arith.andi %get3A_429, %and3A_431 : vector<16xi32>
        %swap3A_433 = arith.constant 48 : index
        %swap3A_434 = tpu.vector_load %arg7[%swap3A_433] {strides = array<i32>} : memref<128xi32, #tpu.memory_space<vmem>>, vector<16xi32>,
        %swap3A_435 = vector.shape_cast %swap3A_434 : vector<16xi32> to vector<16xi32>
        %swap3A_436 = vector.shape_cast %and3A_432 : vector<16xi32> to vector<16xi32>
        tpu.vector_store %arg7[%swap3A_433], %swap3A_436 {strides = array<i32>} : memref<128xi32, #tpu.memory_space<vmem>>, vector<16xi32>,
        %shift_right_arithmetic3A_437 = arith.constant 16 : i32
        %shift_right_arithmetic3A_438 = vector.broadcast %shift_right_arithmetic3A_437 : i32 to vector<16xi32>
        %shift_right_arithmetic3A_439 = arith.shrsi %get3A_429, %shift_right_arithmetic3A_438 : vector<16xi32>
        %swap3A_440 = arith.constant 112 : index
        %swap3A_441 = tpu.vector_load %arg7[%swap3A_440] {strides = array<i32>} : memref<128xi32, #tpu.memory_space<vmem>>, vector<16xi32>,
        %swap3A_442 = vector.shape_cast %swap3A_441 : vector<16xi32> to vector<16xi32>
        %swap3A_443 = vector.shape_cast %shift_right_arithmetic3A_439 : vector<16xi32> to vector<16xi32>
        tpu.vector_store %arg7[%swap3A_440], %swap3A_443 {strides = array<i32>} : memref<128xi32, #tpu.memory_space<vmem>>, vector<16xi32>,
        %dma_start3A_444 = arith.constant 0 : i32
        %dma_start3A_445 = arith.constant 0 : i32
        %dma_start3A_446 = tpu.memref_slice %arg2[%dma_start3A_444, %dma_start3A_445] : memref<10112x128xf32, #tpu.memory_space<hbm>> -> memref<10112x128xf32, #tpu.memory_space<hbm>>
        tpu.enqueue_indirect_dma source(%dma_start3A_446 : memref<10112x128xf32, #tpu.memory_space<hbm>>) target(%arg10 : memref<128x128xf32, #tpu.memory_space<vmem>>) offsets(%arg7 : memref<128xi32, #tpu.memory_space<vmem>>) semaphore(%arg13 : memref<!tpu.dma_semaphore, #tpu.memory_space<semaphore_mem>>)
      } else {
      }
      %dma_wait3A_295 = arith.constant 0 : i32
      %dma_wait3A_296 = arith.constant 0 : i32
      %dma_wait3A_297 = tpu.memref_slice %arg2[%dma_wait3A_295, %dma_wait3A_296] : memref<10112x128xf32, #tpu.memory_space<hbm>> -> memref<10112x128xf32, #tpu.memory_space<hbm>>
      tpu.wait_indirect_dma semaphore(%arg14 : memref<!tpu.dma_semaphore, #tpu.memory_space<semaphore_mem>>) src(%dma_wait3A_297 : memref<10112x128xf32, #tpu.memory_space<hbm>>) dst(%arg11 : memref<128x128xf32, #tpu.memory_space<vmem>>)
      %get3A_298 = arith.index_cast %add3A_142 : i32 to index
      %get3A_299 = arith.constant 64 : index
      %get3A_300 = tpu.vector_load %arg6[%get3A_298, %get3A_299] {strides = array<i32>} : memref<40x128xi32, #tpu.memory_space<vmem>>, vector<1x16xi32>,
      %get3A_301 = vector.shape_cast %get3A_300 : vector<1x16xi32> to vector<16xi32>
      %and3A_302 = arith.constant 65535 : i32
      %and3A_303 = vector.broadcast %and3A_302 : i32 to vector<16xi32>
      %and3A_304 = arith.andi %get3A_301, %and3A_303 : vector<16xi32>
      %swap3A_305 = arith.constant 0 : index
      %swap3A_306 = tpu.vector_load %arg9[%swap3A_305] {strides = array<i32>} : memref<128xi32, #tpu.memory_space<vmem>>, vector<16xi32>,
      %swap3A_307 = vector.shape_cast %swap3A_306 : vector<16xi32> to vector<16xi32>
      %swap3A_308 = vector.shape_cast %and3A_304 : vector<16xi32> to vector<16xi32>
      tpu.vector_store %arg9[%swap3A_305], %swap3A_308 {strides = array<i32>} : memref<128xi32, #tpu.memory_space<vmem>>, vector<16xi32>,
      %shift_right_arithmetic3A_309 = arith.constant 16 : i32
      %shift_right_arithmetic3A_310 = vector.broadcast %shift_right_arithmetic3A_309 : i32 to vector<16xi32>
      %shift_right_arithmetic3A_311 = arith.shrsi %get3A_301, %shift_right_arithmetic3A_310 : vector<16xi32>
      %swap3A_312 = arith.constant 64 : index
      %swap3A_313 = tpu.vector_load %arg9[%swap3A_312] {strides = array<i32>} : memref<128xi32, #tpu.memory_space<vmem>>, vector<16xi32>,
      %swap3A_314 = vector.shape_cast %swap3A_313 : vector<16xi32> to vector<16xi32>
      %swap3A_315 = vector.shape_cast %shift_right_arithmetic3A_311 : vector<16xi32> to vector<16xi32>
      tpu.vector_store %arg9[%swap3A_312], %swap3A_315 {strides = array<i32>} : memref<128xi32, #tpu.memory_space<vmem>>, vector<16xi32>,
      %get3A_316 = arith.index_cast %add3A_142 : i32 to index
      %get3A_317 = arith.constant 80 : index
      %get3A_318 = tpu.vector_load %arg6[%get3A_316, %get3A_317] {strides = array<i32>} : memref<40x128xi32, #tpu.memory_space<vmem>>, vector<1x16xi32>,
      %get3A_319 = vector.shape_cast %get3A_318 : vector<1x16xi32> to vector<16xi32>
      %and3A_320 = arith.constant 65535 : i32
      %and3A_321 = vector.broadcast %and3A_320 : i32 to vector<16xi32>
      %and3A_322 = arith.andi %get3A_319, %and3A_321 : vector<16xi32>
      %swap3A_323 = arith.constant 16 : index
      %swap3A_324 = tpu.vector_load %arg9[%swap3A_323] {strides = array<i32>} : memref<128xi32, #tpu.memory_space<vmem>>, vector<16xi32>,
      %swap3A_325 = vector.shape_cast %swap3A_324 : vector<16xi32> to vector<16xi32>
      %swap3A_326 = vector.shape_cast %and3A_322 : vector<16xi32> to vector<16xi32>
      tpu.vector_store %arg9[%swap3A_323], %swap3A_326 {strides = array<i32>} : memref<128xi32, #tpu.memory_space<vmem>>, vector<16xi32>,
      %shift_right_arithmetic3A_327 = arith.constant 16 : i32
      %shift_right_arithmetic3A_328 = vector.broadcast %shift_right_arithmetic3A_327 : i32 to vector<16xi32>
      %shift_right_arithmetic3A_329 = arith.shrsi %get3A_319, %shift_right_arithmetic3A_328 : vector<16xi32>
      %swap3A_330 = arith.constant 80 : index
      %swap3A_331 = tpu.vector_load %arg9[%swap3A_330] {strides = array<i32>} : memref<128xi32, #tpu.memory_space<vmem>>, vector<16xi32>,
      %swap3A_332 = vector.shape_cast %swap3A_331 : vector<16xi32> to vector<16xi32>
      %swap3A_333 = vector.shape_cast %shift_right_arithmetic3A_329 : vector<16xi32> to vector<16xi32>
      tpu.vector_store %arg9[%swap3A_330], %swap3A_333 {strides = array<i32>} : memref<128xi32, #tpu.memory_space<vmem>>, vector<16xi32>,
      %get3A_334 = arith.index_cast %add3A_142 : i32 to index
      %get3A_335 = arith.constant 96 : index
      %get3A_336 = tpu.vector_load %arg6[%get3A_334, %get3A_335] {strides = array<i32>} : memref<40x128xi32, #tpu.memory_space<vmem>>, vector<1x16xi32>,
      %get3A_337 = vector.shape_cast %get3A_336 : vector<1x16xi32> to vector<16xi32>
      %and3A_338 = arith.constant 65535 : i32
      %and3A_339 = vector.broadcast %and3A_338 : i32 to vector<16xi32>
      %and3A_340 = arith.andi %get3A_337, %and3A_339 : vector<16xi32>
      %swap3A_341 = arith.constant 32 : index
      %swap3A_342 = tpu.vector_load %arg9[%swap3A_341] {strides = array<i32>} : memref<128xi32, #tpu.memory_space<vmem>>, vector<16xi32>,
      %swap3A_343 = vector.shape_cast %swap3A_342 : vector<16xi32> to vector<16xi32>
      %swap3A_344 = vector.shape_cast %and3A_340 : vector<16xi32> to vector<16xi32>
      tpu.vector_store %arg9[%swap3A_341], %swap3A_344 {strides = array<i32>} : memref<128xi32, #tpu.memory_space<vmem>>, vector<16xi32>,
      %shift_right_arithmetic3A_345 = arith.constant 16 : i32
      %shift_right_arithmetic3A_346 = vector.broadcast %shift_right_arithmetic3A_345 : i32 to vector<16xi32>
      %shift_right_arithmetic3A_347 = arith.shrsi %get3A_337, %shift_right_arithmetic3A_346 : vector<16xi32>
      %swap3A_348 = arith.constant 96 : index
      %swap3A_349 = tpu.vector_load %arg9[%swap3A_348] {strides = array<i32>} : memref<128xi32, #tpu.memory_space<vmem>>, vector<16xi32>,
      %swap3A_350 = vector.shape_cast %swap3A_349 : vector<16xi32> to vector<16xi32>
      %swap3A_351 = vector.shape_cast %shift_right_arithmetic3A_347 : vector<16xi32> to vector<16xi32>
      tpu.vector_store %arg9[%swap3A_348], %swap3A_351 {strides = array<i32>} : memref<128xi32, #tpu.memory_space<vmem>>, vector<16xi32>,
      %get3A_352 = arith.index_cast %add3A_142 : i32 to index
      %get3A_353 = arith.constant 112 : index
      %get3A_354 = tpu.vector_load %arg6[%get3A_352, %get3A_353] {strides = array<i32>} : memref<40x128xi32, #tpu.memory_space<vmem>>, vector<1x16xi32>,
      %get3A_355 = vector.shape_cast %get3A_354 : vector<1x16xi32> to vector<16xi32>
      %and3A_356 = arith.constant 65535 : i32
      %and3A_357 = vector.broadcast %and3A_356 : i32 to vector<16xi32>
      %and3A_358 = arith.andi %get3A_355, %and3A_357 : vector<16xi32>
      %swap3A_359 = arith.constant 48 : index
      %swap3A_360 = tpu.vector_load %arg9[%swap3A_359] {strides = array<i32>} : memref<128xi32, #tpu.memory_space<vmem>>, vector<16xi32>,
      %swap3A_361 = vector.shape_cast %swap3A_360 : vector<16xi32> to vector<16xi32>
      %swap3A_362 = vector.shape_cast %and3A_358 : vector<16xi32> to vector<16xi32>
      tpu.vector_store %arg9[%swap3A_359], %swap3A_362 {strides = array<i32>} : memref<128xi32, #tpu.memory_space<vmem>>, vector<16xi32>,
      %shift_right_arithmetic3A_363 = arith.constant 16 : i32
      %shift_right_arithmetic3A_364 = vector.broadcast %shift_right_arithmetic3A_363 : i32 to vector<16xi32>
      %shift_right_arithmetic3A_365 = arith.shrsi %get3A_355, %shift_right_arithmetic3A_364 : vector<16xi32>
      %swap3A_366 = arith.constant 112 : index
      %swap3A_367 = tpu.vector_load %arg9[%swap3A_366] {strides = array<i32>} : memref<128xi32, #tpu.memory_space<vmem>>, vector<16xi32>,
      %swap3A_368 = vector.shape_cast %swap3A_367 : vector<16xi32> to vector<16xi32>
      %swap3A_369 = vector.shape_cast %shift_right_arithmetic3A_365 : vector<16xi32> to vector<16xi32>
      tpu.vector_store %arg9[%swap3A_366], %swap3A_369 {strides = array<i32>} : memref<128xi32, #tpu.memory_space<vmem>>, vector<16xi32>,
      "tpu.region"() ({
        %run_scoped3A = tpu.sem_alloc : memref<!tpu.dma_semaphore, #tpu.memory_space<semaphore_mem>>
        %dma_start3A_370 = arith.constant 0 : i32
        %dma_start3A_371 = arith.constant 0 : i32
        %dma_start3A_372 = tpu.memref_slice %arg12[%dma_start3A_370, %dma_start3A_371] : memref<10112x128xf32, #tpu.memory_space<vmem_shared>> -> memref<10112x128xf32, #tpu.memory_space<vmem_shared>>
        tpu.enqueue_indirect_dma source(%arg11 : memref<128x128xf32, #tpu.memory_space<vmem>>) target(%dma_start3A_372 : memref<10112x128xf32, #tpu.memory_space<vmem_shared>>) offsets(%arg9 : memref<128xi32, #tpu.memory_space<vmem>>) semaphore(%run_scoped3A : memref<!tpu.dma_semaphore, #tpu.memory_space<semaphore_mem>>) {add = true}
        %dma_wait3A_373 = arith.constant 0 : i32
        %dma_wait3A_374 = arith.constant 0 : i32
        %dma_wait3A_375 = tpu.memref_slice %arg12[%dma_wait3A_373, %dma_wait3A_374] : memref<10112x128xf32, #tpu.memory_space<vmem_shared>> -> memref<10112x128xf32, #tpu.memory_space<vmem_shared>>
        tpu.wait_indirect_dma semaphore(%run_scoped3A : memref<!tpu.dma_semaphore, #tpu.memory_space<semaphore_mem>>) src(%arg11 : memref<128x128xf32, #tpu.memory_space<vmem>>) dst(%dma_wait3A_375 : memref<10112x128xf32, #tpu.memory_space<vmem_shared>>)
        tpu.yield
      }) : () -> ()
    }
    %scan3A_132 = arith.constant 40 : i32
    %barrier3A_133 = arith.constant 0 : index
    tpu.barrier barrier_id(%barrier3A_133)
    %mul3A_134 = arith.constant 632 : i32
    %mul3A_135 = arith.muli %arg1, %mul3A_134 : i32
    %mul3A_136 = arith.constant 632 : i32
    %mul3A_137 = arith.muli %arg1, %mul3A_136 : i32
    "tpu.region"() ({
      %run_scoped3A = tpu.sem_alloc : memref<!tpu.dma_semaphore, #tpu.memory_space<semaphore_mem>>
      %dma_start3A_138 = arith.constant 0 : i32
      %dma_start3A_139 = tpu.memref_slice %arg4[%arg0, %mul3A_137, %dma_start3A_138] : memref<2x10112x128xf32, #tpu.memory_space<hbm>> -> memref<1x632x128xf32, #tpu.memory_space<hbm>>
      %dma_start3A_140 = tpu.memref_squeeze %dma_start3A_139 : memref<1x632x128xf32, #tpu.memory_space<hbm>> -> memref<632x128xf32, #tpu.memory_space<hbm>>
      %dma_start3A_141 = arith.constant 0 : i32
      %dma_start3A_142 = tpu.memref_slice %arg12[%mul3A_135, %dma_start3A_141] : memref<10112x128xf32, #tpu.memory_space<vmem_shared>> -> memref<632x128xf32, #tpu.memory_space<vmem_shared>>
      tpu.enqueue_dma source(%dma_start3A_142 : memref<632x128xf32, #tpu.memory_space<vmem_shared>>) target(%dma_start3A_140 : memref<632x128xf32, #tpu.memory_space<hbm>>) target_semaphore(%run_scoped3A : memref<!tpu.dma_semaphore, #tpu.memory_space<semaphore_mem>>)
      %dma_wait3A_143 = arith.constant 0 : i32
      %dma_wait3A_144 = tpu.memref_slice %arg4[%arg0, %mul3A_137, %dma_wait3A_143] : memref<2x10112x128xf32, #tpu.memory_space<hbm>> -> memref<1x632x128xf32, #tpu.memory_space<hbm>>
      %dma_wait3A_145 = tpu.memref_squeeze %dma_wait3A_144 : memref<1x632x128xf32, #tpu.memory_space<hbm>> -> memref<632x128xf32, #tpu.memory_space<hbm>>
      %dma_wait3A_146 = arith.constant 0 : i32
      %dma_wait3A_147 = tpu.memref_slice %arg12[%mul3A_135, %dma_wait3A_146] : memref<10112x128xf32, #tpu.memory_space<vmem_shared>> -> memref<632x128xf32, #tpu.memory_space<vmem_shared>>
      tpu.wait_dma2 semaphore(%run_scoped3A : memref<!tpu.dma_semaphore, #tpu.memory_space<semaphore_mem>>) src(%dma_wait3A_147 : memref<632x128xf32, #tpu.memory_space<vmem_shared>>) dst(%dma_wait3A_145 : memref<632x128xf32, #tpu.memory_space<hbm>>)
      tpu.yield
    }) : () -> ()
    return
  }
}

#map = affine_map<(d0, d1) -> (0)>
#map1 = affine_map<(d0, d1) -> (0, 0)>
#map2 = affine_map<(d0, d1) -> (0, 0, 0)>
module attributes {stable_mosaic.version = 14 : i64} {
  func.func @hist_kernel(%arg0: i32, %arg1: i32, %arg2: memref<655360xi32, #tpu.memory_space<hbm>>, %arg3: memref<2x10112xf32, #tpu.memory_space<hbm>>, %arg4: memref<2x10112xf32, #tpu.memory_space<hbm>>, %arg5: memref<2x1280x128xi32, #tpu.memory_space<hbm>>, %arg6: memref<20480xi32, #tpu.memory_space<vmem>>, %arg7: memref<160x128xi32, #tpu.memory_space<vmem>>, %arg8: memref<80x128xi32, #tpu.memory_space<vmem>>, %arg9: memref<128xf32, #tpu.memory_space<vmem>>, %arg10: memref<10112xf32, #tpu.memory_space<vmem_shared>>, %arg11: memref<!tpu.dma_semaphore, #tpu.memory_space<semaphore_mem>>) attributes {dimension_semantics = [#tpu.dimension_semantics<core_parallel>, #tpu.dimension_semantics<subcore_parallel>], iteration_bounds = array<i64: 2, 16>, scalar_prefetch = 0 : i64, scratch_operands = 6 : i64, tpu.core_type = #tpu.core_type<sc_vector_subcore>, window_params = [{transform_indices = #map}, {transform_indices = #map1}, {transform_indices = #map1}, {transform_indices = #map2}]} {
    %broadcast_in_dim3A = arith.constant 1.000000e+00 : f32
    %broadcast_in_dim3A_0 = vector.broadcast %broadcast_in_dim3A : f32 to vector<16xf32>
    %swap3A = arith.constant 0 : index
    %swap3A_1 = tpu.vector_load %arg9[%swap3A] {strides = array<i32>} : memref<128xf32, #tpu.memory_space<vmem>>, vector<16xf32>,
    %swap3A_2 = vector.shape_cast %swap3A_1 : vector<16xf32> to vector<16xf32>
    %swap3A_3 = vector.shape_cast %broadcast_in_dim3A_0 : vector<16xf32> to vector<16xf32>
    tpu.vector_store %arg9[%swap3A], %swap3A_3 {strides = array<i32>} : memref<128xf32, #tpu.memory_space<vmem>>, vector<16xf32>,
    %broadcast_in_dim3A_4 = arith.constant 1.000000e+00 : f32
    %broadcast_in_dim3A_5 = vector.broadcast %broadcast_in_dim3A_4 : f32 to vector<16xf32>
    %swap3A_6 = arith.constant 16 : index
    %swap3A_7 = tpu.vector_load %arg9[%swap3A_6] {strides = array<i32>} : memref<128xf32, #tpu.memory_space<vmem>>, vector<16xf32>,
    %swap3A_8 = vector.shape_cast %swap3A_7 : vector<16xf32> to vector<16xf32>
    %swap3A_9 = vector.shape_cast %broadcast_in_dim3A_5 : vector<16xf32> to vector<16xf32>
    tpu.vector_store %arg9[%swap3A_6], %swap3A_9 {strides = array<i32>} : memref<128xf32, #tpu.memory_space<vmem>>, vector<16xf32>,
    %broadcast_in_dim3A_10 = arith.constant 1.000000e+00 : f32
    %broadcast_in_dim3A_11 = vector.broadcast %broadcast_in_dim3A_10 : f32 to vector<16xf32>
    %swap3A_12 = arith.constant 32 : index
    %swap3A_13 = tpu.vector_load %arg9[%swap3A_12] {strides = array<i32>} : memref<128xf32, #tpu.memory_space<vmem>>, vector<16xf32>,
    %swap3A_14 = vector.shape_cast %swap3A_13 : vector<16xf32> to vector<16xf32>
    %swap3A_15 = vector.shape_cast %broadcast_in_dim3A_11 : vector<16xf32> to vector<16xf32>
    tpu.vector_store %arg9[%swap3A_12], %swap3A_15 {strides = array<i32>} : memref<128xf32, #tpu.memory_space<vmem>>, vector<16xf32>,
    %broadcast_in_dim3A_16 = arith.constant 1.000000e+00 : f32
    %broadcast_in_dim3A_17 = vector.broadcast %broadcast_in_dim3A_16 : f32 to vector<16xf32>
    %swap3A_18 = arith.constant 48 : index
    %swap3A_19 = tpu.vector_load %arg9[%swap3A_18] {strides = array<i32>} : memref<128xf32, #tpu.memory_space<vmem>>, vector<16xf32>,
    %swap3A_20 = vector.shape_cast %swap3A_19 : vector<16xf32> to vector<16xf32>
    %swap3A_21 = vector.shape_cast %broadcast_in_dim3A_17 : vector<16xf32> to vector<16xf32>
    tpu.vector_store %arg9[%swap3A_18], %swap3A_21 {strides = array<i32>} : memref<128xf32, #tpu.memory_space<vmem>>, vector<16xf32>,
    %broadcast_in_dim3A_22 = arith.constant 1.000000e+00 : f32
    %broadcast_in_dim3A_23 = vector.broadcast %broadcast_in_dim3A_22 : f32 to vector<16xf32>
    %swap3A_24 = arith.constant 64 : index
    %swap3A_25 = tpu.vector_load %arg9[%swap3A_24] {strides = array<i32>} : memref<128xf32, #tpu.memory_space<vmem>>, vector<16xf32>,
    %swap3A_26 = vector.shape_cast %swap3A_25 : vector<16xf32> to vector<16xf32>
    %swap3A_27 = vector.shape_cast %broadcast_in_dim3A_23 : vector<16xf32> to vector<16xf32>
    tpu.vector_store %arg9[%swap3A_24], %swap3A_27 {strides = array<i32>} : memref<128xf32, #tpu.memory_space<vmem>>, vector<16xf32>,
    %broadcast_in_dim3A_28 = arith.constant 1.000000e+00 : f32
    %broadcast_in_dim3A_29 = vector.broadcast %broadcast_in_dim3A_28 : f32 to vector<16xf32>
    %swap3A_30 = arith.constant 80 : index
    %swap3A_31 = tpu.vector_load %arg9[%swap3A_30] {strides = array<i32>} : memref<128xf32, #tpu.memory_space<vmem>>, vector<16xf32>,
    %swap3A_32 = vector.shape_cast %swap3A_31 : vector<16xf32> to vector<16xf32>
    %swap3A_33 = vector.shape_cast %broadcast_in_dim3A_29 : vector<16xf32> to vector<16xf32>
    tpu.vector_store %arg9[%swap3A_30], %swap3A_33 {strides = array<i32>} : memref<128xf32, #tpu.memory_space<vmem>>, vector<16xf32>,
    %broadcast_in_dim3A_34 = arith.constant 1.000000e+00 : f32
    %broadcast_in_dim3A_35 = vector.broadcast %broadcast_in_dim3A_34 : f32 to vector<16xf32>
    %swap3A_36 = arith.constant 96 : index
    %swap3A_37 = tpu.vector_load %arg9[%swap3A_36] {strides = array<i32>} : memref<128xf32, #tpu.memory_space<vmem>>, vector<16xf32>,
    %swap3A_38 = vector.shape_cast %swap3A_37 : vector<16xf32> to vector<16xf32>
    %swap3A_39 = vector.shape_cast %broadcast_in_dim3A_35 : vector<16xf32> to vector<16xf32>
    tpu.vector_store %arg9[%swap3A_36], %swap3A_39 {strides = array<i32>} : memref<128xf32, #tpu.memory_space<vmem>>, vector<16xf32>,
    %broadcast_in_dim3A_40 = arith.constant 1.000000e+00 : f32
    %broadcast_in_dim3A_41 = vector.broadcast %broadcast_in_dim3A_40 : f32 to vector<16xf32>
    %swap3A_42 = arith.constant 112 : index
    %swap3A_43 = tpu.vector_load %arg9[%swap3A_42] {strides = array<i32>} : memref<128xf32, #tpu.memory_space<vmem>>, vector<16xf32>,
    %swap3A_44 = vector.shape_cast %swap3A_43 : vector<16xf32> to vector<16xf32>
    %swap3A_45 = vector.shape_cast %broadcast_in_dim3A_41 : vector<16xf32> to vector<16xf32>
    tpu.vector_store %arg9[%swap3A_42], %swap3A_45 {strides = array<i32>} : memref<128xf32, #tpu.memory_space<vmem>>, vector<16xf32>,
    %eq3A = arith.constant 0 : i32
    %eq3A_46 = arith.cmpi eq, %arg1, %eq3A : i32
    %convert_element_type3A = arith.extui %eq3A_46 : i1 to i32
    %cond3A = arith.constant 0 : i32
    %cond3A_47 = arith.cmpi ne, %convert_element_type3A, %cond3A : i32
    scf.if %cond3A_47 {
      "tpu.region"() ({
        %run_scoped3A = tpu.sem_alloc : memref<!tpu.dma_semaphore, #tpu.memory_space<semaphore_mem>>
        %dma_start3A = arith.constant 0 : i32
        %dma_start3A_70 = tpu.memref_slice %arg3[%arg0, %dma_start3A] : memref<2x10112xf32, #tpu.memory_space<hbm>> -> memref<1x10112xf32, #tpu.memory_space<hbm>>
        %dma_start3A_71 = tpu.memref_squeeze %dma_start3A_70 : memref<1x10112xf32, #tpu.memory_space<hbm>> -> memref<10112xf32, #tpu.memory_space<hbm>>
        tpu.enqueue_dma source(%dma_start3A_71 : memref<10112xf32, #tpu.memory_space<hbm>>) target(%arg10 : memref<10112xf32, #tpu.memory_space<vmem_shared>>) target_semaphore(%run_scoped3A : memref<!tpu.dma_semaphore, #tpu.memory_space<semaphore_mem>>)
        %dma_wait3A = arith.constant 0 : i32
        %dma_wait3A_72 = tpu.memref_slice %arg3[%arg0, %dma_wait3A] : memref<2x10112xf32, #tpu.memory_space<hbm>> -> memref<1x10112xf32, #tpu.memory_space<hbm>>
        %dma_wait3A_73 = tpu.memref_squeeze %dma_wait3A_72 : memref<1x10112xf32, #tpu.memory_space<hbm>> -> memref<10112xf32, #tpu.memory_space<hbm>>
        tpu.wait_dma2 semaphore(%run_scoped3A : memref<!tpu.dma_semaphore, #tpu.memory_space<semaphore_mem>>) src(%dma_wait3A_73 : memref<10112xf32, #tpu.memory_space<hbm>>) dst(%arg10 : memref<10112xf32, #tpu.memory_space<vmem_shared>>)
        tpu.yield
      }) : () -> ()
    } else {
    }
    %mul3A = arith.constant 327680 : i32
    %mul3A_48 = arith.muli %arg0, %mul3A : i32
    %mul3A_49 = arith.constant 160 : i32
    %mul3A_50 = arith.muli %arg1, %mul3A_49 : i32
    %mul3A_51 = arith.constant 128 : i32
    %mul3A_52 = arith.muli %mul3A_50, %mul3A_51 : i32
    %add3A = arith.addi %mul3A_48, %mul3A_52 : i32
    "tpu.region"() ({
      %run_scoped3A = tpu.sem_alloc : memref<!tpu.dma_semaphore, #tpu.memory_space<semaphore_mem>>
      %dma_start3A = tpu.memref_slice %arg2[%add3A] : memref<655360xi32, #tpu.memory_space<hbm>> -> memref<20480xi32, #tpu.memory_space<hbm>>
      %dma_start3A_70 = tpu.memref_slice %arg2[%add3A] : memref<655360xi32, #tpu.memory_space<hbm>> -> memref<20480xi32, #tpu.memory_space<hbm>>
      tpu.enqueue_dma source(%dma_start3A_70 : memref<20480xi32, #tpu.memory_space<hbm>>) target(%arg6 : memref<20480xi32, #tpu.memory_space<vmem>>) target_semaphore(%run_scoped3A : memref<!tpu.dma_semaphore, #tpu.memory_space<semaphore_mem>>)
      %dma_wait3A = tpu.memref_slice %arg2[%add3A] : memref<655360xi32, #tpu.memory_space<hbm>> -> memref<20480xi32, #tpu.memory_space<hbm>>
      %dma_wait3A_71 = tpu.memref_slice %arg2[%add3A] : memref<655360xi32, #tpu.memory_space<hbm>> -> memref<20480xi32, #tpu.memory_space<hbm>>
      tpu.wait_dma2 semaphore(%run_scoped3A : memref<!tpu.dma_semaphore, #tpu.memory_space<semaphore_mem>>) src(%dma_wait3A_71 : memref<20480xi32, #tpu.memory_space<hbm>>) dst(%arg6 : memref<20480xi32, #tpu.memory_space<vmem>>)
      tpu.yield
    }) : () -> ()
    %barrier3A = arith.constant 0 : index
    tpu.barrier barrier_id(%barrier3A)
    %scan3A = arith.constant 0 : i32
    %scan3A_53 = arith.constant 160 : i32
    %scan3A_54 = arith.addi %scan3A, %scan3A_53 : i32
    %scan3A_55 = arith.constant 1 : i32
    scf.for %scan3A_70 = %scan3A to %scan3A_54 step %scan3A_55  : i32 {
      %mul3A_71 = arith.constant 1 : i32
      %mul3A_72 = arith.muli %scan3A_70, %mul3A_71 : i32
      %add3A_73 = arith.constant 0 : i32
      %add3A_74 = arith.addi %add3A_73, %mul3A_72 : i32
      %mul3A_75 = arith.constant 128 : i32
      %mul3A_76 = arith.muli %add3A_74, %mul3A_75 : i32
      %add3A_77 = arith.constant 0 : i32
      %add3A_78 = arith.addi %mul3A_76, %add3A_77 : i32
      %get3A = arith.index_cast %add3A_78 : i32 to index
      %get3A_79 = tpu.vector_load %arg6[%get3A] {strides = array<i32>} : memref<20480xi32, #tpu.memory_space<vmem>>, vector<16xi32>,
      %get3A_80 = vector.shape_cast %get3A_79 : vector<16xi32> to vector<16xi32>
      %swap3A_81 = arith.index_cast %add3A_74 : i32 to index
      %swap3A_82 = arith.constant 0 : index
      %swap3A_83 = tpu.vector_load %arg7[%swap3A_81, %swap3A_82] {strides = array<i32>} : memref<160x128xi32, #tpu.memory_space<vmem>>, vector<1x16xi32>,
      %swap3A_84 = vector.shape_cast %swap3A_83 : vector<1x16xi32> to vector<16xi32>
      %swap3A_85 = vector.shape_cast %get3A_80 : vector<16xi32> to vector<1x16xi32>
      tpu.vector_store %arg7[%swap3A_81, %swap3A_82], %swap3A_85 {strides = array<i32>} : memref<160x128xi32, #tpu.memory_space<vmem>>, vector<1x16xi32>,
      %mul3A_86 = arith.constant 128 : i32
      %mul3A_87 = arith.muli %add3A_74, %mul3A_86 : i32
      %add3A_88 = arith.constant 16 : i32
      %add3A_89 = arith.addi %mul3A_87, %add3A_88 : i32
      %get3A_90 = arith.index_cast %add3A_89 : i32 to index
      %get3A_91 = tpu.vector_load %arg6[%get3A_90] {strides = array<i32>} : memref<20480xi32, #tpu.memory_space<vmem>>, vector<16xi32>,
      %get3A_92 = vector.shape_cast %get3A_91 : vector<16xi32> to vector<16xi32>
      %swap3A_93 = arith.index_cast %add3A_74 : i32 to index
      %swap3A_94 = arith.constant 16 : index
      %swap3A_95 = tpu.vector_load %arg7[%swap3A_93, %swap3A_94] {strides = array<i32>} : memref<160x128xi32, #tpu.memory_space<vmem>>, vector<1x16xi32>,
      %swap3A_96 = vector.shape_cast %swap3A_95 : vector<1x16xi32> to vector<16xi32>
      %swap3A_97 = vector.shape_cast %get3A_92 : vector<16xi32> to vector<1x16xi32>
      tpu.vector_store %arg7[%swap3A_93, %swap3A_94], %swap3A_97 {strides = array<i32>} : memref<160x128xi32, #tpu.memory_space<vmem>>, vector<1x16xi32>,
      %mul3A_98 = arith.constant 128 : i32
      %mul3A_99 = arith.muli %add3A_74, %mul3A_98 : i32
      %add3A_100 = arith.constant 32 : i32
      %add3A_101 = arith.addi %mul3A_99, %add3A_100 : i32
      %get3A_102 = arith.index_cast %add3A_101 : i32 to index
      %get3A_103 = tpu.vector_load %arg6[%get3A_102] {strides = array<i32>} : memref<20480xi32, #tpu.memory_space<vmem>>, vector<16xi32>,
      %get3A_104 = vector.shape_cast %get3A_103 : vector<16xi32> to vector<16xi32>
      %swap3A_105 = arith.index_cast %add3A_74 : i32 to index
      %swap3A_106 = arith.constant 32 : index
      %swap3A_107 = tpu.vector_load %arg7[%swap3A_105, %swap3A_106] {strides = array<i32>} : memref<160x128xi32, #tpu.memory_space<vmem>>, vector<1x16xi32>,
      %swap3A_108 = vector.shape_cast %swap3A_107 : vector<1x16xi32> to vector<16xi32>
      %swap3A_109 = vector.shape_cast %get3A_104 : vector<16xi32> to vector<1x16xi32>
      tpu.vector_store %arg7[%swap3A_105, %swap3A_106], %swap3A_109 {strides = array<i32>} : memref<160x128xi32, #tpu.memory_space<vmem>>, vector<1x16xi32>,
      %mul3A_110 = arith.constant 128 : i32
      %mul3A_111 = arith.muli %add3A_74, %mul3A_110 : i32
      %add3A_112 = arith.constant 48 : i32
      %add3A_113 = arith.addi %mul3A_111, %add3A_112 : i32
      %get3A_114 = arith.index_cast %add3A_113 : i32 to index
      %get3A_115 = tpu.vector_load %arg6[%get3A_114] {strides = array<i32>} : memref<20480xi32, #tpu.memory_space<vmem>>, vector<16xi32>,
      %get3A_116 = vector.shape_cast %get3A_115 : vector<16xi32> to vector<16xi32>
      %swap3A_117 = arith.index_cast %add3A_74 : i32 to index
      %swap3A_118 = arith.constant 48 : index
      %swap3A_119 = tpu.vector_load %arg7[%swap3A_117, %swap3A_118] {strides = array<i32>} : memref<160x128xi32, #tpu.memory_space<vmem>>, vector<1x16xi32>,
      %swap3A_120 = vector.shape_cast %swap3A_119 : vector<1x16xi32> to vector<16xi32>
      %swap3A_121 = vector.shape_cast %get3A_116 : vector<16xi32> to vector<1x16xi32>
      tpu.vector_store %arg7[%swap3A_117, %swap3A_118], %swap3A_121 {strides = array<i32>} : memref<160x128xi32, #tpu.memory_space<vmem>>, vector<1x16xi32>,
      %mul3A_122 = arith.constant 128 : i32
      %mul3A_123 = arith.muli %add3A_74, %mul3A_122 : i32
      %add3A_124 = arith.constant 64 : i32
      %add3A_125 = arith.addi %mul3A_123, %add3A_124 : i32
      %get3A_126 = arith.index_cast %add3A_125 : i32 to index
      %get3A_127 = tpu.vector_load %arg6[%get3A_126] {strides = array<i32>} : memref<20480xi32, #tpu.memory_space<vmem>>, vector<16xi32>,
      %get3A_128 = vector.shape_cast %get3A_127 : vector<16xi32> to vector<16xi32>
      %swap3A_129 = arith.index_cast %add3A_74 : i32 to index
      %swap3A_130 = arith.constant 64 : index
      %swap3A_131 = tpu.vector_load %arg7[%swap3A_129, %swap3A_130] {strides = array<i32>} : memref<160x128xi32, #tpu.memory_space<vmem>>, vector<1x16xi32>,
      %swap3A_132 = vector.shape_cast %swap3A_131 : vector<1x16xi32> to vector<16xi32>
      %swap3A_133 = vector.shape_cast %get3A_128 : vector<16xi32> to vector<1x16xi32>
      tpu.vector_store %arg7[%swap3A_129, %swap3A_130], %swap3A_133 {strides = array<i32>} : memref<160x128xi32, #tpu.memory_space<vmem>>, vector<1x16xi32>,
      %mul3A_134 = arith.constant 128 : i32
      %mul3A_135 = arith.muli %add3A_74, %mul3A_134 : i32
      %add3A_136 = arith.constant 80 : i32
      %add3A_137 = arith.addi %mul3A_135, %add3A_136 : i32
      %get3A_138 = arith.index_cast %add3A_137 : i32 to index
      %get3A_139 = tpu.vector_load %arg6[%get3A_138] {strides = array<i32>} : memref<20480xi32, #tpu.memory_space<vmem>>, vector<16xi32>,
      %get3A_140 = vector.shape_cast %get3A_139 : vector<16xi32> to vector<16xi32>
      %swap3A_141 = arith.index_cast %add3A_74 : i32 to index
      %swap3A_142 = arith.constant 80 : index
      %swap3A_143 = tpu.vector_load %arg7[%swap3A_141, %swap3A_142] {strides = array<i32>} : memref<160x128xi32, #tpu.memory_space<vmem>>, vector<1x16xi32>,
      %swap3A_144 = vector.shape_cast %swap3A_143 : vector<1x16xi32> to vector<16xi32>
      %swap3A_145 = vector.shape_cast %get3A_140 : vector<16xi32> to vector<1x16xi32>
      tpu.vector_store %arg7[%swap3A_141, %swap3A_142], %swap3A_145 {strides = array<i32>} : memref<160x128xi32, #tpu.memory_space<vmem>>, vector<1x16xi32>,
      %mul3A_146 = arith.constant 128 : i32
      %mul3A_147 = arith.muli %add3A_74, %mul3A_146 : i32
      %add3A_148 = arith.constant 96 : i32
      %add3A_149 = arith.addi %mul3A_147, %add3A_148 : i32
      %get3A_150 = arith.index_cast %add3A_149 : i32 to index
      %get3A_151 = tpu.vector_load %arg6[%get3A_150] {strides = array<i32>} : memref<20480xi32, #tpu.memory_space<vmem>>, vector<16xi32>,
      %get3A_152 = vector.shape_cast %get3A_151 : vector<16xi32> to vector<16xi32>
      %swap3A_153 = arith.index_cast %add3A_74 : i32 to index
      %swap3A_154 = arith.constant 96 : index
      %swap3A_155 = tpu.vector_load %arg7[%swap3A_153, %swap3A_154] {strides = array<i32>} : memref<160x128xi32, #tpu.memory_space<vmem>>, vector<1x16xi32>,
      %swap3A_156 = vector.shape_cast %swap3A_155 : vector<1x16xi32> to vector<16xi32>
      %swap3A_157 = vector.shape_cast %get3A_152 : vector<16xi32> to vector<1x16xi32>
      tpu.vector_store %arg7[%swap3A_153, %swap3A_154], %swap3A_157 {strides = array<i32>} : memref<160x128xi32, #tpu.memory_space<vmem>>, vector<1x16xi32>,
      %mul3A_158 = arith.constant 128 : i32
      %mul3A_159 = arith.muli %add3A_74, %mul3A_158 : i32
      %add3A_160 = arith.constant 112 : i32
      %add3A_161 = arith.addi %mul3A_159, %add3A_160 : i32
      %get3A_162 = arith.index_cast %add3A_161 : i32 to index
      %get3A_163 = tpu.vector_load %arg6[%get3A_162] {strides = array<i32>} : memref<20480xi32, #tpu.memory_space<vmem>>, vector<16xi32>,
      %get3A_164 = vector.shape_cast %get3A_163 : vector<16xi32> to vector<16xi32>
      %swap3A_165 = arith.index_cast %add3A_74 : i32 to index
      %swap3A_166 = arith.constant 112 : index
      %swap3A_167 = tpu.vector_load %arg7[%swap3A_165, %swap3A_166] {strides = array<i32>} : memref<160x128xi32, #tpu.memory_space<vmem>>, vector<1x16xi32>,
      %swap3A_168 = vector.shape_cast %swap3A_167 : vector<1x16xi32> to vector<16xi32>
      %swap3A_169 = vector.shape_cast %get3A_164 : vector<16xi32> to vector<1x16xi32>
      tpu.vector_store %arg7[%swap3A_165, %swap3A_166], %swap3A_169 {strides = array<i32>} : memref<160x128xi32, #tpu.memory_space<vmem>>, vector<1x16xi32>,
      %mul3A_170 = arith.constant 128 : i32
      %mul3A_171 = arith.muli %add3A_74, %mul3A_170 : i32
      %add3A_172 = arith.constant 0 : i32
      %add3A_173 = arith.addi %mul3A_171, %add3A_172 : i32
      %get3A_174 = arith.index_cast %add3A_173 : i32 to index
      %get3A_175 = tpu.vector_load %arg6[%get3A_174] {strides = array<i32>} : memref<20480xi32, #tpu.memory_space<vmem>>, vector<16xi32>,
      %get3A_176 = vector.shape_cast %get3A_175 : vector<16xi32> to vector<16xi32>
      %mul3A_177 = arith.constant 128 : i32
      %mul3A_178 = arith.muli %add3A_74, %mul3A_177 : i32
      %add3A_179 = arith.constant 64 : i32
      %add3A_180 = arith.addi %mul3A_178, %add3A_179 : i32
      %add3A_181 = arith.constant 0 : i32
      %add3A_182 = arith.addi %add3A_180, %add3A_181 : i32
      %get3A_183 = arith.index_cast %add3A_182 : i32 to index
      %get3A_184 = tpu.vector_load %arg6[%get3A_183] {strides = array<i32>} : memref<20480xi32, #tpu.memory_space<vmem>>, vector<16xi32>,
      %get3A_185 = vector.shape_cast %get3A_184 : vector<16xi32> to vector<16xi32>
      %shift_left3A = arith.constant 16 : i32
      %shift_left3A_186 = vector.broadcast %shift_left3A : i32 to vector<16xi32>
      %shift_left3A_187 = arith.shli %get3A_185, %shift_left3A_186 : vector<16xi32>
      %or3A = arith.ori %get3A_176, %shift_left3A_187 : vector<16xi32>
      %jit3A = arith.constant 2 : i32
      %div3A = arith.divsi %add3A_74, %jit3A : i32
      %sign3A = arith.constant 0 : i32
      %sign3A_188 = arith.cmpi sgt, %add3A_74, %sign3A : i32
      %sign3A_189 = arith.extui %sign3A_188 : i1 to i32
      %sign3A_190 = arith.constant 0 : i32
      %sign3A_191 = arith.cmpi slt, %add3A_74, %sign3A_190 : i32
      %sign3A_192 = arith.extui %sign3A_191 : i1 to i32
      %sign3A_193 = arith.subi %sign3A_189, %sign3A_192 : i32
      %sign3A_194 = arith.constant 0 : i32
      %sign3A_195 = arith.cmpi sgt, %jit3A, %sign3A_194 : i32
      %sign3A_196 = arith.extui %sign3A_195 : i1 to i32
      %sign3A_197 = arith.constant 0 : i32
      %sign3A_198 = arith.cmpi slt, %jit3A, %sign3A_197 : i32
      %sign3A_199 = arith.extui %sign3A_198 : i1 to i32
      %sign3A_200 = arith.subi %sign3A_196, %sign3A_199 : i32
      %ne3A = arith.cmpi ne, %sign3A_193, %sign3A_200 : i32
      %rem3A = arith.remsi %add3A_74, %jit3A : i32
      %ne3A_201 = arith.constant 0 : i32
      %ne3A_202 = arith.cmpi ne, %rem3A, %ne3A_201 : i32
      %and3A = arith.andi %ne3A, %ne3A_202 : i1
      %sub3A = arith.constant 1 : i32
      %sub3A_203 = arith.subi %div3A, %sub3A : i32
      %select_n3A = arith.select %and3A, %sub3A_203, %div3A : i32
      %jit3A_204 = arith.constant 2 : i32
      %eq3A_205 = arith.constant 0 : i32
      %eq3A_206 = arith.cmpi eq, %jit3A_204, %eq3A_205 : i32
      %jit3A_207 = arith.constant 1 : i32
      %select_n3A_208 = arith.select %eq3A_206, %jit3A_207, %jit3A_204 : i32
      %rem3A_209 = arith.remsi %add3A_74, %select_n3A_208 : i32
      %ne3A_210 = arith.constant 0 : i32
      %ne3A_211 = arith.cmpi ne, %rem3A_209, %ne3A_210 : i32
      %lt3A = arith.constant 0 : i32
      %lt3A_212 = arith.cmpi slt, %rem3A_209, %lt3A : i32
      %lt3A_213 = arith.constant 0 : i32
      %lt3A_214 = arith.cmpi slt, %select_n3A_208, %lt3A_213 : i32
      %ne3A_215 = arith.xori %lt3A_212, %lt3A_214 : i1
      %and3A_216 = arith.andi %ne3A_215, %ne3A_211 : i1
      %add3A_217 = arith.addi %rem3A_209, %select_n3A_208 : i32
      %select_n3A_218 = arith.select %and3A_216, %add3A_217, %rem3A_209 : i32
      %mul3A_219 = arith.constant 64 : i32
      %mul3A_220 = arith.muli %select_n3A_218, %mul3A_219 : i32
      %add3A_221 = arith.constant 0 : i32
      %add3A_222 = arith.addi %mul3A_220, %add3A_221 : i32
      %swap3A_223 = arith.index_cast %select_n3A : i32 to index
      %swap3A_224 = arith.index_cast %add3A_222 : i32 to index
      %swap3A_225 = tpu.vector_load %arg8[%swap3A_223, %swap3A_224] {strides = array<i32>} : memref<80x128xi32, #tpu.memory_space<vmem>>, vector<1x16xi32>,
      %swap3A_226 = vector.shape_cast %swap3A_225 : vector<1x16xi32> to vector<16xi32>
      %swap3A_227 = vector.shape_cast %or3A : vector<16xi32> to vector<1x16xi32>
      tpu.vector_store %arg8[%swap3A_223, %swap3A_224], %swap3A_227 {strides = array<i32>} : memref<80x128xi32, #tpu.memory_space<vmem>>, vector<1x16xi32>,
      %mul3A_228 = arith.constant 128 : i32
      %mul3A_229 = arith.muli %add3A_74, %mul3A_228 : i32
      %add3A_230 = arith.constant 16 : i32
      %add3A_231 = arith.addi %mul3A_229, %add3A_230 : i32
      %get3A_232 = arith.index_cast %add3A_231 : i32 to index
      %get3A_233 = tpu.vector_load %arg6[%get3A_232] {strides = array<i32>} : memref<20480xi32, #tpu.memory_space<vmem>>, vector<16xi32>,
      %get3A_234 = vector.shape_cast %get3A_233 : vector<16xi32> to vector<16xi32>
      %mul3A_235 = arith.constant 128 : i32
      %mul3A_236 = arith.muli %add3A_74, %mul3A_235 : i32
      %add3A_237 = arith.constant 64 : i32
      %add3A_238 = arith.addi %mul3A_236, %add3A_237 : i32
      %add3A_239 = arith.constant 16 : i32
      %add3A_240 = arith.addi %add3A_238, %add3A_239 : i32
      %get3A_241 = arith.index_cast %add3A_240 : i32 to index
      %get3A_242 = tpu.vector_load %arg6[%get3A_241] {strides = array<i32>} : memref<20480xi32, #tpu.memory_space<vmem>>, vector<16xi32>,
      %get3A_243 = vector.shape_cast %get3A_242 : vector<16xi32> to vector<16xi32>
      %shift_left3A_244 = arith.constant 16 : i32
      %shift_left3A_245 = vector.broadcast %shift_left3A_244 : i32 to vector<16xi32>
      %shift_left3A_246 = arith.shli %get3A_243, %shift_left3A_245 : vector<16xi32>
      %or3A_247 = arith.ori %get3A_234, %shift_left3A_246 : vector<16xi32>
      %jit3A_248 = arith.constant 2 : i32
      %div3A_249 = arith.divsi %add3A_74, %jit3A_248 : i32
      %sign3A_250 = arith.constant 0 : i32
      %sign3A_251 = arith.cmpi sgt, %add3A_74, %sign3A_250 : i32
      %sign3A_252 = arith.extui %sign3A_251 : i1 to i32
      %sign3A_253 = arith.constant 0 : i32
      %sign3A_254 = arith.cmpi slt, %add3A_74, %sign3A_253 : i32
      %sign3A_255 = arith.extui %sign3A_254 : i1 to i32
      %sign3A_256 = arith.subi %sign3A_252, %sign3A_255 : i32
      %sign3A_257 = arith.constant 0 : i32
      %sign3A_258 = arith.cmpi sgt, %jit3A_248, %sign3A_257 : i32
      %sign3A_259 = arith.extui %sign3A_258 : i1 to i32
      %sign3A_260 = arith.constant 0 : i32
      %sign3A_261 = arith.cmpi slt, %jit3A_248, %sign3A_260 : i32
      %sign3A_262 = arith.extui %sign3A_261 : i1 to i32
      %sign3A_263 = arith.subi %sign3A_259, %sign3A_262 : i32
      %ne3A_264 = arith.cmpi ne, %sign3A_256, %sign3A_263 : i32
      %rem3A_265 = arith.remsi %add3A_74, %jit3A_248 : i32
      %ne3A_266 = arith.constant 0 : i32
      %ne3A_267 = arith.cmpi ne, %rem3A_265, %ne3A_266 : i32
      %and3A_268 = arith.andi %ne3A_264, %ne3A_267 : i1
      %sub3A_269 = arith.constant 1 : i32
      %sub3A_270 = arith.subi %div3A_249, %sub3A_269 : i32
      %select_n3A_271 = arith.select %and3A_268, %sub3A_270, %div3A_249 : i32
      %jit3A_272 = arith.constant 2 : i32
      %eq3A_273 = arith.constant 0 : i32
      %eq3A_274 = arith.cmpi eq, %jit3A_272, %eq3A_273 : i32
      %jit3A_275 = arith.constant 1 : i32
      %select_n3A_276 = arith.select %eq3A_274, %jit3A_275, %jit3A_272 : i32
      %rem3A_277 = arith.remsi %add3A_74, %select_n3A_276 : i32
      %ne3A_278 = arith.constant 0 : i32
      %ne3A_279 = arith.cmpi ne, %rem3A_277, %ne3A_278 : i32
      %lt3A_280 = arith.constant 0 : i32
      %lt3A_281 = arith.cmpi slt, %rem3A_277, %lt3A_280 : i32
      %lt3A_282 = arith.constant 0 : i32
      %lt3A_283 = arith.cmpi slt, %select_n3A_276, %lt3A_282 : i32
      %ne3A_284 = arith.xori %lt3A_281, %lt3A_283 : i1
      %and3A_285 = arith.andi %ne3A_284, %ne3A_279 : i1
      %add3A_286 = arith.addi %rem3A_277, %select_n3A_276 : i32
      %select_n3A_287 = arith.select %and3A_285, %add3A_286, %rem3A_277 : i32
      %mul3A_288 = arith.constant 64 : i32
      %mul3A_289 = arith.muli %select_n3A_287, %mul3A_288 : i32
      %add3A_290 = arith.constant 16 : i32
      %add3A_291 = arith.addi %mul3A_289, %add3A_290 : i32
      %swap3A_292 = arith.index_cast %select_n3A_271 : i32 to index
      %swap3A_293 = arith.index_cast %add3A_291 : i32 to index
      %swap3A_294 = tpu.vector_load %arg8[%swap3A_292, %swap3A_293] {strides = array<i32>} : memref<80x128xi32, #tpu.memory_space<vmem>>, vector<1x16xi32>,
      %swap3A_295 = vector.shape_cast %swap3A_294 : vector<1x16xi32> to vector<16xi32>
      %swap3A_296 = vector.shape_cast %or3A_247 : vector<16xi32> to vector<1x16xi32>
      tpu.vector_store %arg8[%swap3A_292, %swap3A_293], %swap3A_296 {strides = array<i32>} : memref<80x128xi32, #tpu.memory_space<vmem>>, vector<1x16xi32>,
      %mul3A_297 = arith.constant 128 : i32
      %mul3A_298 = arith.muli %add3A_74, %mul3A_297 : i32
      %add3A_299 = arith.constant 32 : i32
      %add3A_300 = arith.addi %mul3A_298, %add3A_299 : i32
      %get3A_301 = arith.index_cast %add3A_300 : i32 to index
      %get3A_302 = tpu.vector_load %arg6[%get3A_301] {strides = array<i32>} : memref<20480xi32, #tpu.memory_space<vmem>>, vector<16xi32>,
      %get3A_303 = vector.shape_cast %get3A_302 : vector<16xi32> to vector<16xi32>
      %mul3A_304 = arith.constant 128 : i32
      %mul3A_305 = arith.muli %add3A_74, %mul3A_304 : i32
      %add3A_306 = arith.constant 64 : i32
      %add3A_307 = arith.addi %mul3A_305, %add3A_306 : i32
      %add3A_308 = arith.constant 32 : i32
      %add3A_309 = arith.addi %add3A_307, %add3A_308 : i32
      %get3A_310 = arith.index_cast %add3A_309 : i32 to index
      %get3A_311 = tpu.vector_load %arg6[%get3A_310] {strides = array<i32>} : memref<20480xi32, #tpu.memory_space<vmem>>, vector<16xi32>,
      %get3A_312 = vector.shape_cast %get3A_311 : vector<16xi32> to vector<16xi32>
      %shift_left3A_313 = arith.constant 16 : i32
      %shift_left3A_314 = vector.broadcast %shift_left3A_313 : i32 to vector<16xi32>
      %shift_left3A_315 = arith.shli %get3A_312, %shift_left3A_314 : vector<16xi32>
      %or3A_316 = arith.ori %get3A_303, %shift_left3A_315 : vector<16xi32>
      %jit3A_317 = arith.constant 2 : i32
      %div3A_318 = arith.divsi %add3A_74, %jit3A_317 : i32
      %sign3A_319 = arith.constant 0 : i32
      %sign3A_320 = arith.cmpi sgt, %add3A_74, %sign3A_319 : i32
      %sign3A_321 = arith.extui %sign3A_320 : i1 to i32
      %sign3A_322 = arith.constant 0 : i32
      %sign3A_323 = arith.cmpi slt, %add3A_74, %sign3A_322 : i32
      %sign3A_324 = arith.extui %sign3A_323 : i1 to i32
      %sign3A_325 = arith.subi %sign3A_321, %sign3A_324 : i32
      %sign3A_326 = arith.constant 0 : i32
      %sign3A_327 = arith.cmpi sgt, %jit3A_317, %sign3A_326 : i32
      %sign3A_328 = arith.extui %sign3A_327 : i1 to i32
      %sign3A_329 = arith.constant 0 : i32
      %sign3A_330 = arith.cmpi slt, %jit3A_317, %sign3A_329 : i32
      %sign3A_331 = arith.extui %sign3A_330 : i1 to i32
      %sign3A_332 = arith.subi %sign3A_328, %sign3A_331 : i32
      %ne3A_333 = arith.cmpi ne, %sign3A_325, %sign3A_332 : i32
      %rem3A_334 = arith.remsi %add3A_74, %jit3A_317 : i32
      %ne3A_335 = arith.constant 0 : i32
      %ne3A_336 = arith.cmpi ne, %rem3A_334, %ne3A_335 : i32
      %and3A_337 = arith.andi %ne3A_333, %ne3A_336 : i1
      %sub3A_338 = arith.constant 1 : i32
      %sub3A_339 = arith.subi %div3A_318, %sub3A_338 : i32
      %select_n3A_340 = arith.select %and3A_337, %sub3A_339, %div3A_318 : i32
      %jit3A_341 = arith.constant 2 : i32
      %eq3A_342 = arith.constant 0 : i32
      %eq3A_343 = arith.cmpi eq, %jit3A_341, %eq3A_342 : i32
      %jit3A_344 = arith.constant 1 : i32
      %select_n3A_345 = arith.select %eq3A_343, %jit3A_344, %jit3A_341 : i32
      %rem3A_346 = arith.remsi %add3A_74, %select_n3A_345 : i32
      %ne3A_347 = arith.constant 0 : i32
      %ne3A_348 = arith.cmpi ne, %rem3A_346, %ne3A_347 : i32
      %lt3A_349 = arith.constant 0 : i32
      %lt3A_350 = arith.cmpi slt, %rem3A_346, %lt3A_349 : i32
      %lt3A_351 = arith.constant 0 : i32
      %lt3A_352 = arith.cmpi slt, %select_n3A_345, %lt3A_351 : i32
      %ne3A_353 = arith.xori %lt3A_350, %lt3A_352 : i1
      %and3A_354 = arith.andi %ne3A_353, %ne3A_348 : i1
      %add3A_355 = arith.addi %rem3A_346, %select_n3A_345 : i32
      %select_n3A_356 = arith.select %and3A_354, %add3A_355, %rem3A_346 : i32
      %mul3A_357 = arith.constant 64 : i32
      %mul3A_358 = arith.muli %select_n3A_356, %mul3A_357 : i32
      %add3A_359 = arith.constant 32 : i32
      %add3A_360 = arith.addi %mul3A_358, %add3A_359 : i32
      %swap3A_361 = arith.index_cast %select_n3A_340 : i32 to index
      %swap3A_362 = arith.index_cast %add3A_360 : i32 to index
      %swap3A_363 = tpu.vector_load %arg8[%swap3A_361, %swap3A_362] {strides = array<i32>} : memref<80x128xi32, #tpu.memory_space<vmem>>, vector<1x16xi32>,
      %swap3A_364 = vector.shape_cast %swap3A_363 : vector<1x16xi32> to vector<16xi32>
      %swap3A_365 = vector.shape_cast %or3A_316 : vector<16xi32> to vector<1x16xi32>
      tpu.vector_store %arg8[%swap3A_361, %swap3A_362], %swap3A_365 {strides = array<i32>} : memref<80x128xi32, #tpu.memory_space<vmem>>, vector<1x16xi32>,
      %mul3A_366 = arith.constant 128 : i32
      %mul3A_367 = arith.muli %add3A_74, %mul3A_366 : i32
      %add3A_368 = arith.constant 48 : i32
      %add3A_369 = arith.addi %mul3A_367, %add3A_368 : i32
      %get3A_370 = arith.index_cast %add3A_369 : i32 to index
      %get3A_371 = tpu.vector_load %arg6[%get3A_370] {strides = array<i32>} : memref<20480xi32, #tpu.memory_space<vmem>>, vector<16xi32>,
      %get3A_372 = vector.shape_cast %get3A_371 : vector<16xi32> to vector<16xi32>
      %mul3A_373 = arith.constant 128 : i32
      %mul3A_374 = arith.muli %add3A_74, %mul3A_373 : i32
      %add3A_375 = arith.constant 64 : i32
      %add3A_376 = arith.addi %mul3A_374, %add3A_375 : i32
      %add3A_377 = arith.constant 48 : i32
      %add3A_378 = arith.addi %add3A_376, %add3A_377 : i32
      %get3A_379 = arith.index_cast %add3A_378 : i32 to index
      %get3A_380 = tpu.vector_load %arg6[%get3A_379] {strides = array<i32>} : memref<20480xi32, #tpu.memory_space<vmem>>, vector<16xi32>,
      %get3A_381 = vector.shape_cast %get3A_380 : vector<16xi32> to vector<16xi32>
      %shift_left3A_382 = arith.constant 16 : i32
      %shift_left3A_383 = vector.broadcast %shift_left3A_382 : i32 to vector<16xi32>
      %shift_left3A_384 = arith.shli %get3A_381, %shift_left3A_383 : vector<16xi32>
      %or3A_385 = arith.ori %get3A_372, %shift_left3A_384 : vector<16xi32>
      %jit3A_386 = arith.constant 2 : i32
      %div3A_387 = arith.divsi %add3A_74, %jit3A_386 : i32
      %sign3A_388 = arith.constant 0 : i32
      %sign3A_389 = arith.cmpi sgt, %add3A_74, %sign3A_388 : i32
      %sign3A_390 = arith.extui %sign3A_389 : i1 to i32
      %sign3A_391 = arith.constant 0 : i32
      %sign3A_392 = arith.cmpi slt, %add3A_74, %sign3A_391 : i32
      %sign3A_393 = arith.extui %sign3A_392 : i1 to i32
      %sign3A_394 = arith.subi %sign3A_390, %sign3A_393 : i32
      %sign3A_395 = arith.constant 0 : i32
      %sign3A_396 = arith.cmpi sgt, %jit3A_386, %sign3A_395 : i32
      %sign3A_397 = arith.extui %sign3A_396 : i1 to i32
      %sign3A_398 = arith.constant 0 : i32
      %sign3A_399 = arith.cmpi slt, %jit3A_386, %sign3A_398 : i32
      %sign3A_400 = arith.extui %sign3A_399 : i1 to i32
      %sign3A_401 = arith.subi %sign3A_397, %sign3A_400 : i32
      %ne3A_402 = arith.cmpi ne, %sign3A_394, %sign3A_401 : i32
      %rem3A_403 = arith.remsi %add3A_74, %jit3A_386 : i32
      %ne3A_404 = arith.constant 0 : i32
      %ne3A_405 = arith.cmpi ne, %rem3A_403, %ne3A_404 : i32
      %and3A_406 = arith.andi %ne3A_402, %ne3A_405 : i1
      %sub3A_407 = arith.constant 1 : i32
      %sub3A_408 = arith.subi %div3A_387, %sub3A_407 : i32
      %select_n3A_409 = arith.select %and3A_406, %sub3A_408, %div3A_387 : i32
      %jit3A_410 = arith.constant 2 : i32
      %eq3A_411 = arith.constant 0 : i32
      %eq3A_412 = arith.cmpi eq, %jit3A_410, %eq3A_411 : i32
      %jit3A_413 = arith.constant 1 : i32
      %select_n3A_414 = arith.select %eq3A_412, %jit3A_413, %jit3A_410 : i32
      %rem3A_415 = arith.remsi %add3A_74, %select_n3A_414 : i32
      %ne3A_416 = arith.constant 0 : i32
      %ne3A_417 = arith.cmpi ne, %rem3A_415, %ne3A_416 : i32
      %lt3A_418 = arith.constant 0 : i32
      %lt3A_419 = arith.cmpi slt, %rem3A_415, %lt3A_418 : i32
      %lt3A_420 = arith.constant 0 : i32
      %lt3A_421 = arith.cmpi slt, %select_n3A_414, %lt3A_420 : i32
      %ne3A_422 = arith.xori %lt3A_419, %lt3A_421 : i1
      %and3A_423 = arith.andi %ne3A_422, %ne3A_417 : i1
      %add3A_424 = arith.addi %rem3A_415, %select_n3A_414 : i32
      %select_n3A_425 = arith.select %and3A_423, %add3A_424, %rem3A_415 : i32
      %mul3A_426 = arith.constant 64 : i32
      %mul3A_427 = arith.muli %select_n3A_425, %mul3A_426 : i32
      %add3A_428 = arith.constant 48 : i32
      %add3A_429 = arith.addi %mul3A_427, %add3A_428 : i32
      %swap3A_430 = arith.index_cast %select_n3A_409 : i32 to index
      %swap3A_431 = arith.index_cast %add3A_429 : i32 to index
      %swap3A_432 = tpu.vector_load %arg8[%swap3A_430, %swap3A_431] {strides = array<i32>} : memref<80x128xi32, #tpu.memory_space<vmem>>, vector<1x16xi32>,
      %swap3A_433 = vector.shape_cast %swap3A_432 : vector<1x16xi32> to vector<16xi32>
      %swap3A_434 = vector.shape_cast %or3A_385 : vector<16xi32> to vector<1x16xi32>
      tpu.vector_store %arg8[%swap3A_430, %swap3A_431], %swap3A_434 {strides = array<i32>} : memref<80x128xi32, #tpu.memory_space<vmem>>, vector<1x16xi32>,
    }
    %scan3A_56 = arith.constant 160 : i32
    %scan3A_57 = arith.constant 0 : i32
    %scan3A_58 = arith.constant 20 : i32
    %scan3A_59 = arith.addi %scan3A_57, %scan3A_58 : i32
    %scan3A_60 = arith.constant 1 : i32
    scf.for %scan3A_70 = %scan3A_57 to %scan3A_59 step %scan3A_60  : i32 {
      %mul3A_71 = arith.constant 1 : i32
      %mul3A_72 = arith.muli %scan3A_70, %mul3A_71 : i32
      %add3A_73 = arith.constant 0 : i32
      %add3A_74 = arith.addi %add3A_73, %mul3A_72 : i32
      %mul3A_75 = arith.constant 8 : i32
      %mul3A_76 = arith.muli %mul3A_75, %add3A_74 : i32
      %add3A_77 = arith.constant 0 : i32
      %add3A_78 = arith.addi %mul3A_76, %add3A_77 : i32
      %dma_start3A = arith.constant 0 : i32
      %dma_start3A_79 = tpu.memref_slice %arg7[%add3A_78, %dma_start3A] : memref<160x128xi32, #tpu.memory_space<vmem>> -> memref<1x128xi32, #tpu.memory_space<vmem>>
      %dma_start3A_80 = tpu.memref_squeeze %dma_start3A_79 : memref<1x128xi32, #tpu.memory_space<vmem>> -> memref<128xi32, #tpu.memory_space<vmem>>
      %dma_start3A_81 = arith.constant 0 : i32
      %dma_start3A_82 = tpu.memref_slice %arg10[%dma_start3A_81] : memref<10112xf32, #tpu.memory_space<vmem_shared>> -> memref<10112xf32, #tpu.memory_space<vmem_shared>>
      tpu.enqueue_indirect_dma source(%arg9 : memref<128xf32, #tpu.memory_space<vmem>>) target(%dma_start3A_82 : memref<10112xf32, #tpu.memory_space<vmem_shared>>) offsets(%dma_start3A_80 : memref<128xi32, #tpu.memory_space<vmem>>) semaphore(%arg11 : memref<!tpu.dma_semaphore, #tpu.memory_space<semaphore_mem>>) {add = true}
      %mul3A_83 = arith.constant 8 : i32
      %mul3A_84 = arith.muli %mul3A_83, %add3A_74 : i32
      %add3A_85 = arith.constant 1 : i32
      %add3A_86 = arith.addi %mul3A_84, %add3A_85 : i32
      %dma_start3A_87 = arith.constant 0 : i32
      %dma_start3A_88 = tpu.memref_slice %arg7[%add3A_86, %dma_start3A_87] : memref<160x128xi32, #tpu.memory_space<vmem>> -> memref<1x128xi32, #tpu.memory_space<vmem>>
      %dma_start3A_89 = tpu.memref_squeeze %dma_start3A_88 : memref<1x128xi32, #tpu.memory_space<vmem>> -> memref<128xi32, #tpu.memory_space<vmem>>
      %dma_start3A_90 = arith.constant 0 : i32
      %dma_start3A_91 = tpu.memref_slice %arg10[%dma_start3A_90] : memref<10112xf32, #tpu.memory_space<vmem_shared>> -> memref<10112xf32, #tpu.memory_space<vmem_shared>>
      tpu.enqueue_indirect_dma source(%arg9 : memref<128xf32, #tpu.memory_space<vmem>>) target(%dma_start3A_91 : memref<10112xf32, #tpu.memory_space<vmem_shared>>) offsets(%dma_start3A_89 : memref<128xi32, #tpu.memory_space<vmem>>) semaphore(%arg11 : memref<!tpu.dma_semaphore, #tpu.memory_space<semaphore_mem>>) {add = true}
      %mul3A_92 = arith.constant 8 : i32
      %mul3A_93 = arith.muli %mul3A_92, %add3A_74 : i32
      %add3A_94 = arith.constant 2 : i32
      %add3A_95 = arith.addi %mul3A_93, %add3A_94 : i32
      %dma_start3A_96 = arith.constant 0 : i32
      %dma_start3A_97 = tpu.memref_slice %arg7[%add3A_95, %dma_start3A_96] : memref<160x128xi32, #tpu.memory_space<vmem>> -> memref<1x128xi32, #tpu.memory_space<vmem>>
      %dma_start3A_98 = tpu.memref_squeeze %dma_start3A_97 : memref<1x128xi32, #tpu.memory_space<vmem>> -> memref<128xi32, #tpu.memory_space<vmem>>
      %dma_start3A_99 = arith.constant 0 : i32
      %dma_start3A_100 = tpu.memref_slice %arg10[%dma_start3A_99] : memref<10112xf32, #tpu.memory_space<vmem_shared>> -> memref<10112xf32, #tpu.memory_space<vmem_shared>>
      tpu.enqueue_indirect_dma source(%arg9 : memref<128xf32, #tpu.memory_space<vmem>>) target(%dma_start3A_100 : memref<10112xf32, #tpu.memory_space<vmem_shared>>) offsets(%dma_start3A_98 : memref<128xi32, #tpu.memory_space<vmem>>) semaphore(%arg11 : memref<!tpu.dma_semaphore, #tpu.memory_space<semaphore_mem>>) {add = true}
      %mul3A_101 = arith.constant 8 : i32
      %mul3A_102 = arith.muli %mul3A_101, %add3A_74 : i32
      %add3A_103 = arith.constant 3 : i32
      %add3A_104 = arith.addi %mul3A_102, %add3A_103 : i32
      %dma_start3A_105 = arith.constant 0 : i32
      %dma_start3A_106 = tpu.memref_slice %arg7[%add3A_104, %dma_start3A_105] : memref<160x128xi32, #tpu.memory_space<vmem>> -> memref<1x128xi32, #tpu.memory_space<vmem>>
      %dma_start3A_107 = tpu.memref_squeeze %dma_start3A_106 : memref<1x128xi32, #tpu.memory_space<vmem>> -> memref<128xi32, #tpu.memory_space<vmem>>
      %dma_start3A_108 = arith.constant 0 : i32
      %dma_start3A_109 = tpu.memref_slice %arg10[%dma_start3A_108] : memref<10112xf32, #tpu.memory_space<vmem_shared>> -> memref<10112xf32, #tpu.memory_space<vmem_shared>>
      tpu.enqueue_indirect_dma source(%arg9 : memref<128xf32, #tpu.memory_space<vmem>>) target(%dma_start3A_109 : memref<10112xf32, #tpu.memory_space<vmem_shared>>) offsets(%dma_start3A_107 : memref<128xi32, #tpu.memory_space<vmem>>) semaphore(%arg11 : memref<!tpu.dma_semaphore, #tpu.memory_space<semaphore_mem>>) {add = true}
      %mul3A_110 = arith.constant 8 : i32
      %mul3A_111 = arith.muli %mul3A_110, %add3A_74 : i32
      %add3A_112 = arith.constant 4 : i32
      %add3A_113 = arith.addi %mul3A_111, %add3A_112 : i32
      %dma_start3A_114 = arith.constant 0 : i32
      %dma_start3A_115 = tpu.memref_slice %arg7[%add3A_113, %dma_start3A_114] : memref<160x128xi32, #tpu.memory_space<vmem>> -> memref<1x128xi32, #tpu.memory_space<vmem>>
      %dma_start3A_116 = tpu.memref_squeeze %dma_start3A_115 : memref<1x128xi32, #tpu.memory_space<vmem>> -> memref<128xi32, #tpu.memory_space<vmem>>
      %dma_start3A_117 = arith.constant 0 : i32
      %dma_start3A_118 = tpu.memref_slice %arg10[%dma_start3A_117] : memref<10112xf32, #tpu.memory_space<vmem_shared>> -> memref<10112xf32, #tpu.memory_space<vmem_shared>>
      tpu.enqueue_indirect_dma source(%arg9 : memref<128xf32, #tpu.memory_space<vmem>>) target(%dma_start3A_118 : memref<10112xf32, #tpu.memory_space<vmem_shared>>) offsets(%dma_start3A_116 : memref<128xi32, #tpu.memory_space<vmem>>) semaphore(%arg11 : memref<!tpu.dma_semaphore, #tpu.memory_space<semaphore_mem>>) {add = true}
      %mul3A_119 = arith.constant 8 : i32
      %mul3A_120 = arith.muli %mul3A_119, %add3A_74 : i32
      %add3A_121 = arith.constant 5 : i32
      %add3A_122 = arith.addi %mul3A_120, %add3A_121 : i32
      %dma_start3A_123 = arith.constant 0 : i32
      %dma_start3A_124 = tpu.memref_slice %arg7[%add3A_122, %dma_start3A_123] : memref<160x128xi32, #tpu.memory_space<vmem>> -> memref<1x128xi32, #tpu.memory_space<vmem>>
      %dma_start3A_125 = tpu.memref_squeeze %dma_start3A_124 : memref<1x128xi32, #tpu.memory_space<vmem>> -> memref<128xi32, #tpu.memory_space<vmem>>
      %dma_start3A_126 = arith.constant 0 : i32
      %dma_start3A_127 = tpu.memref_slice %arg10[%dma_start3A_126] : memref<10112xf32, #tpu.memory_space<vmem_shared>> -> memref<10112xf32, #tpu.memory_space<vmem_shared>>
      tpu.enqueue_indirect_dma source(%arg9 : memref<128xf32, #tpu.memory_space<vmem>>) target(%dma_start3A_127 : memref<10112xf32, #tpu.memory_space<vmem_shared>>) offsets(%dma_start3A_125 : memref<128xi32, #tpu.memory_space<vmem>>) semaphore(%arg11 : memref<!tpu.dma_semaphore, #tpu.memory_space<semaphore_mem>>) {add = true}
      %mul3A_128 = arith.constant 8 : i32
      %mul3A_129 = arith.muli %mul3A_128, %add3A_74 : i32
      %add3A_130 = arith.constant 6 : i32
      %add3A_131 = arith.addi %mul3A_129, %add3A_130 : i32
      %dma_start3A_132 = arith.constant 0 : i32
      %dma_start3A_133 = tpu.memref_slice %arg7[%add3A_131, %dma_start3A_132] : memref<160x128xi32, #tpu.memory_space<vmem>> -> memref<1x128xi32, #tpu.memory_space<vmem>>
      %dma_start3A_134 = tpu.memref_squeeze %dma_start3A_133 : memref<1x128xi32, #tpu.memory_space<vmem>> -> memref<128xi32, #tpu.memory_space<vmem>>
      %dma_start3A_135 = arith.constant 0 : i32
      %dma_start3A_136 = tpu.memref_slice %arg10[%dma_start3A_135] : memref<10112xf32, #tpu.memory_space<vmem_shared>> -> memref<10112xf32, #tpu.memory_space<vmem_shared>>
      tpu.enqueue_indirect_dma source(%arg9 : memref<128xf32, #tpu.memory_space<vmem>>) target(%dma_start3A_136 : memref<10112xf32, #tpu.memory_space<vmem_shared>>) offsets(%dma_start3A_134 : memref<128xi32, #tpu.memory_space<vmem>>) semaphore(%arg11 : memref<!tpu.dma_semaphore, #tpu.memory_space<semaphore_mem>>) {add = true}
      %mul3A_137 = arith.constant 8 : i32
      %mul3A_138 = arith.muli %mul3A_137, %add3A_74 : i32
      %add3A_139 = arith.constant 7 : i32
      %add3A_140 = arith.addi %mul3A_138, %add3A_139 : i32
      %dma_start3A_141 = arith.constant 0 : i32
      %dma_start3A_142 = tpu.memref_slice %arg7[%add3A_140, %dma_start3A_141] : memref<160x128xi32, #tpu.memory_space<vmem>> -> memref<1x128xi32, #tpu.memory_space<vmem>>
      %dma_start3A_143 = tpu.memref_squeeze %dma_start3A_142 : memref<1x128xi32, #tpu.memory_space<vmem>> -> memref<128xi32, #tpu.memory_space<vmem>>
      %dma_start3A_144 = arith.constant 0 : i32
      %dma_start3A_145 = tpu.memref_slice %arg10[%dma_start3A_144] : memref<10112xf32, #tpu.memory_space<vmem_shared>> -> memref<10112xf32, #tpu.memory_space<vmem_shared>>
      tpu.enqueue_indirect_dma source(%arg9 : memref<128xf32, #tpu.memory_space<vmem>>) target(%dma_start3A_145 : memref<10112xf32, #tpu.memory_space<vmem_shared>>) offsets(%dma_start3A_143 : memref<128xi32, #tpu.memory_space<vmem>>) semaphore(%arg11 : memref<!tpu.dma_semaphore, #tpu.memory_space<semaphore_mem>>) {add = true}
      %dma_wait3A = arith.constant 0 : i32
      %dma_wait3A_146 = tpu.memref_slice %arg7[%add3A_78, %dma_wait3A] : memref<160x128xi32, #tpu.memory_space<vmem>> -> memref<1x128xi32, #tpu.memory_space<vmem>>
      %dma_wait3A_147 = tpu.memref_squeeze %dma_wait3A_146 : memref<1x128xi32, #tpu.memory_space<vmem>> -> memref<128xi32, #tpu.memory_space<vmem>>
      %dma_wait3A_148 = arith.constant 0 : i32
      %dma_wait3A_149 = tpu.memref_slice %arg10[%dma_wait3A_148] : memref<10112xf32, #tpu.memory_space<vmem_shared>> -> memref<10112xf32, #tpu.memory_space<vmem_shared>>
      tpu.wait_indirect_dma semaphore(%arg11 : memref<!tpu.dma_semaphore, #tpu.memory_space<semaphore_mem>>) src(%arg9 : memref<128xf32, #tpu.memory_space<vmem>>) dst(%dma_wait3A_149 : memref<10112xf32, #tpu.memory_space<vmem_shared>>)
      %dma_wait3A_150 = arith.constant 0 : i32
      %dma_wait3A_151 = tpu.memref_slice %arg7[%add3A_86, %dma_wait3A_150] : memref<160x128xi32, #tpu.memory_space<vmem>> -> memref<1x128xi32, #tpu.memory_space<vmem>>
      %dma_wait3A_152 = tpu.memref_squeeze %dma_wait3A_151 : memref<1x128xi32, #tpu.memory_space<vmem>> -> memref<128xi32, #tpu.memory_space<vmem>>
      %dma_wait3A_153 = arith.constant 0 : i32
      %dma_wait3A_154 = tpu.memref_slice %arg10[%dma_wait3A_153] : memref<10112xf32, #tpu.memory_space<vmem_shared>> -> memref<10112xf32, #tpu.memory_space<vmem_shared>>
      tpu.wait_indirect_dma semaphore(%arg11 : memref<!tpu.dma_semaphore, #tpu.memory_space<semaphore_mem>>) src(%arg9 : memref<128xf32, #tpu.memory_space<vmem>>) dst(%dma_wait3A_154 : memref<10112xf32, #tpu.memory_space<vmem_shared>>)
      %dma_wait3A_155 = arith.constant 0 : i32
      %dma_wait3A_156 = tpu.memref_slice %arg7[%add3A_95, %dma_wait3A_155] : memref<160x128xi32, #tpu.memory_space<vmem>> -> memref<1x128xi32, #tpu.memory_space<vmem>>
      %dma_wait3A_157 = tpu.memref_squeeze %dma_wait3A_156 : memref<1x128xi32, #tpu.memory_space<vmem>> -> memref<128xi32, #tpu.memory_space<vmem>>
      %dma_wait3A_158 = arith.constant 0 : i32
      %dma_wait3A_159 = tpu.memref_slice %arg10[%dma_wait3A_158] : memref<10112xf32, #tpu.memory_space<vmem_shared>> -> memref<10112xf32, #tpu.memory_space<vmem_shared>>
      tpu.wait_indirect_dma semaphore(%arg11 : memref<!tpu.dma_semaphore, #tpu.memory_space<semaphore_mem>>) src(%arg9 : memref<128xf32, #tpu.memory_space<vmem>>) dst(%dma_wait3A_159 : memref<10112xf32, #tpu.memory_space<vmem_shared>>)
      %dma_wait3A_160 = arith.constant 0 : i32
      %dma_wait3A_161 = tpu.memref_slice %arg7[%add3A_104, %dma_wait3A_160] : memref<160x128xi32, #tpu.memory_space<vmem>> -> memref<1x128xi32, #tpu.memory_space<vmem>>
      %dma_wait3A_162 = tpu.memref_squeeze %dma_wait3A_161 : memref<1x128xi32, #tpu.memory_space<vmem>> -> memref<128xi32, #tpu.memory_space<vmem>>
      %dma_wait3A_163 = arith.constant 0 : i32
      %dma_wait3A_164 = tpu.memref_slice %arg10[%dma_wait3A_163] : memref<10112xf32, #tpu.memory_space<vmem_shared>> -> memref<10112xf32, #tpu.memory_space<vmem_shared>>
      tpu.wait_indirect_dma semaphore(%arg11 : memref<!tpu.dma_semaphore, #tpu.memory_space<semaphore_mem>>) src(%arg9 : memref<128xf32, #tpu.memory_space<vmem>>) dst(%dma_wait3A_164 : memref<10112xf32, #tpu.memory_space<vmem_shared>>)
      %dma_wait3A_165 = arith.constant 0 : i32
      %dma_wait3A_166 = tpu.memref_slice %arg7[%add3A_113, %dma_wait3A_165] : memref<160x128xi32, #tpu.memory_space<vmem>> -> memref<1x128xi32, #tpu.memory_space<vmem>>
      %dma_wait3A_167 = tpu.memref_squeeze %dma_wait3A_166 : memref<1x128xi32, #tpu.memory_space<vmem>> -> memref<128xi32, #tpu.memory_space<vmem>>
      %dma_wait3A_168 = arith.constant 0 : i32
      %dma_wait3A_169 = tpu.memref_slice %arg10[%dma_wait3A_168] : memref<10112xf32, #tpu.memory_space<vmem_shared>> -> memref<10112xf32, #tpu.memory_space<vmem_shared>>
      tpu.wait_indirect_dma semaphore(%arg11 : memref<!tpu.dma_semaphore, #tpu.memory_space<semaphore_mem>>) src(%arg9 : memref<128xf32, #tpu.memory_space<vmem>>) dst(%dma_wait3A_169 : memref<10112xf32, #tpu.memory_space<vmem_shared>>)
      %dma_wait3A_170 = arith.constant 0 : i32
      %dma_wait3A_171 = tpu.memref_slice %arg7[%add3A_122, %dma_wait3A_170] : memref<160x128xi32, #tpu.memory_space<vmem>> -> memref<1x128xi32, #tpu.memory_space<vmem>>
      %dma_wait3A_172 = tpu.memref_squeeze %dma_wait3A_171 : memref<1x128xi32, #tpu.memory_space<vmem>> -> memref<128xi32, #tpu.memory_space<vmem>>
      %dma_wait3A_173 = arith.constant 0 : i32
      %dma_wait3A_174 = tpu.memref_slice %arg10[%dma_wait3A_173] : memref<10112xf32, #tpu.memory_space<vmem_shared>> -> memref<10112xf32, #tpu.memory_space<vmem_shared>>
      tpu.wait_indirect_dma semaphore(%arg11 : memref<!tpu.dma_semaphore, #tpu.memory_space<semaphore_mem>>) src(%arg9 : memref<128xf32, #tpu.memory_space<vmem>>) dst(%dma_wait3A_174 : memref<10112xf32, #tpu.memory_space<vmem_shared>>)
      %dma_wait3A_175 = arith.constant 0 : i32
      %dma_wait3A_176 = tpu.memref_slice %arg7[%add3A_131, %dma_wait3A_175] : memref<160x128xi32, #tpu.memory_space<vmem>> -> memref<1x128xi32, #tpu.memory_space<vmem>>
      %dma_wait3A_177 = tpu.memref_squeeze %dma_wait3A_176 : memref<1x128xi32, #tpu.memory_space<vmem>> -> memref<128xi32, #tpu.memory_space<vmem>>
      %dma_wait3A_178 = arith.constant 0 : i32
      %dma_wait3A_179 = tpu.memref_slice %arg10[%dma_wait3A_178] : memref<10112xf32, #tpu.memory_space<vmem_shared>> -> memref<10112xf32, #tpu.memory_space<vmem_shared>>
      tpu.wait_indirect_dma semaphore(%arg11 : memref<!tpu.dma_semaphore, #tpu.memory_space<semaphore_mem>>) src(%arg9 : memref<128xf32, #tpu.memory_space<vmem>>) dst(%dma_wait3A_179 : memref<10112xf32, #tpu.memory_space<vmem_shared>>)
      %dma_wait3A_180 = arith.constant 0 : i32
      %dma_wait3A_181 = tpu.memref_slice %arg7[%add3A_140, %dma_wait3A_180] : memref<160x128xi32, #tpu.memory_space<vmem>> -> memref<1x128xi32, #tpu.memory_space<vmem>>
      %dma_wait3A_182 = tpu.memref_squeeze %dma_wait3A_181 : memref<1x128xi32, #tpu.memory_space<vmem>> -> memref<128xi32, #tpu.memory_space<vmem>>
      %dma_wait3A_183 = arith.constant 0 : i32
      %dma_wait3A_184 = tpu.memref_slice %arg10[%dma_wait3A_183] : memref<10112xf32, #tpu.memory_space<vmem_shared>> -> memref<10112xf32, #tpu.memory_space<vmem_shared>>
      tpu.wait_indirect_dma semaphore(%arg11 : memref<!tpu.dma_semaphore, #tpu.memory_space<semaphore_mem>>) src(%arg9 : memref<128xf32, #tpu.memory_space<vmem>>) dst(%dma_wait3A_184 : memref<10112xf32, #tpu.memory_space<vmem_shared>>)
    }
    %scan3A_61 = arith.constant 20 : i32
    %mul3A_62 = arith.constant 80 : i32
    %mul3A_63 = arith.muli %arg1, %mul3A_62 : i32
    "tpu.region"() ({
      %run_scoped3A = tpu.sem_alloc : memref<!tpu.dma_semaphore, #tpu.memory_space<semaphore_mem>>
      %dma_start3A = arith.constant 0 : i32
      %dma_start3A_70 = tpu.memref_slice %arg5[%arg0, %mul3A_63, %dma_start3A] : memref<2x1280x128xi32, #tpu.memory_space<hbm>> -> memref<1x80x128xi32, #tpu.memory_space<hbm>>
      %dma_start3A_71 = tpu.memref_squeeze %dma_start3A_70 : memref<1x80x128xi32, #tpu.memory_space<hbm>> -> memref<80x128xi32, #tpu.memory_space<hbm>>
      %dma_start3A_72 = arith.constant 0 : i32
      %dma_start3A_73 = tpu.memref_slice %arg5[%arg0, %mul3A_63, %dma_start3A_72] : memref<2x1280x128xi32, #tpu.memory_space<hbm>> -> memref<1x80x128xi32, #tpu.memory_space<hbm>>
      %dma_start3A_74 = tpu.memref_squeeze %dma_start3A_73 : memref<1x80x128xi32, #tpu.memory_space<hbm>> -> memref<80x128xi32, #tpu.memory_space<hbm>>
      tpu.enqueue_dma source(%arg8 : memref<80x128xi32, #tpu.memory_space<vmem>>) target(%dma_start3A_74 : memref<80x128xi32, #tpu.memory_space<hbm>>) target_semaphore(%run_scoped3A : memref<!tpu.dma_semaphore, #tpu.memory_space<semaphore_mem>>)
      %dma_wait3A = arith.constant 0 : i32
      %dma_wait3A_75 = tpu.memref_slice %arg5[%arg0, %mul3A_63, %dma_wait3A] : memref<2x1280x128xi32, #tpu.memory_space<hbm>> -> memref<1x80x128xi32, #tpu.memory_space<hbm>>
      %dma_wait3A_76 = tpu.memref_squeeze %dma_wait3A_75 : memref<1x80x128xi32, #tpu.memory_space<hbm>> -> memref<80x128xi32, #tpu.memory_space<hbm>>
      %dma_wait3A_77 = arith.constant 0 : i32
      %dma_wait3A_78 = tpu.memref_slice %arg5[%arg0, %mul3A_63, %dma_wait3A_77] : memref<2x1280x128xi32, #tpu.memory_space<hbm>> -> memref<1x80x128xi32, #tpu.memory_space<hbm>>
      %dma_wait3A_79 = tpu.memref_squeeze %dma_wait3A_78 : memref<1x80x128xi32, #tpu.memory_space<hbm>> -> memref<80x128xi32, #tpu.memory_space<hbm>>
      tpu.wait_dma2 semaphore(%run_scoped3A : memref<!tpu.dma_semaphore, #tpu.memory_space<semaphore_mem>>) src(%arg8 : memref<80x128xi32, #tpu.memory_space<vmem>>) dst(%dma_wait3A_79 : memref<80x128xi32, #tpu.memory_space<hbm>>)
      tpu.yield
    }) : () -> ()
    %barrier3A_64 = arith.constant 0 : index
    tpu.barrier barrier_id(%barrier3A_64)
    %eq3A_65 = arith.constant 0 : i32
    %eq3A_66 = arith.cmpi eq, %arg1, %eq3A_65 : i32
    %convert_element_type3A_67 = arith.extui %eq3A_66 : i1 to i32
    %cond3A_68 = arith.constant 0 : i32
    %cond3A_69 = arith.cmpi ne, %convert_element_type3A_67, %cond3A_68 : i32
    scf.if %cond3A_69 {
      "tpu.region"() ({
        %run_scoped3A = tpu.sem_alloc : memref<!tpu.dma_semaphore, #tpu.memory_space<semaphore_mem>>
        %dma_start3A = arith.constant 0 : i32
        %dma_start3A_70 = tpu.memref_slice %arg4[%arg0, %dma_start3A] : memref<2x10112xf32, #tpu.memory_space<hbm>> -> memref<1x10112xf32, #tpu.memory_space<hbm>>
        %dma_start3A_71 = tpu.memref_squeeze %dma_start3A_70 : memref<1x10112xf32, #tpu.memory_space<hbm>> -> memref<10112xf32, #tpu.memory_space<hbm>>
        tpu.enqueue_dma source(%arg10 : memref<10112xf32, #tpu.memory_space<vmem_shared>>) target(%dma_start3A_71 : memref<10112xf32, #tpu.memory_space<hbm>>) target_semaphore(%run_scoped3A : memref<!tpu.dma_semaphore, #tpu.memory_space<semaphore_mem>>)
        %dma_wait3A = arith.constant 0 : i32
        %dma_wait3A_72 = tpu.memref_slice %arg4[%arg0, %dma_wait3A] : memref<2x10112xf32, #tpu.memory_space<hbm>> -> memref<1x10112xf32, #tpu.memory_space<hbm>>
        %dma_wait3A_73 = tpu.memref_squeeze %dma_wait3A_72 : memref<1x10112xf32, #tpu.memory_space<hbm>> -> memref<10112xf32, #tpu.memory_space<hbm>>
        tpu.wait_dma2 semaphore(%run_scoped3A : memref<!tpu.dma_semaphore, #tpu.memory_space<semaphore_mem>>) src(%arg10 : memref<10112xf32, #tpu.memory_space<vmem_shared>>) dst(%dma_wait3A_73 : memref<10112xf32, #tpu.memory_space<hbm>>)
        tpu.yield
      }) : () -> ()
    } else {
    }
    return
  }
}

#map = affine_map<(d0, d1) -> (0, 0)>
#map1 = affine_map<(d0, d1) -> (0, 0, 0)>
module attributes {stable_mosaic.version = 14 : i64} {
  func.func @scat_kernel(%arg0: i32, %arg1: i32, %arg2: memref<10112x128xf32, #tpu.memory_space<hbm>>, %arg3: memref<2x1280x128xi32, #tpu.memory_space<hbm>>, %arg4: memref<2x10112x128xf32, #tpu.memory_space<hbm>>, %arg5: memref<40x128xi32, #tpu.memory_space<vmem>>, %arg6: memref<40x128xi32, #tpu.memory_space<vmem>>, %arg7: memref<128xi32, #tpu.memory_space<vmem>>, %arg8: memref<128xi32, #tpu.memory_space<vmem>>, %arg9: memref<128xi32, #tpu.memory_space<vmem>>, %arg10: memref<128x128xf32, #tpu.memory_space<vmem>>, %arg11: memref<128x128xf32, #tpu.memory_space<vmem>>, %arg12: memref<10112x128xf32, #tpu.memory_space<vmem_shared>>, %arg13: memref<!tpu.dma_semaphore, #tpu.memory_space<semaphore_mem>>, %arg14: memref<!tpu.dma_semaphore, #tpu.memory_space<semaphore_mem>>) attributes {dimension_semantics = [#tpu.dimension_semantics<core_parallel>, #tpu.dimension_semantics<subcore_parallel>], iteration_bounds = array<i64: 2, 16>, scalar_prefetch = 0 : i64, scratch_operands = 10 : i64, tpu.core_type = #tpu.core_type<sc_vector_subcore>, window_params = [{transform_indices = #map}, {transform_indices = #map1}, {transform_indices = #map1}]} {
    %scan3A = arith.constant 0 : i32
    %scan3A_0 = arith.constant 128 : i32
    %scan3A_1 = arith.addi %scan3A, %scan3A_0 : i32
    %scan3A_2 = arith.constant 1 : i32
    scf.for %scan3A_138 = %scan3A to %scan3A_1 step %scan3A_2  : i32 {
      %mul3A_139 = arith.constant 1 : i32
      %mul3A_140 = arith.muli %scan3A_138, %mul3A_139 : i32
      %add3A_141 = arith.constant 0 : i32
      %add3A_142 = arith.addi %add3A_141, %mul3A_140 : i32
      %broadcast_in_dim3A = arith.constant 0.000000e+00 : f32
      %broadcast_in_dim3A_143 = vector.broadcast %broadcast_in_dim3A : f32 to vector<16xf32>
      %swap3A_144 = arith.index_cast %add3A_142 : i32 to index
      %swap3A_145 = arith.constant 0 : index
      %swap3A_146 = tpu.vector_load %arg10[%swap3A_144, %swap3A_145] {strides = array<i32>} : memref<128x128xf32, #tpu.memory_space<vmem>>, vector<1x16xf32>,
      %swap3A_147 = vector.shape_cast %swap3A_146 : vector<1x16xf32> to vector<16xf32>
      %swap3A_148 = vector.shape_cast %broadcast_in_dim3A_143 : vector<16xf32> to vector<1x16xf32>
      tpu.vector_store %arg10[%swap3A_144, %swap3A_145], %swap3A_148 {strides = array<i32>} : memref<128x128xf32, #tpu.memory_space<vmem>>, vector<1x16xf32>,
      %broadcast_in_dim3A_149 = arith.constant 0.000000e+00 : f32
      %broadcast_in_dim3A_150 = vector.broadcast %broadcast_in_dim3A_149 : f32 to vector<16xf32>
      %swap3A_151 = arith.index_cast %add3A_142 : i32 to index
      %swap3A_152 = arith.constant 16 : index
      %swap3A_153 = tpu.vector_load %arg10[%swap3A_151, %swap3A_152] {strides = array<i32>} : memref<128x128xf32, #tpu.memory_space<vmem>>, vector<1x16xf32>,
      %swap3A_154 = vector.shape_cast %swap3A_153 : vector<1x16xf32> to vector<16xf32>
      %swap3A_155 = vector.shape_cast %broadcast_in_dim3A_150 : vector<16xf32> to vector<1x16xf32>
      tpu.vector_store %arg10[%swap3A_151, %swap3A_152], %swap3A_155 {strides = array<i32>} : memref<128x128xf32, #tpu.memory_space<vmem>>, vector<1x16xf32>,
      %broadcast_in_dim3A_156 = arith.constant 0.000000e+00 : f32
      %broadcast_in_dim3A_157 = vector.broadcast %broadcast_in_dim3A_156 : f32 to vector<16xf32>
      %swap3A_158 = arith.index_cast %add3A_142 : i32 to index
      %swap3A_159 = arith.constant 32 : index
      %swap3A_160 = tpu.vector_load %arg10[%swap3A_158, %swap3A_159] {strides = array<i32>} : memref<128x128xf32, #tpu.memory_space<vmem>>, vector<1x16xf32>,
      %swap3A_161 = vector.shape_cast %swap3A_160 : vector<1x16xf32> to vector<16xf32>
      %swap3A_162 = vector.shape_cast %broadcast_in_dim3A_157 : vector<16xf32> to vector<1x16xf32>
      tpu.vector_store %arg10[%swap3A_158, %swap3A_159], %swap3A_162 {strides = array<i32>} : memref<128x128xf32, #tpu.memory_space<vmem>>, vector<1x16xf32>,
      %broadcast_in_dim3A_163 = arith.constant 0.000000e+00 : f32
      %broadcast_in_dim3A_164 = vector.broadcast %broadcast_in_dim3A_163 : f32 to vector<16xf32>
      %swap3A_165 = arith.index_cast %add3A_142 : i32 to index
      %swap3A_166 = arith.constant 48 : index
      %swap3A_167 = tpu.vector_load %arg10[%swap3A_165, %swap3A_166] {strides = array<i32>} : memref<128x128xf32, #tpu.memory_space<vmem>>, vector<1x16xf32>,
      %swap3A_168 = vector.shape_cast %swap3A_167 : vector<1x16xf32> to vector<16xf32>
      %swap3A_169 = vector.shape_cast %broadcast_in_dim3A_164 : vector<16xf32> to vector<1x16xf32>
      tpu.vector_store %arg10[%swap3A_165, %swap3A_166], %swap3A_169 {strides = array<i32>} : memref<128x128xf32, #tpu.memory_space<vmem>>, vector<1x16xf32>,
      %broadcast_in_dim3A_170 = arith.constant 0.000000e+00 : f32
      %broadcast_in_dim3A_171 = vector.broadcast %broadcast_in_dim3A_170 : f32 to vector<16xf32>
      %swap3A_172 = arith.index_cast %add3A_142 : i32 to index
      %swap3A_173 = arith.constant 64 : index
      %swap3A_174 = tpu.vector_load %arg10[%swap3A_172, %swap3A_173] {strides = array<i32>} : memref<128x128xf32, #tpu.memory_space<vmem>>, vector<1x16xf32>,
      %swap3A_175 = vector.shape_cast %swap3A_174 : vector<1x16xf32> to vector<16xf32>
      %swap3A_176 = vector.shape_cast %broadcast_in_dim3A_171 : vector<16xf32> to vector<1x16xf32>
      tpu.vector_store %arg10[%swap3A_172, %swap3A_173], %swap3A_176 {strides = array<i32>} : memref<128x128xf32, #tpu.memory_space<vmem>>, vector<1x16xf32>,
      %broadcast_in_dim3A_177 = arith.constant 0.000000e+00 : f32
      %broadcast_in_dim3A_178 = vector.broadcast %broadcast_in_dim3A_177 : f32 to vector<16xf32>
      %swap3A_179 = arith.index_cast %add3A_142 : i32 to index
      %swap3A_180 = arith.constant 80 : index
      %swap3A_181 = tpu.vector_load %arg10[%swap3A_179, %swap3A_180] {strides = array<i32>} : memref<128x128xf32, #tpu.memory_space<vmem>>, vector<1x16xf32>,
      %swap3A_182 = vector.shape_cast %swap3A_181 : vector<1x16xf32> to vector<16xf32>
      %swap3A_183 = vector.shape_cast %broadcast_in_dim3A_178 : vector<16xf32> to vector<1x16xf32>
      tpu.vector_store %arg10[%swap3A_179, %swap3A_180], %swap3A_183 {strides = array<i32>} : memref<128x128xf32, #tpu.memory_space<vmem>>, vector<1x16xf32>,
      %broadcast_in_dim3A_184 = arith.constant 0.000000e+00 : f32
      %broadcast_in_dim3A_185 = vector.broadcast %broadcast_in_dim3A_184 : f32 to vector<16xf32>
      %swap3A_186 = arith.index_cast %add3A_142 : i32 to index
      %swap3A_187 = arith.constant 96 : index
      %swap3A_188 = tpu.vector_load %arg10[%swap3A_186, %swap3A_187] {strides = array<i32>} : memref<128x128xf32, #tpu.memory_space<vmem>>, vector<1x16xf32>,
      %swap3A_189 = vector.shape_cast %swap3A_188 : vector<1x16xf32> to vector<16xf32>
      %swap3A_190 = vector.shape_cast %broadcast_in_dim3A_185 : vector<16xf32> to vector<1x16xf32>
      tpu.vector_store %arg10[%swap3A_186, %swap3A_187], %swap3A_190 {strides = array<i32>} : memref<128x128xf32, #tpu.memory_space<vmem>>, vector<1x16xf32>,
      %broadcast_in_dim3A_191 = arith.constant 0.000000e+00 : f32
      %broadcast_in_dim3A_192 = vector.broadcast %broadcast_in_dim3A_191 : f32 to vector<16xf32>
      %swap3A_193 = arith.index_cast %add3A_142 : i32 to index
      %swap3A_194 = arith.constant 112 : index
      %swap3A_195 = tpu.vector_load %arg10[%swap3A_193, %swap3A_194] {strides = array<i32>} : memref<128x128xf32, #tpu.memory_space<vmem>>, vector<1x16xf32>,
      %swap3A_196 = vector.shape_cast %swap3A_195 : vector<1x16xf32> to vector<16xf32>
      %swap3A_197 = vector.shape_cast %broadcast_in_dim3A_192 : vector<16xf32> to vector<1x16xf32>
      tpu.vector_store %arg10[%swap3A_193, %swap3A_194], %swap3A_197 {strides = array<i32>} : memref<128x128xf32, #tpu.memory_space<vmem>>, vector<1x16xf32>,
    }
    %scan3A_3 = arith.constant 128 : i32
    %mul3A = arith.constant 640 : i32
    %mul3A_4 = arith.muli %arg0, %mul3A : i32
    %mul3A_5 = arith.constant 40 : i32
    %mul3A_6 = arith.muli %arg1, %mul3A_5 : i32
    %add3A = arith.addi %mul3A_4, %mul3A_6 : i32
    %dma_start3A = arith.constant 0 : i32
    %dma_start3A_7 = arith.constant 0 : i32
    %dma_start3A_8 = tpu.memref_slice %arg3[%dma_start3A, %add3A, %dma_start3A_7] : memref<2x1280x128xi32, #tpu.memory_space<hbm>> -> memref<1x40x128xi32, #tpu.memory_space<hbm>>
    %dma_start3A_9 = tpu.memref_squeeze %dma_start3A_8 : memref<1x40x128xi32, #tpu.memory_space<hbm>> -> memref<40x128xi32, #tpu.memory_space<hbm>>
    %dma_start3A_10 = arith.constant 0 : i32
    %dma_start3A_11 = tpu.memref_slice %arg3[%dma_start3A, %add3A, %dma_start3A_10] : memref<2x1280x128xi32, #tpu.memory_space<hbm>> -> memref<1x40x128xi32, #tpu.memory_space<hbm>>
    %dma_start3A_12 = tpu.memref_squeeze %dma_start3A_11 : memref<1x40x128xi32, #tpu.memory_space<hbm>> -> memref<40x128xi32, #tpu.memory_space<hbm>>
    tpu.enqueue_dma source(%dma_start3A_12 : memref<40x128xi32, #tpu.memory_space<hbm>>) target(%arg5 : memref<40x128xi32, #tpu.memory_space<vmem>>) target_semaphore(%arg13 : memref<!tpu.dma_semaphore, #tpu.memory_space<semaphore_mem>>)
    %dma_start3A_13 = arith.constant 1 : i32
    %dma_start3A_14 = arith.constant 0 : i32
    %dma_start3A_15 = tpu.memref_slice %arg3[%dma_start3A_13, %add3A, %dma_start3A_14] : memref<2x1280x128xi32, #tpu.memory_space<hbm>> -> memref<1x40x128xi32, #tpu.memory_space<hbm>>
    %dma_start3A_16 = tpu.memref_squeeze %dma_start3A_15 : memref<1x40x128xi32, #tpu.memory_space<hbm>> -> memref<40x128xi32, #tpu.memory_space<hbm>>
    %dma_start3A_17 = arith.constant 0 : i32
    %dma_start3A_18 = tpu.memref_slice %arg3[%dma_start3A_13, %add3A, %dma_start3A_17] : memref<2x1280x128xi32, #tpu.memory_space<hbm>> -> memref<1x40x128xi32, #tpu.memory_space<hbm>>
    %dma_start3A_19 = tpu.memref_squeeze %dma_start3A_18 : memref<1x40x128xi32, #tpu.memory_space<hbm>> -> memref<40x128xi32, #tpu.memory_space<hbm>>
    tpu.enqueue_dma source(%dma_start3A_19 : memref<40x128xi32, #tpu.memory_space<hbm>>) target(%arg6 : memref<40x128xi32, #tpu.memory_space<vmem>>) target_semaphore(%arg14 : memref<!tpu.dma_semaphore, #tpu.memory_space<semaphore_mem>>)
    %mul3A_20 = arith.constant 632 : i32
    %mul3A_21 = arith.muli %arg1, %mul3A_20 : i32
    %add3A_22 = arith.constant 0 : i32
    %add3A_23 = arith.addi %mul3A_21, %add3A_22 : i32
    "tpu.region"() ({
      %run_scoped3A = tpu.sem_alloc : memref<!tpu.dma_semaphore, #tpu.memory_space<semaphore_mem>>
      %dma_start3A_138 = arith.constant 0 : i32
      %dma_start3A_139 = tpu.memref_slice %arg12[%add3A_23, %dma_start3A_138] : memref<10112x128xf32, #tpu.memory_space<vmem_shared>> -> memref<128x128xf32, #tpu.memory_space<vmem_shared>>
      %dma_start3A_140 = arith.constant 0 : i32
      %dma_start3A_141 = tpu.memref_slice %arg12[%add3A_23, %dma_start3A_140] : memref<10112x128xf32, #tpu.memory_space<vmem_shared>> -> memref<128x128xf32, #tpu.memory_space<vmem_shared>>
      tpu.enqueue_dma source(%arg10 : memref<128x128xf32, #tpu.memory_space<vmem>>) target(%dma_start3A_141 : memref<128x128xf32, #tpu.memory_space<vmem_shared>>) target_semaphore(%run_scoped3A : memref<!tpu.dma_semaphore, #tpu.memory_space<semaphore_mem>>)
      %dma_wait3A_142 = arith.constant 0 : i32
      %dma_wait3A_143 = tpu.memref_slice %arg12[%add3A_23, %dma_wait3A_142] : memref<10112x128xf32, #tpu.memory_space<vmem_shared>> -> memref<128x128xf32, #tpu.memory_space<vmem_shared>>
      %dma_wait3A_144 = arith.constant 0 : i32
      %dma_wait3A_145 = tpu.memref_slice %arg12[%add3A_23, %dma_wait3A_144] : memref<10112x128xf32, #tpu.memory_space<vmem_shared>> -> memref<128x128xf32, #tpu.memory_space<vmem_shared>>
      tpu.wait_dma2 semaphore(%run_scoped3A : memref<!tpu.dma_semaphore, #tpu.memory_space<semaphore_mem>>) src(%arg10 : memref<128x128xf32, #tpu.memory_space<vmem>>) dst(%dma_wait3A_145 : memref<128x128xf32, #tpu.memory_space<vmem_shared>>)
      tpu.yield
    }) : () -> ()
    %mul3A_24 = arith.constant 632 : i32
    %mul3A_25 = arith.muli %arg1, %mul3A_24 : i32
    %add3A_26 = arith.constant 128 : i32
    %add3A_27 = arith.addi %mul3A_25, %add3A_26 : i32
    "tpu.region"() ({
      %run_scoped3A = tpu.sem_alloc : memref<!tpu.dma_semaphore, #tpu.memory_space<semaphore_mem>>
      %dma_start3A_138 = arith.constant 0 : i32
      %dma_start3A_139 = tpu.memref_slice %arg12[%add3A_27, %dma_start3A_138] : memref<10112x128xf32, #tpu.memory_space<vmem_shared>> -> memref<128x128xf32, #tpu.memory_space<vmem_shared>>
      %dma_start3A_140 = arith.constant 0 : i32
      %dma_start3A_141 = tpu.memref_slice %arg12[%add3A_27, %dma_start3A_140] : memref<10112x128xf32, #tpu.memory_space<vmem_shared>> -> memref<128x128xf32, #tpu.memory_space<vmem_shared>>
      tpu.enqueue_dma source(%arg10 : memref<128x128xf32, #tpu.memory_space<vmem>>) target(%dma_start3A_141 : memref<128x128xf32, #tpu.memory_space<vmem_shared>>) target_semaphore(%run_scoped3A : memref<!tpu.dma_semaphore, #tpu.memory_space<semaphore_mem>>)
      %dma_wait3A_142 = arith.constant 0 : i32
      %dma_wait3A_143 = tpu.memref_slice %arg12[%add3A_27, %dma_wait3A_142] : memref<10112x128xf32, #tpu.memory_space<vmem_shared>> -> memref<128x128xf32, #tpu.memory_space<vmem_shared>>
      %dma_wait3A_144 = arith.constant 0 : i32
      %dma_wait3A_145 = tpu.memref_slice %arg12[%add3A_27, %dma_wait3A_144] : memref<10112x128xf32, #tpu.memory_space<vmem_shared>> -> memref<128x128xf32, #tpu.memory_space<vmem_shared>>
      tpu.wait_dma2 semaphore(%run_scoped3A : memref<!tpu.dma_semaphore, #tpu.memory_space<semaphore_mem>>) src(%arg10 : memref<128x128xf32, #tpu.memory_space<vmem>>) dst(%dma_wait3A_145 : memref<128x128xf32, #tpu.memory_space<vmem_shared>>)
      tpu.yield
    }) : () -> ()
    %mul3A_28 = arith.constant 632 : i32
    %mul3A_29 = arith.muli %arg1, %mul3A_28 : i32
    %add3A_30 = arith.constant 256 : i32
    %add3A_31 = arith.addi %mul3A_29, %add3A_30 : i32
    "tpu.region"() ({
      %run_scoped3A = tpu.sem_alloc : memref<!tpu.dma_semaphore, #tpu.memory_space<semaphore_mem>>
      %dma_start3A_138 = arith.constant 0 : i32
      %dma_start3A_139 = tpu.memref_slice %arg12[%add3A_31, %dma_start3A_138] : memref<10112x128xf32, #tpu.memory_space<vmem_shared>> -> memref<128x128xf32, #tpu.memory_space<vmem_shared>>
      %dma_start3A_140 = arith.constant 0 : i32
      %dma_start3A_141 = tpu.memref_slice %arg12[%add3A_31, %dma_start3A_140] : memref<10112x128xf32, #tpu.memory_space<vmem_shared>> -> memref<128x128xf32, #tpu.memory_space<vmem_shared>>
      tpu.enqueue_dma source(%arg10 : memref<128x128xf32, #tpu.memory_space<vmem>>) target(%dma_start3A_141 : memref<128x128xf32, #tpu.memory_space<vmem_shared>>) target_semaphore(%run_scoped3A : memref<!tpu.dma_semaphore, #tpu.memory_space<semaphore_mem>>)
      %dma_wait3A_142 = arith.constant 0 : i32
      %dma_wait3A_143 = tpu.memref_slice %arg12[%add3A_31, %dma_wait3A_142] : memref<10112x128xf32, #tpu.memory_space<vmem_shared>> -> memref<128x128xf32, #tpu.memory_space<vmem_shared>>
      %dma_wait3A_144 = arith.constant 0 : i32
      %dma_wait3A_145 = tpu.memref_slice %arg12[%add3A_31, %dma_wait3A_144] : memref<10112x128xf32, #tpu.memory_space<vmem_shared>> -> memref<128x128xf32, #tpu.memory_space<vmem_shared>>
      tpu.wait_dma2 semaphore(%run_scoped3A : memref<!tpu.dma_semaphore, #tpu.memory_space<semaphore_mem>>) src(%arg10 : memref<128x128xf32, #tpu.memory_space<vmem>>) dst(%dma_wait3A_145 : memref<128x128xf32, #tpu.memory_space<vmem_shared>>)
      tpu.yield
    }) : () -> ()
    %mul3A_32 = arith.constant 632 : i32
    %mul3A_33 = arith.muli %arg1, %mul3A_32 : i32
    %add3A_34 = arith.constant 384 : i32
    %add3A_35 = arith.addi %mul3A_33, %add3A_34 : i32
    "tpu.region"() ({
      %run_scoped3A = tpu.sem_alloc : memref<!tpu.dma_semaphore, #tpu.memory_space<semaphore_mem>>
      %dma_start3A_138 = arith.constant 0 : i32
      %dma_start3A_139 = tpu.memref_slice %arg12[%add3A_35, %dma_start3A_138] : memref<10112x128xf32, #tpu.memory_space<vmem_shared>> -> memref<128x128xf32, #tpu.memory_space<vmem_shared>>
      %dma_start3A_140 = arith.constant 0 : i32
      %dma_start3A_141 = tpu.memref_slice %arg12[%add3A_35, %dma_start3A_140] : memref<10112x128xf32, #tpu.memory_space<vmem_shared>> -> memref<128x128xf32, #tpu.memory_space<vmem_shared>>
      tpu.enqueue_dma source(%arg10 : memref<128x128xf32, #tpu.memory_space<vmem>>) target(%dma_start3A_141 : memref<128x128xf32, #tpu.memory_space<vmem_shared>>) target_semaphore(%run_scoped3A : memref<!tpu.dma_semaphore, #tpu.memory_space<semaphore_mem>>)
      %dma_wait3A_142 = arith.constant 0 : i32
      %dma_wait3A_143 = tpu.memref_slice %arg12[%add3A_35, %dma_wait3A_142] : memref<10112x128xf32, #tpu.memory_space<vmem_shared>> -> memref<128x128xf32, #tpu.memory_space<vmem_shared>>
      %dma_wait3A_144 = arith.constant 0 : i32
      %dma_wait3A_145 = tpu.memref_slice %arg12[%add3A_35, %dma_wait3A_144] : memref<10112x128xf32, #tpu.memory_space<vmem_shared>> -> memref<128x128xf32, #tpu.memory_space<vmem_shared>>
      tpu.wait_dma2 semaphore(%run_scoped3A : memref<!tpu.dma_semaphore, #tpu.memory_space<semaphore_mem>>) src(%arg10 : memref<128x128xf32, #tpu.memory_space<vmem>>) dst(%dma_wait3A_145 : memref<128x128xf32, #tpu.memory_space<vmem_shared>>)
      tpu.yield
    }) : () -> ()
    %mul3A_36 = arith.constant 632 : i32
    %mul3A_37 = arith.muli %arg1, %mul3A_36 : i32
    %add3A_38 = arith.constant 512 : i32
    %add3A_39 = arith.addi %mul3A_37, %add3A_38 : i32
    "tpu.region"() ({
      %run_scoped3A = tpu.sem_alloc : memref<!tpu.dma_semaphore, #tpu.memory_space<semaphore_mem>>
      %dma_start3A_138 = arith.constant 0 : i32
      %dma_start3A_139 = arith.constant 0 : i32
      %dma_start3A_140 = tpu.memref_slice %arg10[%dma_start3A_138, %dma_start3A_139] : memref<128x128xf32, #tpu.memory_space<vmem>> -> memref<120x128xf32, #tpu.memory_space<vmem>>
      %dma_start3A_141 = arith.constant 0 : i32
      %dma_start3A_142 = tpu.memref_slice %arg12[%add3A_39, %dma_start3A_141] : memref<10112x128xf32, #tpu.memory_space<vmem_shared>> -> memref<120x128xf32, #tpu.memory_space<vmem_shared>>
      %dma_start3A_143 = arith.constant 0 : i32
      %dma_start3A_144 = tpu.memref_slice %arg12[%add3A_39, %dma_start3A_143] : memref<10112x128xf32, #tpu.memory_space<vmem_shared>> -> memref<120x128xf32, #tpu.memory_space<vmem_shared>>
      %dma_start3A_145 = arith.constant 0 : i32
      %dma_start3A_146 = arith.constant 0 : i32
      %dma_start3A_147 = tpu.memref_slice %arg10[%dma_start3A_145, %dma_start3A_146] : memref<128x128xf32, #tpu.memory_space<vmem>> -> memref<120x128xf32, #tpu.memory_space<vmem>>
      tpu.enqueue_dma source(%dma_start3A_147 : memref<120x128xf32, #tpu.memory_space<vmem>>) target(%dma_start3A_144 : memref<120x128xf32, #tpu.memory_space<vmem_shared>>) target_semaphore(%run_scoped3A : memref<!tpu.dma_semaphore, #tpu.memory_space<semaphore_mem>>)
      %dma_wait3A_148 = arith.constant 0 : i32
      %dma_wait3A_149 = arith.constant 0 : i32
      %dma_wait3A_150 = tpu.memref_slice %arg10[%dma_wait3A_148, %dma_wait3A_149] : memref<128x128xf32, #tpu.memory_space<vmem>> -> memref<120x128xf32, #tpu.memory_space<vmem>>
      %dma_wait3A_151 = arith.constant 0 : i32
      %dma_wait3A_152 = tpu.memref_slice %arg12[%add3A_39, %dma_wait3A_151] : memref<10112x128xf32, #tpu.memory_space<vmem_shared>> -> memref<120x128xf32, #tpu.memory_space<vmem_shared>>
      %dma_wait3A_153 = arith.constant 0 : i32
      %dma_wait3A_154 = tpu.memref_slice %arg12[%add3A_39, %dma_wait3A_153] : memref<10112x128xf32, #tpu.memory_space<vmem_shared>> -> memref<120x128xf32, #tpu.memory_space<vmem_shared>>
      %dma_wait3A_155 = arith.constant 0 : i32
      %dma_wait3A_156 = arith.constant 0 : i32
      %dma_wait3A_157 = tpu.memref_slice %arg10[%dma_wait3A_155, %dma_wait3A_156] : memref<128x128xf32, #tpu.memory_space<vmem>> -> memref<120x128xf32, #tpu.memory_space<vmem>>
      tpu.wait_dma2 semaphore(%run_scoped3A : memref<!tpu.dma_semaphore, #tpu.memory_space<semaphore_mem>>) src(%dma_wait3A_157 : memref<120x128xf32, #tpu.memory_space<vmem>>) dst(%dma_wait3A_154 : memref<120x128xf32, #tpu.memory_space<vmem_shared>>)
      tpu.yield
    }) : () -> ()
    %dma_wait3A = arith.constant 0 : i32
    %dma_wait3A_40 = arith.constant 0 : i32
    %dma_wait3A_41 = tpu.memref_slice %arg3[%dma_wait3A, %add3A, %dma_wait3A_40] : memref<2x1280x128xi32, #tpu.memory_space<hbm>> -> memref<1x40x128xi32, #tpu.memory_space<hbm>>
    %dma_wait3A_42 = tpu.memref_squeeze %dma_wait3A_41 : memref<1x40x128xi32, #tpu.memory_space<hbm>> -> memref<40x128xi32, #tpu.memory_space<hbm>>
    %dma_wait3A_43 = arith.constant 0 : i32
    %dma_wait3A_44 = tpu.memref_slice %arg3[%dma_wait3A, %add3A, %dma_wait3A_43] : memref<2x1280x128xi32, #tpu.memory_space<hbm>> -> memref<1x40x128xi32, #tpu.memory_space<hbm>>
    %dma_wait3A_45 = tpu.memref_squeeze %dma_wait3A_44 : memref<1x40x128xi32, #tpu.memory_space<hbm>> -> memref<40x128xi32, #tpu.memory_space<hbm>>
    tpu.wait_dma2 semaphore(%arg13 : memref<!tpu.dma_semaphore, #tpu.memory_space<semaphore_mem>>) src(%dma_wait3A_45 : memref<40x128xi32, #tpu.memory_space<hbm>>) dst(%arg5 : memref<40x128xi32, #tpu.memory_space<vmem>>)
    %dma_wait3A_46 = arith.constant 1 : i32
    %dma_wait3A_47 = arith.constant 0 : i32
    %dma_wait3A_48 = tpu.memref_slice %arg3[%dma_wait3A_46, %add3A, %dma_wait3A_47] : memref<2x1280x128xi32, #tpu.memory_space<hbm>> -> memref<1x40x128xi32, #tpu.memory_space<hbm>>
    %dma_wait3A_49 = tpu.memref_squeeze %dma_wait3A_48 : memref<1x40x128xi32, #tpu.memory_space<hbm>> -> memref<40x128xi32, #tpu.memory_space<hbm>>
    %dma_wait3A_50 = arith.constant 0 : i32
    %dma_wait3A_51 = tpu.memref_slice %arg3[%dma_wait3A_46, %add3A, %dma_wait3A_50] : memref<2x1280x128xi32, #tpu.memory_space<hbm>> -> memref<1x40x128xi32, #tpu.memory_space<hbm>>
    %dma_wait3A_52 = tpu.memref_squeeze %dma_wait3A_51 : memref<1x40x128xi32, #tpu.memory_space<hbm>> -> memref<40x128xi32, #tpu.memory_space<hbm>>
    tpu.wait_dma2 semaphore(%arg14 : memref<!tpu.dma_semaphore, #tpu.memory_space<semaphore_mem>>) src(%dma_wait3A_52 : memref<40x128xi32, #tpu.memory_space<hbm>>) dst(%arg6 : memref<40x128xi32, #tpu.memory_space<vmem>>)
    %barrier3A = arith.constant 0 : index
    tpu.barrier barrier_id(%barrier3A)
    %get3A = arith.constant 0 : i32
    %get3A_53 = arith.index_cast %get3A : i32 to index
    %get3A_54 = arith.constant 0 : index
    %get3A_55 = tpu.vector_load %arg5[%get3A_53, %get3A_54] {strides = array<i32>} : memref<40x128xi32, #tpu.memory_space<vmem>>, vector<1x16xi32>,
    %get3A_56 = vector.shape_cast %get3A_55 : vector<1x16xi32> to vector<16xi32>
    %and3A = arith.constant 65535 : i32
    %and3A_57 = vector.broadcast %and3A : i32 to vector<16xi32>
    %and3A_58 = arith.andi %get3A_56, %and3A_57 : vector<16xi32>
    %swap3A = arith.constant 0 : index
    %swap3A_59 = tpu.vector_load %arg7[%swap3A] {strides = array<i32>} : memref<128xi32, #tpu.memory_space<vmem>>, vector<16xi32>,
    %swap3A_60 = vector.shape_cast %swap3A_59 : vector<16xi32> to vector<16xi32>
    %swap3A_61 = vector.shape_cast %and3A_58 : vector<16xi32> to vector<16xi32>
    tpu.vector_store %arg7[%swap3A], %swap3A_61 {strides = array<i32>} : memref<128xi32, #tpu.memory_space<vmem>>, vector<16xi32>,
    %shift_right_arithmetic3A = arith.constant 16 : i32
    %shift_right_arithmetic3A_62 = vector.broadcast %shift_right_arithmetic3A : i32 to vector<16xi32>
    %shift_right_arithmetic3A_63 = arith.shrsi %get3A_56, %shift_right_arithmetic3A_62 : vector<16xi32>
    %swap3A_64 = arith.constant 64 : index
    %swap3A_65 = tpu.vector_load %arg7[%swap3A_64] {strides = array<i32>} : memref<128xi32, #tpu.memory_space<vmem>>, vector<16xi32>,
    %swap3A_66 = vector.shape_cast %swap3A_65 : vector<16xi32> to vector<16xi32>
    %swap3A_67 = vector.shape_cast %shift_right_arithmetic3A_63 : vector<16xi32> to vector<16xi32>
    tpu.vector_store %arg7[%swap3A_64], %swap3A_67 {strides = array<i32>} : memref<128xi32, #tpu.memory_space<vmem>>, vector<16xi32>,
    %get3A_68 = arith.constant 0 : i32
    %get3A_69 = arith.index_cast %get3A_68 : i32 to index
    %get3A_70 = arith.constant 16 : index
    %get3A_71 = tpu.vector_load %arg5[%get3A_69, %get3A_70] {strides = array<i32>} : memref<40x128xi32, #tpu.memory_space<vmem>>, vector<1x16xi32>,
    %get3A_72 = vector.shape_cast %get3A_71 : vector<1x16xi32> to vector<16xi32>
    %and3A_73 = arith.constant 65535 : i32
    %and3A_74 = vector.broadcast %and3A_73 : i32 to vector<16xi32>
    %and3A_75 = arith.andi %get3A_72, %and3A_74 : vector<16xi32>
    %swap3A_76 = arith.constant 16 : index
    %swap3A_77 = tpu.vector_load %arg7[%swap3A_76] {strides = array<i32>} : memref<128xi32, #tpu.memory_space<vmem>>, vector<16xi32>,
    %swap3A_78 = vector.shape_cast %swap3A_77 : vector<16xi32> to vector<16xi32>
    %swap3A_79 = vector.shape_cast %and3A_75 : vector<16xi32> to vector<16xi32>
    tpu.vector_store %arg7[%swap3A_76], %swap3A_79 {strides = array<i32>} : memref<128xi32, #tpu.memory_space<vmem>>, vector<16xi32>,
    %shift_right_arithmetic3A_80 = arith.constant 16 : i32
    %shift_right_arithmetic3A_81 = vector.broadcast %shift_right_arithmetic3A_80 : i32 to vector<16xi32>
    %shift_right_arithmetic3A_82 = arith.shrsi %get3A_72, %shift_right_arithmetic3A_81 : vector<16xi32>
    %swap3A_83 = arith.constant 80 : index
    %swap3A_84 = tpu.vector_load %arg7[%swap3A_83] {strides = array<i32>} : memref<128xi32, #tpu.memory_space<vmem>>, vector<16xi32>,
    %swap3A_85 = vector.shape_cast %swap3A_84 : vector<16xi32> to vector<16xi32>
    %swap3A_86 = vector.shape_cast %shift_right_arithmetic3A_82 : vector<16xi32> to vector<16xi32>
    tpu.vector_store %arg7[%swap3A_83], %swap3A_86 {strides = array<i32>} : memref<128xi32, #tpu.memory_space<vmem>>, vector<16xi32>,
    %get3A_87 = arith.constant 0 : i32
    %get3A_88 = arith.index_cast %get3A_87 : i32 to index
    %get3A_89 = arith.constant 32 : index
    %get3A_90 = tpu.vector_load %arg5[%get3A_88, %get3A_89] {strides = array<i32>} : memref<40x128xi32, #tpu.memory_space<vmem>>, vector<1x16xi32>,
    %get3A_91 = vector.shape_cast %get3A_90 : vector<1x16xi32> to vector<16xi32>
    %and3A_92 = arith.constant 65535 : i32
    %and3A_93 = vector.broadcast %and3A_92 : i32 to vector<16xi32>
    %and3A_94 = arith.andi %get3A_91, %and3A_93 : vector<16xi32>
    %swap3A_95 = arith.constant 32 : index
    %swap3A_96 = tpu.vector_load %arg7[%swap3A_95] {strides = array<i32>} : memref<128xi32, #tpu.memory_space<vmem>>, vector<16xi32>,
    %swap3A_97 = vector.shape_cast %swap3A_96 : vector<16xi32> to vector<16xi32>
    %swap3A_98 = vector.shape_cast %and3A_94 : vector<16xi32> to vector<16xi32>
    tpu.vector_store %arg7[%swap3A_95], %swap3A_98 {strides = array<i32>} : memref<128xi32, #tpu.memory_space<vmem>>, vector<16xi32>,
    %shift_right_arithmetic3A_99 = arith.constant 16 : i32
    %shift_right_arithmetic3A_100 = vector.broadcast %shift_right_arithmetic3A_99 : i32 to vector<16xi32>
    %shift_right_arithmetic3A_101 = arith.shrsi %get3A_91, %shift_right_arithmetic3A_100 : vector<16xi32>
    %swap3A_102 = arith.constant 96 : index
    %swap3A_103 = tpu.vector_load %arg7[%swap3A_102] {strides = array<i32>} : memref<128xi32, #tpu.memory_space<vmem>>, vector<16xi32>,
    %swap3A_104 = vector.shape_cast %swap3A_103 : vector<16xi32> to vector<16xi32>
    %swap3A_105 = vector.shape_cast %shift_right_arithmetic3A_101 : vector<16xi32> to vector<16xi32>
    tpu.vector_store %arg7[%swap3A_102], %swap3A_105 {strides = array<i32>} : memref<128xi32, #tpu.memory_space<vmem>>, vector<16xi32>,
    %get3A_106 = arith.constant 0 : i32
    %get3A_107 = arith.index_cast %get3A_106 : i32 to index
    %get3A_108 = arith.constant 48 : index
    %get3A_109 = tpu.vector_load %arg5[%get3A_107, %get3A_108] {strides = array<i32>} : memref<40x128xi32, #tpu.memory_space<vmem>>, vector<1x16xi32>,
    %get3A_110 = vector.shape_cast %get3A_109 : vector<1x16xi32> to vector<16xi32>
    %and3A_111 = arith.constant 65535 : i32
    %and3A_112 = vector.broadcast %and3A_111 : i32 to vector<16xi32>
    %and3A_113 = arith.andi %get3A_110, %and3A_112 : vector<16xi32>
    %swap3A_114 = arith.constant 48 : index
    %swap3A_115 = tpu.vector_load %arg7[%swap3A_114] {strides = array<i32>} : memref<128xi32, #tpu.memory_space<vmem>>, vector<16xi32>,
    %swap3A_116 = vector.shape_cast %swap3A_115 : vector<16xi32> to vector<16xi32>
    %swap3A_117 = vector.shape_cast %and3A_113 : vector<16xi32> to vector<16xi32>
    tpu.vector_store %arg7[%swap3A_114], %swap3A_117 {strides = array<i32>} : memref<128xi32, #tpu.memory_space<vmem>>, vector<16xi32>,
    %shift_right_arithmetic3A_118 = arith.constant 16 : i32
    %shift_right_arithmetic3A_119 = vector.broadcast %shift_right_arithmetic3A_118 : i32 to vector<16xi32>
    %shift_right_arithmetic3A_120 = arith.shrsi %get3A_110, %shift_right_arithmetic3A_119 : vector<16xi32>
    %swap3A_121 = arith.constant 112 : index
    %swap3A_122 = tpu.vector_load %arg7[%swap3A_121] {strides = array<i32>} : memref<128xi32, #tpu.memory_space<vmem>>, vector<16xi32>,
    %swap3A_123 = vector.shape_cast %swap3A_122 : vector<16xi32> to vector<16xi32>
    %swap3A_124 = vector.shape_cast %shift_right_arithmetic3A_120 : vector<16xi32> to vector<16xi32>
    tpu.vector_store %arg7[%swap3A_121], %swap3A_124 {strides = array<i32>} : memref<128xi32, #tpu.memory_space<vmem>>, vector<16xi32>,
    %dma_start3A_125 = arith.constant 0 : i32
    %dma_start3A_126 = arith.constant 0 : i32
    %dma_start3A_127 = tpu.memref_slice %arg2[%dma_start3A_125, %dma_start3A_126] : memref<10112x128xf32, #tpu.memory_space<hbm>> -> memref<10112x128xf32, #tpu.memory_space<hbm>>
    tpu.enqueue_indirect_dma source(%dma_start3A_127 : memref<10112x128xf32, #tpu.memory_space<hbm>>) target(%arg10 : memref<128x128xf32, #tpu.memory_space<vmem>>) offsets(%arg7 : memref<128xi32, #tpu.memory_space<vmem>>) semaphore(%arg13 : memref<!tpu.dma_semaphore, #tpu.memory_space<semaphore_mem>>)
    %scan3A_128 = arith.constant 0 : i32
    %scan3A_129 = arith.constant 40 : i32
    %scan3A_130 = arith.addi %scan3A_128, %scan3A_129 : i32
    %scan3A_131 = arith.constant 1 : i32
    scf.for %scan3A_138 = %scan3A_128 to %scan3A_130 step %scan3A_131  : i32 {
      %mul3A_139 = arith.constant 1 : i32
      %mul3A_140 = arith.muli %scan3A_138, %mul3A_139 : i32
      %add3A_141 = arith.constant 0 : i32
      %add3A_142 = arith.addi %add3A_141, %mul3A_140 : i32
      %get3A_143 = arith.index_cast %add3A_142 : i32 to index
      %get3A_144 = arith.constant 64 : index
      %get3A_145 = tpu.vector_load %arg5[%get3A_143, %get3A_144] {strides = array<i32>} : memref<40x128xi32, #tpu.memory_space<vmem>>, vector<1x16xi32>,
      %get3A_146 = vector.shape_cast %get3A_145 : vector<1x16xi32> to vector<16xi32>
      %and3A_147 = arith.constant 65535 : i32
      %and3A_148 = vector.broadcast %and3A_147 : i32 to vector<16xi32>
      %and3A_149 = arith.andi %get3A_146, %and3A_148 : vector<16xi32>
      %swap3A_150 = arith.constant 0 : index
      %swap3A_151 = tpu.vector_load %arg8[%swap3A_150] {strides = array<i32>} : memref<128xi32, #tpu.memory_space<vmem>>, vector<16xi32>,
      %swap3A_152 = vector.shape_cast %swap3A_151 : vector<16xi32> to vector<16xi32>
      %swap3A_153 = vector.shape_cast %and3A_149 : vector<16xi32> to vector<16xi32>
      tpu.vector_store %arg8[%swap3A_150], %swap3A_153 {strides = array<i32>} : memref<128xi32, #tpu.memory_space<vmem>>, vector<16xi32>,
      %shift_right_arithmetic3A_154 = arith.constant 16 : i32
      %shift_right_arithmetic3A_155 = vector.broadcast %shift_right_arithmetic3A_154 : i32 to vector<16xi32>
      %shift_right_arithmetic3A_156 = arith.shrsi %get3A_146, %shift_right_arithmetic3A_155 : vector<16xi32>
      %swap3A_157 = arith.constant 64 : index
      %swap3A_158 = tpu.vector_load %arg8[%swap3A_157] {strides = array<i32>} : memref<128xi32, #tpu.memory_space<vmem>>, vector<16xi32>,
      %swap3A_159 = vector.shape_cast %swap3A_158 : vector<16xi32> to vector<16xi32>
      %swap3A_160 = vector.shape_cast %shift_right_arithmetic3A_156 : vector<16xi32> to vector<16xi32>
      tpu.vector_store %arg8[%swap3A_157], %swap3A_160 {strides = array<i32>} : memref<128xi32, #tpu.memory_space<vmem>>, vector<16xi32>,
      %get3A_161 = arith.index_cast %add3A_142 : i32 to index
      %get3A_162 = arith.constant 80 : index
      %get3A_163 = tpu.vector_load %arg5[%get3A_161, %get3A_162] {strides = array<i32>} : memref<40x128xi32, #tpu.memory_space<vmem>>, vector<1x16xi32>,
      %get3A_164 = vector.shape_cast %get3A_163 : vector<1x16xi32> to vector<16xi32>
      %and3A_165 = arith.constant 65535 : i32
      %and3A_166 = vector.broadcast %and3A_165 : i32 to vector<16xi32>
      %and3A_167 = arith.andi %get3A_164, %and3A_166 : vector<16xi32>
      %swap3A_168 = arith.constant 16 : index
      %swap3A_169 = tpu.vector_load %arg8[%swap3A_168] {strides = array<i32>} : memref<128xi32, #tpu.memory_space<vmem>>, vector<16xi32>,
      %swap3A_170 = vector.shape_cast %swap3A_169 : vector<16xi32> to vector<16xi32>
      %swap3A_171 = vector.shape_cast %and3A_167 : vector<16xi32> to vector<16xi32>
      tpu.vector_store %arg8[%swap3A_168], %swap3A_171 {strides = array<i32>} : memref<128xi32, #tpu.memory_space<vmem>>, vector<16xi32>,
      %shift_right_arithmetic3A_172 = arith.constant 16 : i32
      %shift_right_arithmetic3A_173 = vector.broadcast %shift_right_arithmetic3A_172 : i32 to vector<16xi32>
      %shift_right_arithmetic3A_174 = arith.shrsi %get3A_164, %shift_right_arithmetic3A_173 : vector<16xi32>
      %swap3A_175 = arith.constant 80 : index
      %swap3A_176 = tpu.vector_load %arg8[%swap3A_175] {strides = array<i32>} : memref<128xi32, #tpu.memory_space<vmem>>, vector<16xi32>,
      %swap3A_177 = vector.shape_cast %swap3A_176 : vector<16xi32> to vector<16xi32>
      %swap3A_178 = vector.shape_cast %shift_right_arithmetic3A_174 : vector<16xi32> to vector<16xi32>
      tpu.vector_store %arg8[%swap3A_175], %swap3A_178 {strides = array<i32>} : memref<128xi32, #tpu.memory_space<vmem>>, vector<16xi32>,
      %get3A_179 = arith.index_cast %add3A_142 : i32 to index
      %get3A_180 = arith.constant 96 : index
      %get3A_181 = tpu.vector_load %arg5[%get3A_179, %get3A_180] {strides = array<i32>} : memref<40x128xi32, #tpu.memory_space<vmem>>, vector<1x16xi32>,
      %get3A_182 = vector.shape_cast %get3A_181 : vector<1x16xi32> to vector<16xi32>
      %and3A_183 = arith.constant 65535 : i32
      %and3A_184 = vector.broadcast %and3A_183 : i32 to vector<16xi32>
      %and3A_185 = arith.andi %get3A_182, %and3A_184 : vector<16xi32>
      %swap3A_186 = arith.constant 32 : index
      %swap3A_187 = tpu.vector_load %arg8[%swap3A_186] {strides = array<i32>} : memref<128xi32, #tpu.memory_space<vmem>>, vector<16xi32>,
      %swap3A_188 = vector.shape_cast %swap3A_187 : vector<16xi32> to vector<16xi32>
      %swap3A_189 = vector.shape_cast %and3A_185 : vector<16xi32> to vector<16xi32>
      tpu.vector_store %arg8[%swap3A_186], %swap3A_189 {strides = array<i32>} : memref<128xi32, #tpu.memory_space<vmem>>, vector<16xi32>,
      %shift_right_arithmetic3A_190 = arith.constant 16 : i32
      %shift_right_arithmetic3A_191 = vector.broadcast %shift_right_arithmetic3A_190 : i32 to vector<16xi32>
      %shift_right_arithmetic3A_192 = arith.shrsi %get3A_182, %shift_right_arithmetic3A_191 : vector<16xi32>
      %swap3A_193 = arith.constant 96 : index
      %swap3A_194 = tpu.vector_load %arg8[%swap3A_193] {strides = array<i32>} : memref<128xi32, #tpu.memory_space<vmem>>, vector<16xi32>,
      %swap3A_195 = vector.shape_cast %swap3A_194 : vector<16xi32> to vector<16xi32>
      %swap3A_196 = vector.shape_cast %shift_right_arithmetic3A_192 : vector<16xi32> to vector<16xi32>
      tpu.vector_store %arg8[%swap3A_193], %swap3A_196 {strides = array<i32>} : memref<128xi32, #tpu.memory_space<vmem>>, vector<16xi32>,
      %get3A_197 = arith.index_cast %add3A_142 : i32 to index
      %get3A_198 = arith.constant 112 : index
      %get3A_199 = tpu.vector_load %arg5[%get3A_197, %get3A_198] {strides = array<i32>} : memref<40x128xi32, #tpu.memory_space<vmem>>, vector<1x16xi32>,
      %get3A_200 = vector.shape_cast %get3A_199 : vector<1x16xi32> to vector<16xi32>
      %and3A_201 = arith.constant 65535 : i32
      %and3A_202 = vector.broadcast %and3A_201 : i32 to vector<16xi32>
      %and3A_203 = arith.andi %get3A_200, %and3A_202 : vector<16xi32>
      %swap3A_204 = arith.constant 48 : index
      %swap3A_205 = tpu.vector_load %arg8[%swap3A_204] {strides = array<i32>} : memref<128xi32, #tpu.memory_space<vmem>>, vector<16xi32>,
      %swap3A_206 = vector.shape_cast %swap3A_205 : vector<16xi32> to vector<16xi32>
      %swap3A_207 = vector.shape_cast %and3A_203 : vector<16xi32> to vector<16xi32>
      tpu.vector_store %arg8[%swap3A_204], %swap3A_207 {strides = array<i32>} : memref<128xi32, #tpu.memory_space<vmem>>, vector<16xi32>,
      %shift_right_arithmetic3A_208 = arith.constant 16 : i32
      %shift_right_arithmetic3A_209 = vector.broadcast %shift_right_arithmetic3A_208 : i32 to vector<16xi32>
      %shift_right_arithmetic3A_210 = arith.shrsi %get3A_200, %shift_right_arithmetic3A_209 : vector<16xi32>
      %swap3A_211 = arith.constant 112 : index
      %swap3A_212 = tpu.vector_load %arg8[%swap3A_211] {strides = array<i32>} : memref<128xi32, #tpu.memory_space<vmem>>, vector<16xi32>,
      %swap3A_213 = vector.shape_cast %swap3A_212 : vector<16xi32> to vector<16xi32>
      %swap3A_214 = vector.shape_cast %shift_right_arithmetic3A_210 : vector<16xi32> to vector<16xi32>
      tpu.vector_store %arg8[%swap3A_211], %swap3A_214 {strides = array<i32>} : memref<128xi32, #tpu.memory_space<vmem>>, vector<16xi32>,
      %dma_start3A_215 = arith.constant 0 : i32
      %dma_start3A_216 = arith.constant 0 : i32
      %dma_start3A_217 = tpu.memref_slice %arg2[%dma_start3A_215, %dma_start3A_216] : memref<10112x128xf32, #tpu.memory_space<hbm>> -> memref<10112x128xf32, #tpu.memory_space<hbm>>
      tpu.enqueue_indirect_dma source(%dma_start3A_217 : memref<10112x128xf32, #tpu.memory_space<hbm>>) target(%arg11 : memref<128x128xf32, #tpu.memory_space<vmem>>) offsets(%arg8 : memref<128xi32, #tpu.memory_space<vmem>>) semaphore(%arg14 : memref<!tpu.dma_semaphore, #tpu.memory_space<semaphore_mem>>)
      %dma_wait3A_218 = arith.constant 0 : i32
      %dma_wait3A_219 = arith.constant 0 : i32
      %dma_wait3A_220 = tpu.memref_slice %arg2[%dma_wait3A_218, %dma_wait3A_219] : memref<10112x128xf32, #tpu.memory_space<hbm>> -> memref<10112x128xf32, #tpu.memory_space<hbm>>
      tpu.wait_indirect_dma semaphore(%arg13 : memref<!tpu.dma_semaphore, #tpu.memory_space<semaphore_mem>>) src(%dma_wait3A_220 : memref<10112x128xf32, #tpu.memory_space<hbm>>) dst(%arg10 : memref<128x128xf32, #tpu.memory_space<vmem>>)
      %get3A_221 = arith.index_cast %add3A_142 : i32 to index
      %get3A_222 = arith.constant 0 : index
      %get3A_223 = tpu.vector_load %arg6[%get3A_221, %get3A_222] {strides = array<i32>} : memref<40x128xi32, #tpu.memory_space<vmem>>, vector<1x16xi32>,
      %get3A_224 = vector.shape_cast %get3A_223 : vector<1x16xi32> to vector<16xi32>
      %and3A_225 = arith.constant 65535 : i32
      %and3A_226 = vector.broadcast %and3A_225 : i32 to vector<16xi32>
      %and3A_227 = arith.andi %get3A_224, %and3A_226 : vector<16xi32>
      %swap3A_228 = arith.constant 0 : index
      %swap3A_229 = tpu.vector_load %arg9[%swap3A_228] {strides = array<i32>} : memref<128xi32, #tpu.memory_space<vmem>>, vector<16xi32>,
      %swap3A_230 = vector.shape_cast %swap3A_229 : vector<16xi32> to vector<16xi32>
      %swap3A_231 = vector.shape_cast %and3A_227 : vector<16xi32> to vector<16xi32>
      tpu.vector_store %arg9[%swap3A_228], %swap3A_231 {strides = array<i32>} : memref<128xi32, #tpu.memory_space<vmem>>, vector<16xi32>,
      %shift_right_arithmetic3A_232 = arith.constant 16 : i32
      %shift_right_arithmetic3A_233 = vector.broadcast %shift_right_arithmetic3A_232 : i32 to vector<16xi32>
      %shift_right_arithmetic3A_234 = arith.shrsi %get3A_224, %shift_right_arithmetic3A_233 : vector<16xi32>
      %swap3A_235 = arith.constant 64 : index
      %swap3A_236 = tpu.vector_load %arg9[%swap3A_235] {strides = array<i32>} : memref<128xi32, #tpu.memory_space<vmem>>, vector<16xi32>,
      %swap3A_237 = vector.shape_cast %swap3A_236 : vector<16xi32> to vector<16xi32>
      %swap3A_238 = vector.shape_cast %shift_right_arithmetic3A_234 : vector<16xi32> to vector<16xi32>
      tpu.vector_store %arg9[%swap3A_235], %swap3A_238 {strides = array<i32>} : memref<128xi32, #tpu.memory_space<vmem>>, vector<16xi32>,
      %get3A_239 = arith.index_cast %add3A_142 : i32 to index
      %get3A_240 = arith.constant 16 : index
      %get3A_241 = tpu.vector_load %arg6[%get3A_239, %get3A_240] {strides = array<i32>} : memref<40x128xi32, #tpu.memory_space<vmem>>, vector<1x16xi32>,
      %get3A_242 = vector.shape_cast %get3A_241 : vector<1x16xi32> to vector<16xi32>
      %and3A_243 = arith.constant 65535 : i32
      %and3A_244 = vector.broadcast %and3A_243 : i32 to vector<16xi32>
      %and3A_245 = arith.andi %get3A_242, %and3A_244 : vector<16xi32>
      %swap3A_246 = arith.constant 16 : index
      %swap3A_247 = tpu.vector_load %arg9[%swap3A_246] {strides = array<i32>} : memref<128xi32, #tpu.memory_space<vmem>>, vector<16xi32>,
      %swap3A_248 = vector.shape_cast %swap3A_247 : vector<16xi32> to vector<16xi32>
      %swap3A_249 = vector.shape_cast %and3A_245 : vector<16xi32> to vector<16xi32>
      tpu.vector_store %arg9[%swap3A_246], %swap3A_249 {strides = array<i32>} : memref<128xi32, #tpu.memory_space<vmem>>, vector<16xi32>,
      %shift_right_arithmetic3A_250 = arith.constant 16 : i32
      %shift_right_arithmetic3A_251 = vector.broadcast %shift_right_arithmetic3A_250 : i32 to vector<16xi32>
      %shift_right_arithmetic3A_252 = arith.shrsi %get3A_242, %shift_right_arithmetic3A_251 : vector<16xi32>
      %swap3A_253 = arith.constant 80 : index
      %swap3A_254 = tpu.vector_load %arg9[%swap3A_253] {strides = array<i32>} : memref<128xi32, #tpu.memory_space<vmem>>, vector<16xi32>,
      %swap3A_255 = vector.shape_cast %swap3A_254 : vector<16xi32> to vector<16xi32>
      %swap3A_256 = vector.shape_cast %shift_right_arithmetic3A_252 : vector<16xi32> to vector<16xi32>
      tpu.vector_store %arg9[%swap3A_253], %swap3A_256 {strides = array<i32>} : memref<128xi32, #tpu.memory_space<vmem>>, vector<16xi32>,
      %get3A_257 = arith.index_cast %add3A_142 : i32 to index
      %get3A_258 = arith.constant 32 : index
      %get3A_259 = tpu.vector_load %arg6[%get3A_257, %get3A_258] {strides = array<i32>} : memref<40x128xi32, #tpu.memory_space<vmem>>, vector<1x16xi32>,
      %get3A_260 = vector.shape_cast %get3A_259 : vector<1x16xi32> to vector<16xi32>
      %and3A_261 = arith.constant 65535 : i32
      %and3A_262 = vector.broadcast %and3A_261 : i32 to vector<16xi32>
      %and3A_263 = arith.andi %get3A_260, %and3A_262 : vector<16xi32>
      %swap3A_264 = arith.constant 32 : index
      %swap3A_265 = tpu.vector_load %arg9[%swap3A_264] {strides = array<i32>} : memref<128xi32, #tpu.memory_space<vmem>>, vector<16xi32>,
      %swap3A_266 = vector.shape_cast %swap3A_265 : vector<16xi32> to vector<16xi32>
      %swap3A_267 = vector.shape_cast %and3A_263 : vector<16xi32> to vector<16xi32>
      tpu.vector_store %arg9[%swap3A_264], %swap3A_267 {strides = array<i32>} : memref<128xi32, #tpu.memory_space<vmem>>, vector<16xi32>,
      %shift_right_arithmetic3A_268 = arith.constant 16 : i32
      %shift_right_arithmetic3A_269 = vector.broadcast %shift_right_arithmetic3A_268 : i32 to vector<16xi32>
      %shift_right_arithmetic3A_270 = arith.shrsi %get3A_260, %shift_right_arithmetic3A_269 : vector<16xi32>
      %swap3A_271 = arith.constant 96 : index
      %swap3A_272 = tpu.vector_load %arg9[%swap3A_271] {strides = array<i32>} : memref<128xi32, #tpu.memory_space<vmem>>, vector<16xi32>,
      %swap3A_273 = vector.shape_cast %swap3A_272 : vector<16xi32> to vector<16xi32>
      %swap3A_274 = vector.shape_cast %shift_right_arithmetic3A_270 : vector<16xi32> to vector<16xi32>
      tpu.vector_store %arg9[%swap3A_271], %swap3A_274 {strides = array<i32>} : memref<128xi32, #tpu.memory_space<vmem>>, vector<16xi32>,
      %get3A_275 = arith.index_cast %add3A_142 : i32 to index
      %get3A_276 = arith.constant 48 : index
      %get3A_277 = tpu.vector_load %arg6[%get3A_275, %get3A_276] {strides = array<i32>} : memref<40x128xi32, #tpu.memory_space<vmem>>, vector<1x16xi32>,
      %get3A_278 = vector.shape_cast %get3A_277 : vector<1x16xi32> to vector<16xi32>
      %and3A_279 = arith.constant 65535 : i32
      %and3A_280 = vector.broadcast %and3A_279 : i32 to vector<16xi32>
      %and3A_281 = arith.andi %get3A_278, %and3A_280 : vector<16xi32>
      %swap3A_282 = arith.constant 48 : index
      %swap3A_283 = tpu.vector_load %arg9[%swap3A_282] {strides = array<i32>} : memref<128xi32, #tpu.memory_space<vmem>>, vector<16xi32>,
      %swap3A_284 = vector.shape_cast %swap3A_283 : vector<16xi32> to vector<16xi32>
      %swap3A_285 = vector.shape_cast %and3A_281 : vector<16xi32> to vector<16xi32>
      tpu.vector_store %arg9[%swap3A_282], %swap3A_285 {strides = array<i32>} : memref<128xi32, #tpu.memory_space<vmem>>, vector<16xi32>,
      %shift_right_arithmetic3A_286 = arith.constant 16 : i32
      %shift_right_arithmetic3A_287 = vector.broadcast %shift_right_arithmetic3A_286 : i32 to vector<16xi32>
      %shift_right_arithmetic3A_288 = arith.shrsi %get3A_278, %shift_right_arithmetic3A_287 : vector<16xi32>
      %swap3A_289 = arith.constant 112 : index
      %swap3A_290 = tpu.vector_load %arg9[%swap3A_289] {strides = array<i32>} : memref<128xi32, #tpu.memory_space<vmem>>, vector<16xi32>,
      %swap3A_291 = vector.shape_cast %swap3A_290 : vector<16xi32> to vector<16xi32>
      %swap3A_292 = vector.shape_cast %shift_right_arithmetic3A_288 : vector<16xi32> to vector<16xi32>
      tpu.vector_store %arg9[%swap3A_289], %swap3A_292 {strides = array<i32>} : memref<128xi32, #tpu.memory_space<vmem>>, vector<16xi32>,
      "tpu.region"() ({
        %run_scoped3A = tpu.sem_alloc : memref<!tpu.dma_semaphore, #tpu.memory_space<semaphore_mem>>
        %dma_start3A_370 = arith.constant 0 : i32
        %dma_start3A_371 = arith.constant 0 : i32
        %dma_start3A_372 = tpu.memref_slice %arg12[%dma_start3A_370, %dma_start3A_371] : memref<10112x128xf32, #tpu.memory_space<vmem_shared>> -> memref<10112x128xf32, #tpu.memory_space<vmem_shared>>
        tpu.enqueue_indirect_dma source(%arg10 : memref<128x128xf32, #tpu.memory_space<vmem>>) target(%dma_start3A_372 : memref<10112x128xf32, #tpu.memory_space<vmem_shared>>) offsets(%arg9 : memref<128xi32, #tpu.memory_space<vmem>>) semaphore(%run_scoped3A : memref<!tpu.dma_semaphore, #tpu.memory_space<semaphore_mem>>) {add = true}
        %dma_wait3A_373 = arith.constant 0 : i32
        %dma_wait3A_374 = arith.constant 0 : i32
        %dma_wait3A_375 = tpu.memref_slice %arg12[%dma_wait3A_373, %dma_wait3A_374] : memref<10112x128xf32, #tpu.memory_space<vmem_shared>> -> memref<10112x128xf32, #tpu.memory_space<vmem_shared>>
        tpu.wait_indirect_dma semaphore(%run_scoped3A : memref<!tpu.dma_semaphore, #tpu.memory_space<semaphore_mem>>) src(%arg10 : memref<128x128xf32, #tpu.memory_space<vmem>>) dst(%dma_wait3A_375 : memref<10112x128xf32, #tpu.memory_space<vmem_shared>>)
        tpu.yield
      }) : () -> ()
      %lt3A = arith.constant 39 : i32
      %lt3A_293 = arith.cmpi slt, %add3A_142, %lt3A : i32
      %convert_element_type3A = arith.extui %lt3A_293 : i1 to i32
      %cond3A = arith.constant 0 : i32
      %cond3A_294 = arith.cmpi ne, %convert_element_type3A, %cond3A : i32
      scf.if %cond3A_294 {
        %add3A_370 = arith.constant 1 : i32
        %add3A_371 = arith.addi %add3A_142, %add3A_370 : i32
        %get3A_372 = arith.index_cast %add3A_371 : i32 to index
        %get3A_373 = arith.constant 0 : index
        %get3A_374 = tpu.vector_load %arg5[%get3A_372, %get3A_373] {strides = array<i32>} : memref<40x128xi32, #tpu.memory_space<vmem>>, vector<1x16xi32>,
        %get3A_375 = vector.shape_cast %get3A_374 : vector<1x16xi32> to vector<16xi32>
        %and3A_376 = arith.constant 65535 : i32
        %and3A_377 = vector.broadcast %and3A_376 : i32 to vector<16xi32>
        %and3A_378 = arith.andi %get3A_375, %and3A_377 : vector<16xi32>
        %swap3A_379 = arith.constant 0 : index
        %swap3A_380 = tpu.vector_load %arg7[%swap3A_379] {strides = array<i32>} : memref<128xi32, #tpu.memory_space<vmem>>, vector<16xi32>,
        %swap3A_381 = vector.shape_cast %swap3A_380 : vector<16xi32> to vector<16xi32>
        %swap3A_382 = vector.shape_cast %and3A_378 : vector<16xi32> to vector<16xi32>
        tpu.vector_store %arg7[%swap3A_379], %swap3A_382 {strides = array<i32>} : memref<128xi32, #tpu.memory_space<vmem>>, vector<16xi32>,
        %shift_right_arithmetic3A_383 = arith.constant 16 : i32
        %shift_right_arithmetic3A_384 = vector.broadcast %shift_right_arithmetic3A_383 : i32 to vector<16xi32>
        %shift_right_arithmetic3A_385 = arith.shrsi %get3A_375, %shift_right_arithmetic3A_384 : vector<16xi32>
        %swap3A_386 = arith.constant 64 : index
        %swap3A_387 = tpu.vector_load %arg7[%swap3A_386] {strides = array<i32>} : memref<128xi32, #tpu.memory_space<vmem>>, vector<16xi32>,
        %swap3A_388 = vector.shape_cast %swap3A_387 : vector<16xi32> to vector<16xi32>
        %swap3A_389 = vector.shape_cast %shift_right_arithmetic3A_385 : vector<16xi32> to vector<16xi32>
        tpu.vector_store %arg7[%swap3A_386], %swap3A_389 {strides = array<i32>} : memref<128xi32, #tpu.memory_space<vmem>>, vector<16xi32>,
        %get3A_390 = arith.index_cast %add3A_371 : i32 to index
        %get3A_391 = arith.constant 16 : index
        %get3A_392 = tpu.vector_load %arg5[%get3A_390, %get3A_391] {strides = array<i32>} : memref<40x128xi32, #tpu.memory_space<vmem>>, vector<1x16xi32>,
        %get3A_393 = vector.shape_cast %get3A_392 : vector<1x16xi32> to vector<16xi32>
        %and3A_394 = arith.constant 65535 : i32
        %and3A_395 = vector.broadcast %and3A_394 : i32 to vector<16xi32>
        %and3A_396 = arith.andi %get3A_393, %and3A_395 : vector<16xi32>
        %swap3A_397 = arith.constant 16 : index
        %swap3A_398 = tpu.vector_load %arg7[%swap3A_397] {strides = array<i32>} : memref<128xi32, #tpu.memory_space<vmem>>, vector<16xi32>,
        %swap3A_399 = vector.shape_cast %swap3A_398 : vector<16xi32> to vector<16xi32>
        %swap3A_400 = vector.shape_cast %and3A_396 : vector<16xi32> to vector<16xi32>
        tpu.vector_store %arg7[%swap3A_397], %swap3A_400 {strides = array<i32>} : memref<128xi32, #tpu.memory_space<vmem>>, vector<16xi32>,
        %shift_right_arithmetic3A_401 = arith.constant 16 : i32
        %shift_right_arithmetic3A_402 = vector.broadcast %shift_right_arithmetic3A_401 : i32 to vector<16xi32>
        %shift_right_arithmetic3A_403 = arith.shrsi %get3A_393, %shift_right_arithmetic3A_402 : vector<16xi32>
        %swap3A_404 = arith.constant 80 : index
        %swap3A_405 = tpu.vector_load %arg7[%swap3A_404] {strides = array<i32>} : memref<128xi32, #tpu.memory_space<vmem>>, vector<16xi32>,
        %swap3A_406 = vector.shape_cast %swap3A_405 : vector<16xi32> to vector<16xi32>
        %swap3A_407 = vector.shape_cast %shift_right_arithmetic3A_403 : vector<16xi32> to vector<16xi32>
        tpu.vector_store %arg7[%swap3A_404], %swap3A_407 {strides = array<i32>} : memref<128xi32, #tpu.memory_space<vmem>>, vector<16xi32>,
        %get3A_408 = arith.index_cast %add3A_371 : i32 to index
        %get3A_409 = arith.constant 32 : index
        %get3A_410 = tpu.vector_load %arg5[%get3A_408, %get3A_409] {strides = array<i32>} : memref<40x128xi32, #tpu.memory_space<vmem>>, vector<1x16xi32>,
        %get3A_411 = vector.shape_cast %get3A_410 : vector<1x16xi32> to vector<16xi32>
        %and3A_412 = arith.constant 65535 : i32
        %and3A_413 = vector.broadcast %and3A_412 : i32 to vector<16xi32>
        %and3A_414 = arith.andi %get3A_411, %and3A_413 : vector<16xi32>
        %swap3A_415 = arith.constant 32 : index
        %swap3A_416 = tpu.vector_load %arg7[%swap3A_415] {strides = array<i32>} : memref<128xi32, #tpu.memory_space<vmem>>, vector<16xi32>,
        %swap3A_417 = vector.shape_cast %swap3A_416 : vector<16xi32> to vector<16xi32>
        %swap3A_418 = vector.shape_cast %and3A_414 : vector<16xi32> to vector<16xi32>
        tpu.vector_store %arg7[%swap3A_415], %swap3A_418 {strides = array<i32>} : memref<128xi32, #tpu.memory_space<vmem>>, vector<16xi32>,
        %shift_right_arithmetic3A_419 = arith.constant 16 : i32
        %shift_right_arithmetic3A_420 = vector.broadcast %shift_right_arithmetic3A_419 : i32 to vector<16xi32>
        %shift_right_arithmetic3A_421 = arith.shrsi %get3A_411, %shift_right_arithmetic3A_420 : vector<16xi32>
        %swap3A_422 = arith.constant 96 : index
        %swap3A_423 = tpu.vector_load %arg7[%swap3A_422] {strides = array<i32>} : memref<128xi32, #tpu.memory_space<vmem>>, vector<16xi32>,
        %swap3A_424 = vector.shape_cast %swap3A_423 : vector<16xi32> to vector<16xi32>
        %swap3A_425 = vector.shape_cast %shift_right_arithmetic3A_421 : vector<16xi32> to vector<16xi32>
        tpu.vector_store %arg7[%swap3A_422], %swap3A_425 {strides = array<i32>} : memref<128xi32, #tpu.memory_space<vmem>>, vector<16xi32>,
        %get3A_426 = arith.index_cast %add3A_371 : i32 to index
        %get3A_427 = arith.constant 48 : index
        %get3A_428 = tpu.vector_load %arg5[%get3A_426, %get3A_427] {strides = array<i32>} : memref<40x128xi32, #tpu.memory_space<vmem>>, vector<1x16xi32>,
        %get3A_429 = vector.shape_cast %get3A_428 : vector<1x16xi32> to vector<16xi32>
        %and3A_430 = arith.constant 65535 : i32
        %and3A_431 = vector.broadcast %and3A_430 : i32 to vector<16xi32>
        %and3A_432 = arith.andi %get3A_429, %and3A_431 : vector<16xi32>
        %swap3A_433 = arith.constant 48 : index
        %swap3A_434 = tpu.vector_load %arg7[%swap3A_433] {strides = array<i32>} : memref<128xi32, #tpu.memory_space<vmem>>, vector<16xi32>,
        %swap3A_435 = vector.shape_cast %swap3A_434 : vector<16xi32> to vector<16xi32>
        %swap3A_436 = vector.shape_cast %and3A_432 : vector<16xi32> to vector<16xi32>
        tpu.vector_store %arg7[%swap3A_433], %swap3A_436 {strides = array<i32>} : memref<128xi32, #tpu.memory_space<vmem>>, vector<16xi32>,
        %shift_right_arithmetic3A_437 = arith.constant 16 : i32
        %shift_right_arithmetic3A_438 = vector.broadcast %shift_right_arithmetic3A_437 : i32 to vector<16xi32>
        %shift_right_arithmetic3A_439 = arith.shrsi %get3A_429, %shift_right_arithmetic3A_438 : vector<16xi32>
        %swap3A_440 = arith.constant 112 : index
        %swap3A_441 = tpu.vector_load %arg7[%swap3A_440] {strides = array<i32>} : memref<128xi32, #tpu.memory_space<vmem>>, vector<16xi32>,
        %swap3A_442 = vector.shape_cast %swap3A_441 : vector<16xi32> to vector<16xi32>
        %swap3A_443 = vector.shape_cast %shift_right_arithmetic3A_439 : vector<16xi32> to vector<16xi32>
        tpu.vector_store %arg7[%swap3A_440], %swap3A_443 {strides = array<i32>} : memref<128xi32, #tpu.memory_space<vmem>>, vector<16xi32>,
        %dma_start3A_444 = arith.constant 0 : i32
        %dma_start3A_445 = arith.constant 0 : i32
        %dma_start3A_446 = tpu.memref_slice %arg2[%dma_start3A_444, %dma_start3A_445] : memref<10112x128xf32, #tpu.memory_space<hbm>> -> memref<10112x128xf32, #tpu.memory_space<hbm>>
        tpu.enqueue_indirect_dma source(%dma_start3A_446 : memref<10112x128xf32, #tpu.memory_space<hbm>>) target(%arg10 : memref<128x128xf32, #tpu.memory_space<vmem>>) offsets(%arg7 : memref<128xi32, #tpu.memory_space<vmem>>) semaphore(%arg13 : memref<!tpu.dma_semaphore, #tpu.memory_space<semaphore_mem>>)
      } else {
      }
      %dma_wait3A_295 = arith.constant 0 : i32
      %dma_wait3A_296 = arith.constant 0 : i32
      %dma_wait3A_297 = tpu.memref_slice %arg2[%dma_wait3A_295, %dma_wait3A_296] : memref<10112x128xf32, #tpu.memory_space<hbm>> -> memref<10112x128xf32, #tpu.memory_space<hbm>>
      tpu.wait_indirect_dma semaphore(%arg14 : memref<!tpu.dma_semaphore, #tpu.memory_space<semaphore_mem>>) src(%dma_wait3A_297 : memref<10112x128xf32, #tpu.memory_space<hbm>>) dst(%arg11 : memref<128x128xf32, #tpu.memory_space<vmem>>)
      %get3A_298 = arith.index_cast %add3A_142 : i32 to index
      %get3A_299 = arith.constant 64 : index
      %get3A_300 = tpu.vector_load %arg6[%get3A_298, %get3A_299] {strides = array<i32>} : memref<40x128xi32, #tpu.memory_space<vmem>>, vector<1x16xi32>,
      %get3A_301 = vector.shape_cast %get3A_300 : vector<1x16xi32> to vector<16xi32>
      %and3A_302 = arith.constant 65535 : i32
      %and3A_303 = vector.broadcast %and3A_302 : i32 to vector<16xi32>
      %and3A_304 = arith.andi %get3A_301, %and3A_303 : vector<16xi32>
      %swap3A_305 = arith.constant 0 : index
      %swap3A_306 = tpu.vector_load %arg9[%swap3A_305] {strides = array<i32>} : memref<128xi32, #tpu.memory_space<vmem>>, vector<16xi32>,
      %swap3A_307 = vector.shape_cast %swap3A_306 : vector<16xi32> to vector<16xi32>
      %swap3A_308 = vector.shape_cast %and3A_304 : vector<16xi32> to vector<16xi32>
      tpu.vector_store %arg9[%swap3A_305], %swap3A_308 {strides = array<i32>} : memref<128xi32, #tpu.memory_space<vmem>>, vector<16xi32>,
      %shift_right_arithmetic3A_309 = arith.constant 16 : i32
      %shift_right_arithmetic3A_310 = vector.broadcast %shift_right_arithmetic3A_309 : i32 to vector<16xi32>
      %shift_right_arithmetic3A_311 = arith.shrsi %get3A_301, %shift_right_arithmetic3A_310 : vector<16xi32>
      %swap3A_312 = arith.constant 64 : index
      %swap3A_313 = tpu.vector_load %arg9[%swap3A_312] {strides = array<i32>} : memref<128xi32, #tpu.memory_space<vmem>>, vector<16xi32>,
      %swap3A_314 = vector.shape_cast %swap3A_313 : vector<16xi32> to vector<16xi32>
      %swap3A_315 = vector.shape_cast %shift_right_arithmetic3A_311 : vector<16xi32> to vector<16xi32>
      tpu.vector_store %arg9[%swap3A_312], %swap3A_315 {strides = array<i32>} : memref<128xi32, #tpu.memory_space<vmem>>, vector<16xi32>,
      %get3A_316 = arith.index_cast %add3A_142 : i32 to index
      %get3A_317 = arith.constant 80 : index
      %get3A_318 = tpu.vector_load %arg6[%get3A_316, %get3A_317] {strides = array<i32>} : memref<40x128xi32, #tpu.memory_space<vmem>>, vector<1x16xi32>,
      %get3A_319 = vector.shape_cast %get3A_318 : vector<1x16xi32> to vector<16xi32>
      %and3A_320 = arith.constant 65535 : i32
      %and3A_321 = vector.broadcast %and3A_320 : i32 to vector<16xi32>
      %and3A_322 = arith.andi %get3A_319, %and3A_321 : vector<16xi32>
      %swap3A_323 = arith.constant 16 : index
      %swap3A_324 = tpu.vector_load %arg9[%swap3A_323] {strides = array<i32>} : memref<128xi32, #tpu.memory_space<vmem>>, vector<16xi32>,
      %swap3A_325 = vector.shape_cast %swap3A_324 : vector<16xi32> to vector<16xi32>
      %swap3A_326 = vector.shape_cast %and3A_322 : vector<16xi32> to vector<16xi32>
      tpu.vector_store %arg9[%swap3A_323], %swap3A_326 {strides = array<i32>} : memref<128xi32, #tpu.memory_space<vmem>>, vector<16xi32>,
      %shift_right_arithmetic3A_327 = arith.constant 16 : i32
      %shift_right_arithmetic3A_328 = vector.broadcast %shift_right_arithmetic3A_327 : i32 to vector<16xi32>
      %shift_right_arithmetic3A_329 = arith.shrsi %get3A_319, %shift_right_arithmetic3A_328 : vector<16xi32>
      %swap3A_330 = arith.constant 80 : index
      %swap3A_331 = tpu.vector_load %arg9[%swap3A_330] {strides = array<i32>} : memref<128xi32, #tpu.memory_space<vmem>>, vector<16xi32>,
      %swap3A_332 = vector.shape_cast %swap3A_331 : vector<16xi32> to vector<16xi32>
      %swap3A_333 = vector.shape_cast %shift_right_arithmetic3A_329 : vector<16xi32> to vector<16xi32>
      tpu.vector_store %arg9[%swap3A_330], %swap3A_333 {strides = array<i32>} : memref<128xi32, #tpu.memory_space<vmem>>, vector<16xi32>,
      %get3A_334 = arith.index_cast %add3A_142 : i32 to index
      %get3A_335 = arith.constant 96 : index
      %get3A_336 = tpu.vector_load %arg6[%get3A_334, %get3A_335] {strides = array<i32>} : memref<40x128xi32, #tpu.memory_space<vmem>>, vector<1x16xi32>,
      %get3A_337 = vector.shape_cast %get3A_336 : vector<1x16xi32> to vector<16xi32>
      %and3A_338 = arith.constant 65535 : i32
      %and3A_339 = vector.broadcast %and3A_338 : i32 to vector<16xi32>
      %and3A_340 = arith.andi %get3A_337, %and3A_339 : vector<16xi32>
      %swap3A_341 = arith.constant 32 : index
      %swap3A_342 = tpu.vector_load %arg9[%swap3A_341] {strides = array<i32>} : memref<128xi32, #tpu.memory_space<vmem>>, vector<16xi32>,
      %swap3A_343 = vector.shape_cast %swap3A_342 : vector<16xi32> to vector<16xi32>
      %swap3A_344 = vector.shape_cast %and3A_340 : vector<16xi32> to vector<16xi32>
      tpu.vector_store %arg9[%swap3A_341], %swap3A_344 {strides = array<i32>} : memref<128xi32, #tpu.memory_space<vmem>>, vector<16xi32>,
      %shift_right_arithmetic3A_345 = arith.constant 16 : i32
      %shift_right_arithmetic3A_346 = vector.broadcast %shift_right_arithmetic3A_345 : i32 to vector<16xi32>
      %shift_right_arithmetic3A_347 = arith.shrsi %get3A_337, %shift_right_arithmetic3A_346 : vector<16xi32>
      %swap3A_348 = arith.constant 96 : index
      %swap3A_349 = tpu.vector_load %arg9[%swap3A_348] {strides = array<i32>} : memref<128xi32, #tpu.memory_space<vmem>>, vector<16xi32>,
      %swap3A_350 = vector.shape_cast %swap3A_349 : vector<16xi32> to vector<16xi32>
      %swap3A_351 = vector.shape_cast %shift_right_arithmetic3A_347 : vector<16xi32> to vector<16xi32>
      tpu.vector_store %arg9[%swap3A_348], %swap3A_351 {strides = array<i32>} : memref<128xi32, #tpu.memory_space<vmem>>, vector<16xi32>,
      %get3A_352 = arith.index_cast %add3A_142 : i32 to index
      %get3A_353 = arith.constant 112 : index
      %get3A_354 = tpu.vector_load %arg6[%get3A_352, %get3A_353] {strides = array<i32>} : memref<40x128xi32, #tpu.memory_space<vmem>>, vector<1x16xi32>,
      %get3A_355 = vector.shape_cast %get3A_354 : vector<1x16xi32> to vector<16xi32>
      %and3A_356 = arith.constant 65535 : i32
      %and3A_357 = vector.broadcast %and3A_356 : i32 to vector<16xi32>
      %and3A_358 = arith.andi %get3A_355, %and3A_357 : vector<16xi32>
      %swap3A_359 = arith.constant 48 : index
      %swap3A_360 = tpu.vector_load %arg9[%swap3A_359] {strides = array<i32>} : memref<128xi32, #tpu.memory_space<vmem>>, vector<16xi32>,
      %swap3A_361 = vector.shape_cast %swap3A_360 : vector<16xi32> to vector<16xi32>
      %swap3A_362 = vector.shape_cast %and3A_358 : vector<16xi32> to vector<16xi32>
      tpu.vector_store %arg9[%swap3A_359], %swap3A_362 {strides = array<i32>} : memref<128xi32, #tpu.memory_space<vmem>>, vector<16xi32>,
      %shift_right_arithmetic3A_363 = arith.constant 16 : i32
      %shift_right_arithmetic3A_364 = vector.broadcast %shift_right_arithmetic3A_363 : i32 to vector<16xi32>
      %shift_right_arithmetic3A_365 = arith.shrsi %get3A_355, %shift_right_arithmetic3A_364 : vector<16xi32>
      %swap3A_366 = arith.constant 112 : index
      %swap3A_367 = tpu.vector_load %arg9[%swap3A_366] {strides = array<i32>} : memref<128xi32, #tpu.memory_space<vmem>>, vector<16xi32>,
      %swap3A_368 = vector.shape_cast %swap3A_367 : vector<16xi32> to vector<16xi32>
      %swap3A_369 = vector.shape_cast %shift_right_arithmetic3A_365 : vector<16xi32> to vector<16xi32>
      tpu.vector_store %arg9[%swap3A_366], %swap3A_369 {strides = array<i32>} : memref<128xi32, #tpu.memory_space<vmem>>, vector<16xi32>,
      "tpu.region"() ({
        %run_scoped3A = tpu.sem_alloc : memref<!tpu.dma_semaphore, #tpu.memory_space<semaphore_mem>>
        %dma_start3A_370 = arith.constant 0 : i32
        %dma_start3A_371 = arith.constant 0 : i32
        %dma_start3A_372 = tpu.memref_slice %arg12[%dma_start3A_370, %dma_start3A_371] : memref<10112x128xf32, #tpu.memory_space<vmem_shared>> -> memref<10112x128xf32, #tpu.memory_space<vmem_shared>>
        tpu.enqueue_indirect_dma source(%arg11 : memref<128x128xf32, #tpu.memory_space<vmem>>) target(%dma_start3A_372 : memref<10112x128xf32, #tpu.memory_space<vmem_shared>>) offsets(%arg9 : memref<128xi32, #tpu.memory_space<vmem>>) semaphore(%run_scoped3A : memref<!tpu.dma_semaphore, #tpu.memory_space<semaphore_mem>>) {add = true}
        %dma_wait3A_373 = arith.constant 0 : i32
        %dma_wait3A_374 = arith.constant 0 : i32
        %dma_wait3A_375 = tpu.memref_slice %arg12[%dma_wait3A_373, %dma_wait3A_374] : memref<10112x128xf32, #tpu.memory_space<vmem_shared>> -> memref<10112x128xf32, #tpu.memory_space<vmem_shared>>
        tpu.wait_indirect_dma semaphore(%run_scoped3A : memref<!tpu.dma_semaphore, #tpu.memory_space<semaphore_mem>>) src(%arg11 : memref<128x128xf32, #tpu.memory_space<vmem>>) dst(%dma_wait3A_375 : memref<10112x128xf32, #tpu.memory_space<vmem_shared>>)
        tpu.yield
      }) : () -> ()
    }
    %scan3A_132 = arith.constant 40 : i32
    %barrier3A_133 = arith.constant 0 : index
    tpu.barrier barrier_id(%barrier3A_133)
    %mul3A_134 = arith.constant 632 : i32
    %mul3A_135 = arith.muli %arg1, %mul3A_134 : i32
    %mul3A_136 = arith.constant 632 : i32
    %mul3A_137 = arith.muli %arg1, %mul3A_136 : i32
    "tpu.region"() ({
      %run_scoped3A = tpu.sem_alloc : memref<!tpu.dma_semaphore, #tpu.memory_space<semaphore_mem>>
      %dma_start3A_138 = arith.constant 0 : i32
      %dma_start3A_139 = tpu.memref_slice %arg4[%arg0, %mul3A_137, %dma_start3A_138] : memref<2x10112x128xf32, #tpu.memory_space<hbm>> -> memref<1x632x128xf32, #tpu.memory_space<hbm>>
      %dma_start3A_140 = tpu.memref_squeeze %dma_start3A_139 : memref<1x632x128xf32, #tpu.memory_space<hbm>> -> memref<632x128xf32, #tpu.memory_space<hbm>>
      %dma_start3A_141 = arith.constant 0 : i32
      %dma_start3A_142 = tpu.memref_slice %arg12[%mul3A_135, %dma_start3A_141] : memref<10112x128xf32, #tpu.memory_space<vmem_shared>> -> memref<632x128xf32, #tpu.memory_space<vmem_shared>>
      tpu.enqueue_dma source(%dma_start3A_142 : memref<632x128xf32, #tpu.memory_space<vmem_shared>>) target(%dma_start3A_140 : memref<632x128xf32, #tpu.memory_space<hbm>>) target_semaphore(%run_scoped3A : memref<!tpu.dma_semaphore, #tpu.memory_space<semaphore_mem>>)
      %dma_wait3A_143 = arith.constant 0 : i32
      %dma_wait3A_144 = tpu.memref_slice %arg4[%arg0, %mul3A_137, %dma_wait3A_143] : memref<2x10112x128xf32, #tpu.memory_space<hbm>> -> memref<1x632x128xf32, #tpu.memory_space<hbm>>
      %dma_wait3A_145 = tpu.memref_squeeze %dma_wait3A_144 : memref<1x632x128xf32, #tpu.memory_space<hbm>> -> memref<632x128xf32, #tpu.memory_space<hbm>>
      %dma_wait3A_146 = arith.constant 0 : i32
      %dma_wait3A_147 = tpu.memref_slice %arg12[%mul3A_135, %dma_wait3A_146] : memref<10112x128xf32, #tpu.memory_space<vmem_shared>> -> memref<632x128xf32, #tpu.memory_space<vmem_shared>>
      tpu.wait_dma2 semaphore(%run_scoped3A : memref<!tpu.dma_semaphore, #tpu.memory_space<semaphore_mem>>) src(%dma_wait3A_147 : memref<632x128xf32, #tpu.memory_space<vmem_shared>>) dst(%dma_wait3A_145 : memref<632x128xf32, #tpu.memory_space<hbm>>)
      tpu.yield
    }) : () -> ()
    return
  }
}

#map = affine_map<(d0, d1) -> (0, 0)>
#map1 = affine_map<(d0, d1) -> (0, 0, 0)>
module attributes {stable_mosaic.version = 14 : i64} {
  func.func @scat_kernel(%arg0: i32, %arg1: i32, %arg2: memref<10112x128xf32, #tpu.memory_space<hbm>>, %arg3: memref<2x1280x128xi32, #tpu.memory_space<hbm>>, %arg4: memref<2x10112x128xf32, #tpu.memory_space<hbm>>, %arg5: memref<40x128xi32, #tpu.memory_space<vmem>>, %arg6: memref<40x128xi32, #tpu.memory_space<vmem>>, %arg7: memref<128xi32, #tpu.memory_space<vmem>>, %arg8: memref<128xi32, #tpu.memory_space<vmem>>, %arg9: memref<128xi32, #tpu.memory_space<vmem>>, %arg10: memref<128x128xf32, #tpu.memory_space<vmem>>, %arg11: memref<128x128xf32, #tpu.memory_space<vmem>>, %arg12: memref<10112x128xf32, #tpu.memory_space<vmem_shared>>, %arg13: memref<!tpu.dma_semaphore, #tpu.memory_space<semaphore_mem>>, %arg14: memref<!tpu.dma_semaphore, #tpu.memory_space<semaphore_mem>>) attributes {dimension_semantics = [#tpu.dimension_semantics<core_parallel>, #tpu.dimension_semantics<subcore_parallel>], iteration_bounds = array<i64: 2, 16>, scalar_prefetch = 0 : i64, scratch_operands = 10 : i64, tpu.core_type = #tpu.core_type<sc_vector_subcore>, window_params = [{transform_indices = #map}, {transform_indices = #map1}, {transform_indices = #map1}]} {
    %scan3A = arith.constant 0 : i32
    %scan3A_0 = arith.constant 128 : i32
    %scan3A_1 = arith.addi %scan3A, %scan3A_0 : i32
    %scan3A_2 = arith.constant 1 : i32
    scf.for %scan3A_138 = %scan3A to %scan3A_1 step %scan3A_2  : i32 {
      %mul3A_139 = arith.constant 1 : i32
      %mul3A_140 = arith.muli %scan3A_138, %mul3A_139 : i32
      %add3A_141 = arith.constant 0 : i32
      %add3A_142 = arith.addi %add3A_141, %mul3A_140 : i32
      %broadcast_in_dim3A = arith.constant 0.000000e+00 : f32
      %broadcast_in_dim3A_143 = vector.broadcast %broadcast_in_dim3A : f32 to vector<16xf32>
      %swap3A_144 = arith.index_cast %add3A_142 : i32 to index
      %swap3A_145 = arith.constant 0 : index
      %swap3A_146 = tpu.vector_load %arg10[%swap3A_144, %swap3A_145] {strides = array<i32>} : memref<128x128xf32, #tpu.memory_space<vmem>>, vector<1x16xf32>,
      %swap3A_147 = vector.shape_cast %swap3A_146 : vector<1x16xf32> to vector<16xf32>
      %swap3A_148 = vector.shape_cast %broadcast_in_dim3A_143 : vector<16xf32> to vector<1x16xf32>
      tpu.vector_store %arg10[%swap3A_144, %swap3A_145], %swap3A_148 {strides = array<i32>} : memref<128x128xf32, #tpu.memory_space<vmem>>, vector<1x16xf32>,
      %broadcast_in_dim3A_149 = arith.constant 0.000000e+00 : f32
      %broadcast_in_dim3A_150 = vector.broadcast %broadcast_in_dim3A_149 : f32 to vector<16xf32>
      %swap3A_151 = arith.index_cast %add3A_142 : i32 to index
      %swap3A_152 = arith.constant 16 : index
      %swap3A_153 = tpu.vector_load %arg10[%swap3A_151, %swap3A_152] {strides = array<i32>} : memref<128x128xf32, #tpu.memory_space<vmem>>, vector<1x16xf32>,
      %swap3A_154 = vector.shape_cast %swap3A_153 : vector<1x16xf32> to vector<16xf32>
      %swap3A_155 = vector.shape_cast %broadcast_in_dim3A_150 : vector<16xf32> to vector<1x16xf32>
      tpu.vector_store %arg10[%swap3A_151, %swap3A_152], %swap3A_155 {strides = array<i32>} : memref<128x128xf32, #tpu.memory_space<vmem>>, vector<1x16xf32>,
      %broadcast_in_dim3A_156 = arith.constant 0.000000e+00 : f32
      %broadcast_in_dim3A_157 = vector.broadcast %broadcast_in_dim3A_156 : f32 to vector<16xf32>
      %swap3A_158 = arith.index_cast %add3A_142 : i32 to index
      %swap3A_159 = arith.constant 32 : index
      %swap3A_160 = tpu.vector_load %arg10[%swap3A_158, %swap3A_159] {strides = array<i32>} : memref<128x128xf32, #tpu.memory_space<vmem>>, vector<1x16xf32>,
      %swap3A_161 = vector.shape_cast %swap3A_160 : vector<1x16xf32> to vector<16xf32>
      %swap3A_162 = vector.shape_cast %broadcast_in_dim3A_157 : vector<16xf32> to vector<1x16xf32>
      tpu.vector_store %arg10[%swap3A_158, %swap3A_159], %swap3A_162 {strides = array<i32>} : memref<128x128xf32, #tpu.memory_space<vmem>>, vector<1x16xf32>,
      %broadcast_in_dim3A_163 = arith.constant 0.000000e+00 : f32
      %broadcast_in_dim3A_164 = vector.broadcast %broadcast_in_dim3A_163 : f32 to vector<16xf32>
      %swap3A_165 = arith.index_cast %add3A_142 : i32 to index
      %swap3A_166 = arith.constant 48 : index
      %swap3A_167 = tpu.vector_load %arg10[%swap3A_165, %swap3A_166] {strides = array<i32>} : memref<128x128xf32, #tpu.memory_space<vmem>>, vector<1x16xf32>,
      %swap3A_168 = vector.shape_cast %swap3A_167 : vector<1x16xf32> to vector<16xf32>
      %swap3A_169 = vector.shape_cast %broadcast_in_dim3A_164 : vector<16xf32> to vector<1x16xf32>
      tpu.vector_store %arg10[%swap3A_165, %swap3A_166], %swap3A_169 {strides = array<i32>} : memref<128x128xf32, #tpu.memory_space<vmem>>, vector<1x16xf32>,
      %broadcast_in_dim3A_170 = arith.constant 0.000000e+00 : f32
      %broadcast_in_dim3A_171 = vector.broadcast %broadcast_in_dim3A_170 : f32 to vector<16xf32>
      %swap3A_172 = arith.index_cast %add3A_142 : i32 to index
      %swap3A_173 = arith.constant 64 : index
      %swap3A_174 = tpu.vector_load %arg10[%swap3A_172, %swap3A_173] {strides = array<i32>} : memref<128x128xf32, #tpu.memory_space<vmem>>, vector<1x16xf32>,
      %swap3A_175 = vector.shape_cast %swap3A_174 : vector<1x16xf32> to vector<16xf32>
      %swap3A_176 = vector.shape_cast %broadcast_in_dim3A_171 : vector<16xf32> to vector<1x16xf32>
      tpu.vector_store %arg10[%swap3A_172, %swap3A_173], %swap3A_176 {strides = array<i32>} : memref<128x128xf32, #tpu.memory_space<vmem>>, vector<1x16xf32>,
      %broadcast_in_dim3A_177 = arith.constant 0.000000e+00 : f32
      %broadcast_in_dim3A_178 = vector.broadcast %broadcast_in_dim3A_177 : f32 to vector<16xf32>
      %swap3A_179 = arith.index_cast %add3A_142 : i32 to index
      %swap3A_180 = arith.constant 80 : index
      %swap3A_181 = tpu.vector_load %arg10[%swap3A_179, %swap3A_180] {strides = array<i32>} : memref<128x128xf32, #tpu.memory_space<vmem>>, vector<1x16xf32>,
      %swap3A_182 = vector.shape_cast %swap3A_181 : vector<1x16xf32> to vector<16xf32>
      %swap3A_183 = vector.shape_cast %broadcast_in_dim3A_178 : vector<16xf32> to vector<1x16xf32>
      tpu.vector_store %arg10[%swap3A_179, %swap3A_180], %swap3A_183 {strides = array<i32>} : memref<128x128xf32, #tpu.memory_space<vmem>>, vector<1x16xf32>,
      %broadcast_in_dim3A_184 = arith.constant 0.000000e+00 : f32
      %broadcast_in_dim3A_185 = vector.broadcast %broadcast_in_dim3A_184 : f32 to vector<16xf32>
      %swap3A_186 = arith.index_cast %add3A_142 : i32 to index
      %swap3A_187 = arith.constant 96 : index
      %swap3A_188 = tpu.vector_load %arg10[%swap3A_186, %swap3A_187] {strides = array<i32>} : memref<128x128xf32, #tpu.memory_space<vmem>>, vector<1x16xf32>,
      %swap3A_189 = vector.shape_cast %swap3A_188 : vector<1x16xf32> to vector<16xf32>
      %swap3A_190 = vector.shape_cast %broadcast_in_dim3A_185 : vector<16xf32> to vector<1x16xf32>
      tpu.vector_store %arg10[%swap3A_186, %swap3A_187], %swap3A_190 {strides = array<i32>} : memref<128x128xf32, #tpu.memory_space<vmem>>, vector<1x16xf32>,
      %broadcast_in_dim3A_191 = arith.constant 0.000000e+00 : f32
      %broadcast_in_dim3A_192 = vector.broadcast %broadcast_in_dim3A_191 : f32 to vector<16xf32>
      %swap3A_193 = arith.index_cast %add3A_142 : i32 to index
      %swap3A_194 = arith.constant 112 : index
      %swap3A_195 = tpu.vector_load %arg10[%swap3A_193, %swap3A_194] {strides = array<i32>} : memref<128x128xf32, #tpu.memory_space<vmem>>, vector<1x16xf32>,
      %swap3A_196 = vector.shape_cast %swap3A_195 : vector<1x16xf32> to vector<16xf32>
      %swap3A_197 = vector.shape_cast %broadcast_in_dim3A_192 : vector<16xf32> to vector<1x16xf32>
      tpu.vector_store %arg10[%swap3A_193, %swap3A_194], %swap3A_197 {strides = array<i32>} : memref<128x128xf32, #tpu.memory_space<vmem>>, vector<1x16xf32>,
    }
    %scan3A_3 = arith.constant 128 : i32
    %mul3A = arith.constant 640 : i32
    %mul3A_4 = arith.muli %arg0, %mul3A : i32
    %mul3A_5 = arith.constant 40 : i32
    %mul3A_6 = arith.muli %arg1, %mul3A_5 : i32
    %add3A = arith.addi %mul3A_4, %mul3A_6 : i32
    %dma_start3A = arith.constant 0 : i32
    %dma_start3A_7 = arith.constant 0 : i32
    %dma_start3A_8 = tpu.memref_slice %arg3[%dma_start3A, %add3A, %dma_start3A_7] : memref<2x1280x128xi32, #tpu.memory_space<hbm>> -> memref<1x40x128xi32, #tpu.memory_space<hbm>>
    %dma_start3A_9 = tpu.memref_squeeze %dma_start3A_8 : memref<1x40x128xi32, #tpu.memory_space<hbm>> -> memref<40x128xi32, #tpu.memory_space<hbm>>
    %dma_start3A_10 = arith.constant 0 : i32
    %dma_start3A_11 = tpu.memref_slice %arg3[%dma_start3A, %add3A, %dma_start3A_10] : memref<2x1280x128xi32, #tpu.memory_space<hbm>> -> memref<1x40x128xi32, #tpu.memory_space<hbm>>
    %dma_start3A_12 = tpu.memref_squeeze %dma_start3A_11 : memref<1x40x128xi32, #tpu.memory_space<hbm>> -> memref<40x128xi32, #tpu.memory_space<hbm>>
    tpu.enqueue_dma source(%dma_start3A_12 : memref<40x128xi32, #tpu.memory_space<hbm>>) target(%arg5 : memref<40x128xi32, #tpu.memory_space<vmem>>) target_semaphore(%arg13 : memref<!tpu.dma_semaphore, #tpu.memory_space<semaphore_mem>>)
    %dma_start3A_13 = arith.constant 1 : i32
    %dma_start3A_14 = arith.constant 0 : i32
    %dma_start3A_15 = tpu.memref_slice %arg3[%dma_start3A_13, %add3A, %dma_start3A_14] : memref<2x1280x128xi32, #tpu.memory_space<hbm>> -> memref<1x40x128xi32, #tpu.memory_space<hbm>>
    %dma_start3A_16 = tpu.memref_squeeze %dma_start3A_15 : memref<1x40x128xi32, #tpu.memory_space<hbm>> -> memref<40x128xi32, #tpu.memory_space<hbm>>
    %dma_start3A_17 = arith.constant 0 : i32
    %dma_start3A_18 = tpu.memref_slice %arg3[%dma_start3A_13, %add3A, %dma_start3A_17] : memref<2x1280x128xi32, #tpu.memory_space<hbm>> -> memref<1x40x128xi32, #tpu.memory_space<hbm>>
    %dma_start3A_19 = tpu.memref_squeeze %dma_start3A_18 : memref<1x40x128xi32, #tpu.memory_space<hbm>> -> memref<40x128xi32, #tpu.memory_space<hbm>>
    tpu.enqueue_dma source(%dma_start3A_19 : memref<40x128xi32, #tpu.memory_space<hbm>>) target(%arg6 : memref<40x128xi32, #tpu.memory_space<vmem>>) target_semaphore(%arg14 : memref<!tpu.dma_semaphore, #tpu.memory_space<semaphore_mem>>)
    %mul3A_20 = arith.constant 632 : i32
    %mul3A_21 = arith.muli %arg1, %mul3A_20 : i32
    %add3A_22 = arith.constant 0 : i32
    %add3A_23 = arith.addi %mul3A_21, %add3A_22 : i32
    "tpu.region"() ({
      %run_scoped3A = tpu.sem_alloc : memref<!tpu.dma_semaphore, #tpu.memory_space<semaphore_mem>>
      %dma_start3A_138 = arith.constant 0 : i32
      %dma_start3A_139 = tpu.memref_slice %arg12[%add3A_23, %dma_start3A_138] : memref<10112x128xf32, #tpu.memory_space<vmem_shared>> -> memref<128x128xf32, #tpu.memory_space<vmem_shared>>
      %dma_start3A_140 = arith.constant 0 : i32
      %dma_start3A_141 = tpu.memref_slice %arg12[%add3A_23, %dma_start3A_140] : memref<10112x128xf32, #tpu.memory_space<vmem_shared>> -> memref<128x128xf32, #tpu.memory_space<vmem_shared>>
      tpu.enqueue_dma source(%arg10 : memref<128x128xf32, #tpu.memory_space<vmem>>) target(%dma_start3A_141 : memref<128x128xf32, #tpu.memory_space<vmem_shared>>) target_semaphore(%run_scoped3A : memref<!tpu.dma_semaphore, #tpu.memory_space<semaphore_mem>>)
      %dma_wait3A_142 = arith.constant 0 : i32
      %dma_wait3A_143 = tpu.memref_slice %arg12[%add3A_23, %dma_wait3A_142] : memref<10112x128xf32, #tpu.memory_space<vmem_shared>> -> memref<128x128xf32, #tpu.memory_space<vmem_shared>>
      %dma_wait3A_144 = arith.constant 0 : i32
      %dma_wait3A_145 = tpu.memref_slice %arg12[%add3A_23, %dma_wait3A_144] : memref<10112x128xf32, #tpu.memory_space<vmem_shared>> -> memref<128x128xf32, #tpu.memory_space<vmem_shared>>
      tpu.wait_dma2 semaphore(%run_scoped3A : memref<!tpu.dma_semaphore, #tpu.memory_space<semaphore_mem>>) src(%arg10 : memref<128x128xf32, #tpu.memory_space<vmem>>) dst(%dma_wait3A_145 : memref<128x128xf32, #tpu.memory_space<vmem_shared>>)
      tpu.yield
    }) : () -> ()
    %mul3A_24 = arith.constant 632 : i32
    %mul3A_25 = arith.muli %arg1, %mul3A_24 : i32
    %add3A_26 = arith.constant 128 : i32
    %add3A_27 = arith.addi %mul3A_25, %add3A_26 : i32
    "tpu.region"() ({
      %run_scoped3A = tpu.sem_alloc : memref<!tpu.dma_semaphore, #tpu.memory_space<semaphore_mem>>
      %dma_start3A_138 = arith.constant 0 : i32
      %dma_start3A_139 = tpu.memref_slice %arg12[%add3A_27, %dma_start3A_138] : memref<10112x128xf32, #tpu.memory_space<vmem_shared>> -> memref<128x128xf32, #tpu.memory_space<vmem_shared>>
      %dma_start3A_140 = arith.constant 0 : i32
      %dma_start3A_141 = tpu.memref_slice %arg12[%add3A_27, %dma_start3A_140] : memref<10112x128xf32, #tpu.memory_space<vmem_shared>> -> memref<128x128xf32, #tpu.memory_space<vmem_shared>>
      tpu.enqueue_dma source(%arg10 : memref<128x128xf32, #tpu.memory_space<vmem>>) target(%dma_start3A_141 : memref<128x128xf32, #tpu.memory_space<vmem_shared>>) target_semaphore(%run_scoped3A : memref<!tpu.dma_semaphore, #tpu.memory_space<semaphore_mem>>)
      %dma_wait3A_142 = arith.constant 0 : i32
      %dma_wait3A_143 = tpu.memref_slice %arg12[%add3A_27, %dma_wait3A_142] : memref<10112x128xf32, #tpu.memory_space<vmem_shared>> -> memref<128x128xf32, #tpu.memory_space<vmem_shared>>
      %dma_wait3A_144 = arith.constant 0 : i32
      %dma_wait3A_145 = tpu.memref_slice %arg12[%add3A_27, %dma_wait3A_144] : memref<10112x128xf32, #tpu.memory_space<vmem_shared>> -> memref<128x128xf32, #tpu.memory_space<vmem_shared>>
      tpu.wait_dma2 semaphore(%run_scoped3A : memref<!tpu.dma_semaphore, #tpu.memory_space<semaphore_mem>>) src(%arg10 : memref<128x128xf32, #tpu.memory_space<vmem>>) dst(%dma_wait3A_145 : memref<128x128xf32, #tpu.memory_space<vmem_shared>>)
      tpu.yield
    }) : () -> ()
    %mul3A_28 = arith.constant 632 : i32
    %mul3A_29 = arith.muli %arg1, %mul3A_28 : i32
    %add3A_30 = arith.constant 256 : i32
    %add3A_31 = arith.addi %mul3A_29, %add3A_30 : i32
    "tpu.region"() ({
      %run_scoped3A = tpu.sem_alloc : memref<!tpu.dma_semaphore, #tpu.memory_space<semaphore_mem>>
      %dma_start3A_138 = arith.constant 0 : i32
      %dma_start3A_139 = tpu.memref_slice %arg12[%add3A_31, %dma_start3A_138] : memref<10112x128xf32, #tpu.memory_space<vmem_shared>> -> memref<128x128xf32, #tpu.memory_space<vmem_shared>>
      %dma_start3A_140 = arith.constant 0 : i32
      %dma_start3A_141 = tpu.memref_slice %arg12[%add3A_31, %dma_start3A_140] : memref<10112x128xf32, #tpu.memory_space<vmem_shared>> -> memref<128x128xf32, #tpu.memory_space<vmem_shared>>
      tpu.enqueue_dma source(%arg10 : memref<128x128xf32, #tpu.memory_space<vmem>>) target(%dma_start3A_141 : memref<128x128xf32, #tpu.memory_space<vmem_shared>>) target_semaphore(%run_scoped3A : memref<!tpu.dma_semaphore, #tpu.memory_space<semaphore_mem>>)
      %dma_wait3A_142 = arith.constant 0 : i32
      %dma_wait3A_143 = tpu.memref_slice %arg12[%add3A_31, %dma_wait3A_142] : memref<10112x128xf32, #tpu.memory_space<vmem_shared>> -> memref<128x128xf32, #tpu.memory_space<vmem_shared>>
      %dma_wait3A_144 = arith.constant 0 : i32
      %dma_wait3A_145 = tpu.memref_slice %arg12[%add3A_31, %dma_wait3A_144] : memref<10112x128xf32, #tpu.memory_space<vmem_shared>> -> memref<128x128xf32, #tpu.memory_space<vmem_shared>>
      tpu.wait_dma2 semaphore(%run_scoped3A : memref<!tpu.dma_semaphore, #tpu.memory_space<semaphore_mem>>) src(%arg10 : memref<128x128xf32, #tpu.memory_space<vmem>>) dst(%dma_wait3A_145 : memref<128x128xf32, #tpu.memory_space<vmem_shared>>)
      tpu.yield
    }) : () -> ()
    %mul3A_32 = arith.constant 632 : i32
    %mul3A_33 = arith.muli %arg1, %mul3A_32 : i32
    %add3A_34 = arith.constant 384 : i32
    %add3A_35 = arith.addi %mul3A_33, %add3A_34 : i32
    "tpu.region"() ({
      %run_scoped3A = tpu.sem_alloc : memref<!tpu.dma_semaphore, #tpu.memory_space<semaphore_mem>>
      %dma_start3A_138 = arith.constant 0 : i32
      %dma_start3A_139 = tpu.memref_slice %arg12[%add3A_35, %dma_start3A_138] : memref<10112x128xf32, #tpu.memory_space<vmem_shared>> -> memref<128x128xf32, #tpu.memory_space<vmem_shared>>
      %dma_start3A_140 = arith.constant 0 : i32
      %dma_start3A_141 = tpu.memref_slice %arg12[%add3A_35, %dma_start3A_140] : memref<10112x128xf32, #tpu.memory_space<vmem_shared>> -> memref<128x128xf32, #tpu.memory_space<vmem_shared>>
      tpu.enqueue_dma source(%arg10 : memref<128x128xf32, #tpu.memory_space<vmem>>) target(%dma_start3A_141 : memref<128x128xf32, #tpu.memory_space<vmem_shared>>) target_semaphore(%run_scoped3A : memref<!tpu.dma_semaphore, #tpu.memory_space<semaphore_mem>>)
      %dma_wait3A_142 = arith.constant 0 : i32
      %dma_wait3A_143 = tpu.memref_slice %arg12[%add3A_35, %dma_wait3A_142] : memref<10112x128xf32, #tpu.memory_space<vmem_shared>> -> memref<128x128xf32, #tpu.memory_space<vmem_shared>>
      %dma_wait3A_144 = arith.constant 0 : i32
      %dma_wait3A_145 = tpu.memref_slice %arg12[%add3A_35, %dma_wait3A_144] : memref<10112x128xf32, #tpu.memory_space<vmem_shared>> -> memref<128x128xf32, #tpu.memory_space<vmem_shared>>
      tpu.wait_dma2 semaphore(%run_scoped3A : memref<!tpu.dma_semaphore, #tpu.memory_space<semaphore_mem>>) src(%arg10 : memref<128x128xf32, #tpu.memory_space<vmem>>) dst(%dma_wait3A_145 : memref<128x128xf32, #tpu.memory_space<vmem_shared>>)
      tpu.yield
    }) : () -> ()
    %mul3A_36 = arith.constant 632 : i32
    %mul3A_37 = arith.muli %arg1, %mul3A_36 : i32
    %add3A_38 = arith.constant 512 : i32
    %add3A_39 = arith.addi %mul3A_37, %add3A_38 : i32
    "tpu.region"() ({
      %run_scoped3A = tpu.sem_alloc : memref<!tpu.dma_semaphore, #tpu.memory_space<semaphore_mem>>
      %dma_start3A_138 = arith.constant 0 : i32
      %dma_start3A_139 = arith.constant 0 : i32
      %dma_start3A_140 = tpu.memref_slice %arg10[%dma_start3A_138, %dma_start3A_139] : memref<128x128xf32, #tpu.memory_space<vmem>> -> memref<120x128xf32, #tpu.memory_space<vmem>>
      %dma_start3A_141 = arith.constant 0 : i32
      %dma_start3A_142 = tpu.memref_slice %arg12[%add3A_39, %dma_start3A_141] : memref<10112x128xf32, #tpu.memory_space<vmem_shared>> -> memref<120x128xf32, #tpu.memory_space<vmem_shared>>
      %dma_start3A_143 = arith.constant 0 : i32
      %dma_start3A_144 = tpu.memref_slice %arg12[%add3A_39, %dma_start3A_143] : memref<10112x128xf32, #tpu.memory_space<vmem_shared>> -> memref<120x128xf32, #tpu.memory_space<vmem_shared>>
      %dma_start3A_145 = arith.constant 0 : i32
      %dma_start3A_146 = arith.constant 0 : i32
      %dma_start3A_147 = tpu.memref_slice %arg10[%dma_start3A_145, %dma_start3A_146] : memref<128x128xf32, #tpu.memory_space<vmem>> -> memref<120x128xf32, #tpu.memory_space<vmem>>
      tpu.enqueue_dma source(%dma_start3A_147 : memref<120x128xf32, #tpu.memory_space<vmem>>) target(%dma_start3A_144 : memref<120x128xf32, #tpu.memory_space<vmem_shared>>) target_semaphore(%run_scoped3A : memref<!tpu.dma_semaphore, #tpu.memory_space<semaphore_mem>>)
      %dma_wait3A_148 = arith.constant 0 : i32
      %dma_wait3A_149 = arith.constant 0 : i32
      %dma_wait3A_150 = tpu.memref_slice %arg10[%dma_wait3A_148, %dma_wait3A_149] : memref<128x128xf32, #tpu.memory_space<vmem>> -> memref<120x128xf32, #tpu.memory_space<vmem>>
      %dma_wait3A_151 = arith.constant 0 : i32
      %dma_wait3A_152 = tpu.memref_slice %arg12[%add3A_39, %dma_wait3A_151] : memref<10112x128xf32, #tpu.memory_space<vmem_shared>> -> memref<120x128xf32, #tpu.memory_space<vmem_shared>>
      %dma_wait3A_153 = arith.constant 0 : i32
      %dma_wait3A_154 = tpu.memref_slice %arg12[%add3A_39, %dma_wait3A_153] : memref<10112x128xf32, #tpu.memory_space<vmem_shared>> -> memref<120x128xf32, #tpu.memory_space<vmem_shared>>
      %dma_wait3A_155 = arith.constant 0 : i32
      %dma_wait3A_156 = arith.constant 0 : i32
      %dma_wait3A_157 = tpu.memref_slice %arg10[%dma_wait3A_155, %dma_wait3A_156] : memref<128x128xf32, #tpu.memory_space<vmem>> -> memref<120x128xf32, #tpu.memory_space<vmem>>
      tpu.wait_dma2 semaphore(%run_scoped3A : memref<!tpu.dma_semaphore, #tpu.memory_space<semaphore_mem>>) src(%dma_wait3A_157 : memref<120x128xf32, #tpu.memory_space<vmem>>) dst(%dma_wait3A_154 : memref<120x128xf32, #tpu.memory_space<vmem_shared>>)
      tpu.yield
    }) : () -> ()
    %dma_wait3A = arith.constant 0 : i32
    %dma_wait3A_40 = arith.constant 0 : i32
    %dma_wait3A_41 = tpu.memref_slice %arg3[%dma_wait3A, %add3A, %dma_wait3A_40] : memref<2x1280x128xi32, #tpu.memory_space<hbm>> -> memref<1x40x128xi32, #tpu.memory_space<hbm>>
    %dma_wait3A_42 = tpu.memref_squeeze %dma_wait3A_41 : memref<1x40x128xi32, #tpu.memory_space<hbm>> -> memref<40x128xi32, #tpu.memory_space<hbm>>
    %dma_wait3A_43 = arith.constant 0 : i32
    %dma_wait3A_44 = tpu.memref_slice %arg3[%dma_wait3A, %add3A, %dma_wait3A_43] : memref<2x1280x128xi32, #tpu.memory_space<hbm>> -> memref<1x40x128xi32, #tpu.memory_space<hbm>>
    %dma_wait3A_45 = tpu.memref_squeeze %dma_wait3A_44 : memref<1x40x128xi32, #tpu.memory_space<hbm>> -> memref<40x128xi32, #tpu.memory_space<hbm>>
    tpu.wait_dma2 semaphore(%arg13 : memref<!tpu.dma_semaphore, #tpu.memory_space<semaphore_mem>>) src(%dma_wait3A_45 : memref<40x128xi32, #tpu.memory_space<hbm>>) dst(%arg5 : memref<40x128xi32, #tpu.memory_space<vmem>>)
    %dma_wait3A_46 = arith.constant 1 : i32
    %dma_wait3A_47 = arith.constant 0 : i32
    %dma_wait3A_48 = tpu.memref_slice %arg3[%dma_wait3A_46, %add3A, %dma_wait3A_47] : memref<2x1280x128xi32, #tpu.memory_space<hbm>> -> memref<1x40x128xi32, #tpu.memory_space<hbm>>
    %dma_wait3A_49 = tpu.memref_squeeze %dma_wait3A_48 : memref<1x40x128xi32, #tpu.memory_space<hbm>> -> memref<40x128xi32, #tpu.memory_space<hbm>>
    %dma_wait3A_50 = arith.constant 0 : i32
    %dma_wait3A_51 = tpu.memref_slice %arg3[%dma_wait3A_46, %add3A, %dma_wait3A_50] : memref<2x1280x128xi32, #tpu.memory_space<hbm>> -> memref<1x40x128xi32, #tpu.memory_space<hbm>>
    %dma_wait3A_52 = tpu.memref_squeeze %dma_wait3A_51 : memref<1x40x128xi32, #tpu.memory_space<hbm>> -> memref<40x128xi32, #tpu.memory_space<hbm>>
    tpu.wait_dma2 semaphore(%arg14 : memref<!tpu.dma_semaphore, #tpu.memory_space<semaphore_mem>>) src(%dma_wait3A_52 : memref<40x128xi32, #tpu.memory_space<hbm>>) dst(%arg6 : memref<40x128xi32, #tpu.memory_space<vmem>>)
    %barrier3A = arith.constant 0 : index
    tpu.barrier barrier_id(%barrier3A)
    %get3A = arith.constant 0 : i32
    %get3A_53 = arith.index_cast %get3A : i32 to index
    %get3A_54 = arith.constant 0 : index
    %get3A_55 = tpu.vector_load %arg5[%get3A_53, %get3A_54] {strides = array<i32>} : memref<40x128xi32, #tpu.memory_space<vmem>>, vector<1x16xi32>,
    %get3A_56 = vector.shape_cast %get3A_55 : vector<1x16xi32> to vector<16xi32>
    %and3A = arith.constant 65535 : i32
    %and3A_57 = vector.broadcast %and3A : i32 to vector<16xi32>
    %and3A_58 = arith.andi %get3A_56, %and3A_57 : vector<16xi32>
    %swap3A = arith.constant 0 : index
    %swap3A_59 = tpu.vector_load %arg7[%swap3A] {strides = array<i32>} : memref<128xi32, #tpu.memory_space<vmem>>, vector<16xi32>,
    %swap3A_60 = vector.shape_cast %swap3A_59 : vector<16xi32> to vector<16xi32>
    %swap3A_61 = vector.shape_cast %and3A_58 : vector<16xi32> to vector<16xi32>
    tpu.vector_store %arg7[%swap3A], %swap3A_61 {strides = array<i32>} : memref<128xi32, #tpu.memory_space<vmem>>, vector<16xi32>,
    %shift_right_arithmetic3A = arith.constant 16 : i32
    %shift_right_arithmetic3A_62 = vector.broadcast %shift_right_arithmetic3A : i32 to vector<16xi32>
    %shift_right_arithmetic3A_63 = arith.shrsi %get3A_56, %shift_right_arithmetic3A_62 : vector<16xi32>
    %swap3A_64 = arith.constant 64 : index
    %swap3A_65 = tpu.vector_load %arg7[%swap3A_64] {strides = array<i32>} : memref<128xi32, #tpu.memory_space<vmem>>, vector<16xi32>,
    %swap3A_66 = vector.shape_cast %swap3A_65 : vector<16xi32> to vector<16xi32>
    %swap3A_67 = vector.shape_cast %shift_right_arithmetic3A_63 : vector<16xi32> to vector<16xi32>
    tpu.vector_store %arg7[%swap3A_64], %swap3A_67 {strides = array<i32>} : memref<128xi32, #tpu.memory_space<vmem>>, vector<16xi32>,
    %get3A_68 = arith.constant 0 : i32
    %get3A_69 = arith.index_cast %get3A_68 : i32 to index
    %get3A_70 = arith.constant 16 : index
    %get3A_71 = tpu.vector_load %arg5[%get3A_69, %get3A_70] {strides = array<i32>} : memref<40x128xi32, #tpu.memory_space<vmem>>, vector<1x16xi32>,
    %get3A_72 = vector.shape_cast %get3A_71 : vector<1x16xi32> to vector<16xi32>
    %and3A_73 = arith.constant 65535 : i32
    %and3A_74 = vector.broadcast %and3A_73 : i32 to vector<16xi32>
    %and3A_75 = arith.andi %get3A_72, %and3A_74 : vector<16xi32>
    %swap3A_76 = arith.constant 16 : index
    %swap3A_77 = tpu.vector_load %arg7[%swap3A_76] {strides = array<i32>} : memref<128xi32, #tpu.memory_space<vmem>>, vector<16xi32>,
    %swap3A_78 = vector.shape_cast %swap3A_77 : vector<16xi32> to vector<16xi32>
    %swap3A_79 = vector.shape_cast %and3A_75 : vector<16xi32> to vector<16xi32>
    tpu.vector_store %arg7[%swap3A_76], %swap3A_79 {strides = array<i32>} : memref<128xi32, #tpu.memory_space<vmem>>, vector<16xi32>,
    %shift_right_arithmetic3A_80 = arith.constant 16 : i32
    %shift_right_arithmetic3A_81 = vector.broadcast %shift_right_arithmetic3A_80 : i32 to vector<16xi32>
    %shift_right_arithmetic3A_82 = arith.shrsi %get3A_72, %shift_right_arithmetic3A_81 : vector<16xi32>
    %swap3A_83 = arith.constant 80 : index
    %swap3A_84 = tpu.vector_load %arg7[%swap3A_83] {strides = array<i32>} : memref<128xi32, #tpu.memory_space<vmem>>, vector<16xi32>,
    %swap3A_85 = vector.shape_cast %swap3A_84 : vector<16xi32> to vector<16xi32>
    %swap3A_86 = vector.shape_cast %shift_right_arithmetic3A_82 : vector<16xi32> to vector<16xi32>
    tpu.vector_store %arg7[%swap3A_83], %swap3A_86 {strides = array<i32>} : memref<128xi32, #tpu.memory_space<vmem>>, vector<16xi32>,
    %get3A_87 = arith.constant 0 : i32
    %get3A_88 = arith.index_cast %get3A_87 : i32 to index
    %get3A_89 = arith.constant 32 : index
    %get3A_90 = tpu.vector_load %arg5[%get3A_88, %get3A_89] {strides = array<i32>} : memref<40x128xi32, #tpu.memory_space<vmem>>, vector<1x16xi32>,
    %get3A_91 = vector.shape_cast %get3A_90 : vector<1x16xi32> to vector<16xi32>
    %and3A_92 = arith.constant 65535 : i32
    %and3A_93 = vector.broadcast %and3A_92 : i32 to vector<16xi32>
    %and3A_94 = arith.andi %get3A_91, %and3A_93 : vector<16xi32>
    %swap3A_95 = arith.constant 32 : index
    %swap3A_96 = tpu.vector_load %arg7[%swap3A_95] {strides = array<i32>} : memref<128xi32, #tpu.memory_space<vmem>>, vector<16xi32>,
    %swap3A_97 = vector.shape_cast %swap3A_96 : vector<16xi32> to vector<16xi32>
    %swap3A_98 = vector.shape_cast %and3A_94 : vector<16xi32> to vector<16xi32>
    tpu.vector_store %arg7[%swap3A_95], %swap3A_98 {strides = array<i32>} : memref<128xi32, #tpu.memory_space<vmem>>, vector<16xi32>,
    %shift_right_arithmetic3A_99 = arith.constant 16 : i32
    %shift_right_arithmetic3A_100 = vector.broadcast %shift_right_arithmetic3A_99 : i32 to vector<16xi32>
    %shift_right_arithmetic3A_101 = arith.shrsi %get3A_91, %shift_right_arithmetic3A_100 : vector<16xi32>
    %swap3A_102 = arith.constant 96 : index
    %swap3A_103 = tpu.vector_load %arg7[%swap3A_102] {strides = array<i32>} : memref<128xi32, #tpu.memory_space<vmem>>, vector<16xi32>,
    %swap3A_104 = vector.shape_cast %swap3A_103 : vector<16xi32> to vector<16xi32>
    %swap3A_105 = vector.shape_cast %shift_right_arithmetic3A_101 : vector<16xi32> to vector<16xi32>
    tpu.vector_store %arg7[%swap3A_102], %swap3A_105 {strides = array<i32>} : memref<128xi32, #tpu.memory_space<vmem>>, vector<16xi32>,
    %get3A_106 = arith.constant 0 : i32
    %get3A_107 = arith.index_cast %get3A_106 : i32 to index
    %get3A_108 = arith.constant 48 : index
    %get3A_109 = tpu.vector_load %arg5[%get3A_107, %get3A_108] {strides = array<i32>} : memref<40x128xi32, #tpu.memory_space<vmem>>, vector<1x16xi32>,
    %get3A_110 = vector.shape_cast %get3A_109 : vector<1x16xi32> to vector<16xi32>
    %and3A_111 = arith.constant 65535 : i32
    %and3A_112 = vector.broadcast %and3A_111 : i32 to vector<16xi32>
    %and3A_113 = arith.andi %get3A_110, %and3A_112 : vector<16xi32>
    %swap3A_114 = arith.constant 48 : index
    %swap3A_115 = tpu.vector_load %arg7[%swap3A_114] {strides = array<i32>} : memref<128xi32, #tpu.memory_space<vmem>>, vector<16xi32>,
    %swap3A_116 = vector.shape_cast %swap3A_115 : vector<16xi32> to vector<16xi32>
    %swap3A_117 = vector.shape_cast %and3A_113 : vector<16xi32> to vector<16xi32>
    tpu.vector_store %arg7[%swap3A_114], %swap3A_117 {strides = array<i32>} : memref<128xi32, #tpu.memory_space<vmem>>, vector<16xi32>,
    %shift_right_arithmetic3A_118 = arith.constant 16 : i32
    %shift_right_arithmetic3A_119 = vector.broadcast %shift_right_arithmetic3A_118 : i32 to vector<16xi32>
    %shift_right_arithmetic3A_120 = arith.shrsi %get3A_110, %shift_right_arithmetic3A_119 : vector<16xi32>
    %swap3A_121 = arith.constant 112 : index
    %swap3A_122 = tpu.vector_load %arg7[%swap3A_121] {strides = array<i32>} : memref<128xi32, #tpu.memory_space<vmem>>, vector<16xi32>,
    %swap3A_123 = vector.shape_cast %swap3A_122 : vector<16xi32> to vector<16xi32>
    %swap3A_124 = vector.shape_cast %shift_right_arithmetic3A_120 : vector<16xi32> to vector<16xi32>
    tpu.vector_store %arg7[%swap3A_121], %swap3A_124 {strides = array<i32>} : memref<128xi32, #tpu.memory_space<vmem>>, vector<16xi32>,
    %dma_start3A_125 = arith.constant 0 : i32
    %dma_start3A_126 = arith.constant 0 : i32
    %dma_start3A_127 = tpu.memref_slice %arg2[%dma_start3A_125, %dma_start3A_126] : memref<10112x128xf32, #tpu.memory_space<hbm>> -> memref<10112x128xf32, #tpu.memory_space<hbm>>
    tpu.enqueue_indirect_dma source(%dma_start3A_127 : memref<10112x128xf32, #tpu.memory_space<hbm>>) target(%arg10 : memref<128x128xf32, #tpu.memory_space<vmem>>) offsets(%arg7 : memref<128xi32, #tpu.memory_space<vmem>>) semaphore(%arg13 : memref<!tpu.dma_semaphore, #tpu.memory_space<semaphore_mem>>)
    %scan3A_128 = arith.constant 0 : i32
    %scan3A_129 = arith.constant 40 : i32
    %scan3A_130 = arith.addi %scan3A_128, %scan3A_129 : i32
    %scan3A_131 = arith.constant 1 : i32
    scf.for %scan3A_138 = %scan3A_128 to %scan3A_130 step %scan3A_131  : i32 {
      %mul3A_139 = arith.constant 1 : i32
      %mul3A_140 = arith.muli %scan3A_138, %mul3A_139 : i32
      %add3A_141 = arith.constant 0 : i32
      %add3A_142 = arith.addi %add3A_141, %mul3A_140 : i32
      %get3A_143 = arith.index_cast %add3A_142 : i32 to index
      %get3A_144 = arith.constant 64 : index
      %get3A_145 = tpu.vector_load %arg5[%get3A_143, %get3A_144] {strides = array<i32>} : memref<40x128xi32, #tpu.memory_space<vmem>>, vector<1x16xi32>,
      %get3A_146 = vector.shape_cast %get3A_145 : vector<1x16xi32> to vector<16xi32>
      %and3A_147 = arith.constant 65535 : i32
      %and3A_148 = vector.broadcast %and3A_147 : i32 to vector<16xi32>
      %and3A_149 = arith.andi %get3A_146, %and3A_148 : vector<16xi32>
      %swap3A_150 = arith.constant 0 : index
      %swap3A_151 = tpu.vector_load %arg8[%swap3A_150] {strides = array<i32>} : memref<128xi32, #tpu.memory_space<vmem>>, vector<16xi32>,
      %swap3A_152 = vector.shape_cast %swap3A_151 : vector<16xi32> to vector<16xi32>
      %swap3A_153 = vector.shape_cast %and3A_149 : vector<16xi32> to vector<16xi32>
      tpu.vector_store %arg8[%swap3A_150], %swap3A_153 {strides = array<i32>} : memref<128xi32, #tpu.memory_space<vmem>>, vector<16xi32>,
      %shift_right_arithmetic3A_154 = arith.constant 16 : i32
      %shift_right_arithmetic3A_155 = vector.broadcast %shift_right_arithmetic3A_154 : i32 to vector<16xi32>
      %shift_right_arithmetic3A_156 = arith.shrsi %get3A_146, %shift_right_arithmetic3A_155 : vector<16xi32>
      %swap3A_157 = arith.constant 64 : index
      %swap3A_158 = tpu.vector_load %arg8[%swap3A_157] {strides = array<i32>} : memref<128xi32, #tpu.memory_space<vmem>>, vector<16xi32>,
      %swap3A_159 = vector.shape_cast %swap3A_158 : vector<16xi32> to vector<16xi32>
      %swap3A_160 = vector.shape_cast %shift_right_arithmetic3A_156 : vector<16xi32> to vector<16xi32>
      tpu.vector_store %arg8[%swap3A_157], %swap3A_160 {strides = array<i32>} : memref<128xi32, #tpu.memory_space<vmem>>, vector<16xi32>,
      %get3A_161 = arith.index_cast %add3A_142 : i32 to index
      %get3A_162 = arith.constant 80 : index
      %get3A_163 = tpu.vector_load %arg5[%get3A_161, %get3A_162] {strides = array<i32>} : memref<40x128xi32, #tpu.memory_space<vmem>>, vector<1x16xi32>,
      %get3A_164 = vector.shape_cast %get3A_163 : vector<1x16xi32> to vector<16xi32>
      %and3A_165 = arith.constant 65535 : i32
      %and3A_166 = vector.broadcast %and3A_165 : i32 to vector<16xi32>
      %and3A_167 = arith.andi %get3A_164, %and3A_166 : vector<16xi32>
      %swap3A_168 = arith.constant 16 : index
      %swap3A_169 = tpu.vector_load %arg8[%swap3A_168] {strides = array<i32>} : memref<128xi32, #tpu.memory_space<vmem>>, vector<16xi32>,
      %swap3A_170 = vector.shape_cast %swap3A_169 : vector<16xi32> to vector<16xi32>
      %swap3A_171 = vector.shape_cast %and3A_167 : vector<16xi32> to vector<16xi32>
      tpu.vector_store %arg8[%swap3A_168], %swap3A_171 {strides = array<i32>} : memref<128xi32, #tpu.memory_space<vmem>>, vector<16xi32>,
      %shift_right_arithmetic3A_172 = arith.constant 16 : i32
      %shift_right_arithmetic3A_173 = vector.broadcast %shift_right_arithmetic3A_172 : i32 to vector<16xi32>
      %shift_right_arithmetic3A_174 = arith.shrsi %get3A_164, %shift_right_arithmetic3A_173 : vector<16xi32>
      %swap3A_175 = arith.constant 80 : index
      %swap3A_176 = tpu.vector_load %arg8[%swap3A_175] {strides = array<i32>} : memref<128xi32, #tpu.memory_space<vmem>>, vector<16xi32>,
      %swap3A_177 = vector.shape_cast %swap3A_176 : vector<16xi32> to vector<16xi32>
      %swap3A_178 = vector.shape_cast %shift_right_arithmetic3A_174 : vector<16xi32> to vector<16xi32>
      tpu.vector_store %arg8[%swap3A_175], %swap3A_178 {strides = array<i32>} : memref<128xi32, #tpu.memory_space<vmem>>, vector<16xi32>,
      %get3A_179 = arith.index_cast %add3A_142 : i32 to index
      %get3A_180 = arith.constant 96 : index
      %get3A_181 = tpu.vector_load %arg5[%get3A_179, %get3A_180] {strides = array<i32>} : memref<40x128xi32, #tpu.memory_space<vmem>>, vector<1x16xi32>,
      %get3A_182 = vector.shape_cast %get3A_181 : vector<1x16xi32> to vector<16xi32>
      %and3A_183 = arith.constant 65535 : i32
      %and3A_184 = vector.broadcast %and3A_183 : i32 to vector<16xi32>
      %and3A_185 = arith.andi %get3A_182, %and3A_184 : vector<16xi32>
      %swap3A_186 = arith.constant 32 : index
      %swap3A_187 = tpu.vector_load %arg8[%swap3A_186] {strides = array<i32>} : memref<128xi32, #tpu.memory_space<vmem>>, vector<16xi32>,
      %swap3A_188 = vector.shape_cast %swap3A_187 : vector<16xi32> to vector<16xi32>
      %swap3A_189 = vector.shape_cast %and3A_185 : vector<16xi32> to vector<16xi32>
      tpu.vector_store %arg8[%swap3A_186], %swap3A_189 {strides = array<i32>} : memref<128xi32, #tpu.memory_space<vmem>>, vector<16xi32>,
      %shift_right_arithmetic3A_190 = arith.constant 16 : i32
      %shift_right_arithmetic3A_191 = vector.broadcast %shift_right_arithmetic3A_190 : i32 to vector<16xi32>
      %shift_right_arithmetic3A_192 = arith.shrsi %get3A_182, %shift_right_arithmetic3A_191 : vector<16xi32>
      %swap3A_193 = arith.constant 96 : index
      %swap3A_194 = tpu.vector_load %arg8[%swap3A_193] {strides = array<i32>} : memref<128xi32, #tpu.memory_space<vmem>>, vector<16xi32>,
      %swap3A_195 = vector.shape_cast %swap3A_194 : vector<16xi32> to vector<16xi32>
      %swap3A_196 = vector.shape_cast %shift_right_arithmetic3A_192 : vector<16xi32> to vector<16xi32>
      tpu.vector_store %arg8[%swap3A_193], %swap3A_196 {strides = array<i32>} : memref<128xi32, #tpu.memory_space<vmem>>, vector<16xi32>,
      %get3A_197 = arith.index_cast %add3A_142 : i32 to index
      %get3A_198 = arith.constant 112 : index
      %get3A_199 = tpu.vector_load %arg5[%get3A_197, %get3A_198] {strides = array<i32>} : memref<40x128xi32, #tpu.memory_space<vmem>>, vector<1x16xi32>,
      %get3A_200 = vector.shape_cast %get3A_199 : vector<1x16xi32> to vector<16xi32>
      %and3A_201 = arith.constant 65535 : i32
      %and3A_202 = vector.broadcast %and3A_201 : i32 to vector<16xi32>
      %and3A_203 = arith.andi %get3A_200, %and3A_202 : vector<16xi32>
      %swap3A_204 = arith.constant 48 : index
      %swap3A_205 = tpu.vector_load %arg8[%swap3A_204] {strides = array<i32>} : memref<128xi32, #tpu.memory_space<vmem>>, vector<16xi32>,
      %swap3A_206 = vector.shape_cast %swap3A_205 : vector<16xi32> to vector<16xi32>
      %swap3A_207 = vector.shape_cast %and3A_203 : vector<16xi32> to vector<16xi32>
      tpu.vector_store %arg8[%swap3A_204], %swap3A_207 {strides = array<i32>} : memref<128xi32, #tpu.memory_space<vmem>>, vector<16xi32>,
      %shift_right_arithmetic3A_208 = arith.constant 16 : i32
      %shift_right_arithmetic3A_209 = vector.broadcast %shift_right_arithmetic3A_208 : i32 to vector<16xi32>
      %shift_right_arithmetic3A_210 = arith.shrsi %get3A_200, %shift_right_arithmetic3A_209 : vector<16xi32>
      %swap3A_211 = arith.constant 112 : index
      %swap3A_212 = tpu.vector_load %arg8[%swap3A_211] {strides = array<i32>} : memref<128xi32, #tpu.memory_space<vmem>>, vector<16xi32>,
      %swap3A_213 = vector.shape_cast %swap3A_212 : vector<16xi32> to vector<16xi32>
      %swap3A_214 = vector.shape_cast %shift_right_arithmetic3A_210 : vector<16xi32> to vector<16xi32>
      tpu.vector_store %arg8[%swap3A_211], %swap3A_214 {strides = array<i32>} : memref<128xi32, #tpu.memory_space<vmem>>, vector<16xi32>,
      %dma_start3A_215 = arith.constant 0 : i32
      %dma_start3A_216 = arith.constant 0 : i32
      %dma_start3A_217 = tpu.memref_slice %arg2[%dma_start3A_215, %dma_start3A_216] : memref<10112x128xf32, #tpu.memory_space<hbm>> -> memref<10112x128xf32, #tpu.memory_space<hbm>>
      tpu.enqueue_indirect_dma source(%dma_start3A_217 : memref<10112x128xf32, #tpu.memory_space<hbm>>) target(%arg11 : memref<128x128xf32, #tpu.memory_space<vmem>>) offsets(%arg8 : memref<128xi32, #tpu.memory_space<vmem>>) semaphore(%arg14 : memref<!tpu.dma_semaphore, #tpu.memory_space<semaphore_mem>>)
      %dma_wait3A_218 = arith.constant 0 : i32
      %dma_wait3A_219 = arith.constant 0 : i32
      %dma_wait3A_220 = tpu.memref_slice %arg2[%dma_wait3A_218, %dma_wait3A_219] : memref<10112x128xf32, #tpu.memory_space<hbm>> -> memref<10112x128xf32, #tpu.memory_space<hbm>>
      tpu.wait_indirect_dma semaphore(%arg13 : memref<!tpu.dma_semaphore, #tpu.memory_space<semaphore_mem>>) src(%dma_wait3A_220 : memref<10112x128xf32, #tpu.memory_space<hbm>>) dst(%arg10 : memref<128x128xf32, #tpu.memory_space<vmem>>)
      %get3A_221 = arith.index_cast %add3A_142 : i32 to index
      %get3A_222 = arith.constant 0 : index
      %get3A_223 = tpu.vector_load %arg6[%get3A_221, %get3A_222] {strides = array<i32>} : memref<40x128xi32, #tpu.memory_space<vmem>>, vector<1x16xi32>,
      %get3A_224 = vector.shape_cast %get3A_223 : vector<1x16xi32> to vector<16xi32>
      %and3A_225 = arith.constant 65535 : i32
      %and3A_226 = vector.broadcast %and3A_225 : i32 to vector<16xi32>
      %and3A_227 = arith.andi %get3A_224, %and3A_226 : vector<16xi32>
      %swap3A_228 = arith.constant 0 : index
      %swap3A_229 = tpu.vector_load %arg9[%swap3A_228] {strides = array<i32>} : memref<128xi32, #tpu.memory_space<vmem>>, vector<16xi32>,
      %swap3A_230 = vector.shape_cast %swap3A_229 : vector<16xi32> to vector<16xi32>
      %swap3A_231 = vector.shape_cast %and3A_227 : vector<16xi32> to vector<16xi32>
      tpu.vector_store %arg9[%swap3A_228], %swap3A_231 {strides = array<i32>} : memref<128xi32, #tpu.memory_space<vmem>>, vector<16xi32>,
      %shift_right_arithmetic3A_232 = arith.constant 16 : i32
      %shift_right_arithmetic3A_233 = vector.broadcast %shift_right_arithmetic3A_232 : i32 to vector<16xi32>
      %shift_right_arithmetic3A_234 = arith.shrsi %get3A_224, %shift_right_arithmetic3A_233 : vector<16xi32>
      %swap3A_235 = arith.constant 64 : index
      %swap3A_236 = tpu.vector_load %arg9[%swap3A_235] {strides = array<i32>} : memref<128xi32, #tpu.memory_space<vmem>>, vector<16xi32>,
      %swap3A_237 = vector.shape_cast %swap3A_236 : vector<16xi32> to vector<16xi32>
      %swap3A_238 = vector.shape_cast %shift_right_arithmetic3A_234 : vector<16xi32> to vector<16xi32>
      tpu.vector_store %arg9[%swap3A_235], %swap3A_238 {strides = array<i32>} : memref<128xi32, #tpu.memory_space<vmem>>, vector<16xi32>,
      %get3A_239 = arith.index_cast %add3A_142 : i32 to index
      %get3A_240 = arith.constant 16 : index
      %get3A_241 = tpu.vector_load %arg6[%get3A_239, %get3A_240] {strides = array<i32>} : memref<40x128xi32, #tpu.memory_space<vmem>>, vector<1x16xi32>,
      %get3A_242 = vector.shape_cast %get3A_241 : vector<1x16xi32> to vector<16xi32>
      %and3A_243 = arith.constant 65535 : i32
      %and3A_244 = vector.broadcast %and3A_243 : i32 to vector<16xi32>
      %and3A_245 = arith.andi %get3A_242, %and3A_244 : vector<16xi32>
      %swap3A_246 = arith.constant 16 : index
      %swap3A_247 = tpu.vector_load %arg9[%swap3A_246] {strides = array<i32>} : memref<128xi32, #tpu.memory_space<vmem>>, vector<16xi32>,
      %swap3A_248 = vector.shape_cast %swap3A_247 : vector<16xi32> to vector<16xi32>
      %swap3A_249 = vector.shape_cast %and3A_245 : vector<16xi32> to vector<16xi32>
      tpu.vector_store %arg9[%swap3A_246], %swap3A_249 {strides = array<i32>} : memref<128xi32, #tpu.memory_space<vmem>>, vector<16xi32>,
      %shift_right_arithmetic3A_250 = arith.constant 16 : i32
      %shift_right_arithmetic3A_251 = vector.broadcast %shift_right_arithmetic3A_250 : i32 to vector<16xi32>
      %shift_right_arithmetic3A_252 = arith.shrsi %get3A_242, %shift_right_arithmetic3A_251 : vector<16xi32>
      %swap3A_253 = arith.constant 80 : index
      %swap3A_254 = tpu.vector_load %arg9[%swap3A_253] {strides = array<i32>} : memref<128xi32, #tpu.memory_space<vmem>>, vector<16xi32>,
      %swap3A_255 = vector.shape_cast %swap3A_254 : vector<16xi32> to vector<16xi32>
      %swap3A_256 = vector.shape_cast %shift_right_arithmetic3A_252 : vector<16xi32> to vector<16xi32>
      tpu.vector_store %arg9[%swap3A_253], %swap3A_256 {strides = array<i32>} : memref<128xi32, #tpu.memory_space<vmem>>, vector<16xi32>,
      %get3A_257 = arith.index_cast %add3A_142 : i32 to index
      %get3A_258 = arith.constant 32 : index
      %get3A_259 = tpu.vector_load %arg6[%get3A_257, %get3A_258] {strides = array<i32>} : memref<40x128xi32, #tpu.memory_space<vmem>>, vector<1x16xi32>,
      %get3A_260 = vector.shape_cast %get3A_259 : vector<1x16xi32> to vector<16xi32>
      %and3A_261 = arith.constant 65535 : i32
      %and3A_262 = vector.broadcast %and3A_261 : i32 to vector<16xi32>
      %and3A_263 = arith.andi %get3A_260, %and3A_262 : vector<16xi32>
      %swap3A_264 = arith.constant 32 : index
      %swap3A_265 = tpu.vector_load %arg9[%swap3A_264] {strides = array<i32>} : memref<128xi32, #tpu.memory_space<vmem>>, vector<16xi32>,
      %swap3A_266 = vector.shape_cast %swap3A_265 : vector<16xi32> to vector<16xi32>
      %swap3A_267 = vector.shape_cast %and3A_263 : vector<16xi32> to vector<16xi32>
      tpu.vector_store %arg9[%swap3A_264], %swap3A_267 {strides = array<i32>} : memref<128xi32, #tpu.memory_space<vmem>>, vector<16xi32>,
      %shift_right_arithmetic3A_268 = arith.constant 16 : i32
      %shift_right_arithmetic3A_269 = vector.broadcast %shift_right_arithmetic3A_268 : i32 to vector<16xi32>
      %shift_right_arithmetic3A_270 = arith.shrsi %get3A_260, %shift_right_arithmetic3A_269 : vector<16xi32>
      %swap3A_271 = arith.constant 96 : index
      %swap3A_272 = tpu.vector_load %arg9[%swap3A_271] {strides = array<i32>} : memref<128xi32, #tpu.memory_space<vmem>>, vector<16xi32>,
      %swap3A_273 = vector.shape_cast %swap3A_272 : vector<16xi32> to vector<16xi32>
      %swap3A_274 = vector.shape_cast %shift_right_arithmetic3A_270 : vector<16xi32> to vector<16xi32>
      tpu.vector_store %arg9[%swap3A_271], %swap3A_274 {strides = array<i32>} : memref<128xi32, #tpu.memory_space<vmem>>, vector<16xi32>,
      %get3A_275 = arith.index_cast %add3A_142 : i32 to index
      %get3A_276 = arith.constant 48 : index
      %get3A_277 = tpu.vector_load %arg6[%get3A_275, %get3A_276] {strides = array<i32>} : memref<40x128xi32, #tpu.memory_space<vmem>>, vector<1x16xi32>,
      %get3A_278 = vector.shape_cast %get3A_277 : vector<1x16xi32> to vector<16xi32>
      %and3A_279 = arith.constant 65535 : i32
      %and3A_280 = vector.broadcast %and3A_279 : i32 to vector<16xi32>
      %and3A_281 = arith.andi %get3A_278, %and3A_280 : vector<16xi32>
      %swap3A_282 = arith.constant 48 : index
      %swap3A_283 = tpu.vector_load %arg9[%swap3A_282] {strides = array<i32>} : memref<128xi32, #tpu.memory_space<vmem>>, vector<16xi32>,
      %swap3A_284 = vector.shape_cast %swap3A_283 : vector<16xi32> to vector<16xi32>
      %swap3A_285 = vector.shape_cast %and3A_281 : vector<16xi32> to vector<16xi32>
      tpu.vector_store %arg9[%swap3A_282], %swap3A_285 {strides = array<i32>} : memref<128xi32, #tpu.memory_space<vmem>>, vector<16xi32>,
      %shift_right_arithmetic3A_286 = arith.constant 16 : i32
      %shift_right_arithmetic3A_287 = vector.broadcast %shift_right_arithmetic3A_286 : i32 to vector<16xi32>
      %shift_right_arithmetic3A_288 = arith.shrsi %get3A_278, %shift_right_arithmetic3A_287 : vector<16xi32>
      %swap3A_289 = arith.constant 112 : index
      %swap3A_290 = tpu.vector_load %arg9[%swap3A_289] {strides = array<i32>} : memref<128xi32, #tpu.memory_space<vmem>>, vector<16xi32>,
      %swap3A_291 = vector.shape_cast %swap3A_290 : vector<16xi32> to vector<16xi32>
      %swap3A_292 = vector.shape_cast %shift_right_arithmetic3A_288 : vector<16xi32> to vector<16xi32>
      tpu.vector_store %arg9[%swap3A_289], %swap3A_292 {strides = array<i32>} : memref<128xi32, #tpu.memory_space<vmem>>, vector<16xi32>,
      "tpu.region"() ({
        %run_scoped3A = tpu.sem_alloc : memref<!tpu.dma_semaphore, #tpu.memory_space<semaphore_mem>>
        %dma_start3A_370 = arith.constant 0 : i32
        %dma_start3A_371 = arith.constant 0 : i32
        %dma_start3A_372 = tpu.memref_slice %arg12[%dma_start3A_370, %dma_start3A_371] : memref<10112x128xf32, #tpu.memory_space<vmem_shared>> -> memref<10112x128xf32, #tpu.memory_space<vmem_shared>>
        tpu.enqueue_indirect_dma source(%arg10 : memref<128x128xf32, #tpu.memory_space<vmem>>) target(%dma_start3A_372 : memref<10112x128xf32, #tpu.memory_space<vmem_shared>>) offsets(%arg9 : memref<128xi32, #tpu.memory_space<vmem>>) semaphore(%run_scoped3A : memref<!tpu.dma_semaphore, #tpu.memory_space<semaphore_mem>>) {add = true}
        %dma_wait3A_373 = arith.constant 0 : i32
        %dma_wait3A_374 = arith.constant 0 : i32
        %dma_wait3A_375 = tpu.memref_slice %arg12[%dma_wait3A_373, %dma_wait3A_374] : memref<10112x128xf32, #tpu.memory_space<vmem_shared>> -> memref<10112x128xf32, #tpu.memory_space<vmem_shared>>
        tpu.wait_indirect_dma semaphore(%run_scoped3A : memref<!tpu.dma_semaphore, #tpu.memory_space<semaphore_mem>>) src(%arg10 : memref<128x128xf32, #tpu.memory_space<vmem>>) dst(%dma_wait3A_375 : memref<10112x128xf32, #tpu.memory_space<vmem_shared>>)
        tpu.yield
      }) : () -> ()
      %lt3A = arith.constant 39 : i32
      %lt3A_293 = arith.cmpi slt, %add3A_142, %lt3A : i32
      %convert_element_type3A = arith.extui %lt3A_293 : i1 to i32
      %cond3A = arith.constant 0 : i32
      %cond3A_294 = arith.cmpi ne, %convert_element_type3A, %cond3A : i32
      scf.if %cond3A_294 {
        %add3A_370 = arith.constant 1 : i32
        %add3A_371 = arith.addi %add3A_142, %add3A_370 : i32
        %get3A_372 = arith.index_cast %add3A_371 : i32 to index
        %get3A_373 = arith.constant 0 : index
        %get3A_374 = tpu.vector_load %arg5[%get3A_372, %get3A_373] {strides = array<i32>} : memref<40x128xi32, #tpu.memory_space<vmem>>, vector<1x16xi32>,
        %get3A_375 = vector.shape_cast %get3A_374 : vector<1x16xi32> to vector<16xi32>
        %and3A_376 = arith.constant 65535 : i32
        %and3A_377 = vector.broadcast %and3A_376 : i32 to vector<16xi32>
        %and3A_378 = arith.andi %get3A_375, %and3A_377 : vector<16xi32>
        %swap3A_379 = arith.constant 0 : index
        %swap3A_380 = tpu.vector_load %arg7[%swap3A_379] {strides = array<i32>} : memref<128xi32, #tpu.memory_space<vmem>>, vector<16xi32>,
        %swap3A_381 = vector.shape_cast %swap3A_380 : vector<16xi32> to vector<16xi32>
        %swap3A_382 = vector.shape_cast %and3A_378 : vector<16xi32> to vector<16xi32>
        tpu.vector_store %arg7[%swap3A_379], %swap3A_382 {strides = array<i32>} : memref<128xi32, #tpu.memory_space<vmem>>, vector<16xi32>,
        %shift_right_arithmetic3A_383 = arith.constant 16 : i32
        %shift_right_arithmetic3A_384 = vector.broadcast %shift_right_arithmetic3A_383 : i32 to vector<16xi32>
        %shift_right_arithmetic3A_385 = arith.shrsi %get3A_375, %shift_right_arithmetic3A_384 : vector<16xi32>
        %swap3A_386 = arith.constant 64 : index
        %swap3A_387 = tpu.vector_load %arg7[%swap3A_386] {strides = array<i32>} : memref<128xi32, #tpu.memory_space<vmem>>, vector<16xi32>,
        %swap3A_388 = vector.shape_cast %swap3A_387 : vector<16xi32> to vector<16xi32>
        %swap3A_389 = vector.shape_cast %shift_right_arithmetic3A_385 : vector<16xi32> to vector<16xi32>
        tpu.vector_store %arg7[%swap3A_386], %swap3A_389 {strides = array<i32>} : memref<128xi32, #tpu.memory_space<vmem>>, vector<16xi32>,
        %get3A_390 = arith.index_cast %add3A_371 : i32 to index
        %get3A_391 = arith.constant 16 : index
        %get3A_392 = tpu.vector_load %arg5[%get3A_390, %get3A_391] {strides = array<i32>} : memref<40x128xi32, #tpu.memory_space<vmem>>, vector<1x16xi32>,
        %get3A_393 = vector.shape_cast %get3A_392 : vector<1x16xi32> to vector<16xi32>
        %and3A_394 = arith.constant 65535 : i32
        %and3A_395 = vector.broadcast %and3A_394 : i32 to vector<16xi32>
        %and3A_396 = arith.andi %get3A_393, %and3A_395 : vector<16xi32>
        %swap3A_397 = arith.constant 16 : index
        %swap3A_398 = tpu.vector_load %arg7[%swap3A_397] {strides = array<i32>} : memref<128xi32, #tpu.memory_space<vmem>>, vector<16xi32>,
        %swap3A_399 = vector.shape_cast %swap3A_398 : vector<16xi32> to vector<16xi32>
        %swap3A_400 = vector.shape_cast %and3A_396 : vector<16xi32> to vector<16xi32>
        tpu.vector_store %arg7[%swap3A_397], %swap3A_400 {strides = array<i32>} : memref<128xi32, #tpu.memory_space<vmem>>, vector<16xi32>,
        %shift_right_arithmetic3A_401 = arith.constant 16 : i32
        %shift_right_arithmetic3A_402 = vector.broadcast %shift_right_arithmetic3A_401 : i32 to vector<16xi32>
        %shift_right_arithmetic3A_403 = arith.shrsi %get3A_393, %shift_right_arithmetic3A_402 : vector<16xi32>
        %swap3A_404 = arith.constant 80 : index
        %swap3A_405 = tpu.vector_load %arg7[%swap3A_404] {strides = array<i32>} : memref<128xi32, #tpu.memory_space<vmem>>, vector<16xi32>,
        %swap3A_406 = vector.shape_cast %swap3A_405 : vector<16xi32> to vector<16xi32>
        %swap3A_407 = vector.shape_cast %shift_right_arithmetic3A_403 : vector<16xi32> to vector<16xi32>
        tpu.vector_store %arg7[%swap3A_404], %swap3A_407 {strides = array<i32>} : memref<128xi32, #tpu.memory_space<vmem>>, vector<16xi32>,
        %get3A_408 = arith.index_cast %add3A_371 : i32 to index
        %get3A_409 = arith.constant 32 : index
        %get3A_410 = tpu.vector_load %arg5[%get3A_408, %get3A_409] {strides = array<i32>} : memref<40x128xi32, #tpu.memory_space<vmem>>, vector<1x16xi32>,
        %get3A_411 = vector.shape_cast %get3A_410 : vector<1x16xi32> to vector<16xi32>
        %and3A_412 = arith.constant 65535 : i32
        %and3A_413 = vector.broadcast %and3A_412 : i32 to vector<16xi32>
        %and3A_414 = arith.andi %get3A_411, %and3A_413 : vector<16xi32>
        %swap3A_415 = arith.constant 32 : index
        %swap3A_416 = tpu.vector_load %arg7[%swap3A_415] {strides = array<i32>} : memref<128xi32, #tpu.memory_space<vmem>>, vector<16xi32>,
        %swap3A_417 = vector.shape_cast %swap3A_416 : vector<16xi32> to vector<16xi32>
        %swap3A_418 = vector.shape_cast %and3A_414 : vector<16xi32> to vector<16xi32>
        tpu.vector_store %arg7[%swap3A_415], %swap3A_418 {strides = array<i32>} : memref<128xi32, #tpu.memory_space<vmem>>, vector<16xi32>,
        %shift_right_arithmetic3A_419 = arith.constant 16 : i32
        %shift_right_arithmetic3A_420 = vector.broadcast %shift_right_arithmetic3A_419 : i32 to vector<16xi32>
        %shift_right_arithmetic3A_421 = arith.shrsi %get3A_411, %shift_right_arithmetic3A_420 : vector<16xi32>
        %swap3A_422 = arith.constant 96 : index
        %swap3A_423 = tpu.vector_load %arg7[%swap3A_422] {strides = array<i32>} : memref<128xi32, #tpu.memory_space<vmem>>, vector<16xi32>,
        %swap3A_424 = vector.shape_cast %swap3A_423 : vector<16xi32> to vector<16xi32>
        %swap3A_425 = vector.shape_cast %shift_right_arithmetic3A_421 : vector<16xi32> to vector<16xi32>
        tpu.vector_store %arg7[%swap3A_422], %swap3A_425 {strides = array<i32>} : memref<128xi32, #tpu.memory_space<vmem>>, vector<16xi32>,
        %get3A_426 = arith.index_cast %add3A_371 : i32 to index
        %get3A_427 = arith.constant 48 : index
        %get3A_428 = tpu.vector_load %arg5[%get3A_426, %get3A_427] {strides = array<i32>} : memref<40x128xi32, #tpu.memory_space<vmem>>, vector<1x16xi32>,
        %get3A_429 = vector.shape_cast %get3A_428 : vector<1x16xi32> to vector<16xi32>
        %and3A_430 = arith.constant 65535 : i32
        %and3A_431 = vector.broadcast %and3A_430 : i32 to vector<16xi32>
        %and3A_432 = arith.andi %get3A_429, %and3A_431 : vector<16xi32>
        %swap3A_433 = arith.constant 48 : index
        %swap3A_434 = tpu.vector_load %arg7[%swap3A_433] {strides = array<i32>} : memref<128xi32, #tpu.memory_space<vmem>>, vector<16xi32>,
        %swap3A_435 = vector.shape_cast %swap3A_434 : vector<16xi32> to vector<16xi32>
        %swap3A_436 = vector.shape_cast %and3A_432 : vector<16xi32> to vector<16xi32>
        tpu.vector_store %arg7[%swap3A_433], %swap3A_436 {strides = array<i32>} : memref<128xi32, #tpu.memory_space<vmem>>, vector<16xi32>,
        %shift_right_arithmetic3A_437 = arith.constant 16 : i32
        %shift_right_arithmetic3A_438 = vector.broadcast %shift_right_arithmetic3A_437 : i32 to vector<16xi32>
        %shift_right_arithmetic3A_439 = arith.shrsi %get3A_429, %shift_right_arithmetic3A_438 : vector<16xi32>
        %swap3A_440 = arith.constant 112 : index
        %swap3A_441 = tpu.vector_load %arg7[%swap3A_440] {strides = array<i32>} : memref<128xi32, #tpu.memory_space<vmem>>, vector<16xi32>,
        %swap3A_442 = vector.shape_cast %swap3A_441 : vector<16xi32> to vector<16xi32>
        %swap3A_443 = vector.shape_cast %shift_right_arithmetic3A_439 : vector<16xi32> to vector<16xi32>
        tpu.vector_store %arg7[%swap3A_440], %swap3A_443 {strides = array<i32>} : memref<128xi32, #tpu.memory_space<vmem>>, vector<16xi32>,
        %dma_start3A_444 = arith.constant 0 : i32
        %dma_start3A_445 = arith.constant 0 : i32
        %dma_start3A_446 = tpu.memref_slice %arg2[%dma_start3A_444, %dma_start3A_445] : memref<10112x128xf32, #tpu.memory_space<hbm>> -> memref<10112x128xf32, #tpu.memory_space<hbm>>
        tpu.enqueue_indirect_dma source(%dma_start3A_446 : memref<10112x128xf32, #tpu.memory_space<hbm>>) target(%arg10 : memref<128x128xf32, #tpu.memory_space<vmem>>) offsets(%arg7 : memref<128xi32, #tpu.memory_space<vmem>>) semaphore(%arg13 : memref<!tpu.dma_semaphore, #tpu.memory_space<semaphore_mem>>)
      } else {
      }
      %dma_wait3A_295 = arith.constant 0 : i32
      %dma_wait3A_296 = arith.constant 0 : i32
      %dma_wait3A_297 = tpu.memref_slice %arg2[%dma_wait3A_295, %dma_wait3A_296] : memref<10112x128xf32, #tpu.memory_space<hbm>> -> memref<10112x128xf32, #tpu.memory_space<hbm>>
      tpu.wait_indirect_dma semaphore(%arg14 : memref<!tpu.dma_semaphore, #tpu.memory_space<semaphore_mem>>) src(%dma_wait3A_297 : memref<10112x128xf32, #tpu.memory_space<hbm>>) dst(%arg11 : memref<128x128xf32, #tpu.memory_space<vmem>>)
      %get3A_298 = arith.index_cast %add3A_142 : i32 to index
      %get3A_299 = arith.constant 64 : index
      %get3A_300 = tpu.vector_load %arg6[%get3A_298, %get3A_299] {strides = array<i32>} : memref<40x128xi32, #tpu.memory_space<vmem>>, vector<1x16xi32>,
      %get3A_301 = vector.shape_cast %get3A_300 : vector<1x16xi32> to vector<16xi32>
      %and3A_302 = arith.constant 65535 : i32
      %and3A_303 = vector.broadcast %and3A_302 : i32 to vector<16xi32>
      %and3A_304 = arith.andi %get3A_301, %and3A_303 : vector<16xi32>
      %swap3A_305 = arith.constant 0 : index
      %swap3A_306 = tpu.vector_load %arg9[%swap3A_305] {strides = array<i32>} : memref<128xi32, #tpu.memory_space<vmem>>, vector<16xi32>,
      %swap3A_307 = vector.shape_cast %swap3A_306 : vector<16xi32> to vector<16xi32>
      %swap3A_308 = vector.shape_cast %and3A_304 : vector<16xi32> to vector<16xi32>
      tpu.vector_store %arg9[%swap3A_305], %swap3A_308 {strides = array<i32>} : memref<128xi32, #tpu.memory_space<vmem>>, vector<16xi32>,
      %shift_right_arithmetic3A_309 = arith.constant 16 : i32
      %shift_right_arithmetic3A_310 = vector.broadcast %shift_right_arithmetic3A_309 : i32 to vector<16xi32>
      %shift_right_arithmetic3A_311 = arith.shrsi %get3A_301, %shift_right_arithmetic3A_310 : vector<16xi32>
      %swap3A_312 = arith.constant 64 : index
      %swap3A_313 = tpu.vector_load %arg9[%swap3A_312] {strides = array<i32>} : memref<128xi32, #tpu.memory_space<vmem>>, vector<16xi32>,
      %swap3A_314 = vector.shape_cast %swap3A_313 : vector<16xi32> to vector<16xi32>
      %swap3A_315 = vector.shape_cast %shift_right_arithmetic3A_311 : vector<16xi32> to vector<16xi32>
      tpu.vector_store %arg9[%swap3A_312], %swap3A_315 {strides = array<i32>} : memref<128xi32, #tpu.memory_space<vmem>>, vector<16xi32>,
      %get3A_316 = arith.index_cast %add3A_142 : i32 to index
      %get3A_317 = arith.constant 80 : index
      %get3A_318 = tpu.vector_load %arg6[%get3A_316, %get3A_317] {strides = array<i32>} : memref<40x128xi32, #tpu.memory_space<vmem>>, vector<1x16xi32>,
      %get3A_319 = vector.shape_cast %get3A_318 : vector<1x16xi32> to vector<16xi32>
      %and3A_320 = arith.constant 65535 : i32
      %and3A_321 = vector.broadcast %and3A_320 : i32 to vector<16xi32>
      %and3A_322 = arith.andi %get3A_319, %and3A_321 : vector<16xi32>
      %swap3A_323 = arith.constant 16 : index
      %swap3A_324 = tpu.vector_load %arg9[%swap3A_323] {strides = array<i32>} : memref<128xi32, #tpu.memory_space<vmem>>, vector<16xi32>,
      %swap3A_325 = vector.shape_cast %swap3A_324 : vector<16xi32> to vector<16xi32>
      %swap3A_326 = vector.shape_cast %and3A_322 : vector<16xi32> to vector<16xi32>
      tpu.vector_store %arg9[%swap3A_323], %swap3A_326 {strides = array<i32>} : memref<128xi32, #tpu.memory_space<vmem>>, vector<16xi32>,
      %shift_right_arithmetic3A_327 = arith.constant 16 : i32
      %shift_right_arithmetic3A_328 = vector.broadcast %shift_right_arithmetic3A_327 : i32 to vector<16xi32>
      %shift_right_arithmetic3A_329 = arith.shrsi %get3A_319, %shift_right_arithmetic3A_328 : vector<16xi32>
      %swap3A_330 = arith.constant 80 : index
      %swap3A_331 = tpu.vector_load %arg9[%swap3A_330] {strides = array<i32>} : memref<128xi32, #tpu.memory_space<vmem>>, vector<16xi32>,
      %swap3A_332 = vector.shape_cast %swap3A_331 : vector<16xi32> to vector<16xi32>
      %swap3A_333 = vector.shape_cast %shift_right_arithmetic3A_329 : vector<16xi32> to vector<16xi32>
      tpu.vector_store %arg9[%swap3A_330], %swap3A_333 {strides = array<i32>} : memref<128xi32, #tpu.memory_space<vmem>>, vector<16xi32>,
      %get3A_334 = arith.index_cast %add3A_142 : i32 to index
      %get3A_335 = arith.constant 96 : index
      %get3A_336 = tpu.vector_load %arg6[%get3A_334, %get3A_335] {strides = array<i32>} : memref<40x128xi32, #tpu.memory_space<vmem>>, vector<1x16xi32>,
      %get3A_337 = vector.shape_cast %get3A_336 : vector<1x16xi32> to vector<16xi32>
      %and3A_338 = arith.constant 65535 : i32
      %and3A_339 = vector.broadcast %and3A_338 : i32 to vector<16xi32>
      %and3A_340 = arith.andi %get3A_337, %and3A_339 : vector<16xi32>
      %swap3A_341 = arith.constant 32 : index
      %swap3A_342 = tpu.vector_load %arg9[%swap3A_341] {strides = array<i32>} : memref<128xi32, #tpu.memory_space<vmem>>, vector<16xi32>,
      %swap3A_343 = vector.shape_cast %swap3A_342 : vector<16xi32> to vector<16xi32>
      %swap3A_344 = vector.shape_cast %and3A_340 : vector<16xi32> to vector<16xi32>
      tpu.vector_store %arg9[%swap3A_341], %swap3A_344 {strides = array<i32>} : memref<128xi32, #tpu.memory_space<vmem>>, vector<16xi32>,
      %shift_right_arithmetic3A_345 = arith.constant 16 : i32
      %shift_right_arithmetic3A_346 = vector.broadcast %shift_right_arithmetic3A_345 : i32 to vector<16xi32>
      %shift_right_arithmetic3A_347 = arith.shrsi %get3A_337, %shift_right_arithmetic3A_346 : vector<16xi32>
      %swap3A_348 = arith.constant 96 : index
      %swap3A_349 = tpu.vector_load %arg9[%swap3A_348] {strides = array<i32>} : memref<128xi32, #tpu.memory_space<vmem>>, vector<16xi32>,
      %swap3A_350 = vector.shape_cast %swap3A_349 : vector<16xi32> to vector<16xi32>
      %swap3A_351 = vector.shape_cast %shift_right_arithmetic3A_347 : vector<16xi32> to vector<16xi32>
      tpu.vector_store %arg9[%swap3A_348], %swap3A_351 {strides = array<i32>} : memref<128xi32, #tpu.memory_space<vmem>>, vector<16xi32>,
      %get3A_352 = arith.index_cast %add3A_142 : i32 to index
      %get3A_353 = arith.constant 112 : index
      %get3A_354 = tpu.vector_load %arg6[%get3A_352, %get3A_353] {strides = array<i32>} : memref<40x128xi32, #tpu.memory_space<vmem>>, vector<1x16xi32>,
      %get3A_355 = vector.shape_cast %get3A_354 : vector<1x16xi32> to vector<16xi32>
      %and3A_356 = arith.constant 65535 : i32
      %and3A_357 = vector.broadcast %and3A_356 : i32 to vector<16xi32>
      %and3A_358 = arith.andi %get3A_355, %and3A_357 : vector<16xi32>
      %swap3A_359 = arith.constant 48 : index
      %swap3A_360 = tpu.vector_load %arg9[%swap3A_359] {strides = array<i32>} : memref<128xi32, #tpu.memory_space<vmem>>, vector<16xi32>,
      %swap3A_361 = vector.shape_cast %swap3A_360 : vector<16xi32> to vector<16xi32>
      %swap3A_362 = vector.shape_cast %and3A_358 : vector<16xi32> to vector<16xi32>
      tpu.vector_store %arg9[%swap3A_359], %swap3A_362 {strides = array<i32>} : memref<128xi32, #tpu.memory_space<vmem>>, vector<16xi32>,
      %shift_right_arithmetic3A_363 = arith.constant 16 : i32
      %shift_right_arithmetic3A_364 = vector.broadcast %shift_right_arithmetic3A_363 : i32 to vector<16xi32>
      %shift_right_arithmetic3A_365 = arith.shrsi %get3A_355, %shift_right_arithmetic3A_364 : vector<16xi32>
      %swap3A_366 = arith.constant 112 : index
      %swap3A_367 = tpu.vector_load %arg9[%swap3A_366] {strides = array<i32>} : memref<128xi32, #tpu.memory_space<vmem>>, vector<16xi32>,
      %swap3A_368 = vector.shape_cast %swap3A_367 : vector<16xi32> to vector<16xi32>
      %swap3A_369 = vector.shape_cast %shift_right_arithmetic3A_365 : vector<16xi32> to vector<16xi32>
      tpu.vector_store %arg9[%swap3A_366], %swap3A_369 {strides = array<i32>} : memref<128xi32, #tpu.memory_space<vmem>>, vector<16xi32>,
      "tpu.region"() ({
        %run_scoped3A = tpu.sem_alloc : memref<!tpu.dma_semaphore, #tpu.memory_space<semaphore_mem>>
        %dma_start3A_370 = arith.constant 0 : i32
        %dma_start3A_371 = arith.constant 0 : i32
        %dma_start3A_372 = tpu.memref_slice %arg12[%dma_start3A_370, %dma_start3A_371] : memref<10112x128xf32, #tpu.memory_space<vmem_shared>> -> memref<10112x128xf32, #tpu.memory_space<vmem_shared>>
        tpu.enqueue_indirect_dma source(%arg11 : memref<128x128xf32, #tpu.memory_space<vmem>>) target(%dma_start3A_372 : memref<10112x128xf32, #tpu.memory_space<vmem_shared>>) offsets(%arg9 : memref<128xi32, #tpu.memory_space<vmem>>) semaphore(%run_scoped3A : memref<!tpu.dma_semaphore, #tpu.memory_space<semaphore_mem>>) {add = true}
        %dma_wait3A_373 = arith.constant 0 : i32
        %dma_wait3A_374 = arith.constant 0 : i32
        %dma_wait3A_375 = tpu.memref_slice %arg12[%dma_wait3A_373, %dma_wait3A_374] : memref<10112x128xf32, #tpu.memory_space<vmem_shared>> -> memref<10112x128xf32, #tpu.memory_space<vmem_shared>>
        tpu.wait_indirect_dma semaphore(%run_scoped3A : memref<!tpu.dma_semaphore, #tpu.memory_space<semaphore_mem>>) src(%arg11 : memref<128x128xf32, #tpu.memory_space<vmem>>) dst(%dma_wait3A_375 : memref<10112x128xf32, #tpu.memory_space<vmem_shared>>)
        tpu.yield
      }) : () -> ()
    }
    %scan3A_132 = arith.constant 40 : i32
    %barrier3A_133 = arith.constant 0 : index
    tpu.barrier barrier_id(%barrier3A_133)
    %mul3A_134 = arith.constant 632 : i32
    %mul3A_135 = arith.muli %arg1, %mul3A_134 : i32
    %mul3A_136 = arith.constant 632 : i32
    %mul3A_137 = arith.muli %arg1, %mul3A_136 : i32
    "tpu.region"() ({
      %run_scoped3A = tpu.sem_alloc : memref<!tpu.dma_semaphore, #tpu.memory_space<semaphore_mem>>
      %dma_start3A_138 = arith.constant 0 : i32
      %dma_start3A_139 = tpu.memref_slice %arg4[%arg0, %mul3A_137, %dma_start3A_138] : memref<2x10112x128xf32, #tpu.memory_space<hbm>> -> memref<1x632x128xf32, #tpu.memory_space<hbm>>
      %dma_start3A_140 = tpu.memref_squeeze %dma_start3A_139 : memref<1x632x128xf32, #tpu.memory_space<hbm>> -> memref<632x128xf32, #tpu.memory_space<hbm>>
      %dma_start3A_141 = arith.constant 0 : i32
      %dma_start3A_142 = tpu.memref_slice %arg12[%mul3A_135, %dma_start3A_141] : memref<10112x128xf32, #tpu.memory_space<vmem_shared>> -> memref<632x128xf32, #tpu.memory_space<vmem_shared>>
      tpu.enqueue_dma source(%dma_start3A_142 : memref<632x128xf32, #tpu.memory_space<vmem_shared>>) target(%dma_start3A_140 : memref<632x128xf32, #tpu.memory_space<hbm>>) target_semaphore(%run_scoped3A : memref<!tpu.dma_semaphore, #tpu.memory_space<semaphore_mem>>)
      %dma_wait3A_143 = arith.constant 0 : i32
      %dma_wait3A_144 = tpu.memref_slice %arg4[%arg0, %mul3A_137, %dma_wait3A_143] : memref<2x10112x128xf32, #tpu.memory_space<hbm>> -> memref<1x632x128xf32, #tpu.memory_space<hbm>>
      %dma_wait3A_145 = tpu.memref_squeeze %dma_wait3A_144 : memref<1x632x128xf32, #tpu.memory_space<hbm>> -> memref<632x128xf32, #tpu.memory_space<hbm>>
      %dma_wait3A_146 = arith.constant 0 : i32
      %dma_wait3A_147 = tpu.memref_slice %arg12[%mul3A_135, %dma_wait3A_146] : memref<10112x128xf32, #tpu.memory_space<vmem_shared>> -> memref<632x128xf32, #tpu.memory_space<vmem_shared>>
      tpu.wait_dma2 semaphore(%run_scoped3A : memref<!tpu.dma_semaphore, #tpu.memory_space<semaphore_mem>>) src(%dma_wait3A_147 : memref<632x128xf32, #tpu.memory_space<vmem_shared>>) dst(%dma_wait3A_145 : memref<632x128xf32, #tpu.memory_space<hbm>>)
      tpu.yield
    }) : () -> ()
    return
  }
}

module attributes {stable_mosaic.version = 14 : i64} {
  func.func @kern(%arg0: i32, %arg1: memref<2000x128xf32, #tpu.memory_space<vmem>>, %arg2: memref<128x128xf32, #tpu.memory_space<vmem>>, %arg3: memref<1x128xf32, #tpu.memory_space<vmem>>, %arg4: memref<2000x2xf32, #tpu.memory_space<vmem>>, %arg5: memref<2000x128xf32, #tpu.memory_space<vmem>>, %arg6: memref<2000x1xf32, #tpu.memory_space<vmem>>, %arg7: memref<2000x1xf32, #tpu.memory_space<vmem>>) attributes {dimension_semantics = [#tpu.dimension_semantics<arbitrary>], iteration_bounds = array<i64: 5>, scalar_prefetch = 0 : i64, scratch_operands = 0 : i64, tpu.core_type = #tpu.core_type<tc>, window_params = [{transform_indices = @transform_0, window_bounds = array<i64: 2000, 128>}, {pipeline_mode = #tpu.pipeline_mode<synchronous>, transform_indices = @transform_1, window_bounds = array<i64: 128, 128>}, {pipeline_mode = #tpu.pipeline_mode<synchronous>, transform_indices = @transform_2, window_bounds = array<i64: 1, 128>}, {transform_indices = @transform_3, window_bounds = array<i64: 2000, 2>}, {transform_indices = @transform_4, window_bounds = array<i64: 2000, 128>}, {transform_indices = @transform_5, window_bounds = array<i64: 2000, 1>}, {transform_indices = @transform_6, window_bounds = array<i64: 2000, 1>}]} {
    %get3A = arith.constant 0 : index
    %get3A_0 = arith.constant 0 : index
    %get3A_1 = vector.load %arg4[%get3A, %get3A_0] : memref<2000x2xf32, #tpu.memory_space<vmem>>, vector<2000x1xf32>
    %add3A = arith.constant 1.000000e+00 : f32
    %add3A_2 = vector.broadcast %add3A : f32 to vector<2000x1xf32>
    %add3A_3 = arith.addf %get3A_1, %add3A_2 : vector<2000x1xf32>
    %get3A_4 = arith.constant 0 : index
    %get3A_5 = arith.constant 1 : index
    %get3A_6 = vector.load %arg4[%get3A_4, %get3A_5] : memref<2000x2xf32, #tpu.memory_space<vmem>>, vector<2000x1xf32>
    %add3A_7 = arith.constant 1.000000e+00 : f32
    %add3A_8 = vector.broadcast %add3A_7 : f32 to vector<2000x1xf32>
    %add3A_9 = arith.addf %get3A_6, %add3A_8 : vector<2000x1xf32>
    %rsqrt3A = math.rsqrt %add3A_3 : vector<2000x1xf32>
    %div3A = arith.divf %rsqrt3A, %add3A_9 : vector<2000x1xf32>
    %get3A_10 = arith.constant 0 : index
    %get3A_11 = arith.constant 0 : index
    %get3A_12 = vector.load %arg1[%get3A_10, %get3A_11] : memref<2000x128xf32, #tpu.memory_space<vmem>>, vector<2000x128xf32>
    %get3A_13 = arith.constant 0 : index
    %get3A_14 = arith.constant 0 : index
    %get3A_15 = vector.load %arg2[%get3A_13, %get3A_14] : memref<128x128xf32, #tpu.memory_space<vmem>>, vector<128x128xf32>
    %dot_general3A = arith.constant dense<0.000000e+00> : vector<2000x128xf32>
    %dot_general3A_16 = tpu.matmul %get3A_12, %get3A_15, %dot_general3A {dimension_numbers = #tpu.dot_dimension_numbers<[1], [1], [0], [0], [0, 0, 1, 0], [], []>, transpose_lhs_hint = false} : vector<2000x128xf32>, vector<128x128xf32>, vector<2000x128xf32> -> vector<2000x128xf32>
    %get3A_17 = arith.constant 0 : index
    %get3A_18 = arith.constant 0 : index
    %get3A_19 = vector.load %arg3[%get3A_17, %get3A_18] : memref<1x128xf32, #tpu.memory_space<vmem>>, vector<1x128xf32>
    %add3A_20 = vector.broadcast %get3A_19 : vector<1x128xf32> to vector<2000x128xf32>
    %add3A_21 = arith.addf %dot_general3A_16, %add3A_20 : vector<2000x128xf32>
    %mul3A = vector.broadcast %rsqrt3A : vector<2000x1xf32> to vector<2000x128xf32>
    %mul3A_22 = arith.mulf %add3A_21, %mul3A : vector<2000x128xf32>
    %swap3A = arith.constant 0 : index
    %swap3A_23 = arith.constant 0 : index
    %swap3A_24 = vector.load %arg5[%swap3A, %swap3A_23] : memref<2000x128xf32, #tpu.memory_space<vmem>>, vector<2000x128xf32>
    tpu.vector_store %arg5[%swap3A, %swap3A_23], %mul3A_22 {strides = array<i32>} : memref<2000x128xf32, #tpu.memory_space<vmem>>, vector<2000x128xf32>,
    %swap3A_25 = arith.constant 0 : index
    %swap3A_26 = arith.constant 0 : index
    %swap3A_27 = vector.load %arg6[%swap3A_25, %swap3A_26] : memref<2000x1xf32, #tpu.memory_space<vmem>>, vector<2000x1xf32>
    tpu.vector_store %arg6[%swap3A_25, %swap3A_26], %rsqrt3A {strides = array<i32>} : memref<2000x1xf32, #tpu.memory_space<vmem>>, vector<2000x1xf32>,
    %swap3A_28 = arith.constant 0 : index
    %swap3A_29 = arith.constant 0 : index
    %swap3A_30 = vector.load %arg7[%swap3A_28, %swap3A_29] : memref<2000x1xf32, #tpu.memory_space<vmem>>, vector<2000x1xf32>
    tpu.vector_store %arg7[%swap3A_28, %swap3A_29], %div3A {strides = array<i32>} : memref<2000x1xf32, #tpu.memory_space<vmem>>, vector<2000x1xf32>,
    return
  }
  func.func @transform_0(%arg0: i32) -> (i32, i32) {
    %c0_i32 = arith.constant 0 : i32
    %c0_i32_0 = arith.constant 0 : i32
    return %arg0, %c0_i32 : i32, i32
  }
  func.func @transform_1(%arg0: i32) -> (i32, i32) {
    %c0_i32 = arith.constant 0 : i32
    %c0_i32_0 = arith.constant 0 : i32
    %c0_i32_1 = arith.constant 0 : i32
    return %c0_i32, %c0_i32_0 : i32, i32
  }
  func.func @transform_2(%arg0: i32) -> (i32, i32) {
    %c0_i32 = arith.constant 0 : i32
    %c0_i32_0 = arith.constant 0 : i32
    %c0_i32_1 = arith.constant 0 : i32
    return %c0_i32, %c0_i32_0 : i32, i32
  }
  func.func @transform_3(%arg0: i32) -> (i32, i32) {
    %c0_i32 = arith.constant 0 : i32
    %c0_i32_0 = arith.constant 0 : i32
    return %arg0, %c0_i32 : i32, i32
  }
  func.func @transform_4(%arg0: i32) -> (i32, i32) {
    %c0_i32 = arith.constant 0 : i32
    %c0_i32_0 = arith.constant 0 : i32
    return %arg0, %c0_i32 : i32, i32
  }
  func.func @transform_5(%arg0: i32) -> (i32, i32) {
    %c0_i32 = arith.constant 0 : i32
    %c0_i32_0 = arith.constant 0 : i32
    return %arg0, %c0_i32 : i32, i32
  }
  func.func @transform_6(%arg0: i32) -> (i32, i32) {
    %c0_i32 = arith.constant 0 : i32
    %c0_i32_0 = arith.constant 0 : i32
    return %arg0, %c0_i32 : i32, i32
  }
}

module attributes {stable_mosaic.version = 14 : i64} {
  func.func @kern(%arg0: i32, %arg1: memref<2x2000x128xf32, #tpu.memory_space<vmem>>, %arg2: memref<2000x128xf32, #tpu.memory_space<vmem>>, %arg3: memref<2000x1xf32, #tpu.memory_space<vmem>>, %arg4: memref<2000x1xf32, #tpu.memory_space<vmem>>, %arg5: memref<128x128xf32, #tpu.memory_space<vmem>>, %arg6: memref<1x128xf32, #tpu.memory_space<vmem>>, %arg7: memref<2000x128xf32, #tpu.memory_space<vmem>>) attributes {dimension_semantics = [#tpu.dimension_semantics<arbitrary>], iteration_bounds = array<i64: 5>, scalar_prefetch = 0 : i64, scratch_operands = 0 : i64, tpu.core_type = #tpu.core_type<tc>, window_params = [{transform_indices = @transform_0, window_bounds = array<i64: 2, 2000, 128>}, {transform_indices = @transform_1, window_bounds = array<i64: 2000, 128>}, {transform_indices = @transform_2, window_bounds = array<i64: 2000, 1>}, {transform_indices = @transform_3, window_bounds = array<i64: 2000, 1>}, {pipeline_mode = #tpu.pipeline_mode<synchronous>, transform_indices = @transform_4, window_bounds = array<i64: 128, 128>}, {pipeline_mode = #tpu.pipeline_mode<synchronous>, transform_indices = @transform_5, window_bounds = array<i64: 1, 128>}, {transform_indices = @transform_6, window_bounds = array<i64: 2000, 128>}]} {
    %get3A = arith.constant 0 : index
    %get3A_0 = arith.constant 0 : index
    %get3A_1 = vector.load %arg4[%get3A, %get3A_0] : memref<2000x1xf32, #tpu.memory_space<vmem>>, vector<2000x1xf32>
    %get3A_2 = arith.constant 0 : index
    %get3A_3 = arith.constant 0 : index
    %get3A_4 = arith.constant 0 : index
    %get3A_5 = vector.load %arg1[%get3A_2, %get3A_3, %get3A_4] : memref<2x2000x128xf32, #tpu.memory_space<vmem>>, vector<1x2000x128xf32>
    %get3A_6 = vector.shape_cast %get3A_5 : vector<1x2000x128xf32> to vector<2000x128xf32>
    %get3A_7 = arith.constant 1 : index
    %get3A_8 = arith.constant 0 : index
    %get3A_9 = arith.constant 0 : index
    %get3A_10 = vector.load %arg1[%get3A_7, %get3A_8, %get3A_9] : memref<2x2000x128xf32, #tpu.memory_space<vmem>>, vector<1x2000x128xf32>
    %get3A_11 = vector.shape_cast %get3A_10 : vector<1x2000x128xf32> to vector<2000x128xf32>
    %add3A = arith.addf %get3A_6, %get3A_11 : vector<2000x128xf32>
    %get3A_12 = arith.constant 0 : index
    %get3A_13 = arith.constant 0 : index
    %get3A_14 = vector.load %arg2[%get3A_12, %get3A_13] : memref<2000x128xf32, #tpu.memory_space<vmem>>, vector<2000x128xf32>
    %add3A_15 = arith.addf %add3A, %get3A_14 : vector<2000x128xf32>
    %mul3A = vector.broadcast %get3A_1 : vector<2000x1xf32> to vector<2000x128xf32>
    %mul3A_16 = arith.mulf %mul3A, %add3A_15 : vector<2000x128xf32>
    %max3A = arith.constant 0.000000e+00 : f32
    %max3A_17 = vector.broadcast %max3A : f32 to vector<2000x128xf32>
    %max3A_18 = arith.maximumf %mul3A_16, %max3A_17 : vector<2000x128xf32>
    %get3A_19 = arith.constant 0 : index
    %get3A_20 = arith.constant 0 : index
    %get3A_21 = vector.load %arg5[%get3A_19, %get3A_20] : memref<128x128xf32, #tpu.memory_space<vmem>>, vector<128x128xf32>
    %dot_general3A = arith.constant dense<0.000000e+00> : vector<2000x128xf32>
    %dot_general3A_22 = tpu.matmul %max3A_18, %get3A_21, %dot_general3A {dimension_numbers = #tpu.dot_dimension_numbers<[1], [1], [0], [0], [0, 0, 1, 0], [], []>, transpose_lhs_hint = false} : vector<2000x128xf32>, vector<128x128xf32>, vector<2000x128xf32> -> vector<2000x128xf32>
    %get3A_23 = arith.constant 0 : index
    %get3A_24 = arith.constant 0 : index
    %get3A_25 = vector.load %arg6[%get3A_23, %get3A_24] : memref<1x128xf32, #tpu.memory_space<vmem>>, vector<1x128xf32>
    %add3A_26 = vector.broadcast %get3A_25 : vector<1x128xf32> to vector<2000x128xf32>
    %add3A_27 = arith.addf %dot_general3A_22, %add3A_26 : vector<2000x128xf32>
    %get3A_28 = arith.constant 0 : index
    %get3A_29 = arith.constant 0 : index
    %get3A_30 = vector.load %arg3[%get3A_28, %get3A_29] : memref<2000x1xf32, #tpu.memory_space<vmem>>, vector<2000x1xf32>
    %mul3A_31 = vector.broadcast %get3A_30 : vector<2000x1xf32> to vector<2000x128xf32>
    %mul3A_32 = arith.mulf %add3A_27, %mul3A_31 : vector<2000x128xf32>
    %swap3A = arith.constant 0 : index
    %swap3A_33 = arith.constant 0 : index
    %swap3A_34 = vector.load %arg7[%swap3A, %swap3A_33] : memref<2000x128xf32, #tpu.memory_space<vmem>>, vector<2000x128xf32>
    tpu.vector_store %arg7[%swap3A, %swap3A_33], %mul3A_32 {strides = array<i32>} : memref<2000x128xf32, #tpu.memory_space<vmem>>, vector<2000x128xf32>,
    return
  }
  func.func @transform_0(%arg0: i32) -> (i32, i32, i32) {
    %c0_i32 = arith.constant 0 : i32
    %c0_i32_0 = arith.constant 0 : i32
    %c0_i32_1 = arith.constant 0 : i32
    return %c0_i32, %arg0, %c0_i32_0 : i32, i32, i32
  }
  func.func @transform_1(%arg0: i32) -> (i32, i32) {
    %c0_i32 = arith.constant 0 : i32
    %c0_i32_0 = arith.constant 0 : i32
    return %arg0, %c0_i32 : i32, i32
  }
  func.func @transform_2(%arg0: i32) -> (i32, i32) {
    %c0_i32 = arith.constant 0 : i32
    %c0_i32_0 = arith.constant 0 : i32
    return %arg0, %c0_i32 : i32, i32
  }
  func.func @transform_3(%arg0: i32) -> (i32, i32) {
    %c0_i32 = arith.constant 0 : i32
    %c0_i32_0 = arith.constant 0 : i32
    return %arg0, %c0_i32 : i32, i32
  }
  func.func @transform_4(%arg0: i32) -> (i32, i32) {
    %c0_i32 = arith.constant 0 : i32
    %c0_i32_0 = arith.constant 0 : i32
    %c0_i32_1 = arith.constant 0 : i32
    return %c0_i32, %c0_i32_0 : i32, i32
  }
  func.func @transform_5(%arg0: i32) -> (i32, i32) {
    %c0_i32 = arith.constant 0 : i32
    %c0_i32_0 = arith.constant 0 : i32
    %c0_i32_1 = arith.constant 0 : i32
    return %c0_i32, %c0_i32_0 : i32, i32
  }
  func.func @transform_6(%arg0: i32) -> (i32, i32) {
    %c0_i32 = arith.constant 0 : i32
    %c0_i32_0 = arith.constant 0 : i32
    return %arg0, %c0_i32 : i32, i32
  }
}

module attributes {stable_mosaic.version = 14 : i64} {
  func.func @kern(%arg0: i32, %arg1: memref<2x10000x128xf32, #tpu.memory_space<vmem>>, %arg2: memref<10000x128xf32, #tpu.memory_space<vmem>>, %arg3: memref<10000x1xf32, #tpu.memory_space<vmem>>, %arg4: memref<1x10000xi32, #tpu.memory_space<vmem>>, %arg5: memref<128x128xf32, #tpu.memory_space<vmem>>, %arg6: memref<1x128xf32, #tpu.memory_space<vmem>>, %arg7: memref<4x128xf32, #tpu.memory_space<vmem>>, %arg8: memref<1x4xf32, #tpu.memory_space<vmem>>, %arg9: memref<64x4xf32, #tpu.memory_space<vmem>>) attributes {dimension_semantics = [#tpu.dimension_semantics<arbitrary>], iteration_bounds = array<i64: 1>, scalar_prefetch = 0 : i64, scratch_operands = 0 : i64, tpu.core_type = #tpu.core_type<tc>, window_params = [{transform_indices = @transform_0, window_bounds = array<i64: 2, 10000, 128>}, {transform_indices = @transform_1, window_bounds = array<i64: 10000, 128>}, {pipeline_mode = #tpu.pipeline_mode<synchronous>, transform_indices = @transform_2, window_bounds = array<i64: 10000, 1>}, {pipeline_mode = #tpu.pipeline_mode<synchronous>, transform_indices = @transform_3, window_bounds = array<i64: 1, 10000>}, {pipeline_mode = #tpu.pipeline_mode<synchronous>, transform_indices = @transform_4, window_bounds = array<i64: 128, 128>}, {pipeline_mode = #tpu.pipeline_mode<synchronous>, transform_indices = @transform_5, window_bounds = array<i64: 1, 128>}, {pipeline_mode = #tpu.pipeline_mode<synchronous>, transform_indices = @transform_6, window_bounds = array<i64: 4, 128>}, {pipeline_mode = #tpu.pipeline_mode<synchronous>, transform_indices = @transform_7, window_bounds = array<i64: 1, 4>}, {pipeline_mode = #tpu.pipeline_mode<synchronous>, transform_indices = @transform_8, window_bounds = array<i64: 64, 4>}]} {
    %get3A = arith.constant 0 : index
    %get3A_0 = arith.constant 0 : index
    %get3A_1 = vector.load %arg3[%get3A, %get3A_0] : memref<10000x1xf32, #tpu.memory_space<vmem>>, vector<10000x1xf32>
    %get3A_2 = arith.constant 0 : index
    %get3A_3 = arith.constant 0 : index
    %get3A_4 = arith.constant 0 : index
    %get3A_5 = vector.load %arg1[%get3A_2, %get3A_3, %get3A_4] : memref<2x10000x128xf32, #tpu.memory_space<vmem>>, vector<1x10000x128xf32>
    %get3A_6 = vector.shape_cast %get3A_5 : vector<1x10000x128xf32> to vector<10000x128xf32>
    %get3A_7 = arith.constant 1 : index
    %get3A_8 = arith.constant 0 : index
    %get3A_9 = arith.constant 0 : index
    %get3A_10 = vector.load %arg1[%get3A_7, %get3A_8, %get3A_9] : memref<2x10000x128xf32, #tpu.memory_space<vmem>>, vector<1x10000x128xf32>
    %get3A_11 = vector.shape_cast %get3A_10 : vector<1x10000x128xf32> to vector<10000x128xf32>
    %add3A = arith.addf %get3A_6, %get3A_11 : vector<10000x128xf32>
    %get3A_12 = arith.constant 0 : index
    %get3A_13 = arith.constant 0 : index
    %get3A_14 = vector.load %arg2[%get3A_12, %get3A_13] : memref<10000x128xf32, #tpu.memory_space<vmem>>, vector<10000x128xf32>
    %add3A_15 = arith.addf %add3A, %get3A_14 : vector<10000x128xf32>
    %mul3A = vector.broadcast %get3A_1 : vector<10000x1xf32> to vector<10000x128xf32>
    %mul3A_16 = arith.mulf %mul3A, %add3A_15 : vector<10000x128xf32>
    %max3A = arith.constant 0.000000e+00 : f32
    %max3A_17 = vector.broadcast %max3A : f32 to vector<10000x128xf32>
    %max3A_18 = arith.maximumf %mul3A_16, %max3A_17 : vector<10000x128xf32>
    %iota3A = tpu.iota {dimensions = array<i32: 0>} : vector<64x10000xi32>
    %get3A_19 = arith.constant 0 : index
    %get3A_20 = arith.constant 0 : index
    %get3A_21 = vector.load %arg4[%get3A_19, %get3A_20] : memref<1x10000xi32, #tpu.memory_space<vmem>>, vector<1x10000xi32>
    %eq3A = vector.broadcast %get3A_21 : vector<1x10000xi32> to vector<64x10000xi32>
    %eq3A_22 = arith.cmpi eq, %eq3A, %iota3A : vector<64x10000xi32>
    %convert_element_type3A = arith.extui %eq3A_22 : vector<64x10000xi1> to vector<64x10000xi32>
    %convert_element_type3A_23 = arith.sitofp %convert_element_type3A : vector<64x10000xi32> to vector<64x10000xf32>
    %dot_general3A = arith.constant dense<0.000000e+00> : vector<64x128xf32>
    %dot_general3A_24 = tpu.matmul %convert_element_type3A_23, %max3A_18, %dot_general3A {dimension_numbers = #tpu.dot_dimension_numbers<[1], [0], [0], [1], [0, 0, 1, 1], [], []>, transpose_lhs_hint = false} : vector<64x10000xf32>, vector<10000x128xf32>, vector<64x128xf32> -> vector<64x128xf32>
    %reduce_sum3A = arith.constant dense<0.000000e+00> : vector<64xf32>
    %reduce_sum3A_25 = vector.multi_reduction <add>, %convert_element_type3A_23, %reduce_sum3A [1] : vector<64x10000xf32> to vector<64xf32>
    %broadcast_in_dim3A = vector.shape_cast %reduce_sum3A_25 : vector<64xf32> to vector<64x1xf32>
    %max3A_26 = arith.constant 1.000000e+00 : f32
    %max3A_27 = vector.broadcast %max3A_26 : f32 to vector<64x1xf32>
    %max3A_28 = arith.maximumf %broadcast_in_dim3A, %max3A_27 : vector<64x1xf32>
    %div3A = vector.broadcast %max3A_28 : vector<64x1xf32> to vector<64x128xf32>
    %div3A_29 = arith.divf %dot_general3A_24, %div3A : vector<64x128xf32>
    %get3A_30 = arith.constant 0 : index
    %get3A_31 = arith.constant 0 : index
    %get3A_32 = vector.load %arg5[%get3A_30, %get3A_31] : memref<128x128xf32, #tpu.memory_space<vmem>>, vector<128x128xf32>
    %dot_general3A_33 = arith.constant dense<0.000000e+00> : vector<64x128xf32>
    %dot_general3A_34 = tpu.matmul %div3A_29, %get3A_32, %dot_general3A_33 {dimension_numbers = #tpu.dot_dimension_numbers<[1], [1], [0], [0], [0, 0, 1, 0], [], []>, transpose_lhs_hint = false} : vector<64x128xf32>, vector<128x128xf32>, vector<64x128xf32> -> vector<64x128xf32>
    %get3A_35 = arith.constant 0 : index
    %get3A_36 = arith.constant 0 : index
    %get3A_37 = vector.load %arg6[%get3A_35, %get3A_36] : memref<1x128xf32, #tpu.memory_space<vmem>>, vector<1x128xf32>
    %add3A_38 = vector.broadcast %get3A_37 : vector<1x128xf32> to vector<64x128xf32>
    %add3A_39 = arith.addf %dot_general3A_34, %add3A_38 : vector<64x128xf32>
    %max3A_40 = arith.constant 0.000000e+00 : f32
    %max3A_41 = vector.broadcast %max3A_40 : f32 to vector<64x128xf32>
    %max3A_42 = arith.maximumf %add3A_39, %max3A_41 : vector<64x128xf32>
    %get3A_43 = arith.constant 0 : index
    %get3A_44 = arith.constant 0 : index
    %get3A_45 = vector.load %arg7[%get3A_43, %get3A_44] : memref<4x128xf32, #tpu.memory_space<vmem>>, vector<4x128xf32>
    %dot_general3A_46 = arith.constant dense<0.000000e+00> : vector<64x4xf32>
    %dot_general3A_47 = tpu.matmul %max3A_42, %get3A_45, %dot_general3A_46 {dimension_numbers = #tpu.dot_dimension_numbers<[1], [1], [0], [0], [0, 0, 1, 0], [], []>, transpose_lhs_hint = false} : vector<64x128xf32>, vector<4x128xf32>, vector<64x4xf32> -> vector<64x4xf32>
    %get3A_48 = arith.constant 0 : index
    %get3A_49 = arith.constant 0 : index
    %get3A_50 = vector.load %arg8[%get3A_48, %get3A_49] : memref<1x4xf32, #tpu.memory_space<vmem>>, vector<1x4xf32>
    %add3A_51 = vector.broadcast %get3A_50 : vector<1x4xf32> to vector<64x4xf32>
    %add3A_52 = arith.addf %dot_general3A_47, %add3A_51 : vector<64x4xf32>
    %swap3A = arith.constant 0 : index
    %swap3A_53 = arith.constant 0 : index
    %swap3A_54 = vector.load %arg9[%swap3A, %swap3A_53] : memref<64x4xf32, #tpu.memory_space<vmem>>, vector<64x4xf32>
    tpu.vector_store %arg9[%swap3A, %swap3A_53], %add3A_52 {strides = array<i32>} : memref<64x4xf32, #tpu.memory_space<vmem>>, vector<64x4xf32>,
    return
  }
  func.func @transform_0(%arg0: i32) -> (i32, i32, i32) {
    %c0_i32 = arith.constant 0 : i32
    %c0_i32_0 = arith.constant 0 : i32
    %c0_i32_1 = arith.constant 0 : i32
    %c0_i32_2 = arith.constant 0 : i32
    return %c0_i32, %c0_i32_0, %c0_i32_1 : i32, i32, i32
  }
  func.func @transform_1(%arg0: i32) -> (i32, i32) {
    %c0_i32 = arith.constant 0 : i32
    %c0_i32_0 = arith.constant 0 : i32
    %c0_i32_1 = arith.constant 0 : i32
    return %c0_i32, %c0_i32_0 : i32, i32
  }
  func.func @transform_2(%arg0: i32) -> (i32, i32) {
    %c0_i32 = arith.constant 0 : i32
    %c0_i32_0 = arith.constant 0 : i32
    %c0_i32_1 = arith.constant 0 : i32
    return %c0_i32, %c0_i32_0 : i32, i32
  }
  func.func @transform_3(%arg0: i32) -> (i32, i32) {
    %c0_i32 = arith.constant 0 : i32
    %c0_i32_0 = arith.constant 0 : i32
    %c0_i32_1 = arith.constant 0 : i32
    return %c0_i32, %c0_i32_0 : i32, i32
  }
  func.func @transform_4(%arg0: i32) -> (i32, i32) {
    %c0_i32 = arith.constant 0 : i32
    %c0_i32_0 = arith.constant 0 : i32
    %c0_i32_1 = arith.constant 0 : i32
    return %c0_i32, %c0_i32_0 : i32, i32
  }
  func.func @transform_5(%arg0: i32) -> (i32, i32) {
    %c0_i32 = arith.constant 0 : i32
    %c0_i32_0 = arith.constant 0 : i32
    %c0_i32_1 = arith.constant 0 : i32
    return %c0_i32, %c0_i32_0 : i32, i32
  }
  func.func @transform_6(%arg0: i32) -> (i32, i32) {
    %c0_i32 = arith.constant 0 : i32
    %c0_i32_0 = arith.constant 0 : i32
    %c0_i32_1 = arith.constant 0 : i32
    return %c0_i32, %c0_i32_0 : i32, i32
  }
  func.func @transform_7(%arg0: i32) -> (i32, i32) {
    %c0_i32 = arith.constant 0 : i32
    %c0_i32_0 = arith.constant 0 : i32
    %c0_i32_1 = arith.constant 0 : i32
    return %c0_i32, %c0_i32_0 : i32, i32
  }
  func.func @transform_8(%arg0: i32) -> (i32, i32) {
    %c0_i32 = arith.constant 0 : i32
    %c0_i32_0 = arith.constant 0 : i32
    %c0_i32_1 = arith.constant 0 : i32
    return %c0_i32, %c0_i32_0 : i32, i32
  }
}

</mosaic_0001>

<sc_bundles>
// kernel: kernel.10.cloned.1.call-start
scs
__scs_entry_jumppad:
0x0: {  	(pc) =	sbr.rel $0x88, $3  }
0x1: {  	(tag) =	ssettag $0x0;
	lr =	simm.s32 $0x1  }
0x2: {  	[smem:$0x3F94] =	sst lr;
	_ =	strace $0xD0000000  }
0x3: {  	_ = 	snop  }
0x4: {  	_ = 	snop  }
0x5: {  	_ = 	snop  }
0x6: {  	_ = 	snop  }
0x7: {  	_ = 	snop  }
__scs_overlays_trampoline_lowered:
0x8: {  	[smem:$0x3FA3] =	sst s0  }
0x9: {  	[smem:$0x3FA4] =	sst s1  }
0xa: {  	[smem:$0x3FA5] =	sst s2  }
0xb: {  	[smem:$0x3FA6] =	sst s3  }
0xc: {  	[smem:$0x3FA7] =	sst s4  }
0xd: {  	[smem:$0x3FA8] =	sst s5  }
0xe: {  	[smem:$0x3FA9] =	sst s6  }
0xf: {  	[smem:$0x3FAA] =	sst s7  }
0x10: {  	[smem:$0x3FAB] =	sst s8  }
0x11: {  	[smem:$0x3FAC] =	sst s9;
	s0 =	simm.s32 @!p0 $0x0  }
0x12: {  	s1 =	sld [smem:$0x3F92];
	s0 =	simm.s32 @p0 $0x1  }
0x13: {  	[smem:$0x3FAD] =	sst s0;
	s0 =	simm.s32 @!p1 $0x0  }
0x14: {  	s2 =	sld [smem:$0x3F91];
	s0 =	simm.s32 @p1 $0x1  }
0x15: {  	[smem:$0x3FAE] =	sst s0;
	s0 =	simm.s32 @!p2 $0x0  }
0x16: {  	s3 =	sld [smem:$0x3FDB];
	s0 =	simm.s32 @p2 $0x1  }
0x17: {  	s4 =	simm.s32 $0x1BF5;
	[smem:$0x3FB0] =	sst s0  }
0x18: {  	s0 =	sld [smem:$0x3F93];
	_ =	swait.ge [sflag:s4], $0x0  }
0x19: {  	s7 =	sld [smem:$0x3F94]  }
0x1a: {  	s8 =	sadd.s32 $0xFFFFE003, lr  }
0x1b: {  	s9 =	sadd.s32 $0xFFFFFEF7, lr;
	s5 =	simm.s32 $0xFFFFFFFF;
	p2 =	slt.u32 s8, $0xFFFFF086  }
0x1c: {  	p1 =	slt.u32 s9, $0xF7A;
	s5 =	simm.s32 @!p2 $0x0  }
0x1d: {  	s5 =	simm.s32 @p1 $0x1;
	p0 =	seq.s32 s7, s2  }
0x1e: {  	s7 =	smul.u32 @!p0 $0xF7A, s2;
	p2 =	seq.s32 @!p0 s5, $0x0  }
0x1f: {  	s9 =	smul.u32 $0xF7A, s1;
	s8 =	simm.s32 @!p0 $0x1BF5;
	p2 =	por !p2, p0  }
0x20: {  	[sflag:s8] =	ssyncset.s32 @!p0 $0xFFFFF086;
	s6 =	sadd.s32 @!p0 s3, s7;
	s7 =	simm.s32 @!p0 $0x108  }
0x21: {  	s3 =	sadd.s32 s3, s9;
	s6 =	sadd.s32 @!p0 $0x88, s6;
	s7 =	simm.s32 @p2 $0x1082  }
0x22: {  	[simem:s7], [sflag:s8] =	dma.local @!p0 [hbm:s6], $0xF7A  }
0x23: {  	s9 =	sor.u32 $0xD0000000, s2;
	s6 =	simm.s32 $0x108;
	_ =	swait.ge @!p0 [sflag:s8], $0x0  }
0x24: {  	s3 =	sadd.s32 $0x88, s3;
	s6 =	simm.s32 @!p1 $0x1082;
	[sflag:s4] =	ssyncset.s32 $0xFFFFF086  }
0x25: {  	[simem:s6], [sflag:s4] =	dma.local [hbm:s3], $0xF7A  }
0x26: {  	[smem:$0x3F94] =	sst s1;
	(tag) =	ssettag s2;
	_ =	strace s9  }
0x27: {  	s1 =	sld [smem:$0x3FA4]  }
0x28: {  	s2 =	sld [smem:$0x3FA5]  }
0x29: {  	s4 =	sld [smem:$0x3FA7]  }
0x2a: {  	p0 =	seq.s32 s5, $0x0;
	s5 =	sld [smem:$0x3FA8]  }
0x2b: {  	s6 =	sld [smem:$0x3FA9]  }
0x2c: {  	s7 =	sld [smem:$0x3FAA]  }
0x2d: {  	s3 =	simm.s32 $0x108;
	s8 =	sld [smem:$0x3FAB]  }
0x2e: {  	s3 =	simm.s32 @!p0 $0x1082;
	s9 =	sld [smem:$0x3FAC]  }
0x2f: {  	lr =	sadd.s32 s0, s3;
	s0 =	sld [smem:$0x3FA3]  }
0x30: {  	s3 =	sld [smem:$0x3FA6]  }
0x31: {  	[smem:$0x3FAF] =	sst s10  }
0x32: {  	s10 =	sld [smem:$0x3FAD];
	_ =	sdelay $0x3  }
0x33: {  	p0 =	seq.s32 s10, $0x1;
	s10 =	sld [smem:$0x3FAF];
	_ =	sdelay $0x3  }
0x34: {  	[smem:$0x3FAF] =	sst s10  }
0x35: {  	s10 =	sld [smem:$0x3FAE];
	_ =	sdelay $0x3  }
0x36: {  	p1 =	seq.s32 s10, $0x1;
	s10 =	sld [smem:$0x3FAF];
	_ =	sdelay $0x3  }
0x37: {  	[smem:$0x3FAF] =	sst s10  }
0x38: {  	s10 =	sld [smem:$0x3FB0]  }
0x39: {  	_ = 	snop;
	(pc) =	sbr.ind lr, $3  }
0x3a: {  	_ = 	snop  }
0x3b: {  	_ = 	snop  }
0x3c: {  	p2 =	seq.s32 s10, $0x1;
	s10 =	sld [smem:$0x3FAF]  }
0x3d: {  	_ =	shalt  }
0x3e: {  	_ =	shalt  }
0x3f: {  	_ =	shalt  }
0x40: {  	_ =	shalt  }
0x41: {  	_ =	shalt  }
0x42: {  	_ =	shalt  }
0x43: {  	_ =	shalt  }
0x44: {  	_ =	shalt  }
0x45: {  	_ =	shalt  }
0x46: {  	_ =	shalt  }
0x47: {  	_ =	shalt  }
0x48: {  	_ =	shalt  }
0x49: {  	_ =	shalt  }
0x4a: {  	_ =	shalt  }
0x4b: {  	_ =	shalt  }
0x4c: {  	_ =	shalt  }
0x4d: {  	_ =	shalt  }
0x4e: {  	_ =	shalt  }
0x4f: {  	_ =	shalt  }
0x50: {  	_ =	shalt  }
0x51: {  	_ =	shalt  }
0x52: {  	_ =	shalt  }
0x53: {  	_ =	shalt  }
0x54: {  	_ =	shalt  }
0x55: {  	_ =	shalt  }
0x56: {  	_ =	shalt  }
0x57: {  	_ =	shalt  }
0x58: {  	_ =	shalt  }
0x59: {  	_ =	shalt  }
0x5a: {  	_ =	shalt  }
0x5b: {  	_ =	shalt  }
0x5c: {  	_ =	shalt  }
0x5d: {  	_ =	shalt  }
0x5e: {  	_ =	shalt  }
0x5f: {  	_ =	shalt  }
0x60: {  	_ =	shalt  }
0x61: {  	_ =	shalt  }
0x62: {  	_ =	shalt  }
0x63: {  	_ =	shalt  }
0x64: {  	_ =	shalt  }
0x65: {  	_ =	shalt  }
0x66: {  	_ =	shalt  }
0x67: {  	_ =	shalt  }
0x68: {  	_ =	shalt  }
0x69: {  	_ =	shalt  }
0x6a: {  	_ =	shalt  }
0x6b: {  	_ =	shalt  }
0x6c: {  	_ =	shalt  }
0x6d: {  	_ =	shalt  }
0x6e: {  	_ =	shalt  }
0x6f: {  	_ =	shalt  }
0x70: {  	_ =	shalt  }
0x71: {  	_ =	shalt  }
0x72: {  	_ =	shalt  }
0x73: {  	_ =	shalt  }
0x74: {  	_ =	shalt  }
0x75: {  	_ =	shalt  }
0x76: {  	_ =	shalt  }
0x77: {  	_ =	shalt  }
0x78: {  	_ =	shalt  }
0x79: {  	_ =	shalt  }
0x7a: {  	_ =	shalt  }
0x7b: {  	_ =	shalt  }
0x7c: {  	_ =	shalt  }
0x7d: {  	_ =	shalt  }
0x7e: {  	_ =	shalt  }
0x7f: {  	_ =	shalt  }
0x80: {  	_ =	shalt  }
0x81: {  	_ =	shalt  }
0x82: {  	_ =	shalt  }
0x83: {  	_ =	shalt  }
0x84: {  	_ =	shalt  }
0x85: {  	_ =	shalt  }
0x86: {  	_ =	shalt  }
0x87: {  	_ =	shalt  }
.Lfunc_end0:
.L_simem_size_0:
called_computation_lowered:
.L_overlay_start_0:
0x88: {  	s2 =	sld [smem:$0x3FD9]  }
0x89: {  	s3 =	sld [smem:$0x3FFE];
	_ =	sdelay $0x1  }
0x8a: {  	s1 =	srdreg.scid  }
0x8b: {  	s0 =	sand.u32 $0x1, s1  }
0x8c: {  	s16 =	sshll.u32 s0, $0xA;
	s2 =	sadd.s32 s3, s2  }
0x8d: {  	s2 =	sadd.s32 s2, s16  }
0x8e: {  	[smem:$0x3FBB] =	sst s2  }
0x8f: {  	_ = 	snop  }
0x90: {  	(tm) =	ssettm $0x1  }
0x91: {  	s17 =	sld [smem:$0x3FFB];
	_ =	sdelay $0x3  }
0x92: {  	_ =	strace s17  }
0x93: {  	s2 =	sld [smem:$0x3FFC];
	_ =	sdelay $0x3  }
0x94: {  	_ =	strace s2  }
0x95: {  	s2 =	sld [smem:$0x3FFD];
	_ =	sdelay $0x3  }
0x96: {  	_ =	strace s2  }
0x97: {  	_ =	strace $0x8FFFFFFF  }
0x98: {  	s18 =	sld [smem:$0x3FDB];
	_ =	sdelay $0x1  }
0x99: {  	s19 =	simm.s32 $_scs_section_size  }
0x9a: {  	s4 =	simm.s32 $_size__tile_overlayer_lowered;
	s5 =	simm.s32 $_tile_overlayer_lowered  }
0x9b: {  	s22 =	simm.s32 $0x1BFF;
	s21 =	sshll.u32 s5, $0x1;
	s2 =	sadd.s32 s19, s18  }
0x9c: {  	s6 =	simm.s32 $0x0;
	s20 =	sshll.u32 s4, $0x1;
	s4 =	sadd.s32 s21, s2  }
0x9d: {  	[timem:s6], [sflag:s22] =	dma.local [hbm:s4], s20  }
0x9e: {  	_ =	swait.ge [sflag:s22], s20  }
0x9f: {  	s3 =	ssub.s32 $0x0, s20;
	[sflag:s22] =	ssyncset.done $0x0  }
0xa0: {  	[sflag:s22] =	ssyncadd.s32 s3;
	_ =	sdelay $0x1  }
0xa1: {  	s23 =	simm.s32 $0x1B8B  }
0xa2: {  	_ =	swait.ge [sflag:s23], $0x1  }
0xa3: {  	[sflag:s23] =	ssyncset.done $0x0  }
0xa4: {  	s25 =	simm.s32 $0x1B8E;
	s24 =	sld [smem:$0x3FFE];
	[sflag:s23] =	ssyncadd.s32 $0xFFFFFFFF  }
0xa5: {  	s26 =	simm.s32 $execute0_lowered;
	[smem:$0x3FD2] =	sst s25  }
0xa6: {  	s4 =	sshll.u32 s26, $0x1;
	_ =	strace $0x80000046;
	[dreg:$0x1] =	wrdreg $0xFFFFFFFF  }
0xa7: {  	s28 =	simm.s32 $_size_execute0_lowered;
	s2 =	sadd.s32 s2, s4;
	[dreg:$0x0] =	wrdreg $0x0  }
0xa8: {  	s4 =	sshll.u32 s28, $0x1;
	[dreg:$0x2] =	wrdreg s2  }
0xa9: {  	[dreg:$0x3] =	wrdreg s4  }
0xaa: {  	[dreg:$0x4] =	wrdreg $0xC0  }
0xab: {  	_ =	task [dreg:s6], $0x5FFFF  }
0xac: {  	[dreg:$0x1] =	wrdreg $0xFFFFFFFF  }
0xad: {  	[dreg:$0x0] =	wrdreg $0x60  }
0xae: {  	[dreg:$0x2] =	wrdreg s24  }
0xaf: {  	[dreg:$0x3] =	wrdreg $0xC8800  }
0xb0: {  	[dreg:$0x4] =	wrdreg $0x9  }
0xb1: {  	_ =	task.clear_ibuf [dreg:s6], $0x5FFFF;
	_ =	strace $0x90000046  }
0xb2: {  	s29 =	simm.s32 $0x9;
	_ =	strace $0x80000048  }
0xb3: {  	_ =	swait.ge [sflag:s29], $0x1  }
0xb4: {  	[sflag:s29] =	ssyncadd.s32 $0xFFFFFFFF  }
0xb5: {  	_ =	strace $0x90000048  }
0xb6: {  	_ =	sfence  }
0xb7: {  	s30 =	sld [smem:$0x0];
	_ =	sdelay $0x2  }
0xb8: {  	s31 =	sshll.u32 s1, $0xD;
	s1 =	sshrl.u32 s1, $0x2  }
0xb9: {  	s3 =	sand.u32 $0x4000, s31;
	s1 =	sadd.s32 s1, s30  }
0xba: {  	s0 =	sor.u32 s3, s0;
	s1 =	sshll.u32 s1, $0x11  }
0xbb: {  	s0 =	sor.u32 s1, s0  }
0xbc: {  	s0 =	sadd.s32 $0x8F2B, s0  }
0xbd: {  	[sflag:s0] =	ssyncadd.remote.s32 $0x1  }
0xbe: {  	_ =	sfence.sel $0xFFFF  }
0xbf: {  	[dreg:$0x0] =	wrdreg $0xFFFFFFFF;
	(pc) =	sbr.abs _section_cstart, $3  }
0xc0: {  	[dreg:$0x1] =	wrdreg $0xFFFFFFFF  }
0xc1: {  	_ =	task.clear_ibuf [dreg:s6], $0x2FFFF;
	_ =	strace $0x9FFFFFFF  }
0xc2: {  	(tm) =	ssettm $0x7FFFFFFF  }
0xc3: {  	_ =	shalt  }
tec
execute0_lowered:
.L_overlay_start_1:
0x0: {  	(tag) =	ssettag $0x1  }
0x1: {  	s0 =	srdreg.scid;
	s3 =	rddreg [dreg:$0x0]  }
0x2: {  	s6 =	stileid.u32;
	s1 =	rddreg [dreg:$0x1]  }
0x3: {  	s2 =	simm.s32 $0x0;
	s10 =	simm.s32 $0x80;
	s11 =	simm.s32 $0xC800  }
0x4: {  	s12 =	simm.s32 $0x1;
	s13 =	simm.s32 $0xA000;
	s7 =	smul.u32 $0x5000, s6  }
0x5: {  	s4 =	sand.u32 $0x1, s0;
	s0 =	rddreg [dreg:$0x2];
	s8 =	smul.u32 $0x2800, s6  }
0x6: {  	s14 =	simm.s32 $0x0;
	[smem:$0x7FF] =	sst s2;
	s5 =	smul.u32 $0x50000, s4  }
0x7: {  	p0 =	sne.s32 s6, $0x0;
	s29 =	smul.u32 $0x28000, s4;
	s9 =	sshll.u32 s4, $0x4  }
0x8: {  	_ =	strace $0x80000047;
	s4 =	ssub.s32 $0x2, s4;
	s30 =	sadd.s32 s9, s3  }
0x9: {  	s31 =	sshrl.u32 s4, $0x1;
	s5 =	sadd.s32 s7, s5;
	s7 =	sadd.s32 s8, s29  }
0xa: {  	s9 =	ssub.s32 s4, s31;
	s6 =	sadd.s32 $0x18800, s30;
	s5 =	sshrl.u32 s5, $0x3  }
0xb: {  	s8 =	sshrl.u32 @!p0 s1, $0x3;
	s7 =	sshrl.u32 s7, $0x3;
	s5 =	sadd.s32 s5, s3  }
0xc: {  	s7 =	sadd.s32 s7, s3;
	s3 =	sadd.s32 $0x17E00, s30;
	s4 =	sadd.s32 $0x3E00, s5  }
0xd: {  	v0 =	vimm.f32 $1.000000000e+00;
	s5 =	sadd.s32 $0x19200, s7;
	s7 =	smax.u32 s9, $0x1;
	s9 =	simm.s32 $0x2  }
.LBB2_1:
0xe: {  	[tilespmem:$0xC800] =	vst v0  }
0xf: {  	[tilespmem:$0xC810] =	vst v0  }
0x10: {  	[tilespmem:$0xC820] =	vst v0  }
0x11: {  	[tilespmem:$0xC830] =	vst v0  }
0x12: {  	[tilespmem:$0xC840] =	vst v0  }
0x13: {  	[tilespmem:$0xC850] =	vst v0  }
0x14: {  	[tilespmem:$0xC860] =	vst v0;
	s15 =	simm.s32 @!p0 $0x1  }
0x15: {  	[tilespmem:$0xC870] =	vst v0;
	s16 =	simm.s32 @!p0 $0x10;
	s17 =	simm.s32 @!p0 $0x20;
	s18 =	simm.s32 @!p0 $0x1C02  }
0x16: {  	[spmem:s8@s16], [sflag:s18] =	dma.strided @!p0 [hbm:s3@s17], $0x4F0, s15, $0x10   }
0x17: {  	s15 =	simm.s32 @!p0 $0x2  }
0x18: {  	_ =	swait.ge @!p0 [sflag:s15], $0x4F0  }
0x19: {  	[sflag:s15] =	ssyncset.done @!p0 $0x0  }
0x1a: {  	[sflag:s15] =	ssyncadd.s32 @!p0 $0xFFFFFB10  }
0x1b: {  	[tilespmem:s2], [sflag:$0x2] =	stream.linear.gather [hbm4b:s4+s2], $0x5000, $0x38;
	[tilespmem:$0xCAF8] =	vst v63  }
0x1c: {  	_ =	swait.ge [sflag:s9], $0x5000  }
0x1d: {  	[sflag:s9] =	ssyncset.done $0x0  }
0x1e: {  	[sflag:s9] =	ssyncadd.s32 $0xFFFFB000  }
0x1f: {  	s15 =	simm.s32 $0x40;
	[bflag:$0x0] =	sbarrier.arrive $0xFFFF  }
0x20: {  	v1 =	vld [tilespmem:s15+$0xFFFFFFC0];
	_ =	sdelay $0x3  }
0x21: {  	s16 =	simm.s32 $0x5040  }
0x22: {  	[tilespmem:s16+$0xFFFFFFC0] =	vst v1  }
0x23: {  	v1 =	vld [tilespmem:s15+$0xFFFFFFD0];
	_ =	sdelay $0x4  }
0x24: {  	[tilespmem:s16+$0xFFFFFFD0] =	vst v1  }
0x25: {  	v1 =	vld [tilespmem:s15+$0xFFFFFFE0];
	_ =	sdelay $0x4  }
0x26: {  	[tilespmem:s16+$0xFFFFFFE0] =	vst v1  }
0x27: {  	v1 =	vld [tilespmem:s15+$0xFFFFFFF0];
	_ =	sdelay $0x4  }
0x28: {  	[tilespmem:s16+$0xFFFFFFF0] =	vst v1  }
0x29: {  	v1 =	vld [tilespmem:s15+$0x0];
	_ =	sdelay $0x4  }
0x2a: {  	[tilespmem:s16+$0x0] =	vst v1  }
0x2b: {  	v1 =	vld [tilespmem:s15+$0x10];
	_ =	sdelay $0x4  }
0x2c: {  	[tilespmem:s16+$0x10] =	vst v1  }
0x2d: {  	v1 =	vld [tilespmem:s15+$0x20];
	_ =	sdelay $0x4  }
0x2e: {  	[tilespmem:s16+$0x20] =	vst v1  }
0x2f: {  	v1 =	vld [tilespmem:s15+$0x30];
	_ =	sdelay $0x4  }
0x30: {  	[tilespmem:s16+$0x30] =	vst v1  }
0x31: {  	v1 =	vld [tilespmem:s15+$0x0]  }
0x32: {  	v2 =	vld [tilespmem:s15+$0xFFFFFFC0];
	_ =	sdelay $0x3  }
0x33: {  	v1 =	vshll.u32 v1, $0x10  }
0x34: {  	s18 =	sand.u32 $0x3FC0, s2;
	v1 =	vor.u32 v2, v1  }
0x35: {  	[tilespmem:s18+$0xA000] =	vst v1  }
0x36: {  	v1 =	vld [tilespmem:s15+$0x10]  }
0x37: {  	v2 =	vld [tilespmem:s15+$0xFFFFFFD0];
	_ =	sdelay $0x3  }
0x38: {  	v1 =	vshll.u32 v1, $0x10  }
0x39: {  	v1 =	vor.u32 v2, v1  }
0x3a: {  	[tilespmem:s18+$0xA010] =	vst v1  }
0x3b: {  	v1 =	vld [tilespmem:s15+$0x20]  }
0x3c: {  	v2 =	vld [tilespmem:s15+$0xFFFFFFE0];
	_ =	sdelay $0x3  }
0x3d: {  	v1 =	vshll.u32 v1, $0x10  }
0x3e: {  	v1 =	vor.u32 v2, v1  }
0x3f: {  	[tilespmem:s18+$0xA020] =	vst v1  }
0x40: {  	v1 =	vld [tilespmem:s15+$0x30]  }
0x41: {  	v2 =	vld [tilespmem:s15+$0xFFFFFFF0];
	_ =	sdelay $0x3  }
0x42: {  	v1 =	vshll.u32 v1, $0x10  }
0x43: {  	s17 =	simm.s32 $0x40;
	v1 =	vor.u32 v2, v1  }
.LBB2_2:
0x44: {  	p1 =	sne.s32 s17, $0x27C0;
	[tilespmem:s18+$0xA030] =	vst v1;
	s15 =	sadd.s32 $0x80, s15;
	s16 =	sadd.s32 $0x80, s16  }
0x45: {  	s18 =	smov.u32 s17;
	s17 =	sadd.s32 $0x40, s17;
	v1 =	vld [tilespmem:s15+$0xFFFFFFC0];
	_ =	sdelay $0x4  }
0x46: {  	[tilespmem:s16+$0xFFFFFFC0] =	vst v1  }
0x47: {  	v1 =	vld [tilespmem:s15+$0xFFFFFFD0];
	_ =	sdelay $0x4  }
0x48: {  	[tilespmem:s16+$0xFFFFFFD0] =	vst v1  }
0x49: {  	v1 =	vld [tilespmem:s15+$0xFFFFFFE0];
	_ =	sdelay $0x4  }
0x4a: {  	[tilespmem:s16+$0xFFFFFFE0] =	vst v1  }
0x4b: {  	v1 =	vld [tilespmem:s15+$0xFFFFFFF0];
	_ =	sdelay $0x4  }
0x4c: {  	[tilespmem:s16+$0xFFFFFFF0] =	vst v1  }
0x4d: {  	v1 =	vld [tilespmem:s15+$0x0];
	_ =	sdelay $0x4  }
0x4e: {  	[tilespmem:s16+$0x0] =	vst v1  }
0x4f: {  	v1 =	vld [tilespmem:s15+$0x10];
	_ =	sdelay $0x4  }
0x50: {  	[tilespmem:s16+$0x10] =	vst v1  }
0x51: {  	v1 =	vld [tilespmem:s15+$0x20];
	_ =	sdelay $0x4  }
0x52: {  	[tilespmem:s16+$0x20] =	vst v1  }
0x53: {  	v1 =	vld [tilespmem:s15+$0x30];
	_ =	sdelay $0x4  }
0x54: {  	[tilespmem:s16+$0x30] =	vst v1  }
0x55: {  	v1 =	vld [tilespmem:s15+$0x0]  }
0x56: {  	v2 =	vld [tilespmem:s15+$0xFFFFFFC0];
	_ =	sdelay $0x3  }
0x57: {  	v1 =	vshll.u32 v1, $0x10  }
0x58: {  	s18 =	sand.u32 $0x3FC0, s18;
	v1 =	vor.u32 v2, v1  }
0x59: {  	[tilespmem:s18+$0xA000] =	vst v1  }
0x5a: {  	v1 =	vld [tilespmem:s15+$0x10]  }
0x5b: {  	v2 =	vld [tilespmem:s15+$0xFFFFFFD0];
	_ =	sdelay $0x3  }
0x5c: {  	v1 =	vshll.u32 v1, $0x10  }
0x5d: {  	v1 =	vor.u32 v2, v1  }
0x5e: {  	[tilespmem:s18+$0xA010] =	vst v1  }
0x5f: {  	v1 =	vld [tilespmem:s15+$0x20]  }
0x60: {  	v2 =	vld [tilespmem:s15+$0xFFFFFFE0];
	_ =	sdelay $0x3  }
0x61: {  	v1 =	vshll.u32 v1, $0x10  }
0x62: {  	v1 =	vor.u32 v2, v1  }
0x63: {  	[tilespmem:s18+$0xA020] =	vst v1  }
0x64: {  	v1 =	vld [tilespmem:s15+$0x30]  }
0x65: {  	v2 =	vld [tilespmem:s15+$0xFFFFFFF0]  }
.Ltmp0:
0x66: {  	(pc) =	sbr.rel @p1 .LBB2_2-.Ltmp0, $3  }
0x67: {  	_ =	sdelay $0x1  }
0x68: {  	v1 =	vshll.u32 v1, $0x10  }
0x69: {  	v1 =	vor.u32 v2, v1  }
0x6a: {  	[tilespmem:s18+$0xA030] =	vst v1;
	s15 =	simm.s32 $0x5000  }
0x6b: {  	[spmem:s1] =	stream.indirect.scatter.add.f32 [tilespmem:s11], [sflag:$0x1], $0x1, s15, s10, $0xb8;
	[tilespmem:$0xCAF8] =	vst v63  }
0x6c: {  	s24 =	simm.s32 $0x5080  }
0x6d: {  	[spmem:s1] =	stream.indirect.scatter.add.f32 [tilespmem:s11], [sflag:$0x1], $0x1, s24, s10, $0xb8;
	[tilespmem:$0xCAF8] =	vst v63  }
0x6e: {  	s25 =	simm.s32 $0x5100  }
0x6f: {  	[spmem:s1] =	stream.indirect.scatter.add.f32 [tilespmem:s11], [sflag:$0x1], $0x1, s25, s10, $0xb8;
	[tilespmem:$0xCAF8] =	vst v63  }
0x70: {  	s26 =	simm.s32 $0x5180  }
0x71: {  	[spmem:s1] =	stream.indirect.scatter.add.f32 [tilespmem:s11], [sflag:$0x1], $0x1, s26, s10, $0xb8;
	[tilespmem:$0xCAF8] =	vst v63  }
0x72: {  	s28 =	simm.s32 $0x5200  }
0x73: {  	[spmem:s1] =	stream.indirect.scatter.add.f32 [tilespmem:s11], [sflag:$0x1], $0x1, s28, s10, $0xb8;
	[tilespmem:$0xCAF8] =	vst v63  }
0x74: {  	s29 =	simm.s32 $0x5280  }
0x75: {  	[spmem:s1] =	stream.indirect.scatter.add.f32 [tilespmem:s11], [sflag:$0x1], $0x1, s29, s10, $0xb8;
	[tilespmem:$0xCAF8] =	vst v63  }
0x76: {  	s30 =	simm.s32 $0x5300  }
0x77: {  	[spmem:s1] =	stream.indirect.scatter.add.f32 [tilespmem:s11], [sflag:$0x1], $0x1, s30, s10, $0xb8;
	[tilespmem:$0xCAF8] =	vst v63  }
0x78: {  	s31 =	simm.s32 $0x5380  }
0x79: {  	[spmem:s1] =	stream.indirect.scatter.add.f32 [tilespmem:s11], [sflag:$0x1], $0x1, s31, s10, $0xb8;
	[tilespmem:$0xCAF8] =	vst v63  }
0x7a: {  	_ =	swait.ge [sflag:s12], $0x80  }
0x7b: {  	[sflag:s12] =	ssyncset.done $0x0  }
0x7c: {  	[sflag:s12] =	ssyncadd.s32 $0xFFFFFF80  }
0x7d: {  	_ =	swait.ge [sflag:s12], $0x80  }
0x7e: {  	[sflag:s12] =	ssyncset.done $0x0  }
0x7f: {  	[sflag:s12] =	ssyncadd.s32 $0xFFFFFF80  }
0x80: {  	_ =	swait.ge [sflag:s12], $0x80  }
0x81: {  	[sflag:s12] =	ssyncset.done $0x0  }
0x82: {  	[sflag:s12] =	ssyncadd.s32 $0xFFFFFF80  }
0x83: {  	_ =	swait.ge [sflag:s12], $0x80  }
0x84: {  	[sflag:s12] =	ssyncset.done $0x0  }
0x85: {  	[sflag:s12] =	ssyncadd.s32 $0xFFFFFF80  }
0x86: {  	_ =	swait.ge [sflag:s12], $0x80  }
0x87: {  	[sflag:s12] =	ssyncset.done $0x0  }
0x88: {  	[sflag:s12] =	ssyncadd.s32 $0xFFFFFF80  }
0x89: {  	_ =	swait.ge [sflag:s12], $0x80  }
0x8a: {  	[sflag:s12] =	ssyncset.done $0x0  }
0x8b: {  	[sflag:s12] =	ssyncadd.s32 $0xFFFFFF80  }
0x8c: {  	_ =	swait.ge [sflag:s12], $0x80  }
0x8d: {  	[sflag:s12] =	ssyncset.done $0x0  }
0x8e: {  	[sflag:s12] =	ssyncadd.s32 $0xFFFFFF80  }
0x8f: {  	_ =	swait.ge [sflag:s12], $0x80  }
0x90: {  	s18 =	simm.s32 $0x2000;
	s17 =	simm.s32 $0x400;
	[sflag:s12] =	ssyncset.done $0x0  }
.LBB2_4:
0x91: {  	s19 =	sadd.s32 $0x5000, s17  }
0x92: {  	[sflag:s12] =	ssyncadd.s32 $0xFFFFFF80;
	s16 =	smov.u32 s18;
	s15 =	sadd.s32 $0x1000, s18  }
0x93: {  	[spmem:s1] =	stream.indirect.scatter.add.f32 [tilespmem:s11], [sflag:$0x1], $0x1, s19, s10, $0xb8;
	[tilespmem:$0xCAF8] =	vst v63  }
0x94: {  	p1 =	sne.s32 s18, $0x13000;
	s18 =	sadd.s32 $0x5080, s17  }
0x95: {  	[spmem:s1] =	stream.indirect.scatter.add.f32 [tilespmem:s11], [sflag:$0x1], $0x1, s18, s10, $0xb8;
	[tilespmem:$0xCAF8] =	vst v63  }
0x96: {  	s18 =	sadd.s32 $0x5100, s17  }
0x97: {  	[spmem:s1] =	stream.indirect.scatter.add.f32 [tilespmem:s11], [sflag:$0x1], $0x1, s18, s10, $0xb8;
	[tilespmem:$0xCAF8] =	vst v63  }
0x98: {  	s18 =	sadd.s32 $0x5180, s17  }
0x99: {  	[spmem:s1] =	stream.indirect.scatter.add.f32 [tilespmem:s11], [sflag:$0x1], $0x1, s18, s10, $0xb8;
	[tilespmem:$0xCAF8] =	vst v63  }
0x9a: {  	s18 =	sadd.s32 $0x5200, s17  }
0x9b: {  	[spmem:s1] =	stream.indirect.scatter.add.f32 [tilespmem:s11], [sflag:$0x1], $0x1, s18, s10, $0xb8;
	[tilespmem:$0xCAF8] =	vst v63  }
0x9c: {  	s18 =	sadd.s32 $0x5280, s17  }
0x9d: {  	[spmem:s1] =	stream.indirect.scatter.add.f32 [tilespmem:s11], [sflag:$0x1], $0x1, s18, s10, $0xb8;
	[tilespmem:$0xCAF8] =	vst v63  }
0x9e: {  	s18 =	sadd.s32 $0x5300, s17  }
0x9f: {  	[spmem:s1] =	stream.indirect.scatter.add.f32 [tilespmem:s11], [sflag:$0x1], $0x1, s18, s10, $0xb8;
	[tilespmem:$0xCAF8] =	vst v63  }
0xa0: {  	s17 =	sadd.s32 $0x5380, s17  }
0xa1: {  	[spmem:s1] =	stream.indirect.scatter.add.f32 [tilespmem:s11], [sflag:$0x1], $0x1, s17, s10, $0xb8;
	[tilespmem:$0xCAF8] =	vst v63  }
0xa2: {  	_ =	swait.ge [sflag:s12], $0x80  }
0xa3: {  	[sflag:s12] =	ssyncset.done $0x0  }
0xa4: {  	[sflag:s12] =	ssyncadd.s32 $0xFFFFFF80  }
0xa5: {  	_ =	swait.ge [sflag:s12], $0x80  }
0xa6: {  	[sflag:s12] =	ssyncset.done $0x0  }
0xa7: {  	[sflag:s12] =	ssyncadd.s32 $0xFFFFFF80  }
0xa8: {  	_ =	swait.ge [sflag:s12], $0x80  }
0xa9: {  	[sflag:s12] =	ssyncset.done $0x0  }
0xaa: {  	[sflag:s12] =	ssyncadd.s32 $0xFFFFFF80  }
0xab: {  	_ =	swait.ge [sflag:s12], $0x80  }
0xac: {  	[sflag:s12] =	ssyncset.done $0x0  }
0xad: {  	[sflag:s12] =	ssyncadd.s32 $0xFFFFFF80  }
0xae: {  	_ =	swait.ge [sflag:s12], $0x80  }
0xaf: {  	[sflag:s12] =	ssyncset.done $0x0  }
0xb0: {  	[sflag:s12] =	ssyncadd.s32 $0xFFFFFF80  }
0xb1: {  	_ =	swait.ge [sflag:s12], $0x80  }
0xb2: {  	[sflag:s12] =	ssyncset.done $0x0  }
0xb3: {  	[sflag:s12] =	ssyncadd.s32 $0xFFFFFF80  }
.Ltmp1:
0xb4: {  	_ =	swait.ge [sflag:s12], $0x80;
	(pc) =	sbr.rel @p1 .LBB2_4-.Ltmp1, $4  }
0xb5: {  	[sflag:s12] =	ssyncset.done $0x0  }
0xb6: {  	[sflag:s12] =	ssyncadd.s32 $0xFFFFFF80  }
0xb7: {  	_ =	swait.ge [sflag:s12], $0x80  }
0xb8: {  	s18 =	smov.u32 s15;
	s17 =	sshra.s32 s16, $0x2;
	[sflag:s12] =	ssyncset.done $0x0  }
0xb9: {  	s15 =	sadd.s32 $0x5000, s17;
	[sflag:s12] =	ssyncadd.s32 $0xFFFFFF80  }
0xba: {  	[spmem:s1] =	stream.indirect.scatter.add.f32 [tilespmem:s11], [sflag:$0x1], $0x1, s15, s10, $0xb8;
	[tilespmem:$0xCAF8] =	vst v63  }
0xbb: {  	s24 =	sadd.s32 $0x5080, s17  }
0xbc: {  	[spmem:s1] =	stream.indirect.scatter.add.f32 [tilespmem:s11], [sflag:$0x1], $0x1, s24, s10, $0xb8;
	[tilespmem:$0xCAF8] =	vst v63  }
0xbd: {  	s25 =	sadd.s32 $0x5100, s17  }
0xbe: {  	[spmem:s1] =	stream.indirect.scatter.add.f32 [tilespmem:s11], [sflag:$0x1], $0x1, s25, s10, $0xb8;
	[tilespmem:$0xCAF8] =	vst v63  }
0xbf: {  	s26 =	sadd.s32 $0x5180, s17  }
0xc0: {  	[spmem:s1] =	stream.indirect.scatter.add.f32 [tilespmem:s11], [sflag:$0x1], $0x1, s26, s10, $0xb8;
	[tilespmem:$0xCAF8] =	vst v63  }
0xc1: {  	s28 =	sadd.s32 $0x5200, s17  }
0xc2: {  	[spmem:s1] =	stream.indirect.scatter.add.f32 [tilespmem:s11], [sflag:$0x1], $0x1, s28, s10, $0xb8;
	[tilespmem:$0xCAF8] =	vst v63  }
0xc3: {  	s29 =	sadd.s32 $0x5280, s17  }
0xc4: {  	[spmem:s1] =	stream.indirect.scatter.add.f32 [tilespmem:s11], [sflag:$0x1], $0x1, s29, s10, $0xb8;
	[tilespmem:$0xCAF8] =	vst v63  }
0xc5: {  	s30 =	sadd.s32 $0x5300, s17  }
0xc6: {  	[spmem:s1] =	stream.indirect.scatter.add.f32 [tilespmem:s11], [sflag:$0x1], $0x1, s30, s10, $0xb8;
	[tilespmem:$0xCAF8] =	vst v63  }
0xc7: {  	s31 =	sadd.s32 $0x5380, s17  }
0xc8: {  	[spmem:s1] =	stream.indirect.scatter.add.f32 [tilespmem:s11], [sflag:$0x1], $0x1, s31, s10, $0xb8;
	[tilespmem:$0xCAF8] =	vst v63  }
0xc9: {  	_ =	swait.ge [sflag:s12], $0x80  }
0xca: {  	[sflag:s12] =	ssyncset.done $0x0  }
0xcb: {  	[sflag:s12] =	ssyncadd.s32 $0xFFFFFF80  }
0xcc: {  	_ =	swait.ge [sflag:s12], $0x80  }
0xcd: {  	[sflag:s12] =	ssyncset.done $0x0  }
0xce: {  	[sflag:s12] =	ssyncadd.s32 $0xFFFFFF80  }
0xcf: {  	_ =	swait.ge [sflag:s12], $0x80  }
0xd0: {  	[sflag:s12] =	ssyncset.done $0x0  }
0xd1: {  	[sflag:s12] =	ssyncadd.s32 $0xFFFFFF80  }
0xd2: {  	_ =	swait.ge [sflag:s12], $0x80  }
0xd3: {  	[sflag:s12] =	ssyncset.done $0x0  }
0xd4: {  	[sflag:s12] =	ssyncadd.s32 $0xFFFFFF80  }
0xd5: {  	_ =	swait.ge [sflag:s12], $0x80  }
0xd6: {  	[sflag:s12] =	ssyncset.done $0x0  }
0xd7: {  	[sflag:s12] =	ssyncadd.s32 $0xFFFFFF80  }
0xd8: {  	_ =	swait.ge [sflag:s12], $0x80  }
0xd9: {  	[sflag:s12] =	ssyncset.done $0x0  }
0xda: {  	[sflag:s12] =	ssyncadd.s32 $0xFFFFFF80  }
0xdb: {  	_ =	swait.ge [sflag:s12], $0x80  }
0xdc: {  	[sflag:s12] =	ssyncset.done $0x0  }
0xdd: {  	[sflag:s12] =	ssyncadd.s32 $0xFFFFFF80  }
0xde: {  	_ =	swait.ge [sflag:s12], $0x80  }
0xdf: {  	[sflag:s12] =	ssyncset.done $0x0  }
0xe0: {  	[sflag:s12] =	ssyncadd.s32 $0xFFFFFF80  }
0xe1: {  	[hbm4b:s5+s2] =	stream.linear.scatter [tilespmem:s13], [sflag:$0x2], $0x2800, $0x38;
	[tilespmem:$0xCAF8] =	vst v63  }
0xe2: {  	_ =	swait.ge [sflag:s9], $0x2800  }
0xe3: {  	s16 =	simm.s32 @!p0 $0x20;
	s17 =	simm.s32 @!p0 $0x10;
	[sflag:s9] =	ssyncset.done $0x0  }
0xe4: {  	s18 =	simm.s32 @!p0 $0x1C02;
	s14 =	sadd.s32 $0x1, s14;
	[sflag:s9] =	ssyncadd.s32 $0xFFFFD800  }
0xe5: {  	s15 =	simm.s32 @!p0 $0x1;
	p1 =	sne.s32 s14, s7;
	[bflag:$0x0] =	sbarrier.arrive $0xFFFF  }
0xe6: {  	[hbm:s6@s16], [sflag:s18] =	dma.strided @!p0 [spmem:s8@s17], $0x4F0, s15, $0x10   }
.Ltmp2:
0xe7: {  	_ = 	snop;
	(pc) =	sbr.rel @p1 .LBB2_1-.Ltmp2, $4  }
0xe8: {  	s15 =	simm.s32 @!p0 $0x2  }
0xe9: {  	_ =	swait.ge @!p0 [sflag:s15], $0x4F0  }
0xea: {  	[sflag:s15] =	ssyncset.done @!p0 $0x0  }
0xeb: {  	[sflag:s15] =	ssyncadd.s32 @!p0 $0xFFFFFB10  }
0xec: {  	_ =	sfence.sel $0x180000  }
0xed: {  	[bflag:$0x0] =	sbarrier.arrive $0xFFFF  }
0xee: {  	_ =	strace $0x90000047  }
0xef: {  	s0 =	sadd.s32 @!p0 $0x100000, s0;
	[bflag:$0x2] =	sbarrier.arrive $0xFFFF  }
0xf0: {  	[sflag:s0] =	ssyncadd.tile.s32 @!p0 $0x1;
	_ =	shalt  }
.Lfunc_end2:
_tile_overlayer_lowered:
.L_overlay_start_2:
0xf1: {  	(tag) =	ssettag $0x2  }
0xf2: {  	s0 =	rddreg [dreg:$0x0];
	s2 =	stileid.u32  }
0xf3: {  	s1 =	rddreg [dreg:$0x1];
	p0 =	sne.s32 s2, $0x0  }
0xf4: {  	s3 =	rddreg [dreg:$0x2];
	[bflag:$0x3] =	sbarrier.arrive $0xFFFF;
	s2 =	simm.s32 @!p0 $0x1C02  }
0xf5: {  	[timem:s3], [sflag:s2] =	dma.local @!p0 [hbm:s0], s1  }
0xf6: {  	s0 =	simm.s32 @!p0 $0x2  }
0xf7: {  	_ =	swait.ge @!p0 [sflag:s0], s1  }
0xf8: {  	s1 =	ssub.s32 @!p0 $0x0, s1;
	[sflag:s0] =	ssyncset.done @!p0 $0x0  }
0xf9: {  	[sflag:s0] =	ssyncadd.s32 @!p0 s1  }
0xfa: {  	[bflag:$0x3] =	sbarrier.arrive $0xFFFF  }
0xfb: {  	_ =	shalt  }

// kernel: kernel.13.cloned.1.call-start
scs
__scs_entry_jumppad:
0x0: {  	(pc) =	sbr.rel $0x88, $3  }
0x1: {  	(tag) =	ssettag $0x0;
	lr =	simm.s32 $0x1  }
0x2: {  	[smem:$0x3F94] =	sst lr;
	_ =	strace $0xD0000000  }
0x3: {  	_ = 	snop  }
0x4: {  	_ = 	snop  }
0x5: {  	_ = 	snop  }
0x6: {  	_ = 	snop  }
0x7: {  	_ = 	snop  }
__scs_overlays_trampoline_lowered:
0x8: {  	[smem:$0x3FA3] =	sst s0  }
0x9: {  	[smem:$0x3FA4] =	sst s1  }
0xa: {  	[smem:$0x3FA5] =	sst s2  }
0xb: {  	[smem:$0x3FA6] =	sst s3  }
0xc: {  	[smem:$0x3FA7] =	sst s4  }
0xd: {  	[smem:$0x3FA8] =	sst s5  }
0xe: {  	[smem:$0x3FA9] =	sst s6  }
0xf: {  	[smem:$0x3FAA] =	sst s7  }
0x10: {  	[smem:$0x3FAB] =	sst s8  }
0x11: {  	[smem:$0x3FAC] =	sst s9;
	s0 =	simm.s32 @!p0 $0x0  }
0x12: {  	s1 =	sld [smem:$0x3F92];
	s0 =	simm.s32 @p0 $0x1  }
0x13: {  	[smem:$0x3FAD] =	sst s0;
	s0 =	simm.s32 @!p1 $0x0  }
0x14: {  	s2 =	sld [smem:$0x3F91];
	s0 =	simm.s32 @p1 $0x1  }
0x15: {  	[smem:$0x3FAE] =	sst s0;
	s0 =	simm.s32 @!p2 $0x0  }
0x16: {  	s3 =	sld [smem:$0x3FDB];
	s0 =	simm.s32 @p2 $0x1  }
0x17: {  	s4 =	simm.s32 $0x1BF5;
	[smem:$0x3FB0] =	sst s0  }
0x18: {  	s0 =	sld [smem:$0x3F93];
	_ =	swait.ge [sflag:s4], $0x0  }
0x19: {  	s7 =	sld [smem:$0x3F94]  }
0x1a: {  	s8 =	sadd.s32 $0xFFFFE003, lr  }
0x1b: {  	s9 =	sadd.s32 $0xFFFFFEF7, lr;
	s5 =	simm.s32 $0xFFFFFFFF;
	p2 =	slt.u32 s8, $0xFFFFF086  }
0x1c: {  	p1 =	slt.u32 s9, $0xF7A;
	s5 =	simm.s32 @!p2 $0x0  }
0x1d: {  	s5 =	simm.s32 @p1 $0x1;
	p0 =	seq.s32 s7, s2  }
0x1e: {  	s7 =	smul.u32 @!p0 $0xF7A, s2;
	p2 =	seq.s32 @!p0 s5, $0x0  }
0x1f: {  	s9 =	smul.u32 $0xF7A, s1;
	s8 =	simm.s32 @!p0 $0x1BF5;
	p2 =	por !p2, p0  }
0x20: {  	[sflag:s8] =	ssyncset.s32 @!p0 $0xFFFFF086;
	s6 =	sadd.s32 @!p0 s3, s7;
	s7 =	simm.s32 @!p0 $0x108  }
0x21: {  	s3 =	sadd.s32 s3, s9;
	s6 =	sadd.s32 @!p0 $0x88, s6;
	s7 =	simm.s32 @p2 $0x1082  }
0x22: {  	[simem:s7], [sflag:s8] =	dma.local @!p0 [hbm:s6], $0xF7A  }
0x23: {  	s9 =	sor.u32 $0xD0000000, s2;
	s6 =	simm.s32 $0x108;
	_ =	swait.ge @!p0 [sflag:s8], $0x0  }
0x24: {  	s3 =	sadd.s32 $0x88, s3;
	s6 =	simm.s32 @!p1 $0x1082;
	[sflag:s4] =	ssyncset.s32 $0xFFFFF086  }
0x25: {  	[simem:s6], [sflag:s4] =	dma.local [hbm:s3], $0xF7A  }
0x26: {  	[smem:$0x3F94] =	sst s1;
	(tag) =	ssettag s2;
	_ =	strace s9  }
0x27: {  	s1 =	sld [smem:$0x3FA4]  }
0x28: {  	s2 =	sld [smem:$0x3FA5]  }
0x29: {  	s4 =	sld [smem:$0x3FA7]  }
0x2a: {  	p0 =	seq.s32 s5, $0x0;
	s5 =	sld [smem:$0x3FA8]  }
0x2b: {  	s6 =	sld [smem:$0x3FA9]  }
0x2c: {  	s7 =	sld [smem:$0x3FAA]  }
0x2d: {  	s3 =	simm.s32 $0x108;
	s8 =	sld [smem:$0x3FAB]  }
0x2e: {  	s3 =	simm.s32 @!p0 $0x1082;
	s9 =	sld [smem:$0x3FAC]  }
0x2f: {  	lr =	sadd.s32 s0, s3;
	s0 =	sld [smem:$0x3FA3]  }
0x30: {  	s3 =	sld [smem:$0x3FA6]  }
0x31: {  	[smem:$0x3FAF] =	sst s10  }
0x32: {  	s10 =	sld [smem:$0x3FAD];
	_ =	sdelay $0x3  }
0x33: {  	p0 =	seq.s32 s10, $0x1;
	s10 =	sld [smem:$0x3FAF];
	_ =	sdelay $0x3  }
0x34: {  	[smem:$0x3FAF] =	sst s10  }
0x35: {  	s10 =	sld [smem:$0x3FAE];
	_ =	sdelay $0x3  }
0x36: {  	p1 =	seq.s32 s10, $0x1;
	s10 =	sld [smem:$0x3FAF];
	_ =	sdelay $0x3  }
0x37: {  	[smem:$0x3FAF] =	sst s10  }
0x38: {  	s10 =	sld [smem:$0x3FB0]  }
0x39: {  	_ = 	snop;
	(pc) =	sbr.ind lr, $3  }
0x3a: {  	_ = 	snop  }
0x3b: {  	_ = 	snop  }
0x3c: {  	p2 =	seq.s32 s10, $0x1;
	s10 =	sld [smem:$0x3FAF]  }
0x3d: {  	_ =	shalt  }
0x3e: {  	_ =	shalt  }
0x3f: {  	_ =	shalt  }
0x40: {  	_ =	shalt  }
0x41: {  	_ =	shalt  }
0x42: {  	_ =	shalt  }
0x43: {  	_ =	shalt  }
0x44: {  	_ =	shalt  }
0x45: {  	_ =	shalt  }
0x46: {  	_ =	shalt  }
0x47: {  	_ =	shalt  }
0x48: {  	_ =	shalt  }
0x49: {  	_ =	shalt  }
0x4a: {  	_ =	shalt  }
0x4b: {  	_ =	shalt  }
0x4c: {  	_ =	shalt  }
0x4d: {  	_ =	shalt  }
0x4e: {  	_ =	shalt  }
0x4f: {  	_ =	shalt  }
0x50: {  	_ =	shalt  }
0x51: {  	_ =	shalt  }
0x52: {  	_ =	shalt  }
0x53: {  	_ =	shalt  }
0x54: {  	_ =	shalt  }
0x55: {  	_ =	shalt  }
0x56: {  	_ =	shalt  }
0x57: {  	_ =	shalt  }
0x58: {  	_ =	shalt  }
0x59: {  	_ =	shalt  }
0x5a: {  	_ =	shalt  }
0x5b: {  	_ =	shalt  }
0x5c: {  	_ =	shalt  }
0x5d: {  	_ =	shalt  }
0x5e: {  	_ =	shalt  }
0x5f: {  	_ =	shalt  }
0x60: {  	_ =	shalt  }
0x61: {  	_ =	shalt  }
0x62: {  	_ =	shalt  }
0x63: {  	_ =	shalt  }
0x64: {  	_ =	shalt  }
0x65: {  	_ =	shalt  }
0x66: {  	_ =	shalt  }
0x67: {  	_ =	shalt  }
0x68: {  	_ =	shalt  }
0x69: {  	_ =	shalt  }
0x6a: {  	_ =	shalt  }
0x6b: {  	_ =	shalt  }
0x6c: {  	_ =	shalt  }
0x6d: {  	_ =	shalt  }
0x6e: {  	_ =	shalt  }
0x6f: {  	_ =	shalt  }
0x70: {  	_ =	shalt  }
0x71: {  	_ =	shalt  }
0x72: {  	_ =	shalt  }
0x73: {  	_ =	shalt  }
0x74: {  	_ =	shalt  }
0x75: {  	_ =	shalt  }
0x76: {  	_ =	shalt  }
0x77: {  	_ =	shalt  }
0x78: {  	_ =	shalt  }
0x79: {  	_ =	shalt  }
0x7a: {  	_ =	shalt  }
0x7b: {  	_ =	shalt  }
0x7c: {  	_ =	shalt  }
0x7d: {  	_ =	shalt  }
0x7e: {  	_ =	shalt  }
0x7f: {  	_ =	shalt  }
0x80: {  	_ =	shalt  }
0x81: {  	_ =	shalt  }
0x82: {  	_ =	shalt  }
0x83: {  	_ =	shalt  }
0x84: {  	_ =	shalt  }
0x85: {  	_ =	shalt  }
0x86: {  	_ =	shalt  }
0x87: {  	_ =	shalt  }
.Lfunc_end0:
.L_simem_size_0:
called_computation.1_lowered:
.L_overlay_start_0:
0x88: {  	s2 =	sld [smem:$0x3FD9]  }
0x89: {  	s3 =	sld [smem:$0x3FFE];
	_ =	sdelay $0x1  }
0x8a: {  	s1 =	srdreg.scid  }
0x8b: {  	s0 =	sand.u32 $0x1, s1  }
0x8c: {  	s16 =	sshll.u32 s0, $0xA;
	s2 =	sadd.s32 s3, s2  }
0x8d: {  	s2 =	sadd.s32 s2, s16  }
0x8e: {  	[smem:$0x3FBB] =	sst s2  }
0x8f: {  	_ = 	snop  }
0x90: {  	(tm) =	ssettm $0x1  }
0x91: {  	s17 =	sld [smem:$0x3FFB];
	_ =	sdelay $0x3  }
0x92: {  	_ =	strace s17  }
0x93: {  	s2 =	sld [smem:$0x3FFC];
	_ =	sdelay $0x3  }
0x94: {  	_ =	strace s2  }
0x95: {  	s2 =	sld [smem:$0x3FFD];
	_ =	sdelay $0x3  }
0x96: {  	_ =	strace s2  }
0x97: {  	_ =	strace $0x8FFFFFFF  }
0x98: {  	s18 =	sld [smem:$0x3FDB];
	_ =	sdelay $0x1  }
0x99: {  	s19 =	simm.s32 $_scs_section_size  }
0x9a: {  	s4 =	simm.s32 $_size__tile_overlayer_lowered;
	s5 =	simm.s32 $_tile_overlayer_lowered  }
0x9b: {  	s22 =	simm.s32 $0x1BFF;
	s21 =	sshll.u32 s5, $0x1;
	s2 =	sadd.s32 s19, s18  }
0x9c: {  	s6 =	simm.s32 $0x0;
	s20 =	sshll.u32 s4, $0x1;
	s4 =	sadd.s32 s21, s2  }
0x9d: {  	[timem:s6], [sflag:s22] =	dma.local [hbm:s4], s20  }
0x9e: {  	_ =	swait.ge [sflag:s22], s20  }
0x9f: {  	s3 =	ssub.s32 $0x0, s20;
	[sflag:s22] =	ssyncset.done $0x0  }
0xa0: {  	[sflag:s22] =	ssyncadd.s32 s3;
	_ =	sdelay $0x1  }
0xa1: {  	s23 =	simm.s32 $0x1B8B  }
0xa2: {  	_ =	swait.ge [sflag:s23], $0x1  }
0xa3: {  	[sflag:s23] =	ssyncset.done $0x0  }
0xa4: {  	s25 =	simm.s32 $0x1B8E;
	s24 =	sld [smem:$0x3FFE];
	[sflag:s23] =	ssyncadd.s32 $0xFFFFFFFF  }
0xa5: {  	s26 =	simm.s32 $execute0_lowered;
	[smem:$0x3FD2] =	sst s25  }
0xa6: {  	s4 =	sshll.u32 s26, $0x1;
	_ =	strace $0x80000049;
	[dreg:$0x1] =	wrdreg $0xFFFFFFFF  }
0xa7: {  	s28 =	simm.s32 $_size_execute0_lowered;
	s2 =	sadd.s32 s2, s4;
	[dreg:$0x0] =	wrdreg $0x0  }
0xa8: {  	s4 =	sshll.u32 s28, $0x1;
	[dreg:$0x2] =	wrdreg s2  }
0xa9: {  	[dreg:$0x3] =	wrdreg s4  }
0xaa: {  	[dreg:$0x4] =	wrdreg $0xC0  }
0xab: {  	_ =	task [dreg:s6], $0x5FFFF  }
0xac: {  	[dreg:$0x1] =	wrdreg $0xFFFFFFFF  }
0xad: {  	[dreg:$0x0] =	wrdreg $0x60  }
0xae: {  	[dreg:$0x2] =	wrdreg s24  }
0xaf: {  	[dreg:$0x3] =	wrdreg $0xA9800  }
0xb0: {  	[dreg:$0x4] =	wrdreg $0x9  }
0xb1: {  	_ =	task.clear_ibuf [dreg:s6], $0x5FFFF;
	_ =	strace $0x90000049  }
0xb2: {  	s29 =	simm.s32 $0x9;
	_ =	strace $0x8000004B  }
0xb3: {  	_ =	swait.ge [sflag:s29], $0x1  }
0xb4: {  	[sflag:s29] =	ssyncadd.s32 $0xFFFFFFFF  }
0xb5: {  	_ =	strace $0x9000004B  }
0xb6: {  	_ =	sfence  }
0xb7: {  	s30 =	sld [smem:$0x0];
	_ =	sdelay $0x2  }
0xb8: {  	s31 =	sshll.u32 s1, $0xD;
	s1 =	sshrl.u32 s1, $0x2  }
0xb9: {  	s3 =	sand.u32 $0x4000, s31;
	s1 =	sadd.s32 s1, s30  }
0xba: {  	s0 =	sor.u32 s3, s0;
	s1 =	sshll.u32 s1, $0x11  }
0xbb: {  	s0 =	sor.u32 s1, s0  }
0xbc: {  	s0 =	sadd.s32 $0x8F2B, s0  }
0xbd: {  	[sflag:s0] =	ssyncadd.remote.s32 $0x1  }
0xbe: {  	_ =	sfence.sel $0xFFFF  }
0xbf: {  	[dreg:$0x0] =	wrdreg $0xFFFFFFFF;
	(pc) =	sbr.abs _section_cstart, $3  }
0xc0: {  	[dreg:$0x1] =	wrdreg $0xFFFFFFFF  }
0xc1: {  	_ =	task.clear_ibuf [dreg:s6], $0x2FFFF;
	_ =	strace $0x9FFFFFFF  }
0xc2: {  	(tm) =	ssettm $0x7FFFFFFF  }
0xc3: {  	_ =	shalt  }
tec
execute0_lowered:
.L_overlay_start_1:
0x0: {  	(tag) =	ssettag $0x1  }
0x1: {  	s5 =	rddreg [dreg:$0x0];
	s0 =	srdreg.scid  }
0x2: {  	s2 =	rddreg [dreg:$0x1];
	s1 =	stileid.u32;
	s3 =	simm.s32 $0x0  }
0x3: {  	s14 =	simm.s32 $0x1400;
	s15 =	simm.s32 $0x2980;
	s16 =	simm.s32 $0x3  }
0x4: {  	s17 =	simm.s32 $0x1;
	s18 =	simm.s32 $0x2;
	s19 =	simm.s32 $0x80  }
0x5: {  	s20 =	simm.s32 $0x2800;
	s21 =	simm.s32 $0x2880;
	s7 =	smul.u32 $0x28, s1  }
0x6: {  	s22 =	simm.s32 $0x6980;
	s6 =	sand.u32 $0x1, s0;
	s10 =	smul.u32 $0x4F000, s1  }
0x7: {  	s23 =	simm.s32 $0x2900;
	s0 =	rddreg [dreg:$0x2];
	s4 =	smul.u32 $0x280, s6  }
0x8: {  	[smem:$0x7FF] =	sst s3;
	s8 =	smul.u32 $0x13C000, s6;
	s6 =	ssub.s32 $0x2, s6  }
0x9: {  	s9 =	smul.u32 $0x13C00, s1;
	_ =	strace $0x8000004A;
	s31 =	sshrl.u32 s6, $0x1  }
0xa: {  	s10 =	sshrl.u32 s10, $0x2;
	s7 =	sadd.s32 s7, s4;
	s4 =	sadd.s32 $0x23200, s5  }
0xb: {  	s8 =	sadd.s32 s9, s8;
	s13 =	ssub.s32 s6, s31;
	s7 =	sshll.u32 s7, $0x4  }
0xc: {  	s8 =	sshrl.u32 s8, $0x3;
	s13 =	smax.u32 s13, $0x1;
	s7 =	sadd.s32 s7, s5  }
0xd: {  	s12 =	sadd.s32 s8, s5;
	s5 =	sadd.s32 s10, s2;
	s6 =	sadd.s32 $0x19200, s7  }
0xe: {  	s7 =	sadd.s32 $0x1E200, s7;
	s8 =	sadd.s32 $0x4000, s5;
	s9 =	sadd.s32 $0x8000, s5  }
0xf: {  	v0 =	vimm.f32 $0.0e+00;
	s10 =	sadd.s32 $0xC000, s5;
	s11 =	sadd.s32 $0x10000, s5;
	s12 =	sadd.s32 $0x4AA00, s12  }
.LBB2_1:
0x10: {  	s24 =	simm.s32 $0x0;
	s25 =	simm.s32 $0x200  }
.LBB2_2:
0x11: {  	p0 =	sne.s32 s25, $0xFE00;
	[tilespmem:s24+$0x29F0] =	vst v0  }
0x12: {  	[tilespmem:s24+$0x2980] =	vst v0  }
0x13: {  	[tilespmem:s24+$0x2990] =	vst v0  }
.Ltmp0:
0x14: {  	[tilespmem:s24+$0x29A0] =	vst v0;
	(pc) =	sbr.rel @p0 .LBB2_2-.Ltmp0, $4  }
0x15: {  	[tilespmem:s24+$0x29B0] =	vst v0  }
0x16: {  	[tilespmem:s24+$0x29C0] =	vst v0  }
0x17: {  	[tilespmem:s24+$0x29D0] =	vst v0  }
0x18: {  	[tilespmem:s24+$0x29E0] =	vst v0;
	s24 =	sshra.s32 s25, $0x2;
	s25 =	sadd.s32 $0x200, s25  }
0x19: {  	[tilespmem:s24+$0x29F0] =	vst v0  }
0x1a: {  	[tilespmem:s24+$0x2980] =	vst v0  }
0x1b: {  	[tilespmem:s24+$0x2990] =	vst v0  }
0x1c: {  	[tilespmem:s24+$0x29A0] =	vst v0  }
0x1d: {  	[tilespmem:s24+$0x29B0] =	vst v0  }
0x1e: {  	[tilespmem:s24+$0x29C0] =	vst v0  }
0x1f: {  	[tilespmem:s24+$0x29D0] =	vst v0  }
0x20: {  	[tilespmem:s24+$0x29E0] =	vst v0;
	s31 =	simm.s32 $0x0  }
0x21: {  	[tilespmem:s31], [sflag:$0x1] =	stream.linear.gather [hbm4b:s6+s31], $0x1400, $0x38;
	[tilespmem:$0x1E580] =	vst v63  }
0x22: {  	_ = 	snop  }
0x23: {  	[tilespmem:s14], [sflag:$0x2] =	stream.linear.gather [hbm4b:s7+s31], $0x1400, $0x38;
	[tilespmem:$0x1E580] =	vst v63  }
0x24: {  	_ = 	snop  }
0x25: {  	[spmem:s5] =	stream.linear.scatter [tilespmem:s15], [sflag:$0x3], $0x4000, $0x38;
	[tilespmem:$0x1E580] =	vst v63  }
0x26: {  	_ =	swait.ge [sflag:s16], $0x4000  }
0x27: {  	[sflag:s16] =	ssyncset.done $0x0  }
0x28: {  	[sflag:s16] =	ssyncadd.s32 $0xFFFFC000  }
0x29: {  	[spmem:s8] =	stream.linear.scatter [tilespmem:s15], [sflag:$0x3], $0x4000, $0x38;
	[tilespmem:$0x1E580] =	vst v63  }
0x2a: {  	_ =	swait.ge [sflag:s16], $0x4000  }
0x2b: {  	[sflag:s16] =	ssyncset.done $0x0  }
0x2c: {  	[sflag:s16] =	ssyncadd.s32 $0xFFFFC000  }
0x2d: {  	[spmem:s9] =	stream.linear.scatter [tilespmem:s15], [sflag:$0x3], $0x4000, $0x38;
	[tilespmem:$0x1E580] =	vst v63  }
0x2e: {  	_ =	swait.ge [sflag:s16], $0x4000  }
0x2f: {  	[sflag:s16] =	ssyncset.done $0x0  }
0x30: {  	[sflag:s16] =	ssyncadd.s32 $0xFFFFC000  }
0x31: {  	[spmem:s10] =	stream.linear.scatter [tilespmem:s15], [sflag:$0x3], $0x4000, $0x38;
	[tilespmem:$0x1E580] =	vst v63  }
0x32: {  	_ =	swait.ge [sflag:s16], $0x4000  }
0x33: {  	[sflag:s16] =	ssyncset.done $0x0  }
0x34: {  	[sflag:s16] =	ssyncadd.s32 $0xFFFFC000  }
0x35: {  	[spmem:s11] =	stream.linear.scatter [tilespmem:s15], [sflag:$0x3], $0x3C00, $0x38;
	[tilespmem:$0x1E580] =	vst v63  }
0x36: {  	_ =	swait.ge [sflag:s16], $0x3C00  }
0x37: {  	[sflag:s16] =	ssyncset.done $0x0  }
0x38: {  	[sflag:s16] =	ssyncadd.s32 $0xFFFFC400  }
0x39: {  	_ =	swait.ge [sflag:s17], $0x1400  }
0x3a: {  	[sflag:s17] =	ssyncset.done $0x0  }
0x3b: {  	[sflag:s17] =	ssyncadd.s32 $0xFFFFEC00  }
0x3c: {  	_ =	swait.ge [sflag:s18], $0x1400  }
0x3d: {  	[sflag:s18] =	ssyncset.done $0x0  }
0x3e: {  	[sflag:s18] =	ssyncadd.s32 $0xFFFFEC00  }
0x3f: {  	[bflag:$0x0] =	sbarrier.arrive $0xFFFF  }
0x40: {  	v1 =	vld [tilespmem:$0x0];
	_ =	sdelay $0x1  }
0x41: {  	v2 =	vld [tilespmem:$0x10];
	_ =	sdelay $0x1  }
0x42: {  	v3 =	vld [tilespmem:$0x20]  }
0x43: {  	v4 =	vand.u32 $0xFFFF, v1  }
0x44: {  	v63 =	vld [tilespmem:$0x30];
	v1 =	vshra.s32 v1, $0x10;
	[tilespmem:$0x2800] =	vst v4  }
0x45: {  	[tilespmem:$0x2840] =	vst v1;
	v1 =	vand.u32 $0xFFFF, v2  }
0x46: {  	[tilespmem:$0x2810] =	vst v1;
	v1 =	vshra.s32 v2, $0x10  }
0x47: {  	[tilespmem:$0x2850] =	vst v1;
	v1 =	vand.u32 $0xFFFF, v3  }
0x48: {  	[tilespmem:$0x2820] =	vst v1;
	v1 =	vshra.s32 v3, $0x10  }
0x49: {  	[tilespmem:$0x2860] =	vst v1;
	v1 =	vand.u32 $0xFFFF, v63  }
0x4a: {  	[tilespmem:$0x2830] =	vst v1;
	v1 =	vshra.s32 v63, $0x10  }
0x4b: {  	s24 =	simm.s32 $0x0;
	[tilespmem:$0x2870] =	vst v1  }
0x4c: {  	[tilespmem:s15], [sflag:$0x1] =	stream.indirect.gather [hbm4b:s4+s19], $0x80, s20, s19, $0xb8;
	[tilespmem:$0x1E580] =	vst v63  }
0x4d: {  	v1 =	vld [tilespmem:s24+$0x40];
	_ =	sdelay $0x4  }
0x4e: {  	v2 =	vand.u32 $0xFFFF, v1  }
0x4f: {  	v1 =	vshra.s32 v1, $0x10;
	[tilespmem:$0x2880] =	vst v2  }
0x50: {  	[tilespmem:$0x28C0] =	vst v1  }
0x51: {  	v1 =	vld [tilespmem:s24+$0x50];
	_ =	sdelay $0x4  }
0x52: {  	v2 =	vand.u32 $0xFFFF, v1  }
0x53: {  	v1 =	vshra.s32 v1, $0x10;
	[tilespmem:$0x2890] =	vst v2  }
0x54: {  	[tilespmem:$0x28D0] =	vst v1  }
0x55: {  	v1 =	vld [tilespmem:s24+$0x60];
	_ =	sdelay $0x4  }
0x56: {  	v2 =	vand.u32 $0xFFFF, v1  }
0x57: {  	v1 =	vshra.s32 v1, $0x10;
	[tilespmem:$0x28A0] =	vst v2  }
0x58: {  	[tilespmem:$0x28E0] =	vst v1  }
0x59: {  	v1 =	vld [tilespmem:s24+$0x70];
	_ =	sdelay $0x4  }
0x5a: {  	v2 =	vand.u32 $0xFFFF, v1  }
0x5b: {  	v1 =	vshra.s32 v1, $0x10;
	[tilespmem:$0x28B0] =	vst v2  }
0x5c: {  	[tilespmem:$0x28F0] =	vst v1  }
0x5d: {  	[tilespmem:s22], [sflag:$0x2] =	stream.indirect.gather [hbm4b:s4+s19], $0x80, s21, s19, $0xb8;
	[tilespmem:$0x1E580] =	vst v63  }
0x5e: {  	_ =	swait.ge [sflag:s17], $0x4000  }
0x5f: {  	[sflag:s17] =	ssyncset.done $0x0  }
0x60: {  	[sflag:s17] =	ssyncadd.s32 $0xFFFFC000  }
0x61: {  	v1 =	vld [tilespmem:s24+$0x1400];
	_ =	sdelay $0x4  }
0x62: {  	v2 =	vand.u32 $0xFFFF, v1  }
0x63: {  	v1 =	vshra.s32 v1, $0x10;
	[tilespmem:$0x2900] =	vst v2  }
0x64: {  	[tilespmem:$0x2940] =	vst v1  }
0x65: {  	v1 =	vld [tilespmem:s24+$0x1410];
	_ =	sdelay $0x4  }
0x66: {  	v2 =	vand.u32 $0xFFFF, v1  }
0x67: {  	v1 =	vshra.s32 v1, $0x10;
	[tilespmem:$0x2910] =	vst v2  }
0x68: {  	[tilespmem:$0x2950] =	vst v1  }
0x69: {  	v1 =	vld [tilespmem:s24+$0x1420];
	_ =	sdelay $0x4  }
0x6a: {  	v2 =	vand.u32 $0xFFFF, v1  }
0x6b: {  	v1 =	vshra.s32 v1, $0x10;
	[tilespmem:$0x2920] =	vst v2  }
0x6c: {  	[tilespmem:$0x2960] =	vst v1  }
0x6d: {  	v1 =	vld [tilespmem:s24+$0x1430];
	_ =	sdelay $0x4  }
0x6e: {  	v2 =	vand.u32 $0xFFFF, v1  }
0x6f: {  	v1 =	vshra.s32 v1, $0x10;
	[tilespmem:$0x2930] =	vst v2  }
0x70: {  	[tilespmem:$0x2970] =	vst v1  }
0x71: {  	[spmem:s2] =	stream.indirect.scatter.add.f32 [tilespmem:s15], [sflag:$0x3], $0x80, s23, s19, $0xb8;
	[tilespmem:$0x1E580] =	vst v63  }
0x72: {  	_ =	swait.ge [sflag:s16], $0x4000  }
0x73: {  	p0 =	por $0x0, $0x0;
	[sflag:s16] =	ssyncset.done $0x0  }
0x74: {  	s25 =	simm.s32 @!p0 $0x0;
	[sflag:s16] =	ssyncadd.s32 $0xFFFFC000  }
0x75: {  	v1 =	vld @!p0 [tilespmem:s25+$0x80];
	_ =	sdelay $0x4  }
0x76: {  	v2 =	vand.u32 @!p0 $0xFFFF, v1  }
0x77: {  	v1 =	vshra.s32 @!p0 v1, $0x10;
	[tilespmem:$0x2800] =	vst @!p0 v2  }
0x78: {  	[tilespmem:$0x2840] =	vst @!p0 v1  }
0x79: {  	v1 =	vld @!p0 [tilespmem:s25+$0x90];
	_ =	sdelay $0x4  }
0x7a: {  	v2 =	vand.u32 @!p0 $0xFFFF, v1  }
0x7b: {  	v1 =	vshra.s32 @!p0 v1, $0x10;
	[tilespmem:$0x2810] =	vst @!p0 v2  }
0x7c: {  	[tilespmem:$0x2850] =	vst @!p0 v1  }
0x7d: {  	v1 =	vld @!p0 [tilespmem:s25+$0xA0];
	_ =	sdelay $0x4  }
0x7e: {  	v2 =	vand.u32 @!p0 $0xFFFF, v1  }
0x7f: {  	v1 =	vshra.s32 @!p0 v1, $0x10;
	[tilespmem:$0x2820] =	vst @!p0 v2  }
0x80: {  	[tilespmem:$0x2860] =	vst @!p0 v1  }
0x81: {  	v1 =	vld @!p0 [tilespmem:s25+$0xB0];
	_ =	sdelay $0x4  }
0x82: {  	v2 =	vand.u32 @!p0 $0xFFFF, v1  }
0x83: {  	v1 =	vshra.s32 @!p0 v1, $0x10;
	[tilespmem:$0x2830] =	vst @!p0 v2  }
0x84: {  	s26 =	simm.s32 @!p0 $0x2800;
	s28 =	simm.s32 @!p0 $0x2980;
	s25 =	simm.s32 @!p0 $0x80;
	[tilespmem:$0x2870] =	vst @!p0 v1  }
0x85: {  	[tilespmem:s28], [sflag:$0x1] =	stream.indirect.gather @!p0 [hbm4b:s4+s25], $0x80, s26, s25, $0xb8;
	[tilespmem:$0x1E580] =	vst v63  }
0x86: {  	_ =	swait.ge [sflag:s18], $0x4000  }
0x87: {  	[sflag:s18] =	ssyncset.done $0x0  }
0x88: {  	[sflag:s18] =	ssyncadd.s32 $0xFFFFC000  }
0x89: {  	v1 =	vld [tilespmem:s24+$0x1440];
	_ =	sdelay $0x4  }
0x8a: {  	v2 =	vand.u32 $0xFFFF, v1  }
0x8b: {  	v1 =	vshra.s32 v1, $0x10;
	[tilespmem:$0x2900] =	vst v2  }
0x8c: {  	[tilespmem:$0x2940] =	vst v1  }
0x8d: {  	v1 =	vld [tilespmem:s24+$0x1450];
	_ =	sdelay $0x4  }
0x8e: {  	v2 =	vand.u32 $0xFFFF, v1  }
0x8f: {  	v1 =	vshra.s32 v1, $0x10;
	[tilespmem:$0x2910] =	vst v2  }
0x90: {  	[tilespmem:$0x2950] =	vst v1  }
0x91: {  	s25 =	simm.s32 $0x200;
	v1 =	vld [tilespmem:s24+$0x1460]  }
.LBB2_4:
0x92: {  	_ =	sdelay $0x1  }
0x93: {  	s26 =	smov.u32 s25;
	s25 =	sadd.s32 $0x200, s25  }
0x94: {  	p0 =	sne.s32 s25, $0x5000  }
0x95: {  	v2 =	vand.u32 $0xFFFF, v1;
	v1 =	vshra.s32 v1, $0x10  }
0x96: {  	[tilespmem:$0x2920] =	vst v2  }
0x97: {  	[tilespmem:$0x2960] =	vst v1  }
0x98: {  	v1 =	vld [tilespmem:s24+$0x1470];
	_ =	sdelay $0x4  }
0x99: {  	v2 =	vand.u32 $0xFFFF, v1;
	v1 =	vshra.s32 v1, $0x10  }
0x9a: {  	[tilespmem:$0x2930] =	vst v2  }
0x9b: {  	[tilespmem:$0x2970] =	vst v1  }
0x9c: {  	[spmem:s2] =	stream.indirect.scatter.add.f32 [tilespmem:s22], [sflag:$0x3], $0x80, s23, s19, $0xb8;
	[tilespmem:$0x1E580] =	vst v63  }
0x9d: {  	_ =	swait.ge [sflag:s16], $0x4000  }
0x9e: {  	[sflag:s16] =	ssyncset.done $0x0  }
0x9f: {  	s24 =	sshra.s32 s26, $0x2;
	[sflag:s16] =	ssyncadd.s32 $0xFFFFC000  }
0xa0: {  	v1 =	vld [tilespmem:s24+$0x40];
	_ =	sdelay $0x4  }
0xa1: {  	v2 =	vand.u32 $0xFFFF, v1;
	v1 =	vshra.s32 v1, $0x10  }
0xa2: {  	[tilespmem:$0x2880] =	vst v2  }
0xa3: {  	[tilespmem:$0x28C0] =	vst v1  }
0xa4: {  	v1 =	vld [tilespmem:s24+$0x50];
	_ =	sdelay $0x4  }
0xa5: {  	v2 =	vand.u32 $0xFFFF, v1;
	v1 =	vshra.s32 v1, $0x10  }
0xa6: {  	[tilespmem:$0x2890] =	vst v2  }
0xa7: {  	[tilespmem:$0x28D0] =	vst v1  }
0xa8: {  	v1 =	vld [tilespmem:s24+$0x60];
	_ =	sdelay $0x4  }
0xa9: {  	v2 =	vand.u32 $0xFFFF, v1;
	v1 =	vshra.s32 v1, $0x10  }
0xaa: {  	[tilespmem:$0x28A0] =	vst v2  }
0xab: {  	[tilespmem:$0x28E0] =	vst v1  }
0xac: {  	v1 =	vld [tilespmem:s24+$0x70];
	_ =	sdelay $0x4  }
0xad: {  	v2 =	vand.u32 $0xFFFF, v1;
	v1 =	vshra.s32 v1, $0x10  }
0xae: {  	[tilespmem:$0x28B0] =	vst v2  }
0xaf: {  	[tilespmem:$0x28F0] =	vst v1  }
0xb0: {  	[tilespmem:s22], [sflag:$0x2] =	stream.indirect.gather [hbm4b:s4+s19], $0x80, s21, s19, $0xb8;
	[tilespmem:$0x1E580] =	vst v63  }
0xb1: {  	_ =	swait.ge [sflag:s17], $0x4000  }
0xb2: {  	[sflag:s17] =	ssyncset.done $0x0  }
0xb3: {  	[sflag:s17] =	ssyncadd.s32 $0xFFFFC000  }
0xb4: {  	v1 =	vld [tilespmem:s24+$0x1400];
	_ =	sdelay $0x4  }
0xb5: {  	v2 =	vand.u32 $0xFFFF, v1;
	v1 =	vshra.s32 v1, $0x10  }
0xb6: {  	[tilespmem:$0x2900] =	vst v2  }
0xb7: {  	[tilespmem:$0x2940] =	vst v1  }
0xb8: {  	v1 =	vld [tilespmem:s24+$0x1410];
	_ =	sdelay $0x4  }
0xb9: {  	v2 =	vand.u32 $0xFFFF, v1;
	v1 =	vshra.s32 v1, $0x10  }
0xba: {  	[tilespmem:$0x2910] =	vst v2  }
0xbb: {  	[tilespmem:$0x2950] =	vst v1  }
0xbc: {  	v1 =	vld [tilespmem:s24+$0x1420];
	_ =	sdelay $0x4  }
0xbd: {  	v2 =	vand.u32 $0xFFFF, v1;
	v1 =	vshra.s32 v1, $0x10  }
0xbe: {  	[tilespmem:$0x2920] =	vst v2  }
0xbf: {  	[tilespmem:$0x2960] =	vst v1  }
0xc0: {  	v1 =	vld [tilespmem:s24+$0x1430];
	_ =	sdelay $0x1  }
0xc1: {  	p1 =	seq.s32 s26, $0x4E00  }
0xc2: {  	s26 =	sshra.s32 @!p1 s26, $0x2;
	_ =	sdelay $0x1  }
0xc3: {  	v2 =	vand.u32 $0xFFFF, v1;
	v1 =	vshra.s32 v1, $0x10  }
0xc4: {  	[tilespmem:$0x2930] =	vst v2  }
0xc5: {  	[tilespmem:$0x2970] =	vst v1  }
0xc6: {  	[spmem:s2] =	stream.indirect.scatter.add.f32 [tilespmem:s15], [sflag:$0x3], $0x80, s23, s19, $0xb8;
	[tilespmem:$0x1E580] =	vst v63  }
0xc7: {  	_ =	swait.ge [sflag:s16], $0x4000  }
0xc8: {  	[sflag:s16] =	ssyncset.done $0x0  }
0xc9: {  	[sflag:s16] =	ssyncadd.s32 $0xFFFFC000  }
0xca: {  	v1 =	vld @!p1 [tilespmem:s26+$0x80];
	_ =	sdelay $0x4  }
0xcb: {  	v2 =	vand.u32 @!p1 $0xFFFF, v1;
	v1 =	vshra.s32 @!p1 v1, $0x10  }
0xcc: {  	[tilespmem:$0x2800] =	vst @!p1 v2  }
0xcd: {  	[tilespmem:$0x2840] =	vst @!p1 v1  }
0xce: {  	v1 =	vld @!p1 [tilespmem:s26+$0x90];
	_ =	sdelay $0x4  }
0xcf: {  	v2 =	vand.u32 @!p1 $0xFFFF, v1;
	v1 =	vshra.s32 @!p1 v1, $0x10  }
0xd0: {  	[tilespmem:$0x2810] =	vst @!p1 v2  }
0xd1: {  	[tilespmem:$0x2850] =	vst @!p1 v1  }
0xd2: {  	v1 =	vld @!p1 [tilespmem:s26+$0xA0];
	_ =	sdelay $0x2  }
0xd3: {  	s28 =	simm.s32 @!p1 $0x80;
	s29 =	simm.s32 @!p1 $0x2800;
	s30 =	simm.s32 @!p1 $0x2980  }
0xd4: {  	_ = 	snop  }
0xd5: {  	v2 =	vand.u32 @!p1 $0xFFFF, v1;
	v1 =	vshra.s32 @!p1 v1, $0x10  }
0xd6: {  	[tilespmem:$0x2820] =	vst @!p1 v2  }
0xd7: {  	[tilespmem:$0x2860] =	vst @!p1 v1  }
0xd8: {  	v1 =	vld @!p1 [tilespmem:s26+$0xB0];
	_ =	sdelay $0x4  }
0xd9: {  	v2 =	vand.u32 @!p1 $0xFFFF, v1;
	v1 =	vshra.s32 @!p1 v1, $0x10  }
0xda: {  	[tilespmem:$0x2830] =	vst @!p1 v2  }
0xdb: {  	[tilespmem:$0x2870] =	vst @!p1 v1  }
0xdc: {  	[tilespmem:s30], [sflag:$0x1] =	stream.indirect.gather @!p1 [hbm4b:s4+s28], $0x80, s29, s28, $0xb8;
	[tilespmem:$0x1E580] =	vst v63  }
0xdd: {  	_ =	swait.ge [sflag:s18], $0x4000  }
0xde: {  	[sflag:s18] =	ssyncset.done $0x0  }
0xdf: {  	[sflag:s18] =	ssyncadd.s32 $0xFFFFC000  }
0xe0: {  	v1 =	vld [tilespmem:s24+$0x1440];
	_ =	sdelay $0x4  }
0xe1: {  	v2 =	vand.u32 $0xFFFF, v1;
	v1 =	vshra.s32 v1, $0x10  }
0xe2: {  	[tilespmem:$0x2900] =	vst v2  }
0xe3: {  	[tilespmem:$0x2940] =	vst v1  }
0xe4: {  	v1 =	vld [tilespmem:s24+$0x1450];
	_ =	sdelay $0x3  }
.Ltmp1:
0xe5: {  	(pc) =	sbr.rel @p0 .LBB2_4-.Ltmp1, $4  }
0xe6: {  	v2 =	vand.u32 $0xFFFF, v1;
	v1 =	vshra.s32 v1, $0x10  }
0xe7: {  	[tilespmem:$0x2910] =	vst v2  }
0xe8: {  	[tilespmem:$0x2950] =	vst v1  }
0xe9: {  	v1 =	vld [tilespmem:s24+$0x1460]  }
0xea: {  	_ =	sdelay $0x3  }
0xeb: {  	v2 =	vand.u32 $0xFFFF, v1  }
0xec: {  	v1 =	vshra.s32 v1, $0x10;
	[tilespmem:$0x2920] =	vst v2  }
0xed: {  	[tilespmem:$0x2960] =	vst v1  }
0xee: {  	v1 =	vld [tilespmem:s24+$0x1470];
	_ =	sdelay $0x4  }
0xef: {  	v2 =	vand.u32 $0xFFFF, v1  }
0xf0: {  	v1 =	vshra.s32 v1, $0x10;
	[tilespmem:$0x2930] =	vst v2  }
0xf1: {  	[tilespmem:$0x2970] =	vst v1  }
0xf2: {  	[spmem:s2] =	stream.indirect.scatter.add.f32 [tilespmem:s22], [sflag:$0x3], $0x80, s23, s19, $0xb8;
	[tilespmem:$0x1E580] =	vst v63  }
0xf3: {  	_ =	swait.ge [sflag:s16], $0x4000  }
0xf4: {  	s31 =	sshll.u32 s1, $0x6;
	s3 =	sadd.s32 $0x1, s3;
	[sflag:s16] =	ssyncset.done $0x0  }
0xf5: {  	s25 =	sshrl.u32 s5, $0x3;
	p0 =	sne.s32 s3, s13;
	[sflag:s16] =	ssyncadd.s32 $0xFFFFC000  }
.Ltmp2:
0xf6: {  	s24 =	sor.u32 $0x1C03, s31;
	[bflag:$0x0] =	sbarrier.arrive $0xFFFF;
	(pc) =	sbr.rel @p0 .LBB2_1-.Ltmp2, $4  }
0xf7: {  	[hbm:s12], [sflag:s24] =	dma.local [spmem:s25], $0x2780  }
0xf8: {  	_ =	swait.ge [sflag:s16], $0x2780  }
0xf9: {  	[sflag:s16] =	ssyncset.done $0x0  }
0xfa: {  	[sflag:s16] =	ssyncadd.s32 $0xFFFFD880  }
0xfb: {  	_ =	sfence.sel $0x180000  }
0xfc: {  	[bflag:$0x0] =	sbarrier.arrive $0xFFFF  }
0xfd: {  	p0 =	sne.s32 s1, $0x0;
	_ =	strace $0x9000004A  }
0xfe: {  	s0 =	sadd.s32 @!p0 $0x100000, s0;
	[bflag:$0x2] =	sbarrier.arrive $0xFFFF  }
0xff: {  	[sflag:s0] =	ssyncadd.tile.s32 @!p0 $0x1;
	_ =	shalt  }
.Lfunc_end2:
_tile_overlayer_lowered:
.L_overlay_start_2:
0x100: {  	(tag) =	ssettag $0x2  }
0x101: {  	s0 =	rddreg [dreg:$0x0];
	s2 =	stileid.u32  }
0x102: {  	s1 =	rddreg [dreg:$0x1];
	p0 =	sne.s32 s2, $0x0  }
0x103: {  	s3 =	rddreg [dreg:$0x2];
	[bflag:$0x3] =	sbarrier.arrive $0xFFFF;
	s2 =	simm.s32 @!p0 $0x1C03  }
0x104: {  	[timem:s3], [sflag:s2] =	dma.local @!p0 [hbm:s0], s1  }
0x105: {  	s0 =	simm.s32 @!p0 $0x3  }
0x106: {  	_ =	swait.ge @!p0 [sflag:s0], s1  }
0x107: {  	s1 =	ssub.s32 @!p0 $0x0, s1;
	[sflag:s0] =	ssyncset.done @!p0 $0x0  }
0x108: {  	[sflag:s0] =	ssyncadd.s32 @!p0 s1  }
0x109: {  	[bflag:$0x3] =	sbarrier.arrive $0xFFFF  }
0x10a: {  	_ =	shalt  }

// kernel: kernel.16.cloned.1.call-start
scs
__scs_entry_jumppad:
0x0: {  	(pc) =	sbr.rel $0x88, $3  }
0x1: {  	(tag) =	ssettag $0x0;
	lr =	simm.s32 $0x1  }
0x2: {  	[smem:$0x3F94] =	sst lr;
	_ =	strace $0xD0000000  }
0x3: {  	_ = 	snop  }
0x4: {  	_ = 	snop  }
0x5: {  	_ = 	snop  }
0x6: {  	_ = 	snop  }
0x7: {  	_ = 	snop  }
__scs_overlays_trampoline_lowered:
0x8: {  	[smem:$0x3FA3] =	sst s0  }
0x9: {  	[smem:$0x3FA4] =	sst s1  }
0xa: {  	[smem:$0x3FA5] =	sst s2  }
0xb: {  	[smem:$0x3FA6] =	sst s3  }
0xc: {  	[smem:$0x3FA7] =	sst s4  }
0xd: {  	[smem:$0x3FA8] =	sst s5  }
0xe: {  	[smem:$0x3FA9] =	sst s6  }
0xf: {  	[smem:$0x3FAA] =	sst s7  }
0x10: {  	[smem:$0x3FAB] =	sst s8  }
0x11: {  	[smem:$0x3FAC] =	sst s9;
	s0 =	simm.s32 @!p0 $0x0  }
0x12: {  	s1 =	sld [smem:$0x3F92];
	s0 =	simm.s32 @p0 $0x1  }
0x13: {  	[smem:$0x3FAD] =	sst s0;
	s0 =	simm.s32 @!p1 $0x0  }
0x14: {  	s2 =	sld [smem:$0x3F91];
	s0 =	simm.s32 @p1 $0x1  }
0x15: {  	[smem:$0x3FAE] =	sst s0;
	s0 =	simm.s32 @!p2 $0x0  }
0x16: {  	s3 =	sld [smem:$0x3FDB];
	s0 =	simm.s32 @p2 $0x1  }
0x17: {  	s4 =	simm.s32 $0x1BF5;
	[smem:$0x3FB0] =	sst s0  }
0x18: {  	s0 =	sld [smem:$0x3F93];
	_ =	swait.ge [sflag:s4], $0x0  }
0x19: {  	s7 =	sld [smem:$0x3F94]  }
0x1a: {  	s8 =	sadd.s32 $0xFFFFE003, lr  }
0x1b: {  	s9 =	sadd.s32 $0xFFFFFEF7, lr;
	s5 =	simm.s32 $0xFFFFFFFF;
	p2 =	slt.u32 s8, $0xFFFFF086  }
0x1c: {  	p1 =	slt.u32 s9, $0xF7A;
	s5 =	simm.s32 @!p2 $0x0  }
0x1d: {  	s5 =	simm.s32 @p1 $0x1;
	p0 =	seq.s32 s7, s2  }
0x1e: {  	s7 =	smul.u32 @!p0 $0xF7A, s2;
	p2 =	seq.s32 @!p0 s5, $0x0  }
0x1f: {  	s9 =	smul.u32 $0xF7A, s1;
	s8 =	simm.s32 @!p0 $0x1BF5;
	p2 =	por !p2, p0  }
0x20: {  	[sflag:s8] =	ssyncset.s32 @!p0 $0xFFFFF086;
	s6 =	sadd.s32 @!p0 s3, s7;
	s7 =	simm.s32 @!p0 $0x108  }
0x21: {  	s3 =	sadd.s32 s3, s9;
	s6 =	sadd.s32 @!p0 $0x88, s6;
	s7 =	simm.s32 @p2 $0x1082  }
0x22: {  	[simem:s7], [sflag:s8] =	dma.local @!p0 [hbm:s6], $0xF7A  }
0x23: {  	s9 =	sor.u32 $0xD0000000, s2;
	s6 =	simm.s32 $0x108;
	_ =	swait.ge @!p0 [sflag:s8], $0x0  }
0x24: {  	s3 =	sadd.s32 $0x88, s3;
	s6 =	simm.s32 @!p1 $0x1082;
	[sflag:s4] =	ssyncset.s32 $0xFFFFF086  }
0x25: {  	[simem:s6], [sflag:s4] =	dma.local [hbm:s3], $0xF7A  }
0x26: {  	[smem:$0x3F94] =	sst s1;
	(tag) =	ssettag s2;
	_ =	strace s9  }
0x27: {  	s1 =	sld [smem:$0x3FA4]  }
0x28: {  	s2 =	sld [smem:$0x3FA5]  }
0x29: {  	s4 =	sld [smem:$0x3FA7]  }
0x2a: {  	p0 =	seq.s32 s5, $0x0;
	s5 =	sld [smem:$0x3FA8]  }
0x2b: {  	s6 =	sld [smem:$0x3FA9]  }
0x2c: {  	s7 =	sld [smem:$0x3FAA]  }
0x2d: {  	s3 =	simm.s32 $0x108;
	s8 =	sld [smem:$0x3FAB]  }
0x2e: {  	s3 =	simm.s32 @!p0 $0x1082;
	s9 =	sld [smem:$0x3FAC]  }
0x2f: {  	lr =	sadd.s32 s0, s3;
	s0 =	sld [smem:$0x3FA3]  }
0x30: {  	s3 =	sld [smem:$0x3FA6]  }
0x31: {  	[smem:$0x3FAF] =	sst s10  }
0x32: {  	s10 =	sld [smem:$0x3FAD];
	_ =	sdelay $0x3  }
0x33: {  	p0 =	seq.s32 s10, $0x1;
	s10 =	sld [smem:$0x3FAF];
	_ =	sdelay $0x3  }
0x34: {  	[smem:$0x3FAF] =	sst s10  }
0x35: {  	s10 =	sld [smem:$0x3FAE];
	_ =	sdelay $0x3  }
0x36: {  	p1 =	seq.s32 s10, $0x1;
	s10 =	sld [smem:$0x3FAF];
	_ =	sdelay $0x3  }
0x37: {  	[smem:$0x3FAF] =	sst s10  }
0x38: {  	s10 =	sld [smem:$0x3FB0]  }
0x39: {  	_ = 	snop;
	(pc) =	sbr.ind lr, $3  }
0x3a: {  	_ = 	snop  }
0x3b: {  	_ = 	snop  }
0x3c: {  	p2 =	seq.s32 s10, $0x1;
	s10 =	sld [smem:$0x3FAF]  }
0x3d: {  	_ =	shalt  }
0x3e: {  	_ =	shalt  }
0x3f: {  	_ =	shalt  }
0x40: {  	_ =	shalt  }
0x41: {  	_ =	shalt  }
0x42: {  	_ =	shalt  }
0x43: {  	_ =	shalt  }
0x44: {  	_ =	shalt  }
0x45: {  	_ =	shalt  }
0x46: {  	_ =	shalt  }
0x47: {  	_ =	shalt  }
0x48: {  	_ =	shalt  }
0x49: {  	_ =	shalt  }
0x4a: {  	_ =	shalt  }
0x4b: {  	_ =	shalt  }
0x4c: {  	_ =	shalt  }
0x4d: {  	_ =	shalt  }
0x4e: {  	_ =	shalt  }
0x4f: {  	_ =	shalt  }
0x50: {  	_ =	shalt  }
0x51: {  	_ =	shalt  }
0x52: {  	_ =	shalt  }
0x53: {  	_ =	shalt  }
0x54: {  	_ =	shalt  }
0x55: {  	_ =	shalt  }
0x56: {  	_ =	shalt  }
0x57: {  	_ =	shalt  }
0x58: {  	_ =	shalt  }
0x59: {  	_ =	shalt  }
0x5a: {  	_ =	shalt  }
0x5b: {  	_ =	shalt  }
0x5c: {  	_ =	shalt  }
0x5d: {  	_ =	shalt  }
0x5e: {  	_ =	shalt  }
0x5f: {  	_ =	shalt  }
0x60: {  	_ =	shalt  }
0x61: {  	_ =	shalt  }
0x62: {  	_ =	shalt  }
0x63: {  	_ =	shalt  }
0x64: {  	_ =	shalt  }
0x65: {  	_ =	shalt  }
0x66: {  	_ =	shalt  }
0x67: {  	_ =	shalt  }
0x68: {  	_ =	shalt  }
0x69: {  	_ =	shalt  }
0x6a: {  	_ =	shalt  }
0x6b: {  	_ =	shalt  }
0x6c: {  	_ =	shalt  }
0x6d: {  	_ =	shalt  }
0x6e: {  	_ =	shalt  }
0x6f: {  	_ =	shalt  }
0x70: {  	_ =	shalt  }
0x71: {  	_ =	shalt  }
0x72: {  	_ =	shalt  }
0x73: {  	_ =	shalt  }
0x74: {  	_ =	shalt  }
0x75: {  	_ =	shalt  }
0x76: {  	_ =	shalt  }
0x77: {  	_ =	shalt  }
0x78: {  	_ =	shalt  }
0x79: {  	_ =	shalt  }
0x7a: {  	_ =	shalt  }
0x7b: {  	_ =	shalt  }
0x7c: {  	_ =	shalt  }
0x7d: {  	_ =	shalt  }
0x7e: {  	_ =	shalt  }
0x7f: {  	_ =	shalt  }
0x80: {  	_ =	shalt  }
0x81: {  	_ =	shalt  }
0x82: {  	_ =	shalt  }
0x83: {  	_ =	shalt  }
0x84: {  	_ =	shalt  }
0x85: {  	_ =	shalt  }
0x86: {  	_ =	shalt  }
0x87: {  	_ =	shalt  }
.Lfunc_end0:
.L_simem_size_0:
called_computation.2_lowered:
.L_overlay_start_0:
0x88: {  	s2 =	sld [smem:$0x3FD9]  }
0x89: {  	s3 =	sld [smem:$0x3FFE];
	_ =	sdelay $0x1  }
0x8a: {  	s1 =	srdreg.scid  }
0x8b: {  	s0 =	sand.u32 $0x1, s1  }
0x8c: {  	s16 =	sshll.u32 s0, $0xA;
	s2 =	sadd.s32 s3, s2  }
0x8d: {  	s2 =	sadd.s32 s2, s16  }
0x8e: {  	[smem:$0x3FBB] =	sst s2  }
0x8f: {  	_ = 	snop  }
0x90: {  	(tm) =	ssettm $0x1  }
0x91: {  	s17 =	sld [smem:$0x3FFB];
	_ =	sdelay $0x3  }
0x92: {  	_ =	strace s17  }
0x93: {  	s2 =	sld [smem:$0x3FFC];
	_ =	sdelay $0x3  }
0x94: {  	_ =	strace s2  }
0x95: {  	s2 =	sld [smem:$0x3FFD];
	_ =	sdelay $0x3  }
0x96: {  	_ =	strace s2  }
0x97: {  	_ =	strace $0x8FFFFFFF  }
0x98: {  	s18 =	sld [smem:$0x3FDB];
	_ =	sdelay $0x1  }
0x99: {  	s19 =	simm.s32 $_scs_section_size  }
0x9a: {  	s4 =	simm.s32 $_size__tile_overlayer_lowered;
	s5 =	simm.s32 $_tile_overlayer_lowered  }
0x9b: {  	s22 =	simm.s32 $0x1BFF;
	s21 =	sshll.u32 s5, $0x1;
	s2 =	sadd.s32 s19, s18  }
0x9c: {  	s6 =	simm.s32 $0x0;
	s20 =	sshll.u32 s4, $0x1;
	s4 =	sadd.s32 s21, s2  }
0x9d: {  	[timem:s6], [sflag:s22] =	dma.local [hbm:s4], s20  }
0x9e: {  	_ =	swait.ge [sflag:s22], s20  }
0x9f: {  	s3 =	ssub.s32 $0x0, s20;
	[sflag:s22] =	ssyncset.done $0x0  }
0xa0: {  	[sflag:s22] =	ssyncadd.s32 s3;
	_ =	sdelay $0x1  }
0xa1: {  	s23 =	simm.s32 $0x1B8B  }
0xa2: {  	_ =	swait.ge [sflag:s23], $0x1  }
0xa3: {  	[sflag:s23] =	ssyncset.done $0x0  }
0xa4: {  	s25 =	simm.s32 $0x1B8E;
	s24 =	sld [smem:$0x3FFE];
	[sflag:s23] =	ssyncadd.s32 $0xFFFFFFFF  }
0xa5: {  	s26 =	simm.s32 $execute0_lowered;
	[smem:$0x3FD2] =	sst s25  }
0xa6: {  	s4 =	sshll.u32 s26, $0x1;
	_ =	strace $0x8000004C;
	[dreg:$0x1] =	wrdreg $0xFFFFFFFF  }
0xa7: {  	s28 =	simm.s32 $_size_execute0_lowered;
	s2 =	sadd.s32 s2, s4;
	[dreg:$0x0] =	wrdreg $0x0  }
0xa8: {  	s4 =	sshll.u32 s28, $0x1;
	[dreg:$0x2] =	wrdreg s2  }
0xa9: {  	[dreg:$0x3] =	wrdreg s4  }
0xaa: {  	[dreg:$0x4] =	wrdreg $0xC0  }
0xab: {  	_ =	task [dreg:s6], $0x5FFFF  }
0xac: {  	[dreg:$0x1] =	wrdreg $0xFFFFFFFF  }
0xad: {  	[dreg:$0x0] =	wrdreg $0x60  }
0xae: {  	[dreg:$0x2] =	wrdreg s24  }
0xaf: {  	[dreg:$0x3] =	wrdreg $0xA9800  }
0xb0: {  	[dreg:$0x4] =	wrdreg $0x9  }
0xb1: {  	_ =	task.clear_ibuf [dreg:s6], $0x5FFFF;
	_ =	strace $0x9000004C  }
0xb2: {  	s29 =	simm.s32 $0x9;
	_ =	strace $0x8000004E  }
0xb3: {  	_ =	swait.ge [sflag:s29], $0x1  }
0xb4: {  	[sflag:s29] =	ssyncadd.s32 $0xFFFFFFFF  }
0xb5: {  	_ =	strace $0x9000004E  }
0xb6: {  	_ =	sfence  }
0xb7: {  	s30 =	sld [smem:$0x0];
	_ =	sdelay $0x2  }
0xb8: {  	s31 =	sshll.u32 s1, $0xD;
	s1 =	sshrl.u32 s1, $0x2  }
0xb9: {  	s3 =	sand.u32 $0x4000, s31;
	s1 =	sadd.s32 s1, s30  }
0xba: {  	s0 =	sor.u32 s3, s0;
	s1 =	sshll.u32 s1, $0x11  }
0xbb: {  	s0 =	sor.u32 s1, s0  }
0xbc: {  	s0 =	sadd.s32 $0x8F2B, s0  }
0xbd: {  	[sflag:s0] =	ssyncadd.remote.s32 $0x1  }
0xbe: {  	_ =	sfence.sel $0xFFFF  }
0xbf: {  	[dreg:$0x0] =	wrdreg $0xFFFFFFFF;
	(pc) =	sbr.abs _section_cstart, $3  }
0xc0: {  	[dreg:$0x1] =	wrdreg $0xFFFFFFFF  }
0xc1: {  	_ =	task.clear_ibuf [dreg:s6], $0x2FFFF;
	_ =	strace $0x9FFFFFFF  }
0xc2: {  	(tm) =	ssettm $0x7FFFFFFF  }
0xc3: {  	_ =	shalt  }
tec
execute0_lowered:
.L_overlay_start_1:
0x0: {  	(tag) =	ssettag $0x1  }
0x1: {  	s5 =	rddreg [dreg:$0x0];
	s0 =	srdreg.scid  }
0x2: {  	s2 =	rddreg [dreg:$0x1];
	s1 =	stileid.u32;
	s3 =	simm.s32 $0x0  }
0x3: {  	s14 =	simm.s32 $0x1400;
	s15 =	simm.s32 $0x2980;
	s16 =	simm.s32 $0x3  }
0x4: {  	s17 =	simm.s32 $0x1;
	s18 =	simm.s32 $0x2;
	s19 =	simm.s32 $0x80  }
0x5: {  	s20 =	simm.s32 $0x2800;
	s21 =	simm.s32 $0x2880;
	s7 =	smul.u32 $0x28, s1  }
0x6: {  	s22 =	simm.s32 $0x6980;
	s6 =	sand.u32 $0x1, s0;
	s10 =	smul.u32 $0x4F000, s1  }
0x7: {  	s23 =	simm.s32 $0x2900;
	s0 =	rddreg [dreg:$0x2];
	s4 =	smul.u32 $0x280, s6  }
0x8: {  	[smem:$0x7FF] =	sst s3;
	s8 =	smul.u32 $0x13C000, s6;
	s6 =	ssub.s32 $0x2, s6  }
0x9: {  	s9 =	smul.u32 $0x13C00, s1;
	_ =	strace $0x8000004D;
	s31 =	sshrl.u32 s6, $0x1  }
0xa: {  	s10 =	sshrl.u32 s10, $0x2;
	s7 =	sadd.s32 s7, s4;
	s4 =	sadd.s32 $0x23200, s5  }
0xb: {  	s8 =	sadd.s32 s9, s8;
	s13 =	ssub.s32 s6, s31;
	s7 =	sshll.u32 s7, $0x4  }
0xc: {  	s8 =	sshrl.u32 s8, $0x3;
	s13 =	smax.u32 s13, $0x1;
	s7 =	sadd.s32 s7, s5  }
0xd: {  	s12 =	sadd.s32 s8, s5;
	s5 =	sadd.s32 s10, s2;
	s6 =	sadd.s32 $0x19200, s7  }
0xe: {  	s7 =	sadd.s32 $0x1E200, s7;
	s8 =	sadd.s32 $0x4000, s5;
	s9 =	sadd.s32 $0x8000, s5  }
0xf: {  	v0 =	vimm.f32 $0.0e+00;
	s10 =	sadd.s32 $0xC000, s5;
	s11 =	sadd.s32 $0x10000, s5;
	s12 =	sadd.s32 $0x4AA00, s12  }
.LBB2_1:
0x10: {  	s24 =	simm.s32 $0x0;
	s25 =	simm.s32 $0x200  }
.LBB2_2:
0x11: {  	p0 =	sne.s32 s25, $0xFE00;
	[tilespmem:s24+$0x29F0] =	vst v0  }
0x12: {  	[tilespmem:s24+$0x2980] =	vst v0  }
0x13: {  	[tilespmem:s24+$0x2990] =	vst v0  }
.Ltmp0:
0x14: {  	[tilespmem:s24+$0x29A0] =	vst v0;
	(pc) =	sbr.rel @p0 .LBB2_2-.Ltmp0, $4  }
0x15: {  	[tilespmem:s24+$0x29B0] =	vst v0  }
0x16: {  	[tilespmem:s24+$0x29C0] =	vst v0  }
0x17: {  	[tilespmem:s24+$0x29D0] =	vst v0  }
0x18: {  	[tilespmem:s24+$0x29E0] =	vst v0;
	s24 =	sshra.s32 s25, $0x2;
	s25 =	sadd.s32 $0x200, s25  }
0x19: {  	[tilespmem:s24+$0x29F0] =	vst v0  }
0x1a: {  	[tilespmem:s24+$0x2980] =	vst v0  }
0x1b: {  	[tilespmem:s24+$0x2990] =	vst v0  }
0x1c: {  	[tilespmem:s24+$0x29A0] =	vst v0  }
0x1d: {  	[tilespmem:s24+$0x29B0] =	vst v0  }
0x1e: {  	[tilespmem:s24+$0x29C0] =	vst v0  }
0x1f: {  	[tilespmem:s24+$0x29D0] =	vst v0  }
0x20: {  	[tilespmem:s24+$0x29E0] =	vst v0;
	s31 =	simm.s32 $0x0  }
0x21: {  	[tilespmem:s31], [sflag:$0x1] =	stream.linear.gather [hbm4b:s6+s31], $0x1400, $0x38;
	[tilespmem:$0x1E580] =	vst v63  }
0x22: {  	_ = 	snop  }
0x23: {  	[tilespmem:s14], [sflag:$0x2] =	stream.linear.gather [hbm4b:s7+s31], $0x1400, $0x38;
	[tilespmem:$0x1E580] =	vst v63  }
0x24: {  	_ = 	snop  }
0x25: {  	[spmem:s5] =	stream.linear.scatter [tilespmem:s15], [sflag:$0x3], $0x4000, $0x38;
	[tilespmem:$0x1E580] =	vst v63  }
0x26: {  	_ =	swait.ge [sflag:s16], $0x4000  }
0x27: {  	[sflag:s16] =	ssyncset.done $0x0  }
0x28: {  	[sflag:s16] =	ssyncadd.s32 $0xFFFFC000  }
0x29: {  	[spmem:s8] =	stream.linear.scatter [tilespmem:s15], [sflag:$0x3], $0x4000, $0x38;
	[tilespmem:$0x1E580] =	vst v63  }
0x2a: {  	_ =	swait.ge [sflag:s16], $0x4000  }
0x2b: {  	[sflag:s16] =	ssyncset.done $0x0  }
0x2c: {  	[sflag:s16] =	ssyncadd.s32 $0xFFFFC000  }
0x2d: {  	[spmem:s9] =	stream.linear.scatter [tilespmem:s15], [sflag:$0x3], $0x4000, $0x38;
	[tilespmem:$0x1E580] =	vst v63  }
0x2e: {  	_ =	swait.ge [sflag:s16], $0x4000  }
0x2f: {  	[sflag:s16] =	ssyncset.done $0x0  }
0x30: {  	[sflag:s16] =	ssyncadd.s32 $0xFFFFC000  }
0x31: {  	[spmem:s10] =	stream.linear.scatter [tilespmem:s15], [sflag:$0x3], $0x4000, $0x38;
	[tilespmem:$0x1E580] =	vst v63  }
0x32: {  	_ =	swait.ge [sflag:s16], $0x4000  }
0x33: {  	[sflag:s16] =	ssyncset.done $0x0  }
0x34: {  	[sflag:s16] =	ssyncadd.s32 $0xFFFFC000  }
0x35: {  	[spmem:s11] =	stream.linear.scatter [tilespmem:s15], [sflag:$0x3], $0x3C00, $0x38;
	[tilespmem:$0x1E580] =	vst v63  }
0x36: {  	_ =	swait.ge [sflag:s16], $0x3C00  }
0x37: {  	[sflag:s16] =	ssyncset.done $0x0  }
0x38: {  	[sflag:s16] =	ssyncadd.s32 $0xFFFFC400  }
0x39: {  	_ =	swait.ge [sflag:s17], $0x1400  }
0x3a: {  	[sflag:s17] =	ssyncset.done $0x0  }
0x3b: {  	[sflag:s17] =	ssyncadd.s32 $0xFFFFEC00  }
0x3c: {  	_ =	swait.ge [sflag:s18], $0x1400  }
0x3d: {  	[sflag:s18] =	ssyncset.done $0x0  }
0x3e: {  	[sflag:s18] =	ssyncadd.s32 $0xFFFFEC00  }
0x3f: {  	[bflag:$0x0] =	sbarrier.arrive $0xFFFF  }
0x40: {  	v1 =	vld [tilespmem:$0x0];
	_ =	sdelay $0x1  }
0x41: {  	v2 =	vld [tilespmem:$0x10];
	_ =	sdelay $0x1  }
0x42: {  	v3 =	vld [tilespmem:$0x20]  }
0x43: {  	v4 =	vand.u32 $0xFFFF, v1  }
0x44: {  	v63 =	vld [tilespmem:$0x30];
	v1 =	vshra.s32 v1, $0x10;
	[tilespmem:$0x2800] =	vst v4  }
0x45: {  	[tilespmem:$0x2840] =	vst v1;
	v1 =	vand.u32 $0xFFFF, v2  }
0x46: {  	[tilespmem:$0x2810] =	vst v1;
	v1 =	vshra.s32 v2, $0x10  }
0x47: {  	[tilespmem:$0x2850] =	vst v1;
	v1 =	vand.u32 $0xFFFF, v3  }
0x48: {  	[tilespmem:$0x2820] =	vst v1;
	v1 =	vshra.s32 v3, $0x10  }
0x49: {  	[tilespmem:$0x2860] =	vst v1;
	v1 =	vand.u32 $0xFFFF, v63  }
0x4a: {  	[tilespmem:$0x2830] =	vst v1;
	v1 =	vshra.s32 v63, $0x10  }
0x4b: {  	s24 =	simm.s32 $0x0;
	[tilespmem:$0x2870] =	vst v1  }
0x4c: {  	[tilespmem:s15], [sflag:$0x1] =	stream.indirect.gather [hbm4b:s4+s19], $0x80, s20, s19, $0xb8;
	[tilespmem:$0x1E580] =	vst v63  }
0x4d: {  	v1 =	vld [tilespmem:s24+$0x40];
	_ =	sdelay $0x4  }
0x4e: {  	v2 =	vand.u32 $0xFFFF, v1  }
0x4f: {  	v1 =	vshra.s32 v1, $0x10;
	[tilespmem:$0x2880] =	vst v2  }
0x50: {  	[tilespmem:$0x28C0] =	vst v1  }
0x51: {  	v1 =	vld [tilespmem:s24+$0x50];
	_ =	sdelay $0x4  }
0x52: {  	v2 =	vand.u32 $0xFFFF, v1  }
0x53: {  	v1 =	vshra.s32 v1, $0x10;
	[tilespmem:$0x2890] =	vst v2  }
0x54: {  	[tilespmem:$0x28D0] =	vst v1  }
0x55: {  	v1 =	vld [tilespmem:s24+$0x60];
	_ =	sdelay $0x4  }
0x56: {  	v2 =	vand.u32 $0xFFFF, v1  }
0x57: {  	v1 =	vshra.s32 v1, $0x10;
	[tilespmem:$0x28A0] =	vst v2  }
0x58: {  	[tilespmem:$0x28E0] =	vst v1  }
0x59: {  	v1 =	vld [tilespmem:s24+$0x70];
	_ =	sdelay $0x4  }
0x5a: {  	v2 =	vand.u32 $0xFFFF, v1  }
0x5b: {  	v1 =	vshra.s32 v1, $0x10;
	[tilespmem:$0x28B0] =	vst v2  }
0x5c: {  	[tilespmem:$0x28F0] =	vst v1  }
0x5d: {  	[tilespmem:s22], [sflag:$0x2] =	stream.indirect.gather [hbm4b:s4+s19], $0x80, s21, s19, $0xb8;
	[tilespmem:$0x1E580] =	vst v63  }
0x5e: {  	_ =	swait.ge [sflag:s17], $0x4000  }
0x5f: {  	[sflag:s17] =	ssyncset.done $0x0  }
0x60: {  	[sflag:s17] =	ssyncadd.s32 $0xFFFFC000  }
0x61: {  	v1 =	vld [tilespmem:s24+$0x1400];
	_ =	sdelay $0x4  }
0x62: {  	v2 =	vand.u32 $0xFFFF, v1  }
0x63: {  	v1 =	vshra.s32 v1, $0x10;
	[tilespmem:$0x2900] =	vst v2  }
0x64: {  	[tilespmem:$0x2940] =	vst v1  }
0x65: {  	v1 =	vld [tilespmem:s24+$0x1410];
	_ =	sdelay $0x4  }
0x66: {  	v2 =	vand.u32 $0xFFFF, v1  }
0x67: {  	v1 =	vshra.s32 v1, $0x10;
	[tilespmem:$0x2910] =	vst v2  }
0x68: {  	[tilespmem:$0x2950] =	vst v1  }
0x69: {  	v1 =	vld [tilespmem:s24+$0x1420];
	_ =	sdelay $0x4  }
0x6a: {  	v2 =	vand.u32 $0xFFFF, v1  }
0x6b: {  	v1 =	vshra.s32 v1, $0x10;
	[tilespmem:$0x2920] =	vst v2  }
0x6c: {  	[tilespmem:$0x2960] =	vst v1  }
0x6d: {  	v1 =	vld [tilespmem:s24+$0x1430];
	_ =	sdelay $0x4  }
0x6e: {  	v2 =	vand.u32 $0xFFFF, v1  }
0x6f: {  	v1 =	vshra.s32 v1, $0x10;
	[tilespmem:$0x2930] =	vst v2  }
0x70: {  	[tilespmem:$0x2970] =	vst v1  }
0x71: {  	[spmem:s2] =	stream.indirect.scatter.add.f32 [tilespmem:s15], [sflag:$0x3], $0x80, s23, s19, $0xb8;
	[tilespmem:$0x1E580] =	vst v63  }
0x72: {  	_ =	swait.ge [sflag:s16], $0x4000  }
0x73: {  	p0 =	por $0x0, $0x0;
	[sflag:s16] =	ssyncset.done $0x0  }
0x74: {  	s25 =	simm.s32 @!p0 $0x0;
	[sflag:s16] =	ssyncadd.s32 $0xFFFFC000  }
0x75: {  	v1 =	vld @!p0 [tilespmem:s25+$0x80];
	_ =	sdelay $0x4  }
0x76: {  	v2 =	vand.u32 @!p0 $0xFFFF, v1  }
0x77: {  	v1 =	vshra.s32 @!p0 v1, $0x10;
	[tilespmem:$0x2800] =	vst @!p0 v2  }
0x78: {  	[tilespmem:$0x2840] =	vst @!p0 v1  }
0x79: {  	v1 =	vld @!p0 [tilespmem:s25+$0x90];
	_ =	sdelay $0x4  }
0x7a: {  	v2 =	vand.u32 @!p0 $0xFFFF, v1  }
0x7b: {  	v1 =	vshra.s32 @!p0 v1, $0x10;
	[tilespmem:$0x2810] =	vst @!p0 v2  }
0x7c: {  	[tilespmem:$0x2850] =	vst @!p0 v1  }
0x7d: {  	v1 =	vld @!p0 [tilespmem:s25+$0xA0];
	_ =	sdelay $0x4  }
0x7e: {  	v2 =	vand.u32 @!p0 $0xFFFF, v1  }
0x7f: {  	v1 =	vshra.s32 @!p0 v1, $0x10;
	[tilespmem:$0x2820] =	vst @!p0 v2  }
0x80: {  	[tilespmem:$0x2860] =	vst @!p0 v1  }
0x81: {  	v1 =	vld @!p0 [tilespmem:s25+$0xB0];
	_ =	sdelay $0x4  }
0x82: {  	v2 =	vand.u32 @!p0 $0xFFFF, v1  }
0x83: {  	v1 =	vshra.s32 @!p0 v1, $0x10;
	[tilespmem:$0x2830] =	vst @!p0 v2  }
0x84: {  	s26 =	simm.s32 @!p0 $0x2800;
	s28 =	simm.s32 @!p0 $0x2980;
	s25 =	simm.s32 @!p0 $0x80;
	[tilespmem:$0x2870] =	vst @!p0 v1  }
0x85: {  	[tilespmem:s28], [sflag:$0x1] =	stream.indirect.gather @!p0 [hbm4b:s4+s25], $0x80, s26, s25, $0xb8;
	[tilespmem:$0x1E580] =	vst v63  }
0x86: {  	_ =	swait.ge [sflag:s18], $0x4000  }
0x87: {  	[sflag:s18] =	ssyncset.done $0x0  }
0x88: {  	[sflag:s18] =	ssyncadd.s32 $0xFFFFC000  }
0x89: {  	v1 =	vld [tilespmem:s24+$0x1440];
	_ =	sdelay $0x4  }
0x8a: {  	v2 =	vand.u32 $0xFFFF, v1  }
0x8b: {  	v1 =	vshra.s32 v1, $0x10;
	[tilespmem:$0x2900] =	vst v2  }
0x8c: {  	[tilespmem:$0x2940] =	vst v1  }
0x8d: {  	v1 =	vld [tilespmem:s24+$0x1450];
	_ =	sdelay $0x4  }
0x8e: {  	v2 =	vand.u32 $0xFFFF, v1  }
0x8f: {  	v1 =	vshra.s32 v1, $0x10;
	[tilespmem:$0x2910] =	vst v2  }
0x90: {  	[tilespmem:$0x2950] =	vst v1  }
0x91: {  	s25 =	simm.s32 $0x200;
	v1 =	vld [tilespmem:s24+$0x1460]  }
.LBB2_4:
0x92: {  	_ =	sdelay $0x1  }
0x93: {  	s26 =	smov.u32 s25;
	s25 =	sadd.s32 $0x200, s25  }
0x94: {  	p0 =	sne.s32 s25, $0x5000  }
0x95: {  	v2 =	vand.u32 $0xFFFF, v1;
	v1 =	vshra.s32 v1, $0x10  }
0x96: {  	[tilespmem:$0x2920] =	vst v2  }
0x97: {  	[tilespmem:$0x2960] =	vst v1  }
0x98: {  	v1 =	vld [tilespmem:s24+$0x1470];
	_ =	sdelay $0x4  }
0x99: {  	v2 =	vand.u32 $0xFFFF, v1;
	v1 =	vshra.s32 v1, $0x10  }
0x9a: {  	[tilespmem:$0x2930] =	vst v2  }
0x9b: {  	[tilespmem:$0x2970] =	vst v1  }
0x9c: {  	[spmem:s2] =	stream.indirect.scatter.add.f32 [tilespmem:s22], [sflag:$0x3], $0x80, s23, s19, $0xb8;
	[tilespmem:$0x1E580] =	vst v63  }
0x9d: {  	_ =	swait.ge [sflag:s16], $0x4000  }
0x9e: {  	[sflag:s16] =	ssyncset.done $0x0  }
0x9f: {  	s24 =	sshra.s32 s26, $0x2;
	[sflag:s16] =	ssyncadd.s32 $0xFFFFC000  }
0xa0: {  	v1 =	vld [tilespmem:s24+$0x40];
	_ =	sdelay $0x4  }
0xa1: {  	v2 =	vand.u32 $0xFFFF, v1;
	v1 =	vshra.s32 v1, $0x10  }
0xa2: {  	[tilespmem:$0x2880] =	vst v2  }
0xa3: {  	[tilespmem:$0x28C0] =	vst v1  }
0xa4: {  	v1 =	vld [tilespmem:s24+$0x50];
	_ =	sdelay $0x4  }
0xa5: {  	v2 =	vand.u32 $0xFFFF, v1;
	v1 =	vshra.s32 v1, $0x10  }
0xa6: {  	[tilespmem:$0x2890] =	vst v2  }
0xa7: {  	[tilespmem:$0x28D0] =	vst v1  }
0xa8: {  	v1 =	vld [tilespmem:s24+$0x60];
	_ =	sdelay $0x4  }
0xa9: {  	v2 =	vand.u32 $0xFFFF, v1;
	v1 =	vshra.s32 v1, $0x10  }
0xaa: {  	[tilespmem:$0x28A0] =	vst v2  }
0xab: {  	[tilespmem:$0x28E0] =	vst v1  }
0xac: {  	v1 =	vld [tilespmem:s24+$0x70];
	_ =	sdelay $0x4  }
0xad: {  	v2 =	vand.u32 $0xFFFF, v1;
	v1 =	vshra.s32 v1, $0x10  }
0xae: {  	[tilespmem:$0x28B0] =	vst v2  }
0xaf: {  	[tilespmem:$0x28F0] =	vst v1  }
0xb0: {  	[tilespmem:s22], [sflag:$0x2] =	stream.indirect.gather [hbm4b:s4+s19], $0x80, s21, s19, $0xb8;
	[tilespmem:$0x1E580] =	vst v63  }
0xb1: {  	_ =	swait.ge [sflag:s17], $0x4000  }
0xb2: {  	[sflag:s17] =	ssyncset.done $0x0  }
0xb3: {  	[sflag:s17] =	ssyncadd.s32 $0xFFFFC000  }
0xb4: {  	v1 =	vld [tilespmem:s24+$0x1400];
	_ =	sdelay $0x4  }
0xb5: {  	v2 =	vand.u32 $0xFFFF, v1;
	v1 =	vshra.s32 v1, $0x10  }
0xb6: {  	[tilespmem:$0x2900] =	vst v2  }
0xb7: {  	[tilespmem:$0x2940] =	vst v1  }
0xb8: {  	v1 =	vld [tilespmem:s24+$0x1410];
	_ =	sdelay $0x4  }
0xb9: {  	v2 =	vand.u32 $0xFFFF, v1;
	v1 =	vshra.s32 v1, $0x10  }
0xba: {  	[tilespmem:$0x2910] =	vst v2  }
0xbb: {  	[tilespmem:$0x2950] =	vst v1  }
0xbc: {  	v1 =	vld [tilespmem:s24+$0x1420];
	_ =	sdelay $0x4  }
0xbd: {  	v2 =	vand.u32 $0xFFFF, v1;
	v1 =	vshra.s32 v1, $0x10  }
0xbe: {  	[tilespmem:$0x2920] =	vst v2  }
0xbf: {  	[tilespmem:$0x2960] =	vst v1  }
0xc0: {  	v1 =	vld [tilespmem:s24+$0x1430];
	_ =	sdelay $0x1  }
0xc1: {  	p1 =	seq.s32 s26, $0x4E00  }
0xc2: {  	s26 =	sshra.s32 @!p1 s26, $0x2;
	_ =	sdelay $0x1  }
0xc3: {  	v2 =	vand.u32 $0xFFFF, v1;
	v1 =	vshra.s32 v1, $0x10  }
0xc4: {  	[tilespmem:$0x2930] =	vst v2  }
0xc5: {  	[tilespmem:$0x2970] =	vst v1  }
0xc6: {  	[spmem:s2] =	stream.indirect.scatter.add.f32 [tilespmem:s15], [sflag:$0x3], $0x80, s23, s19, $0xb8;
	[tilespmem:$0x1E580] =	vst v63  }
0xc7: {  	_ =	swait.ge [sflag:s16], $0x4000  }
0xc8: {  	[sflag:s16] =	ssyncset.done $0x0  }
0xc9: {  	[sflag:s16] =	ssyncadd.s32 $0xFFFFC000  }
0xca: {  	v1 =	vld @!p1 [tilespmem:s26+$0x80];
	_ =	sdelay $0x4  }
0xcb: {  	v2 =	vand.u32 @!p1 $0xFFFF, v1;
	v1 =	vshra.s32 @!p1 v1, $0x10  }
0xcc: {  	[tilespmem:$0x2800] =	vst @!p1 v2  }
0xcd: {  	[tilespmem:$0x2840] =	vst @!p1 v1  }
0xce: {  	v1 =	vld @!p1 [tilespmem:s26+$0x90];
	_ =	sdelay $0x4  }
0xcf: {  	v2 =	vand.u32 @!p1 $0xFFFF, v1;
	v1 =	vshra.s32 @!p1 v1, $0x10  }
0xd0: {  	[tilespmem:$0x2810] =	vst @!p1 v2  }
0xd1: {  	[tilespmem:$0x2850] =	vst @!p1 v1  }
0xd2: {  	v1 =	vld @!p1 [tilespmem:s26+$0xA0];
	_ =	sdelay $0x2  }
0xd3: {  	s28 =	simm.s32 @!p1 $0x80;
	s29 =	simm.s32 @!p1 $0x2800;
	s30 =	simm.s32 @!p1 $0x2980  }
0xd4: {  	_ = 	snop  }
0xd5: {  	v2 =	vand.u32 @!p1 $0xFFFF, v1;
	v1 =	vshra.s32 @!p1 v1, $0x10  }
0xd6: {  	[tilespmem:$0x2820] =	vst @!p1 v2  }
0xd7: {  	[tilespmem:$0x2860] =	vst @!p1 v1  }
0xd8: {  	v1 =	vld @!p1 [tilespmem:s26+$0xB0];
	_ =	sdelay $0x4  }
0xd9: {  	v2 =	vand.u32 @!p1 $0xFFFF, v1;
	v1 =	vshra.s32 @!p1 v1, $0x10  }
0xda: {  	[tilespmem:$0x2830] =	vst @!p1 v2  }
0xdb: {  	[tilespmem:$0x2870] =	vst @!p1 v1  }
0xdc: {  	[tilespmem:s30], [sflag:$0x1] =	stream.indirect.gather @!p1 [hbm4b:s4+s28], $0x80, s29, s28, $0xb8;
	[tilespmem:$0x1E580] =	vst v63  }
0xdd: {  	_ =	swait.ge [sflag:s18], $0x4000  }
0xde: {  	[sflag:s18] =	ssyncset.done $0x0  }
0xdf: {  	[sflag:s18] =	ssyncadd.s32 $0xFFFFC000  }
0xe0: {  	v1 =	vld [tilespmem:s24+$0x1440];
	_ =	sdelay $0x4  }
0xe1: {  	v2 =	vand.u32 $0xFFFF, v1;
	v1 =	vshra.s32 v1, $0x10  }
0xe2: {  	[tilespmem:$0x2900] =	vst v2  }
0xe3: {  	[tilespmem:$0x2940] =	vst v1  }
0xe4: {  	v1 =	vld [tilespmem:s24+$0x1450];
	_ =	sdelay $0x3  }
.Ltmp1:
0xe5: {  	(pc) =	sbr.rel @p0 .LBB2_4-.Ltmp1, $4  }
0xe6: {  	v2 =	vand.u32 $0xFFFF, v1;
	v1 =	vshra.s32 v1, $0x10  }
0xe7: {  	[tilespmem:$0x2910] =	vst v2  }
0xe8: {  	[tilespmem:$0x2950] =	vst v1  }
0xe9: {  	v1 =	vld [tilespmem:s24+$0x1460]  }
0xea: {  	_ =	sdelay $0x3  }
0xeb: {  	v2 =	vand.u32 $0xFFFF, v1  }
0xec: {  	v1 =	vshra.s32 v1, $0x10;
	[tilespmem:$0x2920] =	vst v2  }
0xed: {  	[tilespmem:$0x2960] =	vst v1  }
0xee: {  	v1 =	vld [tilespmem:s24+$0x1470];
	_ =	sdelay $0x4  }
0xef: {  	v2 =	vand.u32 $0xFFFF, v1  }
0xf0: {  	v1 =	vshra.s32 v1, $0x10;
	[tilespmem:$0x2930] =	vst v2  }
0xf1: {  	[tilespmem:$0x2970] =	vst v1  }
0xf2: {  	[spmem:s2] =	stream.indirect.scatter.add.f32 [tilespmem:s22], [sflag:$0x3], $0x80, s23, s19, $0xb8;
	[tilespmem:$0x1E580] =	vst v63  }
0xf3: {  	_ =	swait.ge [sflag:s16], $0x4000  }
0xf4: {  	s31 =	sshll.u32 s1, $0x6;
	s3 =	sadd.s32 $0x1, s3;
	[sflag:s16] =	ssyncset.done $0x0  }
0xf5: {  	s25 =	sshrl.u32 s5, $0x3;
	p0 =	sne.s32 s3, s13;
	[sflag:s16] =	ssyncadd.s32 $0xFFFFC000  }
.Ltmp2:
0xf6: {  	s24 =	sor.u32 $0x1C03, s31;
	[bflag:$0x0] =	sbarrier.arrive $0xFFFF;
	(pc) =	sbr.rel @p0 .LBB2_1-.Ltmp2, $4  }
0xf7: {  	[hbm:s12], [sflag:s24] =	dma.local [spmem:s25], $0x2780  }
0xf8: {  	_ =	swait.ge [sflag:s16], $0x2780  }
0xf9: {  	[sflag:s16] =	ssyncset.done $0x0  }
0xfa: {  	[sflag:s16] =	ssyncadd.s32 $0xFFFFD880  }
0xfb: {  	_ =	sfence.sel $0x180000  }
0xfc: {  	[bflag:$0x0] =	sbarrier.arrive $0xFFFF  }
0xfd: {  	p0 =	sne.s32 s1, $0x0;
	_ =	strace $0x9000004D  }
0xfe: {  	s0 =	sadd.s32 @!p0 $0x100000, s0;
	[bflag:$0x2] =	sbarrier.arrive $0xFFFF  }
0xff: {  	[sflag:s0] =	ssyncadd.tile.s32 @!p0 $0x1;
	_ =	shalt  }
.Lfunc_end2:
_tile_overlayer_lowered:
.L_overlay_start_2:
0x100: {  	(tag) =	ssettag $0x2  }
0x101: {  	s0 =	rddreg [dreg:$0x0];
	s2 =	stileid.u32  }
0x102: {  	s1 =	rddreg [dreg:$0x1];
	p0 =	sne.s32 s2, $0x0  }
0x103: {  	s3 =	rddreg [dreg:$0x2];
	[bflag:$0x3] =	sbarrier.arrive $0xFFFF;
	s2 =	simm.s32 @!p0 $0x1C03  }
0x104: {  	[timem:s3], [sflag:s2] =	dma.local @!p0 [hbm:s0], s1  }
0x105: {  	s0 =	simm.s32 @!p0 $0x3  }
0x106: {  	_ =	swait.ge @!p0 [sflag:s0], s1  }
0x107: {  	s1 =	ssub.s32 @!p0 $0x0, s1;
	[sflag:s0] =	ssyncset.done @!p0 $0x0  }
0x108: {  	[sflag:s0] =	ssyncadd.s32 @!p0 s1  }
0x109: {  	[bflag:$0x3] =	sbarrier.arrive $0xFFFF  }
0x10a: {  	_ =	shalt  }

// kernel: kernel.19.cloned.1.call-start
scs
__scs_entry_jumppad:
0x0: {  	(pc) =	sbr.rel $0x88, $3  }
0x1: {  	(tag) =	ssettag $0x0;
	lr =	simm.s32 $0x1  }
0x2: {  	[smem:$0x3F94] =	sst lr;
	_ =	strace $0xD0000000  }
0x3: {  	_ = 	snop  }
0x4: {  	_ = 	snop  }
0x5: {  	_ = 	snop  }
0x6: {  	_ = 	snop  }
0x7: {  	_ = 	snop  }
__scs_overlays_trampoline_lowered:
0x8: {  	[smem:$0x3FA3] =	sst s0  }
0x9: {  	[smem:$0x3FA4] =	sst s1  }
0xa: {  	[smem:$0x3FA5] =	sst s2  }
0xb: {  	[smem:$0x3FA6] =	sst s3  }
0xc: {  	[smem:$0x3FA7] =	sst s4  }
0xd: {  	[smem:$0x3FA8] =	sst s5  }
0xe: {  	[smem:$0x3FA9] =	sst s6  }
0xf: {  	[smem:$0x3FAA] =	sst s7  }
0x10: {  	[smem:$0x3FAB] =	sst s8  }
0x11: {  	[smem:$0x3FAC] =	sst s9;
	s0 =	simm.s32 @!p0 $0x0  }
0x12: {  	s1 =	sld [smem:$0x3F92];
	s0 =	simm.s32 @p0 $0x1  }
0x13: {  	[smem:$0x3FAD] =	sst s0;
	s0 =	simm.s32 @!p1 $0x0  }
0x14: {  	s2 =	sld [smem:$0x3F91];
	s0 =	simm.s32 @p1 $0x1  }
0x15: {  	[smem:$0x3FAE] =	sst s0;
	s0 =	simm.s32 @!p2 $0x0  }
0x16: {  	s3 =	sld [smem:$0x3FDB];
	s0 =	simm.s32 @p2 $0x1  }
0x17: {  	s4 =	simm.s32 $0x1BF5;
	[smem:$0x3FB0] =	sst s0  }
0x18: {  	s0 =	sld [smem:$0x3F93];
	_ =	swait.ge [sflag:s4], $0x0  }
0x19: {  	s7 =	sld [smem:$0x3F94]  }
0x1a: {  	s8 =	sadd.s32 $0xFFFFE003, lr  }
0x1b: {  	s9 =	sadd.s32 $0xFFFFFEF7, lr;
	s5 =	simm.s32 $0xFFFFFFFF;
	p2 =	slt.u32 s8, $0xFFFFF086  }
0x1c: {  	p1 =	slt.u32 s9, $0xF7A;
	s5 =	simm.s32 @!p2 $0x0  }
0x1d: {  	s5 =	simm.s32 @p1 $0x1;
	p0 =	seq.s32 s7, s2  }
0x1e: {  	s7 =	smul.u32 @!p0 $0xF7A, s2;
	p2 =	seq.s32 @!p0 s5, $0x0  }
0x1f: {  	s9 =	smul.u32 $0xF7A, s1;
	s8 =	simm.s32 @!p0 $0x1BF5;
	p2 =	por !p2, p0  }
0x20: {  	[sflag:s8] =	ssyncset.s32 @!p0 $0xFFFFF086;
	s6 =	sadd.s32 @!p0 s3, s7;
	s7 =	simm.s32 @!p0 $0x108  }
0x21: {  	s3 =	sadd.s32 s3, s9;
	s6 =	sadd.s32 @!p0 $0x88, s6;
	s7 =	simm.s32 @p2 $0x1082  }
0x22: {  	[simem:s7], [sflag:s8] =	dma.local @!p0 [hbm:s6], $0xF7A  }
0x23: {  	s9 =	sor.u32 $0xD0000000, s2;
	s6 =	simm.s32 $0x108;
	_ =	swait.ge @!p0 [sflag:s8], $0x0  }
0x24: {  	s3 =	sadd.s32 $0x88, s3;
	s6 =	simm.s32 @!p1 $0x1082;
	[sflag:s4] =	ssyncset.s32 $0xFFFFF086  }
0x25: {  	[simem:s6], [sflag:s4] =	dma.local [hbm:s3], $0xF7A  }
0x26: {  	[smem:$0x3F94] =	sst s1;
	(tag) =	ssettag s2;
	_ =	strace s9  }
0x27: {  	s1 =	sld [smem:$0x3FA4]  }
0x28: {  	s2 =	sld [smem:$0x3FA5]  }
0x29: {  	s4 =	sld [smem:$0x3FA7]  }
0x2a: {  	p0 =	seq.s32 s5, $0x0;
	s5 =	sld [smem:$0x3FA8]  }
0x2b: {  	s6 =	sld [smem:$0x3FA9]  }
0x2c: {  	s7 =	sld [smem:$0x3FAA]  }
0x2d: {  	s3 =	simm.s32 $0x108;
	s8 =	sld [smem:$0x3FAB]  }
0x2e: {  	s3 =	simm.s32 @!p0 $0x1082;
	s9 =	sld [smem:$0x3FAC]  }
0x2f: {  	lr =	sadd.s32 s0, s3;
	s0 =	sld [smem:$0x3FA3]  }
0x30: {  	s3 =	sld [smem:$0x3FA6]  }
0x31: {  	[smem:$0x3FAF] =	sst s10  }
0x32: {  	s10 =	sld [smem:$0x3FAD];
	_ =	sdelay $0x3  }
0x33: {  	p0 =	seq.s32 s10, $0x1;
	s10 =	sld [smem:$0x3FAF];
	_ =	sdelay $0x3  }
0x34: {  	[smem:$0x3FAF] =	sst s10  }
0x35: {  	s10 =	sld [smem:$0x3FAE];
	_ =	sdelay $0x3  }
0x36: {  	p1 =	seq.s32 s10, $0x1;
	s10 =	sld [smem:$0x3FAF];
	_ =	sdelay $0x3  }
0x37: {  	[smem:$0x3FAF] =	sst s10  }
0x38: {  	s10 =	sld [smem:$0x3FB0]  }
0x39: {  	_ = 	snop;
	(pc) =	sbr.ind lr, $3  }
0x3a: {  	_ = 	snop  }
0x3b: {  	_ = 	snop  }
0x3c: {  	p2 =	seq.s32 s10, $0x1;
	s10 =	sld [smem:$0x3FAF]  }
0x3d: {  	_ =	shalt  }
0x3e: {  	_ =	shalt  }
0x3f: {  	_ =	shalt  }
0x40: {  	_ =	shalt  }
0x41: {  	_ =	shalt  }
0x42: {  	_ =	shalt  }
0x43: {  	_ =	shalt  }
0x44: {  	_ =	shalt  }
0x45: {  	_ =	shalt  }
0x46: {  	_ =	shalt  }
0x47: {  	_ =	shalt  }
0x48: {  	_ =	shalt  }
0x49: {  	_ =	shalt  }
0x4a: {  	_ =	shalt  }
0x4b: {  	_ =	shalt  }
0x4c: {  	_ =	shalt  }
0x4d: {  	_ =	shalt  }
0x4e: {  	_ =	shalt  }
0x4f: {  	_ =	shalt  }
0x50: {  	_ =	shalt  }
0x51: {  	_ =	shalt  }
0x52: {  	_ =	shalt  }
0x53: {  	_ =	shalt  }
0x54: {  	_ =	shalt  }
0x55: {  	_ =	shalt  }
0x56: {  	_ =	shalt  }
0x57: {  	_ =	shalt  }
0x58: {  	_ =	shalt  }
0x59: {  	_ =	shalt  }
0x5a: {  	_ =	shalt  }
0x5b: {  	_ =	shalt  }
0x5c: {  	_ =	shalt  }
0x5d: {  	_ =	shalt  }
0x5e: {  	_ =	shalt  }
0x5f: {  	_ =	shalt  }
0x60: {  	_ =	shalt  }
0x61: {  	_ =	shalt  }
0x62: {  	_ =	shalt  }
0x63: {  	_ =	shalt  }
0x64: {  	_ =	shalt  }
0x65: {  	_ =	shalt  }
0x66: {  	_ =	shalt  }
0x67: {  	_ =	shalt  }
0x68: {  	_ =	shalt  }
0x69: {  	_ =	shalt  }
0x6a: {  	_ =	shalt  }
0x6b: {  	_ =	shalt  }
0x6c: {  	_ =	shalt  }
0x6d: {  	_ =	shalt  }
0x6e: {  	_ =	shalt  }
0x6f: {  	_ =	shalt  }
0x70: {  	_ =	shalt  }
0x71: {  	_ =	shalt  }
0x72: {  	_ =	shalt  }
0x73: {  	_ =	shalt  }
0x74: {  	_ =	shalt  }
0x75: {  	_ =	shalt  }
0x76: {  	_ =	shalt  }
0x77: {  	_ =	shalt  }
0x78: {  	_ =	shalt  }
0x79: {  	_ =	shalt  }
0x7a: {  	_ =	shalt  }
0x7b: {  	_ =	shalt  }
0x7c: {  	_ =	shalt  }
0x7d: {  	_ =	shalt  }
0x7e: {  	_ =	shalt  }
0x7f: {  	_ =	shalt  }
0x80: {  	_ =	shalt  }
0x81: {  	_ =	shalt  }
0x82: {  	_ =	shalt  }
0x83: {  	_ =	shalt  }
0x84: {  	_ =	shalt  }
0x85: {  	_ =	shalt  }
0x86: {  	_ =	shalt  }
0x87: {  	_ =	shalt  }
.Lfunc_end0:
.L_simem_size_0:
called_computation.3_lowered:
.L_overlay_start_0:
0x88: {  	s2 =	sld [smem:$0x3FD9]  }
0x89: {  	s3 =	sld [smem:$0x3FFE];
	_ =	sdelay $0x1  }
0x8a: {  	s1 =	srdreg.scid  }
0x8b: {  	s0 =	sand.u32 $0x1, s1  }
0x8c: {  	s16 =	sshll.u32 s0, $0xA;
	s2 =	sadd.s32 s3, s2  }
0x8d: {  	s2 =	sadd.s32 s2, s16  }
0x8e: {  	[smem:$0x3FBB] =	sst s2  }
0x8f: {  	_ = 	snop  }
0x90: {  	(tm) =	ssettm $0x1  }
0x91: {  	s17 =	sld [smem:$0x3FFB];
	_ =	sdelay $0x3  }
0x92: {  	_ =	strace s17  }
0x93: {  	s2 =	sld [smem:$0x3FFC];
	_ =	sdelay $0x3  }
0x94: {  	_ =	strace s2  }
0x95: {  	s2 =	sld [smem:$0x3FFD];
	_ =	sdelay $0x3  }
0x96: {  	_ =	strace s2  }
0x97: {  	_ =	strace $0x8FFFFFFF  }
0x98: {  	s18 =	sld [smem:$0x3FDB];
	_ =	sdelay $0x1  }
0x99: {  	s19 =	simm.s32 $_scs_section_size  }
0x9a: {  	s4 =	simm.s32 $_size__tile_overlayer_lowered;
	s5 =	simm.s32 $_tile_overlayer_lowered  }
0x9b: {  	s22 =	simm.s32 $0x1BFF;
	s21 =	sshll.u32 s5, $0x1;
	s2 =	sadd.s32 s19, s18  }
0x9c: {  	s6 =	simm.s32 $0x0;
	s20 =	sshll.u32 s4, $0x1;
	s4 =	sadd.s32 s21, s2  }
0x9d: {  	[timem:s6], [sflag:s22] =	dma.local [hbm:s4], s20  }
0x9e: {  	_ =	swait.ge [sflag:s22], s20  }
0x9f: {  	s3 =	ssub.s32 $0x0, s20;
	[sflag:s22] =	ssyncset.done $0x0  }
0xa0: {  	[sflag:s22] =	ssyncadd.s32 s3;
	_ =	sdelay $0x1  }
0xa1: {  	s23 =	simm.s32 $0x1B8B  }
0xa2: {  	_ =	swait.ge [sflag:s23], $0x1  }
0xa3: {  	[sflag:s23] =	ssyncset.done $0x0  }
0xa4: {  	s25 =	simm.s32 $0x1B8E;
	s24 =	sld [smem:$0x3FFE];
	[sflag:s23] =	ssyncadd.s32 $0xFFFFFFFF  }
0xa5: {  	s26 =	simm.s32 $execute0_lowered;
	[smem:$0x3FD2] =	sst s25  }
0xa6: {  	s4 =	sshll.u32 s26, $0x1;
	_ =	strace $0x8000004F;
	[dreg:$0x1] =	wrdreg $0xFFFFFFFF  }
0xa7: {  	s28 =	simm.s32 $_size_execute0_lowered;
	s2 =	sadd.s32 s2, s4;
	[dreg:$0x0] =	wrdreg $0x0  }
0xa8: {  	s4 =	sshll.u32 s28, $0x1;
	[dreg:$0x2] =	wrdreg s2  }
0xa9: {  	[dreg:$0x3] =	wrdreg s4  }
0xaa: {  	[dreg:$0x4] =	wrdreg $0xC0  }
0xab: {  	_ =	task [dreg:s6], $0x5FFFF  }
0xac: {  	[dreg:$0x1] =	wrdreg $0xFFFFFFFF  }
0xad: {  	[dreg:$0x0] =	wrdreg $0x60  }
0xae: {  	[dreg:$0x2] =	wrdreg s24  }
0xaf: {  	[dreg:$0x3] =	wrdreg $0xA9800  }
0xb0: {  	[dreg:$0x4] =	wrdreg $0x9  }
0xb1: {  	_ =	task.clear_ibuf [dreg:s6], $0x5FFFF;
	_ =	strace $0x9000004F  }
0xb2: {  	s29 =	simm.s32 $0x9;
	_ =	strace $0x80000051  }
0xb3: {  	_ =	swait.ge [sflag:s29], $0x1  }
0xb4: {  	[sflag:s29] =	ssyncadd.s32 $0xFFFFFFFF  }
0xb5: {  	_ =	strace $0x90000051  }
0xb6: {  	_ =	sfence  }
0xb7: {  	s30 =	sld [smem:$0x0];
	_ =	sdelay $0x2  }
0xb8: {  	s31 =	sshll.u32 s1, $0xD;
	s1 =	sshrl.u32 s1, $0x2  }
0xb9: {  	s3 =	sand.u32 $0x4000, s31;
	s1 =	sadd.s32 s1, s30  }
0xba: {  	s0 =	sor.u32 s3, s0;
	s1 =	sshll.u32 s1, $0x11  }
0xbb: {  	s0 =	sor.u32 s1, s0  }
0xbc: {  	s0 =	sadd.s32 $0x8F2B, s0  }
0xbd: {  	[sflag:s0] =	ssyncadd.remote.s32 $0x1  }
0xbe: {  	_ =	sfence.sel $0xFFFF  }
0xbf: {  	[dreg:$0x0] =	wrdreg $0xFFFFFFFF;
	(pc) =	sbr.abs _section_cstart, $3  }
0xc0: {  	[dreg:$0x1] =	wrdreg $0xFFFFFFFF  }
0xc1: {  	_ =	task.clear_ibuf [dreg:s6], $0x2FFFF;
	_ =	strace $0x9FFFFFFF  }
0xc2: {  	(tm) =	ssettm $0x7FFFFFFF  }
0xc3: {  	_ =	shalt  }
tec
execute0_lowered:
.L_overlay_start_1:
0x0: {  	(tag) =	ssettag $0x1  }
0x1: {  	s5 =	rddreg [dreg:$0x0];
	s0 =	srdreg.scid  }
0x2: {  	s2 =	rddreg [dreg:$0x1];
	s1 =	stileid.u32;
	s3 =	simm.s32 $0x0  }
0x3: {  	s14 =	simm.s32 $0x1400;
	s15 =	simm.s32 $0x2980;
	s16 =	simm.s32 $0x3  }
0x4: {  	s17 =	simm.s32 $0x1;
	s18 =	simm.s32 $0x2;
	s19 =	simm.s32 $0x80  }
0x5: {  	s20 =	simm.s32 $0x2800;
	s21 =	simm.s32 $0x2880;
	s7 =	smul.u32 $0x28, s1  }
0x6: {  	s22 =	simm.s32 $0x6980;
	s6 =	sand.u32 $0x1, s0;
	s10 =	smul.u32 $0x4F000, s1  }
0x7: {  	s23 =	simm.s32 $0x2900;
	s0 =	rddreg [dreg:$0x2];
	s4 =	smul.u32 $0x280, s6  }
0x8: {  	[smem:$0x7FF] =	sst s3;
	s8 =	smul.u32 $0x13C000, s6;
	s6 =	ssub.s32 $0x2, s6  }
0x9: {  	s9 =	smul.u32 $0x13C00, s1;
	_ =	strace $0x80000050;
	s31 =	sshrl.u32 s6, $0x1  }
0xa: {  	s10 =	sshrl.u32 s10, $0x2;
	s7 =	sadd.s32 s7, s4;
	s4 =	sadd.s32 $0x23200, s5  }
0xb: {  	s8 =	sadd.s32 s9, s8;
	s13 =	ssub.s32 s6, s31;
	s7 =	sshll.u32 s7, $0x4  }
0xc: {  	s8 =	sshrl.u32 s8, $0x3;
	s13 =	smax.u32 s13, $0x1;
	s7 =	sadd.s32 s7, s5  }
0xd: {  	s12 =	sadd.s32 s8, s5;
	s5 =	sadd.s32 s10, s2;
	s6 =	sadd.s32 $0x19200, s7  }
0xe: {  	s7 =	sadd.s32 $0x1E200, s7;
	s8 =	sadd.s32 $0x4000, s5;
	s9 =	sadd.s32 $0x8000, s5  }
0xf: {  	v0 =	vimm.f32 $0.0e+00;
	s10 =	sadd.s32 $0xC000, s5;
	s11 =	sadd.s32 $0x10000, s5;
	s12 =	sadd.s32 $0x4AA00, s12  }
.LBB2_1:
0x10: {  	s24 =	simm.s32 $0x0;
	s25 =	simm.s32 $0x200  }
.LBB2_2:
0x11: {  	p0 =	sne.s32 s25, $0xFE00;
	[tilespmem:s24+$0x29F0] =	vst v0  }
0x12: {  	[tilespmem:s24+$0x2980] =	vst v0  }
0x13: {  	[tilespmem:s24+$0x2990] =	vst v0  }
.Ltmp0:
0x14: {  	[tilespmem:s24+$0x29A0] =	vst v0;
	(pc) =	sbr.rel @p0 .LBB2_2-.Ltmp0, $4  }
0x15: {  	[tilespmem:s24+$0x29B0] =	vst v0  }
0x16: {  	[tilespmem:s24+$0x29C0] =	vst v0  }
0x17: {  	[tilespmem:s24+$0x29D0] =	vst v0  }
0x18: {  	[tilespmem:s24+$0x29E0] =	vst v0;
	s24 =	sshra.s32 s25, $0x2;
	s25 =	sadd.s32 $0x200, s25  }
0x19: {  	[tilespmem:s24+$0x29F0] =	vst v0  }
0x1a: {  	[tilespmem:s24+$0x2980] =	vst v0  }
0x1b: {  	[tilespmem:s24+$0x2990] =	vst v0  }
0x1c: {  	[tilespmem:s24+$0x29A0] =	vst v0  }
0x1d: {  	[tilespmem:s24+$0x29B0] =	vst v0  }
0x1e: {  	[tilespmem:s24+$0x29C0] =	vst v0  }
0x1f: {  	[tilespmem:s24+$0x29D0] =	vst v0  }
0x20: {  	[tilespmem:s24+$0x29E0] =	vst v0;
	s31 =	simm.s32 $0x0  }
0x21: {  	[tilespmem:s31], [sflag:$0x1] =	stream.linear.gather [hbm4b:s6+s31], $0x1400, $0x38;
	[tilespmem:$0x1E580] =	vst v63  }
0x22: {  	_ = 	snop  }
0x23: {  	[tilespmem:s14], [sflag:$0x2] =	stream.linear.gather [hbm4b:s7+s31], $0x1400, $0x38;
	[tilespmem:$0x1E580] =	vst v63  }
0x24: {  	_ = 	snop  }
0x25: {  	[spmem:s5] =	stream.linear.scatter [tilespmem:s15], [sflag:$0x3], $0x4000, $0x38;
	[tilespmem:$0x1E580] =	vst v63  }
0x26: {  	_ =	swait.ge [sflag:s16], $0x4000  }
0x27: {  	[sflag:s16] =	ssyncset.done $0x0  }
0x28: {  	[sflag:s16] =	ssyncadd.s32 $0xFFFFC000  }
0x29: {  	[spmem:s8] =	stream.linear.scatter [tilespmem:s15], [sflag:$0x3], $0x4000, $0x38;
	[tilespmem:$0x1E580] =	vst v63  }
0x2a: {  	_ =	swait.ge [sflag:s16], $0x4000  }
0x2b: {  	[sflag:s16] =	ssyncset.done $0x0  }
0x2c: {  	[sflag:s16] =	ssyncadd.s32 $0xFFFFC000  }
0x2d: {  	[spmem:s9] =	stream.linear.scatter [tilespmem:s15], [sflag:$0x3], $0x4000, $0x38;
	[tilespmem:$0x1E580] =	vst v63  }
0x2e: {  	_ =	swait.ge [sflag:s16], $0x4000  }
0x2f: {  	[sflag:s16] =	ssyncset.done $0x0  }
0x30: {  	[sflag:s16] =	ssyncadd.s32 $0xFFFFC000  }
0x31: {  	[spmem:s10] =	stream.linear.scatter [tilespmem:s15], [sflag:$0x3], $0x4000, $0x38;
	[tilespmem:$0x1E580] =	vst v63  }
0x32: {  	_ =	swait.ge [sflag:s16], $0x4000  }
0x33: {  	[sflag:s16] =	ssyncset.done $0x0  }
0x34: {  	[sflag:s16] =	ssyncadd.s32 $0xFFFFC000  }
0x35: {  	[spmem:s11] =	stream.linear.scatter [tilespmem:s15], [sflag:$0x3], $0x3C00, $0x38;
	[tilespmem:$0x1E580] =	vst v63  }
0x36: {  	_ =	swait.ge [sflag:s16], $0x3C00  }
0x37: {  	[sflag:s16] =	ssyncset.done $0x0  }
0x38: {  	[sflag:s16] =	ssyncadd.s32 $0xFFFFC400  }
0x39: {  	_ =	swait.ge [sflag:s17], $0x1400  }
0x3a: {  	[sflag:s17] =	ssyncset.done $0x0  }
0x3b: {  	[sflag:s17] =	ssyncadd.s32 $0xFFFFEC00  }
0x3c: {  	_ =	swait.ge [sflag:s18], $0x1400  }
0x3d: {  	[sflag:s18] =	ssyncset.done $0x0  }
0x3e: {  	[sflag:s18] =	ssyncadd.s32 $0xFFFFEC00  }
0x3f: {  	[bflag:$0x0] =	sbarrier.arrive $0xFFFF  }
0x40: {  	v1 =	vld [tilespmem:$0x0];
	_ =	sdelay $0x1  }
0x41: {  	v2 =	vld [tilespmem:$0x10];
	_ =	sdelay $0x1  }
0x42: {  	v3 =	vld [tilespmem:$0x20]  }
0x43: {  	v4 =	vand.u32 $0xFFFF, v1  }
0x44: {  	v63 =	vld [tilespmem:$0x30];
	v1 =	vshra.s32 v1, $0x10;
	[tilespmem:$0x2800] =	vst v4  }
0x45: {  	[tilespmem:$0x2840] =	vst v1;
	v1 =	vand.u32 $0xFFFF, v2  }
0x46: {  	[tilespmem:$0x2810] =	vst v1;
	v1 =	vshra.s32 v2, $0x10  }
0x47: {  	[tilespmem:$0x2850] =	vst v1;
	v1 =	vand.u32 $0xFFFF, v3  }
0x48: {  	[tilespmem:$0x2820] =	vst v1;
	v1 =	vshra.s32 v3, $0x10  }
0x49: {  	[tilespmem:$0x2860] =	vst v1;
	v1 =	vand.u32 $0xFFFF, v63  }
0x4a: {  	[tilespmem:$0x2830] =	vst v1;
	v1 =	vshra.s32 v63, $0x10  }
0x4b: {  	s24 =	simm.s32 $0x0;
	[tilespmem:$0x2870] =	vst v1  }
0x4c: {  	[tilespmem:s15], [sflag:$0x1] =	stream.indirect.gather [hbm4b:s4+s19], $0x80, s20, s19, $0xb8;
	[tilespmem:$0x1E580] =	vst v63  }
0x4d: {  	v1 =	vld [tilespmem:s24+$0x40];
	_ =	sdelay $0x4  }
0x4e: {  	v2 =	vand.u32 $0xFFFF, v1  }
0x4f: {  	v1 =	vshra.s32 v1, $0x10;
	[tilespmem:$0x2880] =	vst v2  }
0x50: {  	[tilespmem:$0x28C0] =	vst v1  }
0x51: {  	v1 =	vld [tilespmem:s24+$0x50];
	_ =	sdelay $0x4  }
0x52: {  	v2 =	vand.u32 $0xFFFF, v1  }
0x53: {  	v1 =	vshra.s32 v1, $0x10;
	[tilespmem:$0x2890] =	vst v2  }
0x54: {  	[tilespmem:$0x28D0] =	vst v1  }
0x55: {  	v1 =	vld [tilespmem:s24+$0x60];
	_ =	sdelay $0x4  }
0x56: {  	v2 =	vand.u32 $0xFFFF, v1  }
0x57: {  	v1 =	vshra.s32 v1, $0x10;
	[tilespmem:$0x28A0] =	vst v2  }
0x58: {  	[tilespmem:$0x28E0] =	vst v1  }
0x59: {  	v1 =	vld [tilespmem:s24+$0x70];
	_ =	sdelay $0x4  }
0x5a: {  	v2 =	vand.u32 $0xFFFF, v1  }
0x5b: {  	v1 =	vshra.s32 v1, $0x10;
	[tilespmem:$0x28B0] =	vst v2  }
0x5c: {  	[tilespmem:$0x28F0] =	vst v1  }
0x5d: {  	[tilespmem:s22], [sflag:$0x2] =	stream.indirect.gather [hbm4b:s4+s19], $0x80, s21, s19, $0xb8;
	[tilespmem:$0x1E580] =	vst v63  }
0x5e: {  	_ =	swait.ge [sflag:s17], $0x4000  }
0x5f: {  	[sflag:s17] =	ssyncset.done $0x0  }
0x60: {  	[sflag:s17] =	ssyncadd.s32 $0xFFFFC000  }
0x61: {  	v1 =	vld [tilespmem:s24+$0x1400];
	_ =	sdelay $0x4  }
0x62: {  	v2 =	vand.u32 $0xFFFF, v1  }
0x63: {  	v1 =	vshra.s32 v1, $0x10;
	[tilespmem:$0x2900] =	vst v2  }
0x64: {  	[tilespmem:$0x2940] =	vst v1  }
0x65: {  	v1 =	vld [tilespmem:s24+$0x1410];
	_ =	sdelay $0x4  }
0x66: {  	v2 =	vand.u32 $0xFFFF, v1  }
0x67: {  	v1 =	vshra.s32 v1, $0x10;
	[tilespmem:$0x2910] =	vst v2  }
0x68: {  	[tilespmem:$0x2950] =	vst v1  }
0x69: {  	v1 =	vld [tilespmem:s24+$0x1420];
	_ =	sdelay $0x4  }
0x6a: {  	v2 =	vand.u32 $0xFFFF, v1  }
0x6b: {  	v1 =	vshra.s32 v1, $0x10;
	[tilespmem:$0x2920] =	vst v2  }
0x6c: {  	[tilespmem:$0x2960] =	vst v1  }
0x6d: {  	v1 =	vld [tilespmem:s24+$0x1430];
	_ =	sdelay $0x4  }
0x6e: {  	v2 =	vand.u32 $0xFFFF, v1  }
0x6f: {  	v1 =	vshra.s32 v1, $0x10;
	[tilespmem:$0x2930] =	vst v2  }
0x70: {  	[tilespmem:$0x2970] =	vst v1  }
0x71: {  	[spmem:s2] =	stream.indirect.scatter.add.f32 [tilespmem:s15], [sflag:$0x3], $0x80, s23, s19, $0xb8;
	[tilespmem:$0x1E580] =	vst v63  }
0x72: {  	_ =	swait.ge [sflag:s16], $0x4000  }
0x73: {  	p0 =	por $0x0, $0x0;
	[sflag:s16] =	ssyncset.done $0x0  }
0x74: {  	s25 =	simm.s32 @!p0 $0x0;
	[sflag:s16] =	ssyncadd.s32 $0xFFFFC000  }
0x75: {  	v1 =	vld @!p0 [tilespmem:s25+$0x80];
	_ =	sdelay $0x4  }
0x76: {  	v2 =	vand.u32 @!p0 $0xFFFF, v1  }
0x77: {  	v1 =	vshra.s32 @!p0 v1, $0x10;
	[tilespmem:$0x2800] =	vst @!p0 v2  }
0x78: {  	[tilespmem:$0x2840] =	vst @!p0 v1  }
0x79: {  	v1 =	vld @!p0 [tilespmem:s25+$0x90];
	_ =	sdelay $0x4  }
0x7a: {  	v2 =	vand.u32 @!p0 $0xFFFF, v1  }
0x7b: {  	v1 =	vshra.s32 @!p0 v1, $0x10;
	[tilespmem:$0x2810] =	vst @!p0 v2  }
0x7c: {  	[tilespmem:$0x2850] =	vst @!p0 v1  }
0x7d: {  	v1 =	vld @!p0 [tilespmem:s25+$0xA0];
	_ =	sdelay $0x4  }
0x7e: {  	v2 =	vand.u32 @!p0 $0xFFFF, v1  }
0x7f: {  	v1 =	vshra.s32 @!p0 v1, $0x10;
	[tilespmem:$0x2820] =	vst @!p0 v2  }
0x80: {  	[tilespmem:$0x2860] =	vst @!p0 v1  }
0x81: {  	v1 =	vld @!p0 [tilespmem:s25+$0xB0];
	_ =	sdelay $0x4  }
0x82: {  	v2 =	vand.u32 @!p0 $0xFFFF, v1  }
0x83: {  	v1 =	vshra.s32 @!p0 v1, $0x10;
	[tilespmem:$0x2830] =	vst @!p0 v2  }
0x84: {  	s26 =	simm.s32 @!p0 $0x2800;
	s28 =	simm.s32 @!p0 $0x2980;
	s25 =	simm.s32 @!p0 $0x80;
	[tilespmem:$0x2870] =	vst @!p0 v1  }
0x85: {  	[tilespmem:s28], [sflag:$0x1] =	stream.indirect.gather @!p0 [hbm4b:s4+s25], $0x80, s26, s25, $0xb8;
	[tilespmem:$0x1E580] =	vst v63  }
0x86: {  	_ =	swait.ge [sflag:s18], $0x4000  }
0x87: {  	[sflag:s18] =	ssyncset.done $0x0  }
0x88: {  	[sflag:s18] =	ssyncadd.s32 $0xFFFFC000  }
0x89: {  	v1 =	vld [tilespmem:s24+$0x1440];
	_ =	sdelay $0x4  }
0x8a: {  	v2 =	vand.u32 $0xFFFF, v1  }
0x8b: {  	v1 =	vshra.s32 v1, $0x10;
	[tilespmem:$0x2900] =	vst v2  }
0x8c: {  	[tilespmem:$0x2940] =	vst v1  }
0x8d: {  	v1 =	vld [tilespmem:s24+$0x1450];
	_ =	sdelay $0x4  }
0x8e: {  	v2 =	vand.u32 $0xFFFF, v1  }
0x8f: {  	v1 =	vshra.s32 v1, $0x10;
	[tilespmem:$0x2910] =	vst v2  }
0x90: {  	[tilespmem:$0x2950] =	vst v1  }
0x91: {  	s25 =	simm.s32 $0x200;
	v1 =	vld [tilespmem:s24+$0x1460]  }
.LBB2_4:
0x92: {  	_ =	sdelay $0x1  }
0x93: {  	s26 =	smov.u32 s25;
	s25 =	sadd.s32 $0x200, s25  }
0x94: {  	p0 =	sne.s32 s25, $0x5000  }
0x95: {  	v2 =	vand.u32 $0xFFFF, v1;
	v1 =	vshra.s32 v1, $0x10  }
0x96: {  	[tilespmem:$0x2920] =	vst v2  }
0x97: {  	[tilespmem:$0x2960] =	vst v1  }
0x98: {  	v1 =	vld [tilespmem:s24+$0x1470];
	_ =	sdelay $0x4  }
0x99: {  	v2 =	vand.u32 $0xFFFF, v1;
	v1 =	vshra.s32 v1, $0x10  }
0x9a: {  	[tilespmem:$0x2930] =	vst v2  }
0x9b: {  	[tilespmem:$0x2970] =	vst v1  }
0x9c: {  	[spmem:s2] =	stream.indirect.scatter.add.f32 [tilespmem:s22], [sflag:$0x3], $0x80, s23, s19, $0xb8;
	[tilespmem:$0x1E580] =	vst v63  }
0x9d: {  	_ =	swait.ge [sflag:s16], $0x4000  }
0x9e: {  	[sflag:s16] =	ssyncset.done $0x0  }
0x9f: {  	s24 =	sshra.s32 s26, $0x2;
	[sflag:s16] =	ssyncadd.s32 $0xFFFFC000  }
0xa0: {  	v1 =	vld [tilespmem:s24+$0x40];
	_ =	sdelay $0x4  }
0xa1: {  	v2 =	vand.u32 $0xFFFF, v1;
	v1 =	vshra.s32 v1, $0x10  }
0xa2: {  	[tilespmem:$0x2880] =	vst v2  }
0xa3: {  	[tilespmem:$0x28C0] =	vst v1  }
0xa4: {  	v1 =	vld [tilespmem:s24+$0x50];
	_ =	sdelay $0x4  }
0xa5: {  	v2 =	vand.u32 $0xFFFF, v1;
	v1 =	vshra.s32 v1, $0x10  }
0xa6: {  	[tilespmem:$0x2890] =	vst v2  }
0xa7: {  	[tilespmem:$0x28D0] =	vst v1  }
0xa8: {  	v1 =	vld [tilespmem:s24+$0x60];
	_ =	sdelay $0x4  }
0xa9: {  	v2 =	vand.u32 $0xFFFF, v1;
	v1 =	vshra.s32 v1, $0x10  }
0xaa: {  	[tilespmem:$0x28A0] =	vst v2  }
0xab: {  	[tilespmem:$0x28E0] =	vst v1  }
0xac: {  	v1 =	vld [tilespmem:s24+$0x70];
	_ =	sdelay $0x4  }
0xad: {  	v2 =	vand.u32 $0xFFFF, v1;
	v1 =	vshra.s32 v1, $0x10  }
0xae: {  	[tilespmem:$0x28B0] =	vst v2  }
0xaf: {  	[tilespmem:$0x28F0] =	vst v1  }
0xb0: {  	[tilespmem:s22], [sflag:$0x2] =	stream.indirect.gather [hbm4b:s4+s19], $0x80, s21, s19, $0xb8;
	[tilespmem:$0x1E580] =	vst v63  }
0xb1: {  	_ =	swait.ge [sflag:s17], $0x4000  }
0xb2: {  	[sflag:s17] =	ssyncset.done $0x0  }
0xb3: {  	[sflag:s17] =	ssyncadd.s32 $0xFFFFC000  }
0xb4: {  	v1 =	vld [tilespmem:s24+$0x1400];
	_ =	sdelay $0x4  }
0xb5: {  	v2 =	vand.u32 $0xFFFF, v1;
	v1 =	vshra.s32 v1, $0x10  }
0xb6: {  	[tilespmem:$0x2900] =	vst v2  }
0xb7: {  	[tilespmem:$0x2940] =	vst v1  }
0xb8: {  	v1 =	vld [tilespmem:s24+$0x1410];
	_ =	sdelay $0x4  }
0xb9: {  	v2 =	vand.u32 $0xFFFF, v1;
	v1 =	vshra.s32 v1, $0x10  }
0xba: {  	[tilespmem:$0x2910] =	vst v2  }
0xbb: {  	[tilespmem:$0x2950] =	vst v1  }
0xbc: {  	v1 =	vld [tilespmem:s24+$0x1420];
	_ =	sdelay $0x4  }
0xbd: {  	v2 =	vand.u32 $0xFFFF, v1;
	v1 =	vshra.s32 v1, $0x10  }
0xbe: {  	[tilespmem:$0x2920] =	vst v2  }
0xbf: {  	[tilespmem:$0x2960] =	vst v1  }
0xc0: {  	v1 =	vld [tilespmem:s24+$0x1430];
	_ =	sdelay $0x1  }
0xc1: {  	p1 =	seq.s32 s26, $0x4E00  }
0xc2: {  	s26 =	sshra.s32 @!p1 s26, $0x2;
	_ =	sdelay $0x1  }
0xc3: {  	v2 =	vand.u32 $0xFFFF, v1;
	v1 =	vshra.s32 v1, $0x10  }
0xc4: {  	[tilespmem:$0x2930] =	vst v2  }
0xc5: {  	[tilespmem:$0x2970] =	vst v1  }
0xc6: {  	[spmem:s2] =	stream.indirect.scatter.add.f32 [tilespmem:s15], [sflag:$0x3], $0x80, s23, s19, $0xb8;
	[tilespmem:$0x1E580] =	vst v63  }
0xc7: {  	_ =	swait.ge [sflag:s16], $0x4000  }
0xc8: {  	[sflag:s16] =	ssyncset.done $0x0  }
0xc9: {  	[sflag:s16] =	ssyncadd.s32 $0xFFFFC000  }
0xca: {  	v1 =	vld @!p1 [tilespmem:s26+$0x80];
	_ =	sdelay $0x4  }
0xcb: {  	v2 =	vand.u32 @!p1 $0xFFFF, v1;
	v1 =	vshra.s32 @!p1 v1, $0x10  }
0xcc: {  	[tilespmem:$0x2800] =	vst @!p1 v2  }
0xcd: {  	[tilespmem:$0x2840] =	vst @!p1 v1  }
0xce: {  	v1 =	vld @!p1 [tilespmem:s26+$0x90];
	_ =	sdelay $0x4  }
0xcf: {  	v2 =	vand.u32 @!p1 $0xFFFF, v1;
	v1 =	vshra.s32 @!p1 v1, $0x10  }
0xd0: {  	[tilespmem:$0x2810] =	vst @!p1 v2  }
0xd1: {  	[tilespmem:$0x2850] =	vst @!p1 v1  }
0xd2: {  	v1 =	vld @!p1 [tilespmem:s26+$0xA0];
	_ =	sdelay $0x2  }
0xd3: {  	s28 =	simm.s32 @!p1 $0x80;
	s29 =	simm.s32 @!p1 $0x2800;
	s30 =	simm.s32 @!p1 $0x2980  }
0xd4: {  	_ = 	snop  }
0xd5: {  	v2 =	vand.u32 @!p1 $0xFFFF, v1;
	v1 =	vshra.s32 @!p1 v1, $0x10  }
0xd6: {  	[tilespmem:$0x2820] =	vst @!p1 v2  }
0xd7: {  	[tilespmem:$0x2860] =	vst @!p1 v1  }
0xd8: {  	v1 =	vld @!p1 [tilespmem:s26+$0xB0];
	_ =	sdelay $0x4  }
0xd9: {  	v2 =	vand.u32 @!p1 $0xFFFF, v1;
	v1 =	vshra.s32 @!p1 v1, $0x10  }
0xda: {  	[tilespmem:$0x2830] =	vst @!p1 v2  }
0xdb: {  	[tilespmem:$0x2870] =	vst @!p1 v1  }
0xdc: {  	[tilespmem:s30], [sflag:$0x1] =	stream.indirect.gather @!p1 [hbm4b:s4+s28], $0x80, s29, s28, $0xb8;
	[tilespmem:$0x1E580] =	vst v63  }
0xdd: {  	_ =	swait.ge [sflag:s18], $0x4000  }
0xde: {  	[sflag:s18] =	ssyncset.done $0x0  }
0xdf: {  	[sflag:s18] =	ssyncadd.s32 $0xFFFFC000  }
0xe0: {  	v1 =	vld [tilespmem:s24+$0x1440];
	_ =	sdelay $0x4  }
0xe1: {  	v2 =	vand.u32 $0xFFFF, v1;
	v1 =	vshra.s32 v1, $0x10  }
0xe2: {  	[tilespmem:$0x2900] =	vst v2  }
0xe3: {  	[tilespmem:$0x2940] =	vst v1  }
0xe4: {  	v1 =	vld [tilespmem:s24+$0x1450];
	_ =	sdelay $0x3  }
.Ltmp1:
0xe5: {  	(pc) =	sbr.rel @p0 .LBB2_4-.Ltmp1, $4  }
0xe6: {  	v2 =	vand.u32 $0xFFFF, v1;
	v1 =	vshra.s32 v1, $0x10  }
0xe7: {  	[tilespmem:$0x2910] =	vst v2  }
0xe8: {  	[tilespmem:$0x2950] =	vst v1  }
0xe9: {  	v1 =	vld [tilespmem:s24+$0x1460]  }
0xea: {  	_ =	sdelay $0x3  }
0xeb: {  	v2 =	vand.u32 $0xFFFF, v1  }
0xec: {  	v1 =	vshra.s32 v1, $0x10;
	[tilespmem:$0x2920] =	vst v2  }
0xed: {  	[tilespmem:$0x2960] =	vst v1  }
0xee: {  	v1 =	vld [tilespmem:s24+$0x1470];
	_ =	sdelay $0x4  }
0xef: {  	v2 =	vand.u32 $0xFFFF, v1  }
0xf0: {  	v1 =	vshra.s32 v1, $0x10;
	[tilespmem:$0x2930] =	vst v2  }
0xf1: {  	[tilespmem:$0x2970] =	vst v1  }
0xf2: {  	[spmem:s2] =	stream.indirect.scatter.add.f32 [tilespmem:s22], [sflag:$0x3], $0x80, s23, s19, $0xb8;
	[tilespmem:$0x1E580] =	vst v63  }
0xf3: {  	_ =	swait.ge [sflag:s16], $0x4000  }
0xf4: {  	s31 =	sshll.u32 s1, $0x6;
	s3 =	sadd.s32 $0x1, s3;
	[sflag:s16] =	ssyncset.done $0x0  }
0xf5: {  	s25 =	sshrl.u32 s5, $0x3;
	p0 =	sne.s32 s3, s13;
	[sflag:s16] =	ssyncadd.s32 $0xFFFFC000  }
.Ltmp2:
0xf6: {  	s24 =	sor.u32 $0x1C03, s31;
	[bflag:$0x0] =	sbarrier.arrive $0xFFFF;
	(pc) =	sbr.rel @p0 .LBB2_1-.Ltmp2, $4  }
0xf7: {  	[hbm:s12], [sflag:s24] =	dma.local [spmem:s25], $0x2780  }
0xf8: {  	_ =	swait.ge [sflag:s16], $0x2780  }
0xf9: {  	[sflag:s16] =	ssyncset.done $0x0  }
0xfa: {  	[sflag:s16] =	ssyncadd.s32 $0xFFFFD880  }
0xfb: {  	_ =	sfence.sel $0x180000  }
0xfc: {  	[bflag:$0x0] =	sbarrier.arrive $0xFFFF  }
0xfd: {  	p0 =	sne.s32 s1, $0x0;
	_ =	strace $0x90000050  }
0xfe: {  	s0 =	sadd.s32 @!p0 $0x100000, s0;
	[bflag:$0x2] =	sbarrier.arrive $0xFFFF  }
0xff: {  	[sflag:s0] =	ssyncadd.tile.s32 @!p0 $0x1;
	_ =	shalt  }
.Lfunc_end2:
_tile_overlayer_lowered:
.L_overlay_start_2:
0x100: {  	(tag) =	ssettag $0x2  }
0x101: {  	s0 =	rddreg [dreg:$0x0];
	s2 =	stileid.u32  }
0x102: {  	s1 =	rddreg [dreg:$0x1];
	p0 =	sne.s32 s2, $0x0  }
0x103: {  	s3 =	rddreg [dreg:$0x2];
	[bflag:$0x3] =	sbarrier.arrive $0xFFFF;
	s2 =	simm.s32 @!p0 $0x1C03  }
0x104: {  	[timem:s3], [sflag:s2] =	dma.local @!p0 [hbm:s0], s1  }
0x105: {  	s0 =	simm.s32 @!p0 $0x3  }
0x106: {  	_ =	swait.ge @!p0 [sflag:s0], s1  }
0x107: {  	s1 =	ssub.s32 @!p0 $0x0, s1;
	[sflag:s0] =	ssyncset.done @!p0 $0x0  }
0x108: {  	[sflag:s0] =	ssyncadd.s32 @!p0 s1  }
0x109: {  	[bflag:$0x3] =	sbarrier.arrive $0xFFFF  }
0x10a: {  	_ =	shalt  }

</sc_bundles>
